<compile_context>
chip_gen: v7x
topology: tpu7x:2x2x1
jax: 0.10.2.dev20260603
libtpu: 0.0.44.dev20260713+nightly
codegen_flags: <defaults>
</compile_context>

<pallas_src>
import functools

import jax
import jax.numpy as jnp
from jax import lax
from jax.experimental import pallas as pl
from jax.experimental.pallas import tpu as pltpu
from jax.experimental.pallas import tpu_sc as plsc

L = 16


def _tc_body(z_ref, w1a_ref, w1b_ref, w1c_ref, xn_ref, b1_ref, eps_ref, b2_ref,
             p_ref, q_ref, lg_ref):
    beff = (
        jnp.dot(xn_ref[...], w1c_ref[...], preferred_element_type=jnp.float32)
        + b1_ref[...]
    )
    zb = z_ref[...]
    p_ref[...] = jnp.dot(zb, w1a_ref[...], preferred_element_type=jnp.float32) + beff
    q_ref[...] = jnp.dot(zb, w1b_ref[...], preferred_element_type=jnp.float32)

    @pl.when(pl.program_id(0) == 0)
    def _():
        bias = 0.0001
        es = eps_ref[...] * (bias - (1.0 - bias)) + (1.0 - bias)
        lg_ref[...] = (jnp.log(es) - jnp.log1p(-es) + b2_ref[0, 0]) * 0.2


def _tc_stage(z, w1a, w1b, w1c, xnode, b1r, eps2d, b2r, grid):
    n, c = z.shape
    h = w1a.shape[1]
    er, ec = eps2d.shape
    bn = n // grid
    br = er // grid
    return pl.pallas_call(
        _tc_body,
        grid=(grid,),
        in_specs=[
            pl.BlockSpec((bn, c), lambda i: (i, 0)),
            pl.BlockSpec((c, h), lambda i: (0, 0)),
            pl.BlockSpec((c, h), lambda i: (0, 0)),
            pl.BlockSpec((c, h), lambda i: (0, 0)),
            pl.BlockSpec((1, c), lambda i: (0, 0)),
            pl.BlockSpec((1, h), lambda i: (0, 0)),
            pl.BlockSpec((er, ec), lambda i: (0, 0)),
            pl.BlockSpec((1, 1), lambda i: (0, 0)),
        ],
        out_specs=[
            pl.BlockSpec((bn, h), lambda i: (i, 0)),
            pl.BlockSpec((bn, h), lambda i: (i, 0)),
            pl.BlockSpec((er, ec), lambda i: (0, 0)),
        ],
        out_shape=[
            jax.ShapeDtypeStruct((n, h), jnp.float32),
            jax.ShapeDtypeStruct((n, h), jnp.float32),
            jax.ShapeDtypeStruct((er, ec), jnp.float32),
        ],
    )(z, w1a, w1b, w1c, xnode, b1r, eps2d, b2r)


def _make_sc_kernel(e, n, h, nw, b):
    mesh = plsc.VectorSubcoreMesh(core_axis_name="c", subcore_axis_name="s")
    span = e // nw
    nc = span // b
    tail = span - nc * b
    nbuf = 2

    @functools.partial(
        pl.kernel,
        out_type=jax.ShapeDtypeStruct((e,), jnp.float32),
        mesh=mesh,
        compiler_params=pltpu.CompilerParams(
            use_tc_tiling_on_sc=False, needs_layout_passes=False
        ),
        scratch_types=[
            pltpu.VMEM((span,), jnp.int32),
            pltpu.VMEM((span,), jnp.int32),
            pltpu.VMEM((span,), jnp.float32),
            [pltpu.VMEM((b, h), jnp.float32) for _ in range(nbuf)],
            [pltpu.VMEM((b, h), jnp.float32) for _ in range(nbuf)],
            [pltpu.VMEM((b,), jnp.float32) for _ in range(nbuf)],
            pltpu.VMEM((L, L + 1), jnp.float32),
            pltpu.VMEM((h,), jnp.float32),
            pltpu.VMEM_SHARED((n, h), jnp.float32),
            pltpu.VMEM_SHARED((n, h), jnp.float32),
            [pltpu.SemaphoreType.DMA for _ in range(nbuf)],
            [pltpu.SemaphoreType.DMA for _ in range(nbuf)],
            [pltpu.SemaphoreType.DMA for _ in range(nbuf)],
        ],
    )
    def sc_edge_mlp(
        p_hbm, q_hbm, rows_hbm, cols_hbm, lg_hbm, w2_hbm, out_hbm,
        rows_v, cols_v, out_v, bufs_p, bufs_q, lgbs, tbuf, w2l, sh_p, sh_q,
        sems_p, sems_q, sems_lg,
    ):
        n_cores = lax.axis_size("c")
        n_sub = lax.axis_size("s")
        sid = lax.axis_index("s")
        wid = sid * n_cores + lax.axis_index("c")
        base = wid * span
        rps = n // n_sub
        pltpu.sync_copy(p_hbm.at[pl.ds(sid * rps, rps)], sh_p.at[pl.ds(sid * rps, rps)])
        pltpu.sync_copy(q_hbm.at[pl.ds(sid * rps, rps)], sh_q.at[pl.ds(sid * rps, rps)])
        pltpu.sync_copy(rows_hbm.at[pl.ds(base, span)], rows_v)
        pltpu.sync_copy(cols_hbm.at[pl.ds(base, span)], cols_v)
        pltpu.sync_copy(w2_hbm, w2l)
        w2vs = [w2l[pl.ds(j * L, L)] for j in range(h // L)]
        plsc.subcore_barrier()

        def copies(ci, slot, nrow):
            return (
                pltpu.make_async_copy(
                    sh_p.at[rows_v.at[pl.ds(ci * b, nrow)]],
                    bufs_p[slot].at[pl.ds(0, nrow)], sems_p[slot],
                ),
                pltpu.make_async_copy(
                    sh_q.at[cols_v.at[pl.ds(ci * b, nrow)]],
                    bufs_q[slot].at[pl.ds(0, nrow)], sems_q[slot],
                ),
                pltpu.make_async_copy(
                    lg_hbm.at[pl.ds(base + ci * b, nrow)],
                    lgbs[slot].at[pl.ds(0, nrow)], sems_lg[slot],
                ),
            )

        def start(ci, slot, nrow):
            for cp in copies(ci, slot, nrow):
                cp.start()

        def wait(ci, slot, nrow):
            for cp in copies(ci, slot, nrow):
                cp.wait()

        def _tree_sum(vals):
            while len(vals) > 1:
                vals = [
                    vals[i] + vals[i + 1] if i + 1 < len(vals) else vals[i]
                    for i in range(0, len(vals), 2)
                ]
            return vals[0]

        ii = lax.iota(jnp.int32, L)

        def one_group(ci, slot, g):
            buf_p, buf_q = bufs_p[slot], bufs_q[slot]
            for ei in range(L):
                row = g * L + ei
                parts = []
                for j in range(h // L):
                    p = buf_p[row, pl.ds(j * L, L)]
                    q = buf_q[row, pl.ds(j * L, L)]
                    parts.append(jnp.maximum(p + q, 0.0) * w2vs[j])
                tbuf[ei, pl.ds(0, L)] = _tree_sum(parts)
            cvs = [
                plsc.load_gather(tbuf, [ii, jnp.full((L,), cc, jnp.int32)])
                for cc in range(L)
            ]
            off = ci * b + g * L
            out_v[pl.ds(off, L)] = lgbs[slot][pl.ds(g * L, L)] + _tree_sum(cvs)

        def compute(ci, slot):
            def group_body(g, c2):
                one_group(ci, slot, g)
                return c2

            lax.fori_loop(0, b // L, group_body, 0)

        start(0, 0, b)

        def body(i2, carry):
            for s in range(nbuf):
                ci = i2 * nbuf + s

                @pl.when(ci + 1 < nc)
                def _():
                    start(ci + 1, (s + 1) % nbuf, b)

                wait(ci, s, b)
                compute(ci, s)
            return carry

        lax.fori_loop(0, nc // nbuf, body, 0)
        if tail:
            start(nc, 0, tail)
            wait(nc, 0, tail)
            for g in range(tail // L):
                one_group(nc, 0, g)
        pltpu.sync_copy(out_v, out_hbm.at[pl.ds(base, span)])

    return sc_edge_mlp


def kernel(z, edge_index, node_id, eps, W1, b1, W2, b2):
    n, c = z.shape
    e = edge_index.shape[1]
    h = W1.shape[1]

    info = plsc.get_sparse_core_info()
    nw = info.num_cores * info.num_subcores
    b = 64

    w1a = W1[:c]
    w1b = W1[c : 2 * c]
    w1c = W1[2 * c :]
    xnode = lax.dynamic_slice_in_dim(z, node_id, 1, axis=0)
    b1r = b1.reshape(1, h)
    eps2d = eps.reshape(e // 128, 128)

    p_tab, q_tab, lg2d = _tc_stage(
        z, w1a, w1b, w1c, xnode, b1r, eps2d, b2.reshape(1, 1), 10
    )
    w2v = W2[:, 0] * 0.2

    sc_fn = _make_sc_kernel(e, n, h, nw, b)
    return sc_fn(p_tab, q_tab, edge_index[0], edge_index[1], lg2d.reshape(e), w2v)

# --- scband reference (transcript-rebuilt; emitter-appended) ---
"""Pipeline reference for scband-pgexplainer-81947976007841 (READ-ONLY COPY).

The authoritative reference and input builder live on the scoring server;
editing this copy changes nothing except your own understanding.
"""

import jax, jax.numpy as jnp
import numpy as np

N = 10000
E = 320000
C = 128
H = 64

def setup_inputs(seed: int = 0) -> dict:
    key = jax.random.key(seed)
    k1, k2, k3, k4, k5 = jax.random.split(key, 5)
    z = jax.random.normal(k1, (N, C), dtype=jnp.float32)
    edge_index = jax.random.randint(k2, (2, E), 0, N, dtype=jnp.int32)
    eps = jax.random.uniform(k3, (E, 1), dtype=jnp.float32, minval=1e-6, maxval=1.0 - 1e-6)
    W1 = jax.random.normal(k4, (3 * C, H), dtype=jnp.float32) * 0.05
    b1 = jnp.zeros((H,), dtype=jnp.float32)
    W2 = jax.random.normal(k5, (H, 1), dtype=jnp.float32) * 0.05
    b2 = jnp.zeros((1,), dtype=jnp.float32)
    node_id = 123
    return {"z": z, "edge_index": edge_index, "node_id": node_id, "eps": eps,
            "W1": W1, "b1": b1, "W2": W2, "b2": b2}

def reference(z, edge_index, node_id, eps, W1, b1, W2, b2):
    # __create_explainer_input__ (task='node'): gather endpoint embeddings + anchor node embedding
    rows = edge_index[0]
    cols = edge_index[1]
    x_i = jnp.take(z, rows, axis=0)
    x_j = jnp.take(z, cols, axis=0)
    x_node = jnp.broadcast_to(z[node_id][None, :], (rows.shape[0], z.shape[1]))
    explainer_input = jnp.concatenate([x_i, x_j, x_node], axis=1)
    # explainer_model: Linear(3*C, 64) -> ReLU -> Linear(64, 1)
    h = jax.nn.relu(explainer_input @ W1 + b1)
    edge_weight = h @ W2 + b2  # [E, 1]
    # __compute_edge_mask__ (training=True, concrete/gumbel relaxation)
    bias = 0.0 + 0.0001
    eps_s = (bias - (1.0 - bias)) * eps + (1.0 - bias)
    temperature = 5.0  # temp[0] * (temp[1]/temp[0])**(0/epochs)
    edge_mask = (jnp.log(eps_s) - jnp.log1p(-eps_s) + edge_weight).squeeze(-1) / temperature
    return edge_mask

if __name__ == "__main__":
    import jax
    _d = setup_inputs()
    print(jax.jit(kernel)(*tuple(_d.values())))

</pallas_src>

<mosaic_0001>
#map = affine_map<(d0, d1) -> (0, 0)>
#map1 = affine_map<(d0, d1) -> (0)>
module attributes {stable_mosaic.version = 14 : i64} {
  func.func @sc_edge_mlp(%arg0: i32, %arg1: i32, %arg2: memref<10000x64xf32, #tpu.memory_space<hbm>>, %arg3: memref<10000x64xf32, #tpu.memory_space<hbm>>, %arg4: memref<320000xi32, #tpu.memory_space<hbm>>, %arg5: memref<320000xi32, #tpu.memory_space<hbm>>, %arg6: memref<320000xf32, #tpu.memory_space<hbm>>, %arg7: memref<64xf32, #tpu.memory_space<hbm>>, %arg8: memref<320000xf32, #tpu.memory_space<hbm>>, %arg9: memref<10000xi32, #tpu.memory_space<vmem>>, %arg10: memref<10000xi32, #tpu.memory_space<vmem>>, %arg11: memref<10000xf32, #tpu.memory_space<vmem>>, %arg12: memref<64x64xf32, #tpu.memory_space<vmem>>, %arg13: memref<64x64xf32, #tpu.memory_space<vmem>>, %arg14: memref<64x64xf32, #tpu.memory_space<vmem>>, %arg15: memref<64x64xf32, #tpu.memory_space<vmem>>, %arg16: memref<64xf32, #tpu.memory_space<vmem>>, %arg17: memref<64xf32, #tpu.memory_space<vmem>>, %arg18: memref<16x17xf32, #tpu.memory_space<vmem>>, %arg19: memref<64xf32, #tpu.memory_space<vmem>>, %arg20: memref<10000x64xf32, #tpu.memory_space<vmem_shared>>, %arg21: memref<10000x64xf32, #tpu.memory_space<vmem_shared>>, %arg22: memref<!tpu.dma_semaphore, #tpu.memory_space<semaphore_mem>>, %arg23: memref<!tpu.dma_semaphore, #tpu.memory_space<semaphore_mem>>, %arg24: memref<!tpu.dma_semaphore, #tpu.memory_space<semaphore_mem>>, %arg25: memref<!tpu.dma_semaphore, #tpu.memory_space<semaphore_mem>>, %arg26: memref<!tpu.dma_semaphore, #tpu.memory_space<semaphore_mem>>, %arg27: memref<!tpu.dma_semaphore, #tpu.memory_space<semaphore_mem>>) attributes {dimension_semantics = [#tpu.dimension_semantics<core_parallel>, #tpu.dimension_semantics<subcore_parallel>], iteration_bounds = array<i64: 2, 16>, scalar_prefetch = 0 : i64, scratch_operands = 19 : i64, tpu.core_type = #tpu.core_type<sc_vector_subcore>, window_params = [{transform_indices = #map}, {transform_indices = #map}, {transform_indices = #map1}, {transform_indices = #map1}, {transform_indices = #map1}, {transform_indices = #map1}, {transform_indices = #map1}]} {
    %mul3A = arith.constant 2 : i32
    %mul3A_0 = arith.muli %arg1, %mul3A : i32
    %add3A = arith.addi %mul3A_0, %arg0 : i32
    %mul3A_1 = arith.constant 10000 : i32
    %mul3A_2 = arith.muli %add3A, %mul3A_1 : i32
    %mul3A_3 = arith.constant 625 : i32
    %mul3A_4 = arith.muli %arg1, %mul3A_3 : i32
    %mul3A_5 = arith.constant 625 : i32
    %mul3A_6 = arith.muli %arg1, %mul3A_5 : i32
    "tpu.region"() ({
      %run_scoped3A = tpu.sem_alloc : memref<!tpu.dma_semaphore, #tpu.memory_space<semaphore_mem>>
      %dma_start3A_1101 = arith.constant 0 : i32
      %dma_start3A_1102 = tpu.memref_slice %arg20[%mul3A_6, %dma_start3A_1101] : memref<10000x64xf32, #tpu.memory_space<vmem_shared>> -> memref<625x64xf32, #tpu.memory_space<vmem_shared>>
      %dma_start3A_1103 = arith.constant 0 : i32
      %dma_start3A_1104 = tpu.memref_slice %arg2[%mul3A_4, %dma_start3A_1103] : memref<10000x64xf32, #tpu.memory_space<hbm>> -> memref<625x64xf32, #tpu.memory_space<hbm>>
      tpu.enqueue_dma source(%dma_start3A_1104 : memref<625x64xf32, #tpu.memory_space<hbm>>) target(%dma_start3A_1102 : memref<625x64xf32, #tpu.memory_space<vmem_shared>>) target_semaphore(%run_scoped3A : memref<!tpu.dma_semaphore, #tpu.memory_space<semaphore_mem>>)
      %dma_wait3A_1105 = arith.constant 0 : i32
      %dma_wait3A_1106 = tpu.memref_slice %arg20[%mul3A_6, %dma_wait3A_1105] : memref<10000x64xf32, #tpu.memory_space<vmem_shared>> -> memref<625x64xf32, #tpu.memory_space<vmem_shared>>
      %dma_wait3A_1107 = arith.constant 0 : i32
      %dma_wait3A_1108 = tpu.memref_slice %arg2[%mul3A_4, %dma_wait3A_1107] : memref<10000x64xf32, #tpu.memory_space<hbm>> -> memref<625x64xf32, #tpu.memory_space<hbm>>
      tpu.wait_dma2 semaphore(%run_scoped3A : memref<!tpu.dma_semaphore, #tpu.memory_space<semaphore_mem>>) src(%dma_wait3A_1108 : memref<625x64xf32, #tpu.memory_space<hbm>>) dst(%dma_wait3A_1106 : memref<625x64xf32, #tpu.memory_space<vmem_shared>>)
      tpu.yield
    }) : () -> ()
    %mul3A_7 = arith.constant 625 : i32
    %mul3A_8 = arith.muli %arg1, %mul3A_7 : i32
    %mul3A_9 = arith.constant 625 : i32
    %mul3A_10 = arith.muli %arg1, %mul3A_9 : i32
    "tpu.region"() ({
      %run_scoped3A = tpu.sem_alloc : memref<!tpu.dma_semaphore, #tpu.memory_space<semaphore_mem>>
      %dma_start3A_1101 = arith.constant 0 : i32
      %dma_start3A_1102 = tpu.memref_slice %arg21[%mul3A_10, %dma_start3A_1101] : memref<10000x64xf32, #tpu.memory_space<vmem_shared>> -> memref<625x64xf32, #tpu.memory_space<vmem_shared>>
      %dma_start3A_1103 = arith.constant 0 : i32
      %dma_start3A_1104 = tpu.memref_slice %arg3[%mul3A_8, %dma_start3A_1103] : memref<10000x64xf32, #tpu.memory_space<hbm>> -> memref<625x64xf32, #tpu.memory_space<hbm>>
      tpu.enqueue_dma source(%dma_start3A_1104 : memref<625x64xf32, #tpu.memory_space<hbm>>) target(%dma_start3A_1102 : memref<625x64xf32, #tpu.memory_space<vmem_shared>>) target_semaphore(%run_scoped3A : memref<!tpu.dma_semaphore, #tpu.memory_space<semaphore_mem>>)
      %dma_wait3A_1105 = arith.constant 0 : i32
      %dma_wait3A_1106 = tpu.memref_slice %arg21[%mul3A_10, %dma_wait3A_1105] : memref<10000x64xf32, #tpu.memory_space<vmem_shared>> -> memref<625x64xf32, #tpu.memory_space<vmem_shared>>
      %dma_wait3A_1107 = arith.constant 0 : i32
      %dma_wait3A_1108 = tpu.memref_slice %arg3[%mul3A_8, %dma_wait3A_1107] : memref<10000x64xf32, #tpu.memory_space<hbm>> -> memref<625x64xf32, #tpu.memory_space<hbm>>
      tpu.wait_dma2 semaphore(%run_scoped3A : memref<!tpu.dma_semaphore, #tpu.memory_space<semaphore_mem>>) src(%dma_wait3A_1108 : memref<625x64xf32, #tpu.memory_space<hbm>>) dst(%dma_wait3A_1106 : memref<625x64xf32, #tpu.memory_space<vmem_shared>>)
      tpu.yield
    }) : () -> ()
    "tpu.region"() ({
      %run_scoped3A = tpu.sem_alloc : memref<!tpu.dma_semaphore, #tpu.memory_space<semaphore_mem>>
      %dma_start3A_1101 = tpu.memref_slice %arg4[%mul3A_2] : memref<320000xi32, #tpu.memory_space<hbm>> -> memref<10000xi32, #tpu.memory_space<hbm>>
      %dma_start3A_1102 = tpu.memref_slice %arg4[%mul3A_2] : memref<320000xi32, #tpu.memory_space<hbm>> -> memref<10000xi32, #tpu.memory_space<hbm>>
      tpu.enqueue_dma source(%dma_start3A_1102 : memref<10000xi32, #tpu.memory_space<hbm>>) target(%arg9 : memref<10000xi32, #tpu.memory_space<vmem>>) target_semaphore(%run_scoped3A : memref<!tpu.dma_semaphore, #tpu.memory_space<semaphore_mem>>)
      %dma_wait3A_1103 = tpu.memref_slice %arg4[%mul3A_2] : memref<320000xi32, #tpu.memory_space<hbm>> -> memref<10000xi32, #tpu.memory_space<hbm>>
      %dma_wait3A_1104 = tpu.memref_slice %arg4[%mul3A_2] : memref<320000xi32, #tpu.memory_space<hbm>> -> memref<10000xi32, #tpu.memory_space<hbm>>
      tpu.wait_dma2 semaphore(%run_scoped3A : memref<!tpu.dma_semaphore, #tpu.memory_space<semaphore_mem>>) src(%dma_wait3A_1104 : memref<10000xi32, #tpu.memory_space<hbm>>) dst(%arg9 : memref<10000xi32, #tpu.memory_space<vmem>>)
      tpu.yield
    }) : () -> ()
    "tpu.region"() ({
      %run_scoped3A = tpu.sem_alloc : memref<!tpu.dma_semaphore, #tpu.memory_space<semaphore_mem>>
      %dma_start3A_1101 = tpu.memref_slice %arg5[%mul3A_2] : memref<320000xi32, #tpu.memory_space<hbm>> -> memref<10000xi32, #tpu.memory_space<hbm>>
      %dma_start3A_1102 = tpu.memref_slice %arg5[%mul3A_2] : memref<320000xi32, #tpu.memory_space<hbm>> -> memref<10000xi32, #tpu.memory_space<hbm>>
      tpu.enqueue_dma source(%dma_start3A_1102 : memref<10000xi32, #tpu.memory_space<hbm>>) target(%arg10 : memref<10000xi32, #tpu.memory_space<vmem>>) target_semaphore(%run_scoped3A : memref<!tpu.dma_semaphore, #tpu.memory_space<semaphore_mem>>)
      %dma_wait3A_1103 = tpu.memref_slice %arg5[%mul3A_2] : memref<320000xi32, #tpu.memory_space<hbm>> -> memref<10000xi32, #tpu.memory_space<hbm>>
      %dma_wait3A_1104 = tpu.memref_slice %arg5[%mul3A_2] : memref<320000xi32, #tpu.memory_space<hbm>> -> memref<10000xi32, #tpu.memory_space<hbm>>
      tpu.wait_dma2 semaphore(%run_scoped3A : memref<!tpu.dma_semaphore, #tpu.memory_space<semaphore_mem>>) src(%dma_wait3A_1104 : memref<10000xi32, #tpu.memory_space<hbm>>) dst(%arg10 : memref<10000xi32, #tpu.memory_space<vmem>>)
      tpu.yield
    }) : () -> ()
    "tpu.region"() ({
      %run_scoped3A = tpu.sem_alloc : memref<!tpu.dma_semaphore, #tpu.memory_space<semaphore_mem>>
      tpu.enqueue_dma source(%arg7 : memref<64xf32, #tpu.memory_space<hbm>>) target(%arg19 : memref<64xf32, #tpu.memory_space<vmem>>) target_semaphore(%run_scoped3A : memref<!tpu.dma_semaphore, #tpu.memory_space<semaphore_mem>>)
      tpu.wait_dma2 semaphore(%run_scoped3A : memref<!tpu.dma_semaphore, #tpu.memory_space<semaphore_mem>>) src(%arg7 : memref<64xf32, #tpu.memory_space<hbm>>) dst(%arg19 : memref<64xf32, #tpu.memory_space<vmem>>)
      tpu.yield
    }) : () -> ()
    %get3A = arith.constant 0 : index
    %get3A_11 = tpu.vector_load %arg19[%get3A] {strides = array<i32>} : memref<64xf32, #tpu.memory_space<vmem>>, vector<16xf32>,
    %get3A_12 = arith.constant 16 : index
    %get3A_13 = tpu.vector_load %arg19[%get3A_12] {strides = array<i32>} : memref<64xf32, #tpu.memory_space<vmem>>, vector<16xf32>,
    %get3A_14 = arith.constant 32 : index
    %get3A_15 = tpu.vector_load %arg19[%get3A_14] {strides = array<i32>} : memref<64xf32, #tpu.memory_space<vmem>>, vector<16xf32>,
    %get3A_16 = arith.constant 48 : index
    %get3A_17 = tpu.vector_load %arg19[%get3A_16] {strides = array<i32>} : memref<64xf32, #tpu.memory_space<vmem>>, vector<16xf32>,
    %barrier3A = arith.constant 0 : index
    tpu.barrier barrier_id(%barrier3A)
    %iota3A = tpu.iota {dimensions = array<i32: 0>} : vector<16xi32>
    %add3A_18 = arith.constant 0 : i32
    %add3A_19 = arith.addi %mul3A_2, %add3A_18 : i32
    %dma_start3A = arith.constant 0 : i32
    %dma_start3A_20 = arith.constant 0 : i32
    %dma_start3A_21 = tpu.memref_slice %arg12[%dma_start3A, %dma_start3A_20] : memref<64x64xf32, #tpu.memory_space<vmem>> -> memref<64x64xf32, #tpu.memory_space<vmem>>
    %dma_start3A_22 = arith.constant 0 : i32
    %dma_start3A_23 = tpu.memref_slice %arg9[%dma_start3A_22] : memref<10000xi32, #tpu.memory_space<vmem>> -> memref<64xi32, #tpu.memory_space<vmem>>
    %dma_start3A_24 = arith.constant 0 : i32
    %dma_start3A_25 = arith.constant 0 : i32
    %dma_start3A_26 = tpu.memref_slice %arg20[%dma_start3A_24, %dma_start3A_25] : memref<10000x64xf32, #tpu.memory_space<vmem_shared>> -> memref<10000x64xf32, #tpu.memory_space<vmem_shared>>
    tpu.enqueue_indirect_dma source(%dma_start3A_26 : memref<10000x64xf32, #tpu.memory_space<vmem_shared>>) target(%dma_start3A_21 : memref<64x64xf32, #tpu.memory_space<vmem>>) offsets(%dma_start3A_23 : memref<64xi32, #tpu.memory_space<vmem>>) semaphore(%arg22 : memref<!tpu.dma_semaphore, #tpu.memory_space<semaphore_mem>>)
    %dma_start3A_27 = arith.constant 0 : i32
    %dma_start3A_28 = arith.constant 0 : i32
    %dma_start3A_29 = tpu.memref_slice %arg14[%dma_start3A_27, %dma_start3A_28] : memref<64x64xf32, #tpu.memory_space<vmem>> -> memref<64x64xf32, #tpu.memory_space<vmem>>
    %dma_start3A_30 = arith.constant 0 : i32
    %dma_start3A_31 = tpu.memref_slice %arg10[%dma_start3A_30] : memref<10000xi32, #tpu.memory_space<vmem>> -> memref<64xi32, #tpu.memory_space<vmem>>
    %dma_start3A_32 = arith.constant 0 : i32
    %dma_start3A_33 = arith.constant 0 : i32
    %dma_start3A_34 = tpu.memref_slice %arg21[%dma_start3A_32, %dma_start3A_33] : memref<10000x64xf32, #tpu.memory_space<vmem_shared>> -> memref<10000x64xf32, #tpu.memory_space<vmem_shared>>
    tpu.enqueue_indirect_dma source(%dma_start3A_34 : memref<10000x64xf32, #tpu.memory_space<vmem_shared>>) target(%dma_start3A_29 : memref<64x64xf32, #tpu.memory_space<vmem>>) offsets(%dma_start3A_31 : memref<64xi32, #tpu.memory_space<vmem>>) semaphore(%arg24 : memref<!tpu.dma_semaphore, #tpu.memory_space<semaphore_mem>>)
    %dma_start3A_35 = arith.constant 0 : i32
    %dma_start3A_36 = tpu.memref_slice %arg16[%dma_start3A_35] : memref<64xf32, #tpu.memory_space<vmem>> -> memref<64xf32, #tpu.memory_space<vmem>>
    %dma_start3A_37 = tpu.memref_slice %arg6[%add3A_19] : memref<320000xf32, #tpu.memory_space<hbm>> -> memref<64xf32, #tpu.memory_space<hbm>>
    %dma_start3A_38 = arith.constant 0 : i32
    %dma_start3A_39 = tpu.memref_slice %arg16[%dma_start3A_38] : memref<64xf32, #tpu.memory_space<vmem>> -> memref<64xf32, #tpu.memory_space<vmem>>
    %dma_start3A_40 = tpu.memref_slice %arg6[%add3A_19] : memref<320000xf32, #tpu.memory_space<hbm>> -> memref<64xf32, #tpu.memory_space<hbm>>
    tpu.enqueue_dma source(%dma_start3A_40 : memref<64xf32, #tpu.memory_space<hbm>>) target(%dma_start3A_39 : memref<64xf32, #tpu.memory_space<vmem>>) target_semaphore(%arg26 : memref<!tpu.dma_semaphore, #tpu.memory_space<semaphore_mem>>)
    %scan3A = arith.constant 0 : i32
    %scan3A_41 = arith.constant 0 : i32
    %scan3A_42 = arith.constant 78 : i32
    %scan3A_43 = arith.addi %scan3A_41, %scan3A_42 : i32
    %scan3A_44 = arith.constant 1 : i32
    scf.for %scan3A_1101 = %scan3A_41 to %scan3A_43 step %scan3A_44  : i32 {
      %mul3A_1102 = arith.constant 2 : i32
      %mul3A_1103 = arith.muli %scan3A_1101, %mul3A_1102 : i32
      %add3A_1104 = arith.constant 0 : i32
      %add3A_1105 = arith.addi %mul3A_1103, %add3A_1104 : i32
      %add3A_1106 = arith.constant 1 : i32
      %add3A_1107 = arith.addi %add3A_1105, %add3A_1106 : i32
      %lt3A = arith.constant 156 : i32
      %lt3A_1108 = arith.cmpi slt, %add3A_1107, %lt3A : i32
      %convert_element_type3A = arith.extui %lt3A_1108 : i1 to i32
      %cond3A = arith.constant 0 : i32
      %cond3A_1109 = arith.cmpi ne, %convert_element_type3A, %cond3A : i32
      scf.if %cond3A_1109 {
        %add3A_1187 = arith.constant 1 : i32
        %add3A_1188 = arith.addi %add3A_1105, %add3A_1187 : i32
        %mul3A_1189 = arith.constant 64 : i32
        %mul3A_1190 = arith.muli %add3A_1188, %mul3A_1189 : i32
        %mul3A_1191 = arith.constant 64 : i32
        %mul3A_1192 = arith.muli %add3A_1188, %mul3A_1191 : i32
        %mul3A_1193 = arith.constant 64 : i32
        %mul3A_1194 = arith.muli %add3A_1188, %mul3A_1193 : i32
        %add3A_1195 = arith.addi %mul3A_2, %mul3A_1194 : i32
        %dma_start3A_1196 = arith.constant 0 : i32
        %dma_start3A_1197 = arith.constant 0 : i32
        %dma_start3A_1198 = tpu.memref_slice %arg13[%dma_start3A_1196, %dma_start3A_1197] : memref<64x64xf32, #tpu.memory_space<vmem>> -> memref<64x64xf32, #tpu.memory_space<vmem>>
        %dma_start3A_1199 = tpu.memref_slice %arg9[%mul3A_1190] : memref<10000xi32, #tpu.memory_space<vmem>> -> memref<64xi32, #tpu.memory_space<vmem>>
        %dma_start3A_1200 = arith.constant 0 : i32
        %dma_start3A_1201 = arith.constant 0 : i32
        %dma_start3A_1202 = tpu.memref_slice %arg20[%dma_start3A_1200, %dma_start3A_1201] : memref<10000x64xf32, #tpu.memory_space<vmem_shared>> -> memref<10000x64xf32, #tpu.memory_space<vmem_shared>>
        tpu.enqueue_indirect_dma source(%dma_start3A_1202 : memref<10000x64xf32, #tpu.memory_space<vmem_shared>>) target(%dma_start3A_1198 : memref<64x64xf32, #tpu.memory_space<vmem>>) offsets(%dma_start3A_1199 : memref<64xi32, #tpu.memory_space<vmem>>) semaphore(%arg23 : memref<!tpu.dma_semaphore, #tpu.memory_space<semaphore_mem>>)
        %dma_start3A_1203 = arith.constant 0 : i32
        %dma_start3A_1204 = arith.constant 0 : i32
        %dma_start3A_1205 = tpu.memref_slice %arg15[%dma_start3A_1203, %dma_start3A_1204] : memref<64x64xf32, #tpu.memory_space<vmem>> -> memref<64x64xf32, #tpu.memory_space<vmem>>
        %dma_start3A_1206 = tpu.memref_slice %arg10[%mul3A_1192] : memref<10000xi32, #tpu.memory_space<vmem>> -> memref<64xi32, #tpu.memory_space<vmem>>
        %dma_start3A_1207 = arith.constant 0 : i32
        %dma_start3A_1208 = arith.constant 0 : i32
        %dma_start3A_1209 = tpu.memref_slice %arg21[%dma_start3A_1207, %dma_start3A_1208] : memref<10000x64xf32, #tpu.memory_space<vmem_shared>> -> memref<10000x64xf32, #tpu.memory_space<vmem_shared>>
        tpu.enqueue_indirect_dma source(%dma_start3A_1209 : memref<10000x64xf32, #tpu.memory_space<vmem_shared>>) target(%dma_start3A_1205 : memref<64x64xf32, #tpu.memory_space<vmem>>) offsets(%dma_start3A_1206 : memref<64xi32, #tpu.memory_space<vmem>>) semaphore(%arg25 : memref<!tpu.dma_semaphore, #tpu.memory_space<semaphore_mem>>)
        %dma_start3A_1210 = arith.constant 0 : i32
        %dma_start3A_1211 = tpu.memref_slice %arg17[%dma_start3A_1210] : memref<64xf32, #tpu.memory_space<vmem>> -> memref<64xf32, #tpu.memory_space<vmem>>
        %dma_start3A_1212 = tpu.memref_slice %arg6[%add3A_1195] : memref<320000xf32, #tpu.memory_space<hbm>> -> memref<64xf32, #tpu.memory_space<hbm>>
        %dma_start3A_1213 = arith.constant 0 : i32
        %dma_start3A_1214 = tpu.memref_slice %arg17[%dma_start3A_1213] : memref<64xf32, #tpu.memory_space<vmem>> -> memref<64xf32, #tpu.memory_space<vmem>>
        %dma_start3A_1215 = tpu.memref_slice %arg6[%add3A_1195] : memref<320000xf32, #tpu.memory_space<hbm>> -> memref<64xf32, #tpu.memory_space<hbm>>
        tpu.enqueue_dma source(%dma_start3A_1215 : memref<64xf32, #tpu.memory_space<hbm>>) target(%dma_start3A_1214 : memref<64xf32, #tpu.memory_space<vmem>>) target_semaphore(%arg27 : memref<!tpu.dma_semaphore, #tpu.memory_space<semaphore_mem>>)
      } else {
      }
      %mul3A_1110 = arith.constant 64 : i32
      %mul3A_1111 = arith.muli %add3A_1105, %mul3A_1110 : i32
      %mul3A_1112 = arith.constant 64 : i32
      %mul3A_1113 = arith.muli %add3A_1105, %mul3A_1112 : i32
      %mul3A_1114 = arith.constant 64 : i32
      %mul3A_1115 = arith.muli %add3A_1105, %mul3A_1114 : i32
      %add3A_1116 = arith.addi %mul3A_2, %mul3A_1115 : i32
      %dma_wait3A_1117 = arith.constant 0 : i32
      %dma_wait3A_1118 = arith.constant 0 : i32
      %dma_wait3A_1119 = tpu.memref_slice %arg12[%dma_wait3A_1117, %dma_wait3A_1118] : memref<64x64xf32, #tpu.memory_space<vmem>> -> memref<64x64xf32, #tpu.memory_space<vmem>>
      %dma_wait3A_1120 = tpu.memref_slice %arg9[%mul3A_1111] : memref<10000xi32, #tpu.memory_space<vmem>> -> memref<64xi32, #tpu.memory_space<vmem>>
      %dma_wait3A_1121 = arith.constant 0 : i32
      %dma_wait3A_1122 = arith.constant 0 : i32
      %dma_wait3A_1123 = tpu.memref_slice %arg20[%dma_wait3A_1121, %dma_wait3A_1122] : memref<10000x64xf32, #tpu.memory_space<vmem_shared>> -> memref<10000x64xf32, #tpu.memory_space<vmem_shared>>
      tpu.wait_indirect_dma semaphore(%arg22 : memref<!tpu.dma_semaphore, #tpu.memory_space<semaphore_mem>>) src(%dma_wait3A_1123 : memref<10000x64xf32, #tpu.memory_space<vmem_shared>>) dst(%dma_wait3A_1119 : memref<64x64xf32, #tpu.memory_space<vmem>>)
      %dma_wait3A_1124 = arith.constant 0 : i32
      %dma_wait3A_1125 = arith.constant 0 : i32
      %dma_wait3A_1126 = tpu.memref_slice %arg14[%dma_wait3A_1124, %dma_wait3A_1125] : memref<64x64xf32, #tpu.memory_space<vmem>> -> memref<64x64xf32, #tpu.memory_space<vmem>>
      %dma_wait3A_1127 = tpu.memref_slice %arg10[%mul3A_1113] : memref<10000xi32, #tpu.memory_space<vmem>> -> memref<64xi32, #tpu.memory_space<vmem>>
      %dma_wait3A_1128 = arith.constant 0 : i32
      %dma_wait3A_1129 = arith.constant 0 : i32
      %dma_wait3A_1130 = tpu.memref_slice %arg21[%dma_wait3A_1128, %dma_wait3A_1129] : memref<10000x64xf32, #tpu.memory_space<vmem_shared>> -> memref<10000x64xf32, #tpu.memory_space<vmem_shared>>
      tpu.wait_indirect_dma semaphore(%arg24 : memref<!tpu.dma_semaphore, #tpu.memory_space<semaphore_mem>>) src(%dma_wait3A_1130 : memref<10000x64xf32, #tpu.memory_space<vmem_shared>>) dst(%dma_wait3A_1126 : memref<64x64xf32, #tpu.memory_space<vmem>>)
      %dma_wait3A_1131 = arith.constant 0 : i32
      %dma_wait3A_1132 = tpu.memref_slice %arg16[%dma_wait3A_1131] : memref<64xf32, #tpu.memory_space<vmem>> -> memref<64xf32, #tpu.memory_space<vmem>>
      %dma_wait3A_1133 = tpu.memref_slice %arg6[%add3A_1116] : memref<320000xf32, #tpu.memory_space<hbm>> -> memref<64xf32, #tpu.memory_space<hbm>>
      %dma_wait3A_1134 = arith.constant 0 : i32
      %dma_wait3A_1135 = tpu.memref_slice %arg16[%dma_wait3A_1134] : memref<64xf32, #tpu.memory_space<vmem>> -> memref<64xf32, #tpu.memory_space<vmem>>
      %dma_wait3A_1136 = tpu.memref_slice %arg6[%add3A_1116] : memref<320000xf32, #tpu.memory_space<hbm>> -> memref<64xf32, #tpu.memory_space<hbm>>
      tpu.wait_dma2 semaphore(%arg26 : memref<!tpu.dma_semaphore, #tpu.memory_space<semaphore_mem>>) src(%dma_wait3A_1136 : memref<64xf32, #tpu.memory_space<hbm>>) dst(%dma_wait3A_1135 : memref<64xf32, #tpu.memory_space<vmem>>)
      %scan3A_1137 = arith.constant 0 : i32
      %scan3A_1138 = arith.constant 0 : i32
      %scan3A_1139 = arith.constant 4 : i32
      %scan3A_1140 = arith.addi %scan3A_1138, %scan3A_1139 : i32
      %scan3A_1141 = arith.constant 1 : i32
      scf.for %scan3A_1187 = %scan3A_1138 to %scan3A_1140 step %scan3A_1141  : i32 {
        %mul3A_1188 = arith.constant 16 : i32
        %mul3A_1189 = arith.muli %scan3A_1187, %mul3A_1188 : i32
        %add3A_1190 = arith.constant 0 : i32
        %add3A_1191 = arith.addi %mul3A_1189, %add3A_1190 : i32
        %get3A_1192 = arith.index_cast %add3A_1191 : i32 to index
        %get3A_1193 = arith.constant 0 : index
        %get3A_1194 = tpu.vector_load %arg12[%get3A_1192, %get3A_1193] {strides = array<i32>} : memref<64x64xf32, #tpu.memory_space<vmem>>, vector<16xf32>,
        %get3A_1195 = arith.index_cast %add3A_1191 : i32 to index
        %get3A_1196 = arith.constant 0 : index
        %get3A_1197 = tpu.vector_load %arg14[%get3A_1195, %get3A_1196] {strides = array<i32>} : memref<64x64xf32, #tpu.memory_space<vmem>>, vector<16xf32>,
        %add3A_1198 = arith.addf %get3A_1194, %get3A_1197 : vector<16xf32>
        %max3A_1199 = arith.constant 0.000000e+00 : f32
        %max3A_1200 = vector.broadcast %max3A_1199 : f32 to vector<16xf32>
        %max3A_1201 = arith.maximumf %add3A_1198, %max3A_1200 : vector<16xf32>
        %mul3A_1202 = arith.mulf %max3A_1201, %get3A_11 : vector<16xf32>
        %get3A_1203 = arith.index_cast %add3A_1191 : i32 to index
        %get3A_1204 = arith.constant 16 : index
        %get3A_1205 = tpu.vector_load %arg12[%get3A_1203, %get3A_1204] {strides = array<i32>} : memref<64x64xf32, #tpu.memory_space<vmem>>, vector<16xf32>,
        %get3A_1206 = arith.index_cast %add3A_1191 : i32 to index
        %get3A_1207 = arith.constant 16 : index
        %get3A_1208 = tpu.vector_load %arg14[%get3A_1206, %get3A_1207] {strides = array<i32>} : memref<64x64xf32, #tpu.memory_space<vmem>>, vector<16xf32>,
        %add3A_1209 = arith.addf %get3A_1205, %get3A_1208 : vector<16xf32>
        %max3A_1210 = arith.constant 0.000000e+00 : f32
        %max3A_1211 = vector.broadcast %max3A_1210 : f32 to vector<16xf32>
        %max3A_1212 = arith.maximumf %add3A_1209, %max3A_1211 : vector<16xf32>
        %mul3A_1213 = arith.mulf %max3A_1212, %get3A_13 : vector<16xf32>
        %get3A_1214 = arith.index_cast %add3A_1191 : i32 to index
        %get3A_1215 = arith.constant 32 : index
        %get3A_1216 = tpu.vector_load %arg12[%get3A_1214, %get3A_1215] {strides = array<i32>} : memref<64x64xf32, #tpu.memory_space<vmem>>, vector<16xf32>,
        %get3A_1217 = arith.index_cast %add3A_1191 : i32 to index
        %get3A_1218 = arith.constant 32 : index
        %get3A_1219 = tpu.vector_load %arg14[%get3A_1217, %get3A_1218] {strides = array<i32>} : memref<64x64xf32, #tpu.memory_space<vmem>>, vector<16xf32>,
        %add3A_1220 = arith.addf %get3A_1216, %get3A_1219 : vector<16xf32>
        %max3A_1221 = arith.constant 0.000000e+00 : f32
        %max3A_1222 = vector.broadcast %max3A_1221 : f32 to vector<16xf32>
        %max3A_1223 = arith.maximumf %add3A_1220, %max3A_1222 : vector<16xf32>
        %mul3A_1224 = arith.mulf %max3A_1223, %get3A_15 : vector<16xf32>
        %get3A_1225 = arith.index_cast %add3A_1191 : i32 to index
        %get3A_1226 = arith.constant 48 : index
        %get3A_1227 = tpu.vector_load %arg12[%get3A_1225, %get3A_1226] {strides = array<i32>} : memref<64x64xf32, #tpu.memory_space<vmem>>, vector<16xf32>,
        %get3A_1228 = arith.index_cast %add3A_1191 : i32 to index
        %get3A_1229 = arith.constant 48 : index
        %get3A_1230 = tpu.vector_load %arg14[%get3A_1228, %get3A_1229] {strides = array<i32>} : memref<64x64xf32, #tpu.memory_space<vmem>>, vector<16xf32>,
        %add3A_1231 = arith.addf %get3A_1227, %get3A_1230 : vector<16xf32>
        %max3A_1232 = arith.constant 0.000000e+00 : f32
        %max3A_1233 = vector.broadcast %max3A_1232 : f32 to vector<16xf32>
        %max3A_1234 = arith.maximumf %add3A_1231, %max3A_1233 : vector<16xf32>
        %mul3A_1235 = arith.mulf %max3A_1234, %get3A_17 : vector<16xf32>
        %add3A_1236 = arith.addf %mul3A_1202, %mul3A_1213 : vector<16xf32>
        %add3A_1237 = arith.addf %mul3A_1224, %mul3A_1235 : vector<16xf32>
        %add3A_1238 = arith.addf %add3A_1236, %add3A_1237 : vector<16xf32>
        %swap3A_1239 = arith.constant 0 : i32
        %swap3A_1240 = arith.index_cast %swap3A_1239 : i32 to index
        %swap3A_1241 = arith.constant 0 : index
        %swap3A_1242 = tpu.vector_load %arg18[%swap3A_1240, %swap3A_1241] {strides = array<i32>} : memref<16x17xf32, #tpu.memory_space<vmem>>, vector<16xf32>,
        tpu.vector_store %arg18[%swap3A_1240, %swap3A_1241], %add3A_1238 {strides = array<i32>} : memref<16x17xf32, #tpu.memory_space<vmem>>, vector<16xf32>,
        %mul3A_1243 = arith.constant 16 : i32
        %mul3A_1244 = arith.muli %scan3A_1187, %mul3A_1243 : i32
        %add3A_1245 = arith.constant 1 : i32
        %add3A_1246 = arith.addi %mul3A_1244, %add3A_1245 : i32
        %get3A_1247 = arith.index_cast %add3A_1246 : i32 to index
        %get3A_1248 = arith.constant 0 : index
        %get3A_1249 = tpu.vector_load %arg12[%get3A_1247, %get3A_1248] {strides = array<i32>} : memref<64x64xf32, #tpu.memory_space<vmem>>, vector<16xf32>,
        %get3A_1250 = arith.index_cast %add3A_1246 : i32 to index
        %get3A_1251 = arith.constant 0 : index
        %get3A_1252 = tpu.vector_load %arg14[%get3A_1250, %get3A_1251] {strides = array<i32>} : memref<64x64xf32, #tpu.memory_space<vmem>>, vector<16xf32>,
        %add3A_1253 = arith.addf %get3A_1249, %get3A_1252 : vector<16xf32>
        %max3A_1254 = arith.constant 0.000000e+00 : f32
        %max3A_1255 = vector.broadcast %max3A_1254 : f32 to vector<16xf32>
        %max3A_1256 = arith.maximumf %add3A_1253, %max3A_1255 : vector<16xf32>
        %mul3A_1257 = arith.mulf %max3A_1256, %get3A_11 : vector<16xf32>
        %get3A_1258 = arith.index_cast %add3A_1246 : i32 to index
        %get3A_1259 = arith.constant 16 : index
        %get3A_1260 = tpu.vector_load %arg12[%get3A_1258, %get3A_1259] {strides = array<i32>} : memref<64x64xf32, #tpu.memory_space<vmem>>, vector<16xf32>,
        %get3A_1261 = arith.index_cast %add3A_1246 : i32 to index
        %get3A_1262 = arith.constant 16 : index
        %get3A_1263 = tpu.vector_load %arg14[%get3A_1261, %get3A_1262] {strides = array<i32>} : memref<64x64xf32, #tpu.memory_space<vmem>>, vector<16xf32>,
        %add3A_1264 = arith.addf %get3A_1260, %get3A_1263 : vector<16xf32>
        %max3A_1265 = arith.constant 0.000000e+00 : f32
        %max3A_1266 = vector.broadcast %max3A_1265 : f32 to vector<16xf32>
        %max3A_1267 = arith.maximumf %add3A_1264, %max3A_1266 : vector<16xf32>
        %mul3A_1268 = arith.mulf %max3A_1267, %get3A_13 : vector<16xf32>
        %get3A_1269 = arith.index_cast %add3A_1246 : i32 to index
        %get3A_1270 = arith.constant 32 : index
        %get3A_1271 = tpu.vector_load %arg12[%get3A_1269, %get3A_1270] {strides = array<i32>} : memref<64x64xf32, #tpu.memory_space<vmem>>, vector<16xf32>,
        %get3A_1272 = arith.index_cast %add3A_1246 : i32 to index
        %get3A_1273 = arith.constant 32 : index
        %get3A_1274 = tpu.vector_load %arg14[%get3A_1272, %get3A_1273] {strides = array<i32>} : memref<64x64xf32, #tpu.memory_space<vmem>>, vector<16xf32>,
        %add3A_1275 = arith.addf %get3A_1271, %get3A_1274 : vector<16xf32>
        %max3A_1276 = arith.constant 0.000000e+00 : f32
        %max3A_1277 = vector.broadcast %max3A_1276 : f32 to vector<16xf32>
        %max3A_1278 = arith.maximumf %add3A_1275, %max3A_1277 : vector<16xf32>
        %mul3A_1279 = arith.mulf %max3A_1278, %get3A_15 : vector<16xf32>
        %get3A_1280 = arith.index_cast %add3A_1246 : i32 to index
        %get3A_1281 = arith.constant 48 : index
        %get3A_1282 = tpu.vector_load %arg12[%get3A_1280, %get3A_1281] {strides = array<i32>} : memref<64x64xf32, #tpu.memory_space<vmem>>, vector<16xf32>,
        %get3A_1283 = arith.index_cast %add3A_1246 : i32 to index
        %get3A_1284 = arith.constant 48 : index
        %get3A_1285 = tpu.vector_load %arg14[%get3A_1283, %get3A_1284] {strides = array<i32>} : memref<64x64xf32, #tpu.memory_space<vmem>>, vector<16xf32>,
        %add3A_1286 = arith.addf %get3A_1282, %get3A_1285 : vector<16xf32>
        %max3A_1287 = arith.constant 0.000000e+00 : f32
        %max3A_1288 = vector.broadcast %max3A_1287 : f32 to vector<16xf32>
        %max3A_1289 = arith.maximumf %add3A_1286, %max3A_1288 : vector<16xf32>
        %mul3A_1290 = arith.mulf %max3A_1289, %get3A_17 : vector<16xf32>
        %add3A_1291 = arith.addf %mul3A_1257, %mul3A_1268 : vector<16xf32>
        %add3A_1292 = arith.addf %mul3A_1279, %mul3A_1290 : vector<16xf32>
        %add3A_1293 = arith.addf %add3A_1291, %add3A_1292 : vector<16xf32>
        %swap3A_1294 = arith.constant 1 : i32
        %swap3A_1295 = arith.index_cast %swap3A_1294 : i32 to index
        %swap3A_1296 = arith.constant 0 : index
        %swap3A_1297 = tpu.vector_load %arg18[%swap3A_1295, %swap3A_1296] {strides = array<i32>} : memref<16x17xf32, #tpu.memory_space<vmem>>, vector<16xf32>,
        tpu.vector_store %arg18[%swap3A_1295, %swap3A_1296], %add3A_1293 {strides = array<i32>} : memref<16x17xf32, #tpu.memory_space<vmem>>, vector<16xf32>,
        %mul3A_1298 = arith.constant 16 : i32
        %mul3A_1299 = arith.muli %scan3A_1187, %mul3A_1298 : i32
        %add3A_1300 = arith.constant 2 : i32
        %add3A_1301 = arith.addi %mul3A_1299, %add3A_1300 : i32
        %get3A_1302 = arith.index_cast %add3A_1301 : i32 to index
        %get3A_1303 = arith.constant 0 : index
        %get3A_1304 = tpu.vector_load %arg12[%get3A_1302, %get3A_1303] {strides = array<i32>} : memref<64x64xf32, #tpu.memory_space<vmem>>, vector<16xf32>,
        %get3A_1305 = arith.index_cast %add3A_1301 : i32 to index
        %get3A_1306 = arith.constant 0 : index
        %get3A_1307 = tpu.vector_load %arg14[%get3A_1305, %get3A_1306] {strides = array<i32>} : memref<64x64xf32, #tpu.memory_space<vmem>>, vector<16xf32>,
        %add3A_1308 = arith.addf %get3A_1304, %get3A_1307 : vector<16xf32>
        %max3A_1309 = arith.constant 0.000000e+00 : f32
        %max3A_1310 = vector.broadcast %max3A_1309 : f32 to vector<16xf32>
        %max3A_1311 = arith.maximumf %add3A_1308, %max3A_1310 : vector<16xf32>
        %mul3A_1312 = arith.mulf %max3A_1311, %get3A_11 : vector<16xf32>
        %get3A_1313 = arith.index_cast %add3A_1301 : i32 to index
        %get3A_1314 = arith.constant 16 : index
        %get3A_1315 = tpu.vector_load %arg12[%get3A_1313, %get3A_1314] {strides = array<i32>} : memref<64x64xf32, #tpu.memory_space<vmem>>, vector<16xf32>,
        %get3A_1316 = arith.index_cast %add3A_1301 : i32 to index
        %get3A_1317 = arith.constant 16 : index
        %get3A_1318 = tpu.vector_load %arg14[%get3A_1316, %get3A_1317] {strides = array<i32>} : memref<64x64xf32, #tpu.memory_space<vmem>>, vector<16xf32>,
        %add3A_1319 = arith.addf %get3A_1315, %get3A_1318 : vector<16xf32>
        %max3A_1320 = arith.constant 0.000000e+00 : f32
        %max3A_1321 = vector.broadcast %max3A_1320 : f32 to vector<16xf32>
        %max3A_1322 = arith.maximumf %add3A_1319, %max3A_1321 : vector<16xf32>
        %mul3A_1323 = arith.mulf %max3A_1322, %get3A_13 : vector<16xf32>
        %get3A_1324 = arith.index_cast %add3A_1301 : i32 to index
        %get3A_1325 = arith.constant 32 : index
        %get3A_1326 = tpu.vector_load %arg12[%get3A_1324, %get3A_1325] {strides = array<i32>} : memref<64x64xf32, #tpu.memory_space<vmem>>, vector<16xf32>,
        %get3A_1327 = arith.index_cast %add3A_1301 : i32 to index
        %get3A_1328 = arith.constant 32 : index
        %get3A_1329 = tpu.vector_load %arg14[%get3A_1327, %get3A_1328] {strides = array<i32>} : memref<64x64xf32, #tpu.memory_space<vmem>>, vector<16xf32>,
        %add3A_1330 = arith.addf %get3A_1326, %get3A_1329 : vector<16xf32>
        %max3A_1331 = arith.constant 0.000000e+00 : f32
        %max3A_1332 = vector.broadcast %max3A_1331 : f32 to vector<16xf32>
        %max3A_1333 = arith.maximumf %add3A_1330, %max3A_1332 : vector<16xf32>
        %mul3A_1334 = arith.mulf %max3A_1333, %get3A_15 : vector<16xf32>
        %get3A_1335 = arith.index_cast %add3A_1301 : i32 to index
        %get3A_1336 = arith.constant 48 : index
        %get3A_1337 = tpu.vector_load %arg12[%get3A_1335, %get3A_1336] {strides = array<i32>} : memref<64x64xf32, #tpu.memory_space<vmem>>, vector<16xf32>,
        %get3A_1338 = arith.index_cast %add3A_1301 : i32 to index
        %get3A_1339 = arith.constant 48 : index
        %get3A_1340 = tpu.vector_load %arg14[%get3A_1338, %get3A_1339] {strides = array<i32>} : memref<64x64xf32, #tpu.memory_space<vmem>>, vector<16xf32>,
        %add3A_1341 = arith.addf %get3A_1337, %get3A_1340 : vector<16xf32>
        %max3A_1342 = arith.constant 0.000000e+00 : f32
        %max3A_1343 = vector.broadcast %max3A_1342 : f32 to vector<16xf32>
        %max3A_1344 = arith.maximumf %add3A_1341, %max3A_1343 : vector<16xf32>
        %mul3A_1345 = arith.mulf %max3A_1344, %get3A_17 : vector<16xf32>
        %add3A_1346 = arith.addf %mul3A_1312, %mul3A_1323 : vector<16xf32>
        %add3A_1347 = arith.addf %mul3A_1334, %mul3A_1345 : vector<16xf32>
        %add3A_1348 = arith.addf %add3A_1346, %add3A_1347 : vector<16xf32>
        %swap3A_1349 = arith.constant 2 : i32
        %swap3A_1350 = arith.index_cast %swap3A_1349 : i32 to index
        %swap3A_1351 = arith.constant 0 : index
        %swap3A_1352 = tpu.vector_load %arg18[%swap3A_1350, %swap3A_1351] {strides = array<i32>} : memref<16x17xf32, #tpu.memory_space<vmem>>, vector<16xf32>,
        tpu.vector_store %arg18[%swap3A_1350, %swap3A_1351], %add3A_1348 {strides = array<i32>} : memref<16x17xf32, #tpu.memory_space<vmem>>, vector<16xf32>,
        %mul3A_1353 = arith.constant 16 : i32
        %mul3A_1354 = arith.muli %scan3A_1187, %mul3A_1353 : i32
        %add3A_1355 = arith.constant 3 : i32
        %add3A_1356 = arith.addi %mul3A_1354, %add3A_1355 : i32
        %get3A_1357 = arith.index_cast %add3A_1356 : i32 to index
        %get3A_1358 = arith.constant 0 : index
        %get3A_1359 = tpu.vector_load %arg12[%get3A_1357, %get3A_1358] {strides = array<i32>} : memref<64x64xf32, #tpu.memory_space<vmem>>, vector<16xf32>,
        %get3A_1360 = arith.index_cast %add3A_1356 : i32 to index
        %get3A_1361 = arith.constant 0 : index
        %get3A_1362 = tpu.vector_load %arg14[%get3A_1360, %get3A_1361] {strides = array<i32>} : memref<64x64xf32, #tpu.memory_space<vmem>>, vector<16xf32>,
        %add3A_1363 = arith.addf %get3A_1359, %get3A_1362 : vector<16xf32>
        %max3A_1364 = arith.constant 0.000000e+00 : f32
        %max3A_1365 = vector.broadcast %max3A_1364 : f32 to vector<16xf32>
        %max3A_1366 = arith.maximumf %add3A_1363, %max3A_1365 : vector<16xf32>
        %mul3A_1367 = arith.mulf %max3A_1366, %get3A_11 : vector<16xf32>
        %get3A_1368 = arith.index_cast %add3A_1356 : i32 to index
        %get3A_1369 = arith.constant 16 : index
        %get3A_1370 = tpu.vector_load %arg12[%get3A_1368, %get3A_1369] {strides = array<i32>} : memref<64x64xf32, #tpu.memory_space<vmem>>, vector<16xf32>,
        %get3A_1371 = arith.index_cast %add3A_1356 : i32 to index
        %get3A_1372 = arith.constant 16 : index
        %get3A_1373 = tpu.vector_load %arg14[%get3A_1371, %get3A_1372] {strides = array<i32>} : memref<64x64xf32, #tpu.memory_space<vmem>>, vector<16xf32>,
        %add3A_1374 = arith.addf %get3A_1370, %get3A_1373 : vector<16xf32>
        %max3A_1375 = arith.constant 0.000000e+00 : f32
        %max3A_1376 = vector.broadcast %max3A_1375 : f32 to vector<16xf32>
        %max3A_1377 = arith.maximumf %add3A_1374, %max3A_1376 : vector<16xf32>
        %mul3A_1378 = arith.mulf %max3A_1377, %get3A_13 : vector<16xf32>
        %get3A_1379 = arith.index_cast %add3A_1356 : i32 to index
        %get3A_1380 = arith.constant 32 : index
        %get3A_1381 = tpu.vector_load %arg12[%get3A_1379, %get3A_1380] {strides = array<i32>} : memref<64x64xf32, #tpu.memory_space<vmem>>, vector<16xf32>,
        %get3A_1382 = arith.index_cast %add3A_1356 : i32 to index
        %get3A_1383 = arith.constant 32 : index
        %get3A_1384 = tpu.vector_load %arg14[%get3A_1382, %get3A_1383] {strides = array<i32>} : memref<64x64xf32, #tpu.memory_space<vmem>>, vector<16xf32>,
        %add3A_1385 = arith.addf %get3A_1381, %get3A_1384 : vector<16xf32>
        %max3A_1386 = arith.constant 0.000000e+00 : f32
        %max3A_1387 = vector.broadcast %max3A_1386 : f32 to vector<16xf32>
        %max3A_1388 = arith.maximumf %add3A_1385, %max3A_1387 : vector<16xf32>
        %mul3A_1389 = arith.mulf %max3A_1388, %get3A_15 : vector<16xf32>
        %get3A_1390 = arith.index_cast %add3A_1356 : i32 to index
        %get3A_1391 = arith.constant 48 : index
        %get3A_1392 = tpu.vector_load %arg12[%get3A_1390, %get3A_1391] {strides = array<i32>} : memref<64x64xf32, #tpu.memory_space<vmem>>, vector<16xf32>,
        %get3A_1393 = arith.index_cast %add3A_1356 : i32 to index
        %get3A_1394 = arith.constant 48 : index
        %get3A_1395 = tpu.vector_load %arg14[%get3A_1393, %get3A_1394] {strides = array<i32>} : memref<64x64xf32, #tpu.memory_space<vmem>>, vector<16xf32>,
        %add3A_1396 = arith.addf %get3A_1392, %get3A_1395 : vector<16xf32>
        %max3A_1397 = arith.constant 0.000000e+00 : f32
        %max3A_1398 = vector.broadcast %max3A_1397 : f32 to vector<16xf32>
        %max3A_1399 = arith.maximumf %add3A_1396, %max3A_1398 : vector<16xf32>
        %mul3A_1400 = arith.mulf %max3A_1399, %get3A_17 : vector<16xf32>
        %add3A_1401 = arith.addf %mul3A_1367, %mul3A_1378 : vector<16xf32>
        %add3A_1402 = arith.addf %mul3A_1389, %mul3A_1400 : vector<16xf32>
        %add3A_1403 = arith.addf %add3A_1401, %add3A_1402 : vector<16xf32>
        %swap3A_1404 = arith.constant 3 : i32
        %swap3A_1405 = arith.index_cast %swap3A_1404 : i32 to index
        %swap3A_1406 = arith.constant 0 : index
        %swap3A_1407 = tpu.vector_load %arg18[%swap3A_1405, %swap3A_1406] {strides = array<i32>} : memref<16x17xf32, #tpu.memory_space<vmem>>, vector<16xf32>,
        tpu.vector_store %arg18[%swap3A_1405, %swap3A_1406], %add3A_1403 {strides = array<i32>} : memref<16x17xf32, #tpu.memory_space<vmem>>, vector<16xf32>,
        %mul3A_1408 = arith.constant 16 : i32
        %mul3A_1409 = arith.muli %scan3A_1187, %mul3A_1408 : i32
        %add3A_1410 = arith.constant 4 : i32
        %add3A_1411 = arith.addi %mul3A_1409, %add3A_1410 : i32
        %get3A_1412 = arith.index_cast %add3A_1411 : i32 to index
        %get3A_1413 = arith.constant 0 : index
        %get3A_1414 = tpu.vector_load %arg12[%get3A_1412, %get3A_1413] {strides = array<i32>} : memref<64x64xf32, #tpu.memory_space<vmem>>, vector<16xf32>,
        %get3A_1415 = arith.index_cast %add3A_1411 : i32 to index
        %get3A_1416 = arith.constant 0 : index
        %get3A_1417 = tpu.vector_load %arg14[%get3A_1415, %get3A_1416] {strides = array<i32>} : memref<64x64xf32, #tpu.memory_space<vmem>>, vector<16xf32>,
        %add3A_1418 = arith.addf %get3A_1414, %get3A_1417 : vector<16xf32>
        %max3A_1419 = arith.constant 0.000000e+00 : f32
        %max3A_1420 = vector.broadcast %max3A_1419 : f32 to vector<16xf32>
        %max3A_1421 = arith.maximumf %add3A_1418, %max3A_1420 : vector<16xf32>
        %mul3A_1422 = arith.mulf %max3A_1421, %get3A_11 : vector<16xf32>
        %get3A_1423 = arith.index_cast %add3A_1411 : i32 to index
        %get3A_1424 = arith.constant 16 : index
        %get3A_1425 = tpu.vector_load %arg12[%get3A_1423, %get3A_1424] {strides = array<i32>} : memref<64x64xf32, #tpu.memory_space<vmem>>, vector<16xf32>,
        %get3A_1426 = arith.index_cast %add3A_1411 : i32 to index
        %get3A_1427 = arith.constant 16 : index
        %get3A_1428 = tpu.vector_load %arg14[%get3A_1426, %get3A_1427] {strides = array<i32>} : memref<64x64xf32, #tpu.memory_space<vmem>>, vector<16xf32>,
        %add3A_1429 = arith.addf %get3A_1425, %get3A_1428 : vector<16xf32>
        %max3A_1430 = arith.constant 0.000000e+00 : f32
        %max3A_1431 = vector.broadcast %max3A_1430 : f32 to vector<16xf32>
        %max3A_1432 = arith.maximumf %add3A_1429, %max3A_1431 : vector<16xf32>
        %mul3A_1433 = arith.mulf %max3A_1432, %get3A_13 : vector<16xf32>
        %get3A_1434 = arith.index_cast %add3A_1411 : i32 to index
        %get3A_1435 = arith.constant 32 : index
        %get3A_1436 = tpu.vector_load %arg12[%get3A_1434, %get3A_1435] {strides = array<i32>} : memref<64x64xf32, #tpu.memory_space<vmem>>, vector<16xf32>,
        %get3A_1437 = arith.index_cast %add3A_1411 : i32 to index
        %get3A_1438 = arith.constant 32 : index
        %get3A_1439 = tpu.vector_load %arg14[%get3A_1437, %get3A_1438] {strides = array<i32>} : memref<64x64xf32, #tpu.memory_space<vmem>>, vector<16xf32>,
        %add3A_1440 = arith.addf %get3A_1436, %get3A_1439 : vector<16xf32>
        %max3A_1441 = arith.constant 0.000000e+00 : f32
        %max3A_1442 = vector.broadcast %max3A_1441 : f32 to vector<16xf32>
        %max3A_1443 = arith.maximumf %add3A_1440, %max3A_1442 : vector<16xf32>
        %mul3A_1444 = arith.mulf %max3A_1443, %get3A_15 : vector<16xf32>
        %get3A_1445 = arith.index_cast %add3A_1411 : i32 to index
        %get3A_1446 = arith.constant 48 : index
        %get3A_1447 = tpu.vector_load %arg12[%get3A_1445, %get3A_1446] {strides = array<i32>} : memref<64x64xf32, #tpu.memory_space<vmem>>, vector<16xf32>,
        %get3A_1448 = arith.index_cast %add3A_1411 : i32 to index
        %get3A_1449 = arith.constant 48 : index
        %get3A_1450 = tpu.vector_load %arg14[%get3A_1448, %get3A_1449] {strides = array<i32>} : memref<64x64xf32, #tpu.memory_space<vmem>>, vector<16xf32>,
        %add3A_1451 = arith.addf %get3A_1447, %get3A_1450 : vector<16xf32>
        %max3A_1452 = arith.constant 0.000000e+00 : f32
        %max3A_1453 = vector.broadcast %max3A_1452 : f32 to vector<16xf32>
        %max3A_1454 = arith.maximumf %add3A_1451, %max3A_1453 : vector<16xf32>
        %mul3A_1455 = arith.mulf %max3A_1454, %get3A_17 : vector<16xf32>
        %add3A_1456 = arith.addf %mul3A_1422, %mul3A_1433 : vector<16xf32>
        %add3A_1457 = arith.addf %mul3A_1444, %mul3A_1455 : vector<16xf32>
        %add3A_1458 = arith.addf %add3A_1456, %add3A_1457 : vector<16xf32>
        %swap3A_1459 = arith.constant 4 : i32
        %swap3A_1460 = arith.index_cast %swap3A_1459 : i32 to index
        %swap3A_1461 = arith.constant 0 : index
        %swap3A_1462 = tpu.vector_load %arg18[%swap3A_1460, %swap3A_1461] {strides = array<i32>} : memref<16x17xf32, #tpu.memory_space<vmem>>, vector<16xf32>,
        tpu.vector_store %arg18[%swap3A_1460, %swap3A_1461], %add3A_1458 {strides = array<i32>} : memref<16x17xf32, #tpu.memory_space<vmem>>, vector<16xf32>,
        %mul3A_1463 = arith.constant 16 : i32
        %mul3A_1464 = arith.muli %scan3A_1187, %mul3A_1463 : i32
        %add3A_1465 = arith.constant 5 : i32
        %add3A_1466 = arith.addi %mul3A_1464, %add3A_1465 : i32
        %get3A_1467 = arith.index_cast %add3A_1466 : i32 to index
        %get3A_1468 = arith.constant 0 : index
        %get3A_1469 = tpu.vector_load %arg12[%get3A_1467, %get3A_1468] {strides = array<i32>} : memref<64x64xf32, #tpu.memory_space<vmem>>, vector<16xf32>,
        %get3A_1470 = arith.index_cast %add3A_1466 : i32 to index
        %get3A_1471 = arith.constant 0 : index
        %get3A_1472 = tpu.vector_load %arg14[%get3A_1470, %get3A_1471] {strides = array<i32>} : memref<64x64xf32, #tpu.memory_space<vmem>>, vector<16xf32>,
        %add3A_1473 = arith.addf %get3A_1469, %get3A_1472 : vector<16xf32>
        %max3A_1474 = arith.constant 0.000000e+00 : f32
        %max3A_1475 = vector.broadcast %max3A_1474 : f32 to vector<16xf32>
        %max3A_1476 = arith.maximumf %add3A_1473, %max3A_1475 : vector<16xf32>
        %mul3A_1477 = arith.mulf %max3A_1476, %get3A_11 : vector<16xf32>
        %get3A_1478 = arith.index_cast %add3A_1466 : i32 to index
        %get3A_1479 = arith.constant 16 : index
        %get3A_1480 = tpu.vector_load %arg12[%get3A_1478, %get3A_1479] {strides = array<i32>} : memref<64x64xf32, #tpu.memory_space<vmem>>, vector<16xf32>,
        %get3A_1481 = arith.index_cast %add3A_1466 : i32 to index
        %get3A_1482 = arith.constant 16 : index
        %get3A_1483 = tpu.vector_load %arg14[%get3A_1481, %get3A_1482] {strides = array<i32>} : memref<64x64xf32, #tpu.memory_space<vmem>>, vector<16xf32>,
        %add3A_1484 = arith.addf %get3A_1480, %get3A_1483 : vector<16xf32>
        %max3A_1485 = arith.constant 0.000000e+00 : f32
        %max3A_1486 = vector.broadcast %max3A_1485 : f32 to vector<16xf32>
        %max3A_1487 = arith.maximumf %add3A_1484, %max3A_1486 : vector<16xf32>
        %mul3A_1488 = arith.mulf %max3A_1487, %get3A_13 : vector<16xf32>
        %get3A_1489 = arith.index_cast %add3A_1466 : i32 to index
        %get3A_1490 = arith.constant 32 : index
        %get3A_1491 = tpu.vector_load %arg12[%get3A_1489, %get3A_1490] {strides = array<i32>} : memref<64x64xf32, #tpu.memory_space<vmem>>, vector<16xf32>,
        %get3A_1492 = arith.index_cast %add3A_1466 : i32 to index
        %get3A_1493 = arith.constant 32 : index
        %get3A_1494 = tpu.vector_load %arg14[%get3A_1492, %get3A_1493] {strides = array<i32>} : memref<64x64xf32, #tpu.memory_space<vmem>>, vector<16xf32>,
        %add3A_1495 = arith.addf %get3A_1491, %get3A_1494 : vector<16xf32>
        %max3A_1496 = arith.constant 0.000000e+00 : f32
        %max3A_1497 = vector.broadcast %max3A_1496 : f32 to vector<16xf32>
        %max3A_1498 = arith.maximumf %add3A_1495, %max3A_1497 : vector<16xf32>
        %mul3A_1499 = arith.mulf %max3A_1498, %get3A_15 : vector<16xf32>
        %get3A_1500 = arith.index_cast %add3A_1466 : i32 to index
        %get3A_1501 = arith.constant 48 : index
        %get3A_1502 = tpu.vector_load %arg12[%get3A_1500, %get3A_1501] {strides = array<i32>} : memref<64x64xf32, #tpu.memory_space<vmem>>, vector<16xf32>,
        %get3A_1503 = arith.index_cast %add3A_1466 : i32 to index
        %get3A_1504 = arith.constant 48 : index
        %get3A_1505 = tpu.vector_load %arg14[%get3A_1503, %get3A_1504] {strides = array<i32>} : memref<64x64xf32, #tpu.memory_space<vmem>>, vector<16xf32>,
        %add3A_1506 = arith.addf %get3A_1502, %get3A_1505 : vector<16xf32>
        %max3A_1507 = arith.constant 0.000000e+00 : f32
        %max3A_1508 = vector.broadcast %max3A_1507 : f32 to vector<16xf32>
        %max3A_1509 = arith.maximumf %add3A_1506, %max3A_1508 : vector<16xf32>
        %mul3A_1510 = arith.mulf %max3A_1509, %get3A_17 : vector<16xf32>
        %add3A_1511 = arith.addf %mul3A_1477, %mul3A_1488 : vector<16xf32>
        %add3A_1512 = arith.addf %mul3A_1499, %mul3A_1510 : vector<16xf32>
        %add3A_1513 = arith.addf %add3A_1511, %add3A_1512 : vector<16xf32>
        %swap3A_1514 = arith.constant 5 : i32
        %swap3A_1515 = arith.index_cast %swap3A_1514 : i32 to index
        %swap3A_1516 = arith.constant 0 : index
        %swap3A_1517 = tpu.vector_load %arg18[%swap3A_1515, %swap3A_1516] {strides = array<i32>} : memref<16x17xf32, #tpu.memory_space<vmem>>, vector<16xf32>,
        tpu.vector_store %arg18[%swap3A_1515, %swap3A_1516], %add3A_1513 {strides = array<i32>} : memref<16x17xf32, #tpu.memory_space<vmem>>, vector<16xf32>,
        %mul3A_1518 = arith.constant 16 : i32
        %mul3A_1519 = arith.muli %scan3A_1187, %mul3A_1518 : i32
        %add3A_1520 = arith.constant 6 : i32
        %add3A_1521 = arith.addi %mul3A_1519, %add3A_1520 : i32
        %get3A_1522 = arith.index_cast %add3A_1521 : i32 to index
        %get3A_1523 = arith.constant 0 : index
        %get3A_1524 = tpu.vector_load %arg12[%get3A_1522, %get3A_1523] {strides = array<i32>} : memref<64x64xf32, #tpu.memory_space<vmem>>, vector<16xf32>,
        %get3A_1525 = arith.index_cast %add3A_1521 : i32 to index
        %get3A_1526 = arith.constant 0 : index
        %get3A_1527 = tpu.vector_load %arg14[%get3A_1525, %get3A_1526] {strides = array<i32>} : memref<64x64xf32, #tpu.memory_space<vmem>>, vector<16xf32>,
        %add3A_1528 = arith.addf %get3A_1524, %get3A_1527 : vector<16xf32>
        %max3A_1529 = arith.constant 0.000000e+00 : f32
        %max3A_1530 = vector.broadcast %max3A_1529 : f32 to vector<16xf32>
        %max3A_1531 = arith.maximumf %add3A_1528, %max3A_1530 : vector<16xf32>
        %mul3A_1532 = arith.mulf %max3A_1531, %get3A_11 : vector<16xf32>
        %get3A_1533 = arith.index_cast %add3A_1521 : i32 to index
        %get3A_1534 = arith.constant 16 : index
        %get3A_1535 = tpu.vector_load %arg12[%get3A_1533, %get3A_1534] {strides = array<i32>} : memref<64x64xf32, #tpu.memory_space<vmem>>, vector<16xf32>,
        %get3A_1536 = arith.index_cast %add3A_1521 : i32 to index
        %get3A_1537 = arith.constant 16 : index
        %get3A_1538 = tpu.vector_load %arg14[%get3A_1536, %get3A_1537] {strides = array<i32>} : memref<64x64xf32, #tpu.memory_space<vmem>>, vector<16xf32>,
        %add3A_1539 = arith.addf %get3A_1535, %get3A_1538 : vector<16xf32>
        %max3A_1540 = arith.constant 0.000000e+00 : f32
        %max3A_1541 = vector.broadcast %max3A_1540 : f32 to vector<16xf32>
        %max3A_1542 = arith.maximumf %add3A_1539, %max3A_1541 : vector<16xf32>
        %mul3A_1543 = arith.mulf %max3A_1542, %get3A_13 : vector<16xf32>
        %get3A_1544 = arith.index_cast %add3A_1521 : i32 to index
        %get3A_1545 = arith.constant 32 : index
        %get3A_1546 = tpu.vector_load %arg12[%get3A_1544, %get3A_1545] {strides = array<i32>} : memref<64x64xf32, #tpu.memory_space<vmem>>, vector<16xf32>,
        %get3A_1547 = arith.index_cast %add3A_1521 : i32 to index
        %get3A_1548 = arith.constant 32 : index
        %get3A_1549 = tpu.vector_load %arg14[%get3A_1547, %get3A_1548] {strides = array<i32>} : memref<64x64xf32, #tpu.memory_space<vmem>>, vector<16xf32>,
        %add3A_1550 = arith.addf %get3A_1546, %get3A_1549 : vector<16xf32>
        %max3A_1551 = arith.constant 0.000000e+00 : f32
        %max3A_1552 = vector.broadcast %max3A_1551 : f32 to vector<16xf32>
        %max3A_1553 = arith.maximumf %add3A_1550, %max3A_1552 : vector<16xf32>
        %mul3A_1554 = arith.mulf %max3A_1553, %get3A_15 : vector<16xf32>
        %get3A_1555 = arith.index_cast %add3A_1521 : i32 to index
        %get3A_1556 = arith.constant 48 : index
        %get3A_1557 = tpu.vector_load %arg12[%get3A_1555, %get3A_1556] {strides = array<i32>} : memref<64x64xf32, #tpu.memory_space<vmem>>, vector<16xf32>,
        %get3A_1558 = arith.index_cast %add3A_1521 : i32 to index
        %get3A_1559 = arith.constant 48 : index
        %get3A_1560 = tpu.vector_load %arg14[%get3A_1558, %get3A_1559] {strides = array<i32>} : memref<64x64xf32, #tpu.memory_space<vmem>>, vector<16xf32>,
        %add3A_1561 = arith.addf %get3A_1557, %get3A_1560 : vector<16xf32>
        %max3A_1562 = arith.constant 0.000000e+00 : f32
        %max3A_1563 = vector.broadcast %max3A_1562 : f32 to vector<16xf32>
        %max3A_1564 = arith.maximumf %add3A_1561, %max3A_1563 : vector<16xf32>
        %mul3A_1565 = arith.mulf %max3A_1564, %get3A_17 : vector<16xf32>
        %add3A_1566 = arith.addf %mul3A_1532, %mul3A_1543 : vector<16xf32>
        %add3A_1567 = arith.addf %mul3A_1554, %mul3A_1565 : vector<16xf32>
        %add3A_1568 = arith.addf %add3A_1566, %add3A_1567 : vector<16xf32>
        %swap3A_1569 = arith.constant 6 : i32
        %swap3A_1570 = arith.index_cast %swap3A_1569 : i32 to index
        %swap3A_1571 = arith.constant 0 : index
        %swap3A_1572 = tpu.vector_load %arg18[%swap3A_1570, %swap3A_1571] {strides = array<i32>} : memref<16x17xf32, #tpu.memory_space<vmem>>, vector<16xf32>,
        tpu.vector_store %arg18[%swap3A_1570, %swap3A_1571], %add3A_1568 {strides = array<i32>} : memref<16x17xf32, #tpu.memory_space<vmem>>, vector<16xf32>,
        %mul3A_1573 = arith.constant 16 : i32
        %mul3A_1574 = arith.muli %scan3A_1187, %mul3A_1573 : i32
        %add3A_1575 = arith.constant 7 : i32
        %add3A_1576 = arith.addi %mul3A_1574, %add3A_1575 : i32
        %get3A_1577 = arith.index_cast %add3A_1576 : i32 to index
        %get3A_1578 = arith.constant 0 : index
        %get3A_1579 = tpu.vector_load %arg12[%get3A_1577, %get3A_1578] {strides = array<i32>} : memref<64x64xf32, #tpu.memory_space<vmem>>, vector<16xf32>,
        %get3A_1580 = arith.index_cast %add3A_1576 : i32 to index
        %get3A_1581 = arith.constant 0 : index
        %get3A_1582 = tpu.vector_load %arg14[%get3A_1580, %get3A_1581] {strides = array<i32>} : memref<64x64xf32, #tpu.memory_space<vmem>>, vector<16xf32>,
        %add3A_1583 = arith.addf %get3A_1579, %get3A_1582 : vector<16xf32>
        %max3A_1584 = arith.constant 0.000000e+00 : f32
        %max3A_1585 = vector.broadcast %max3A_1584 : f32 to vector<16xf32>
        %max3A_1586 = arith.maximumf %add3A_1583, %max3A_1585 : vector<16xf32>
        %mul3A_1587 = arith.mulf %max3A_1586, %get3A_11 : vector<16xf32>
        %get3A_1588 = arith.index_cast %add3A_1576 : i32 to index
        %get3A_1589 = arith.constant 16 : index
        %get3A_1590 = tpu.vector_load %arg12[%get3A_1588, %get3A_1589] {strides = array<i32>} : memref<64x64xf32, #tpu.memory_space<vmem>>, vector<16xf32>,
        %get3A_1591 = arith.index_cast %add3A_1576 : i32 to index
        %get3A_1592 = arith.constant 16 : index
        %get3A_1593 = tpu.vector_load %arg14[%get3A_1591, %get3A_1592] {strides = array<i32>} : memref<64x64xf32, #tpu.memory_space<vmem>>, vector<16xf32>,
        %add3A_1594 = arith.addf %get3A_1590, %get3A_1593 : vector<16xf32>
        %max3A_1595 = arith.constant 0.000000e+00 : f32
        %max3A_1596 = vector.broadcast %max3A_1595 : f32 to vector<16xf32>
        %max3A_1597 = arith.maximumf %add3A_1594, %max3A_1596 : vector<16xf32>
        %mul3A_1598 = arith.mulf %max3A_1597, %get3A_13 : vector<16xf32>
        %get3A_1599 = arith.index_cast %add3A_1576 : i32 to index
        %get3A_1600 = arith.constant 32 : index
        %get3A_1601 = tpu.vector_load %arg12[%get3A_1599, %get3A_1600] {strides = array<i32>} : memref<64x64xf32, #tpu.memory_space<vmem>>, vector<16xf32>,
        %get3A_1602 = arith.index_cast %add3A_1576 : i32 to index
        %get3A_1603 = arith.constant 32 : index
        %get3A_1604 = tpu.vector_load %arg14[%get3A_1602, %get3A_1603] {strides = array<i32>} : memref<64x64xf32, #tpu.memory_space<vmem>>, vector<16xf32>,
        %add3A_1605 = arith.addf %get3A_1601, %get3A_1604 : vector<16xf32>
        %max3A_1606 = arith.constant 0.000000e+00 : f32
        %max3A_1607 = vector.broadcast %max3A_1606 : f32 to vector<16xf32>
        %max3A_1608 = arith.maximumf %add3A_1605, %max3A_1607 : vector<16xf32>
        %mul3A_1609 = arith.mulf %max3A_1608, %get3A_15 : vector<16xf32>
        %get3A_1610 = arith.index_cast %add3A_1576 : i32 to index
        %get3A_1611 = arith.constant 48 : index
        %get3A_1612 = tpu.vector_load %arg12[%get3A_1610, %get3A_1611] {strides = array<i32>} : memref<64x64xf32, #tpu.memory_space<vmem>>, vector<16xf32>,
        %get3A_1613 = arith.index_cast %add3A_1576 : i32 to index
        %get3A_1614 = arith.constant 48 : index
        %get3A_1615 = tpu.vector_load %arg14[%get3A_1613, %get3A_1614] {strides = array<i32>} : memref<64x64xf32, #tpu.memory_space<vmem>>, vector<16xf32>,
        %add3A_1616 = arith.addf %get3A_1612, %get3A_1615 : vector<16xf32>
        %max3A_1617 = arith.constant 0.000000e+00 : f32
        %max3A_1618 = vector.broadcast %max3A_1617 : f32 to vector<16xf32>
        %max3A_1619 = arith.maximumf %add3A_1616, %max3A_1618 : vector<16xf32>
        %mul3A_1620 = arith.mulf %max3A_1619, %get3A_17 : vector<16xf32>
        %add3A_1621 = arith.addf %mul3A_1587, %mul3A_1598 : vector<16xf32>
        %add3A_1622 = arith.addf %mul3A_1609, %mul3A_1620 : vector<16xf32>
        %add3A_1623 = arith.addf %add3A_1621, %add3A_1622 : vector<16xf32>
        %swap3A_1624 = arith.constant 7 : i32
        %swap3A_1625 = arith.index_cast %swap3A_1624 : i32 to index
        %swap3A_1626 = arith.constant 0 : index
        %swap3A_1627 = tpu.vector_load %arg18[%swap3A_1625, %swap3A_1626] {strides = array<i32>} : memref<16x17xf32, #tpu.memory_space<vmem>>, vector<16xf32>,
        tpu.vector_store %arg18[%swap3A_1625, %swap3A_1626], %add3A_1623 {strides = array<i32>} : memref<16x17xf32, #tpu.memory_space<vmem>>, vector<16xf32>,
        %mul3A_1628 = arith.constant 16 : i32
        %mul3A_1629 = arith.muli %scan3A_1187, %mul3A_1628 : i32
        %add3A_1630 = arith.constant 8 : i32
        %add3A_1631 = arith.addi %mul3A_1629, %add3A_1630 : i32
        %get3A_1632 = arith.index_cast %add3A_1631 : i32 to index
        %get3A_1633 = arith.constant 0 : index
        %get3A_1634 = tpu.vector_load %arg12[%get3A_1632, %get3A_1633] {strides = array<i32>} : memref<64x64xf32, #tpu.memory_space<vmem>>, vector<16xf32>,
        %get3A_1635 = arith.index_cast %add3A_1631 : i32 to index
        %get3A_1636 = arith.constant 0 : index
        %get3A_1637 = tpu.vector_load %arg14[%get3A_1635, %get3A_1636] {strides = array<i32>} : memref<64x64xf32, #tpu.memory_space<vmem>>, vector<16xf32>,
        %add3A_1638 = arith.addf %get3A_1634, %get3A_1637 : vector<16xf32>
        %max3A_1639 = arith.constant 0.000000e+00 : f32
        %max3A_1640 = vector.broadcast %max3A_1639 : f32 to vector<16xf32>
        %max3A_1641 = arith.maximumf %add3A_1638, %max3A_1640 : vector<16xf32>
        %mul3A_1642 = arith.mulf %max3A_1641, %get3A_11 : vector<16xf32>
        %get3A_1643 = arith.index_cast %add3A_1631 : i32 to index
        %get3A_1644 = arith.constant 16 : index
        %get3A_1645 = tpu.vector_load %arg12[%get3A_1643, %get3A_1644] {strides = array<i32>} : memref<64x64xf32, #tpu.memory_space<vmem>>, vector<16xf32>,
        %get3A_1646 = arith.index_cast %add3A_1631 : i32 to index
        %get3A_1647 = arith.constant 16 : index
        %get3A_1648 = tpu.vector_load %arg14[%get3A_1646, %get3A_1647] {strides = array<i32>} : memref<64x64xf32, #tpu.memory_space<vmem>>, vector<16xf32>,
        %add3A_1649 = arith.addf %get3A_1645, %get3A_1648 : vector<16xf32>
        %max3A_1650 = arith.constant 0.000000e+00 : f32
        %max3A_1651 = vector.broadcast %max3A_1650 : f32 to vector<16xf32>
        %max3A_1652 = arith.maximumf %add3A_1649, %max3A_1651 : vector<16xf32>
        %mul3A_1653 = arith.mulf %max3A_1652, %get3A_13 : vector<16xf32>
        %get3A_1654 = arith.index_cast %add3A_1631 : i32 to index
        %get3A_1655 = arith.constant 32 : index
        %get3A_1656 = tpu.vector_load %arg12[%get3A_1654, %get3A_1655] {strides = array<i32>} : memref<64x64xf32, #tpu.memory_space<vmem>>, vector<16xf32>,
        %get3A_1657 = arith.index_cast %add3A_1631 : i32 to index
        %get3A_1658 = arith.constant 32 : index
        %get3A_1659 = tpu.vector_load %arg14[%get3A_1657, %get3A_1658] {strides = array<i32>} : memref<64x64xf32, #tpu.memory_space<vmem>>, vector<16xf32>,
        %add3A_1660 = arith.addf %get3A_1656, %get3A_1659 : vector<16xf32>
        %max3A_1661 = arith.constant 0.000000e+00 : f32
        %max3A_1662 = vector.broadcast %max3A_1661 : f32 to vector<16xf32>
        %max3A_1663 = arith.maximumf %add3A_1660, %max3A_1662 : vector<16xf32>
        %mul3A_1664 = arith.mulf %max3A_1663, %get3A_15 : vector<16xf32>
        %get3A_1665 = arith.index_cast %add3A_1631 : i32 to index
        %get3A_1666 = arith.constant 48 : index
        %get3A_1667 = tpu.vector_load %arg12[%get3A_1665, %get3A_1666] {strides = array<i32>} : memref<64x64xf32, #tpu.memory_space<vmem>>, vector<16xf32>,
        %get3A_1668 = arith.index_cast %add3A_1631 : i32 to index
        %get3A_1669 = arith.constant 48 : index
        %get3A_1670 = tpu.vector_load %arg14[%get3A_1668, %get3A_1669] {strides = array<i32>} : memref<64x64xf32, #tpu.memory_space<vmem>>, vector<16xf32>,
        %add3A_1671 = arith.addf %get3A_1667, %get3A_1670 : vector<16xf32>
        %max3A_1672 = arith.constant 0.000000e+00 : f32
        %max3A_1673 = vector.broadcast %max3A_1672 : f32 to vector<16xf32>
        %max3A_1674 = arith.maximumf %add3A_1671, %max3A_1673 : vector<16xf32>
        %mul3A_1675 = arith.mulf %max3A_1674, %get3A_17 : vector<16xf32>
        %add3A_1676 = arith.addf %mul3A_1642, %mul3A_1653 : vector<16xf32>
        %add3A_1677 = arith.addf %mul3A_1664, %mul3A_1675 : vector<16xf32>
        %add3A_1678 = arith.addf %add3A_1676, %add3A_1677 : vector<16xf32>
        %swap3A_1679 = arith.constant 8 : i32
        %swap3A_1680 = arith.index_cast %swap3A_1679 : i32 to index
        %swap3A_1681 = arith.constant 0 : index
        %swap3A_1682 = tpu.vector_load %arg18[%swap3A_1680, %swap3A_1681] {strides = array<i32>} : memref<16x17xf32, #tpu.memory_space<vmem>>, vector<16xf32>,
        tpu.vector_store %arg18[%swap3A_1680, %swap3A_1681], %add3A_1678 {strides = array<i32>} : memref<16x17xf32, #tpu.memory_space<vmem>>, vector<16xf32>,
        %mul3A_1683 = arith.constant 16 : i32
        %mul3A_1684 = arith.muli %scan3A_1187, %mul3A_1683 : i32
        %add3A_1685 = arith.constant 9 : i32
        %add3A_1686 = arith.addi %mul3A_1684, %add3A_1685 : i32
        %get3A_1687 = arith.index_cast %add3A_1686 : i32 to index
        %get3A_1688 = arith.constant 0 : index
        %get3A_1689 = tpu.vector_load %arg12[%get3A_1687, %get3A_1688] {strides = array<i32>} : memref<64x64xf32, #tpu.memory_space<vmem>>, vector<16xf32>,
        %get3A_1690 = arith.index_cast %add3A_1686 : i32 to index
        %get3A_1691 = arith.constant 0 : index
        %get3A_1692 = tpu.vector_load %arg14[%get3A_1690, %get3A_1691] {strides = array<i32>} : memref<64x64xf32, #tpu.memory_space<vmem>>, vector<16xf32>,
        %add3A_1693 = arith.addf %get3A_1689, %get3A_1692 : vector<16xf32>
        %max3A_1694 = arith.constant 0.000000e+00 : f32
        %max3A_1695 = vector.broadcast %max3A_1694 : f32 to vector<16xf32>
        %max3A_1696 = arith.maximumf %add3A_1693, %max3A_1695 : vector<16xf32>
        %mul3A_1697 = arith.mulf %max3A_1696, %get3A_11 : vector<16xf32>
        %get3A_1698 = arith.index_cast %add3A_1686 : i32 to index
        %get3A_1699 = arith.constant 16 : index
        %get3A_1700 = tpu.vector_load %arg12[%get3A_1698, %get3A_1699] {strides = array<i32>} : memref<64x64xf32, #tpu.memory_space<vmem>>, vector<16xf32>,
        %get3A_1701 = arith.index_cast %add3A_1686 : i32 to index
        %get3A_1702 = arith.constant 16 : index
        %get3A_1703 = tpu.vector_load %arg14[%get3A_1701, %get3A_1702] {strides = array<i32>} : memref<64x64xf32, #tpu.memory_space<vmem>>, vector<16xf32>,
        %add3A_1704 = arith.addf %get3A_1700, %get3A_1703 : vector<16xf32>
        %max3A_1705 = arith.constant 0.000000e+00 : f32
        %max3A_1706 = vector.broadcast %max3A_1705 : f32 to vector<16xf32>
        %max3A_1707 = arith.maximumf %add3A_1704, %max3A_1706 : vector<16xf32>
        %mul3A_1708 = arith.mulf %max3A_1707, %get3A_13 : vector<16xf32>
        %get3A_1709 = arith.index_cast %add3A_1686 : i32 to index
        %get3A_1710 = arith.constant 32 : index
        %get3A_1711 = tpu.vector_load %arg12[%get3A_1709, %get3A_1710] {strides = array<i32>} : memref<64x64xf32, #tpu.memory_space<vmem>>, vector<16xf32>,
        %get3A_1712 = arith.index_cast %add3A_1686 : i32 to index
        %get3A_1713 = arith.constant 32 : index
        %get3A_1714 = tpu.vector_load %arg14[%get3A_1712, %get3A_1713] {strides = array<i32>} : memref<64x64xf32, #tpu.memory_space<vmem>>, vector<16xf32>,
        %add3A_1715 = arith.addf %get3A_1711, %get3A_1714 : vector<16xf32>
        %max3A_1716 = arith.constant 0.000000e+00 : f32
        %max3A_1717 = vector.broadcast %max3A_1716 : f32 to vector<16xf32>
        %max3A_1718 = arith.maximumf %add3A_1715, %max3A_1717 : vector<16xf32>
        %mul3A_1719 = arith.mulf %max3A_1718, %get3A_15 : vector<16xf32>
        %get3A_1720 = arith.index_cast %add3A_1686 : i32 to index
        %get3A_1721 = arith.constant 48 : index
        %get3A_1722 = tpu.vector_load %arg12[%get3A_1720, %get3A_1721] {strides = array<i32>} : memref<64x64xf32, #tpu.memory_space<vmem>>, vector<16xf32>,
        %get3A_1723 = arith.index_cast %add3A_1686 : i32 to index
        %get3A_1724 = arith.constant 48 : index
        %get3A_1725 = tpu.vector_load %arg14[%get3A_1723, %get3A_1724] {strides = array<i32>} : memref<64x64xf32, #tpu.memory_space<vmem>>, vector<16xf32>,
        %add3A_1726 = arith.addf %get3A_1722, %get3A_1725 : vector<16xf32>
        %max3A_1727 = arith.constant 0.000000e+00 : f32
        %max3A_1728 = vector.broadcast %max3A_1727 : f32 to vector<16xf32>
        %max3A_1729 = arith.maximumf %add3A_1726, %max3A_1728 : vector<16xf32>
        %mul3A_1730 = arith.mulf %max3A_1729, %get3A_17 : vector<16xf32>
        %add3A_1731 = arith.addf %mul3A_1697, %mul3A_1708 : vector<16xf32>
        %add3A_1732 = arith.addf %mul3A_1719, %mul3A_1730 : vector<16xf32>
        %add3A_1733 = arith.addf %add3A_1731, %add3A_1732 : vector<16xf32>
        %swap3A_1734 = arith.constant 9 : i32
        %swap3A_1735 = arith.index_cast %swap3A_1734 : i32 to index
        %swap3A_1736 = arith.constant 0 : index
        %swap3A_1737 = tpu.vector_load %arg18[%swap3A_1735, %swap3A_1736] {strides = array<i32>} : memref<16x17xf32, #tpu.memory_space<vmem>>, vector<16xf32>,
        tpu.vector_store %arg18[%swap3A_1735, %swap3A_1736], %add3A_1733 {strides = array<i32>} : memref<16x17xf32, #tpu.memory_space<vmem>>, vector<16xf32>,
        %mul3A_1738 = arith.constant 16 : i32
        %mul3A_1739 = arith.muli %scan3A_1187, %mul3A_1738 : i32
        %add3A_1740 = arith.constant 10 : i32
        %add3A_1741 = arith.addi %mul3A_1739, %add3A_1740 : i32
        %get3A_1742 = arith.index_cast %add3A_1741 : i32 to index
        %get3A_1743 = arith.constant 0 : index
        %get3A_1744 = tpu.vector_load %arg12[%get3A_1742, %get3A_1743] {strides = array<i32>} : memref<64x64xf32, #tpu.memory_space<vmem>>, vector<16xf32>,
        %get3A_1745 = arith.index_cast %add3A_1741 : i32 to index
        %get3A_1746 = arith.constant 0 : index
        %get3A_1747 = tpu.vector_load %arg14[%get3A_1745, %get3A_1746] {strides = array<i32>} : memref<64x64xf32, #tpu.memory_space<vmem>>, vector<16xf32>,
        %add3A_1748 = arith.addf %get3A_1744, %get3A_1747 : vector<16xf32>
        %max3A_1749 = arith.constant 0.000000e+00 : f32
        %max3A_1750 = vector.broadcast %max3A_1749 : f32 to vector<16xf32>
        %max3A_1751 = arith.maximumf %add3A_1748, %max3A_1750 : vector<16xf32>
        %mul3A_1752 = arith.mulf %max3A_1751, %get3A_11 : vector<16xf32>
        %get3A_1753 = arith.index_cast %add3A_1741 : i32 to index
        %get3A_1754 = arith.constant 16 : index
        %get3A_1755 = tpu.vector_load %arg12[%get3A_1753, %get3A_1754] {strides = array<i32>} : memref<64x64xf32, #tpu.memory_space<vmem>>, vector<16xf32>,
        %get3A_1756 = arith.index_cast %add3A_1741 : i32 to index
        %get3A_1757 = arith.constant 16 : index
        %get3A_1758 = tpu.vector_load %arg14[%get3A_1756, %get3A_1757] {strides = array<i32>} : memref<64x64xf32, #tpu.memory_space<vmem>>, vector<16xf32>,
        %add3A_1759 = arith.addf %get3A_1755, %get3A_1758 : vector<16xf32>
        %max3A_1760 = arith.constant 0.000000e+00 : f32
        %max3A_1761 = vector.broadcast %max3A_1760 : f32 to vector<16xf32>
        %max3A_1762 = arith.maximumf %add3A_1759, %max3A_1761 : vector<16xf32>
        %mul3A_1763 = arith.mulf %max3A_1762, %get3A_13 : vector<16xf32>
        %get3A_1764 = arith.index_cast %add3A_1741 : i32 to index
        %get3A_1765 = arith.constant 32 : index
        %get3A_1766 = tpu.vector_load %arg12[%get3A_1764, %get3A_1765] {strides = array<i32>} : memref<64x64xf32, #tpu.memory_space<vmem>>, vector<16xf32>,
        %get3A_1767 = arith.index_cast %add3A_1741 : i32 to index
        %get3A_1768 = arith.constant 32 : index
        %get3A_1769 = tpu.vector_load %arg14[%get3A_1767, %get3A_1768] {strides = array<i32>} : memref<64x64xf32, #tpu.memory_space<vmem>>, vector<16xf32>,
        %add3A_1770 = arith.addf %get3A_1766, %get3A_1769 : vector<16xf32>
        %max3A_1771 = arith.constant 0.000000e+00 : f32
        %max3A_1772 = vector.broadcast %max3A_1771 : f32 to vector<16xf32>
        %max3A_1773 = arith.maximumf %add3A_1770, %max3A_1772 : vector<16xf32>
        %mul3A_1774 = arith.mulf %max3A_1773, %get3A_15 : vector<16xf32>
        %get3A_1775 = arith.index_cast %add3A_1741 : i32 to index
        %get3A_1776 = arith.constant 48 : index
        %get3A_1777 = tpu.vector_load %arg12[%get3A_1775, %get3A_1776] {strides = array<i32>} : memref<64x64xf32, #tpu.memory_space<vmem>>, vector<16xf32>,
        %get3A_1778 = arith.index_cast %add3A_1741 : i32 to index
        %get3A_1779 = arith.constant 48 : index
        %get3A_1780 = tpu.vector_load %arg14[%get3A_1778, %get3A_1779] {strides = array<i32>} : memref<64x64xf32, #tpu.memory_space<vmem>>, vector<16xf32>,
        %add3A_1781 = arith.addf %get3A_1777, %get3A_1780 : vector<16xf32>
        %max3A_1782 = arith.constant 0.000000e+00 : f32
        %max3A_1783 = vector.broadcast %max3A_1782 : f32 to vector<16xf32>
        %max3A_1784 = arith.maximumf %add3A_1781, %max3A_1783 : vector<16xf32>
        %mul3A_1785 = arith.mulf %max3A_1784, %get3A_17 : vector<16xf32>
        %add3A_1786 = arith.addf %mul3A_1752, %mul3A_1763 : vector<16xf32>
        %add3A_1787 = arith.addf %mul3A_1774, %mul3A_1785 : vector<16xf32>
        %add3A_1788 = arith.addf %add3A_1786, %add3A_1787 : vector<16xf32>
        %swap3A_1789 = arith.constant 10 : i32
        %swap3A_1790 = arith.index_cast %swap3A_1789 : i32 to index
        %swap3A_1791 = arith.constant 0 : index
        %swap3A_1792 = tpu.vector_load %arg18[%swap3A_1790, %swap3A_1791] {strides = array<i32>} : memref<16x17xf32, #tpu.memory_space<vmem>>, vector<16xf32>,
        tpu.vector_store %arg18[%swap3A_1790, %swap3A_1791], %add3A_1788 {strides = array<i32>} : memref<16x17xf32, #tpu.memory_space<vmem>>, vector<16xf32>,
        %mul3A_1793 = arith.constant 16 : i32
        %mul3A_1794 = arith.muli %scan3A_1187, %mul3A_1793 : i32
        %add3A_1795 = arith.constant 11 : i32
        %add3A_1796 = arith.addi %mul3A_1794, %add3A_1795 : i32
        %get3A_1797 = arith.index_cast %add3A_1796 : i32 to index
        %get3A_1798 = arith.constant 0 : index
        %get3A_1799 = tpu.vector_load %arg12[%get3A_1797, %get3A_1798] {strides = array<i32>} : memref<64x64xf32, #tpu.memory_space<vmem>>, vector<16xf32>,
        %get3A_1800 = arith.index_cast %add3A_1796 : i32 to index
        %get3A_1801 = arith.constant 0 : index
        %get3A_1802 = tpu.vector_load %arg14[%get3A_1800, %get3A_1801] {strides = array<i32>} : memref<64x64xf32, #tpu.memory_space<vmem>>, vector<16xf32>,
        %add3A_1803 = arith.addf %get3A_1799, %get3A_1802 : vector<16xf32>
        %max3A_1804 = arith.constant 0.000000e+00 : f32
        %max3A_1805 = vector.broadcast %max3A_1804 : f32 to vector<16xf32>
        %max3A_1806 = arith.maximumf %add3A_1803, %max3A_1805 : vector<16xf32>
        %mul3A_1807 = arith.mulf %max3A_1806, %get3A_11 : vector<16xf32>
        %get3A_1808 = arith.index_cast %add3A_1796 : i32 to index
        %get3A_1809 = arith.constant 16 : index
        %get3A_1810 = tpu.vector_load %arg12[%get3A_1808, %get3A_1809] {strides = array<i32>} : memref<64x64xf32, #tpu.memory_space<vmem>>, vector<16xf32>,
        %get3A_1811 = arith.index_cast %add3A_1796 : i32 to index
        %get3A_1812 = arith.constant 16 : index
        %get3A_1813 = tpu.vector_load %arg14[%get3A_1811, %get3A_1812] {strides = array<i32>} : memref<64x64xf32, #tpu.memory_space<vmem>>, vector<16xf32>,
        %add3A_1814 = arith.addf %get3A_1810, %get3A_1813 : vector<16xf32>
        %max3A_1815 = arith.constant 0.000000e+00 : f32
        %max3A_1816 = vector.broadcast %max3A_1815 : f32 to vector<16xf32>
        %max3A_1817 = arith.maximumf %add3A_1814, %max3A_1816 : vector<16xf32>
        %mul3A_1818 = arith.mulf %max3A_1817, %get3A_13 : vector<16xf32>
        %get3A_1819 = arith.index_cast %add3A_1796 : i32 to index
        %get3A_1820 = arith.constant 32 : index
        %get3A_1821 = tpu.vector_load %arg12[%get3A_1819, %get3A_1820] {strides = array<i32>} : memref<64x64xf32, #tpu.memory_space<vmem>>, vector<16xf32>,
        %get3A_1822 = arith.index_cast %add3A_1796 : i32 to index
        %get3A_1823 = arith.constant 32 : index
        %get3A_1824 = tpu.vector_load %arg14[%get3A_1822, %get3A_1823] {strides = array<i32>} : memref<64x64xf32, #tpu.memory_space<vmem>>, vector<16xf32>,
        %add3A_1825 = arith.addf %get3A_1821, %get3A_1824 : vector<16xf32>
        %max3A_1826 = arith.constant 0.000000e+00 : f32
        %max3A_1827 = vector.broadcast %max3A_1826 : f32 to vector<16xf32>
        %max3A_1828 = arith.maximumf %add3A_1825, %max3A_1827 : vector<16xf32>
        %mul3A_1829 = arith.mulf %max3A_1828, %get3A_15 : vector<16xf32>
        %get3A_1830 = arith.index_cast %add3A_1796 : i32 to index
        %get3A_1831 = arith.constant 48 : index
        %get3A_1832 = tpu.vector_load %arg12[%get3A_1830, %get3A_1831] {strides = array<i32>} : memref<64x64xf32, #tpu.memory_space<vmem>>, vector<16xf32>,
        %get3A_1833 = arith.index_cast %add3A_1796 : i32 to index
        %get3A_1834 = arith.constant 48 : index
        %get3A_1835 = tpu.vector_load %arg14[%get3A_1833, %get3A_1834] {strides = array<i32>} : memref<64x64xf32, #tpu.memory_space<vmem>>, vector<16xf32>,
        %add3A_1836 = arith.addf %get3A_1832, %get3A_1835 : vector<16xf32>
        %max3A_1837 = arith.constant 0.000000e+00 : f32
        %max3A_1838 = vector.broadcast %max3A_1837 : f32 to vector<16xf32>
        %max3A_1839 = arith.maximumf %add3A_1836, %max3A_1838 : vector<16xf32>
        %mul3A_1840 = arith.mulf %max3A_1839, %get3A_17 : vector<16xf32>
        %add3A_1841 = arith.addf %mul3A_1807, %mul3A_1818 : vector<16xf32>
        %add3A_1842 = arith.addf %mul3A_1829, %mul3A_1840 : vector<16xf32>
        %add3A_1843 = arith.addf %add3A_1841, %add3A_1842 : vector<16xf32>
        %swap3A_1844 = arith.constant 11 : i32
        %swap3A_1845 = arith.index_cast %swap3A_1844 : i32 to index
        %swap3A_1846 = arith.constant 0 : index
        %swap3A_1847 = tpu.vector_load %arg18[%swap3A_1845, %swap3A_1846] {strides = array<i32>} : memref<16x17xf32, #tpu.memory_space<vmem>>, vector<16xf32>,
        tpu.vector_store %arg18[%swap3A_1845, %swap3A_1846], %add3A_1843 {strides = array<i32>} : memref<16x17xf32, #tpu.memory_space<vmem>>, vector<16xf32>,
        %mul3A_1848 = arith.constant 16 : i32
        %mul3A_1849 = arith.muli %scan3A_1187, %mul3A_1848 : i32
        %add3A_1850 = arith.constant 12 : i32
        %add3A_1851 = arith.addi %mul3A_1849, %add3A_1850 : i32
        %get3A_1852 = arith.index_cast %add3A_1851 : i32 to index
        %get3A_1853 = arith.constant 0 : index
        %get3A_1854 = tpu.vector_load %arg12[%get3A_1852, %get3A_1853] {strides = array<i32>} : memref<64x64xf32, #tpu.memory_space<vmem>>, vector<16xf32>,
        %get3A_1855 = arith.index_cast %add3A_1851 : i32 to index
        %get3A_1856 = arith.constant 0 : index
        %get3A_1857 = tpu.vector_load %arg14[%get3A_1855, %get3A_1856] {strides = array<i32>} : memref<64x64xf32, #tpu.memory_space<vmem>>, vector<16xf32>,
        %add3A_1858 = arith.addf %get3A_1854, %get3A_1857 : vector<16xf32>
        %max3A_1859 = arith.constant 0.000000e+00 : f32
        %max3A_1860 = vector.broadcast %max3A_1859 : f32 to vector<16xf32>
        %max3A_1861 = arith.maximumf %add3A_1858, %max3A_1860 : vector<16xf32>
        %mul3A_1862 = arith.mulf %max3A_1861, %get3A_11 : vector<16xf32>
        %get3A_1863 = arith.index_cast %add3A_1851 : i32 to index
        %get3A_1864 = arith.constant 16 : index
        %get3A_1865 = tpu.vector_load %arg12[%get3A_1863, %get3A_1864] {strides = array<i32>} : memref<64x64xf32, #tpu.memory_space<vmem>>, vector<16xf32>,
        %get3A_1866 = arith.index_cast %add3A_1851 : i32 to index
        %get3A_1867 = arith.constant 16 : index
        %get3A_1868 = tpu.vector_load %arg14[%get3A_1866, %get3A_1867] {strides = array<i32>} : memref<64x64xf32, #tpu.memory_space<vmem>>, vector<16xf32>,
        %add3A_1869 = arith.addf %get3A_1865, %get3A_1868 : vector<16xf32>
        %max3A_1870 = arith.constant 0.000000e+00 : f32
        %max3A_1871 = vector.broadcast %max3A_1870 : f32 to vector<16xf32>
        %max3A_1872 = arith.maximumf %add3A_1869, %max3A_1871 : vector<16xf32>
        %mul3A_1873 = arith.mulf %max3A_1872, %get3A_13 : vector<16xf32>
        %get3A_1874 = arith.index_cast %add3A_1851 : i32 to index
        %get3A_1875 = arith.constant 32 : index
        %get3A_1876 = tpu.vector_load %arg12[%get3A_1874, %get3A_1875] {strides = array<i32>} : memref<64x64xf32, #tpu.memory_space<vmem>>, vector<16xf32>,
        %get3A_1877 = arith.index_cast %add3A_1851 : i32 to index
        %get3A_1878 = arith.constant 32 : index
        %get3A_1879 = tpu.vector_load %arg14[%get3A_1877, %get3A_1878] {strides = array<i32>} : memref<64x64xf32, #tpu.memory_space<vmem>>, vector<16xf32>,
        %add3A_1880 = arith.addf %get3A_1876, %get3A_1879 : vector<16xf32>
        %max3A_1881 = arith.constant 0.000000e+00 : f32
        %max3A_1882 = vector.broadcast %max3A_1881 : f32 to vector<16xf32>
        %max3A_1883 = arith.maximumf %add3A_1880, %max3A_1882 : vector<16xf32>
        %mul3A_1884 = arith.mulf %max3A_1883, %get3A_15 : vector<16xf32>
        %get3A_1885 = arith.index_cast %add3A_1851 : i32 to index
        %get3A_1886 = arith.constant 48 : index
        %get3A_1887 = tpu.vector_load %arg12[%get3A_1885, %get3A_1886] {strides = array<i32>} : memref<64x64xf32, #tpu.memory_space<vmem>>, vector<16xf32>,
        %get3A_1888 = arith.index_cast %add3A_1851 : i32 to index
        %get3A_1889 = arith.constant 48 : index
        %get3A_1890 = tpu.vector_load %arg14[%get3A_1888, %get3A_1889] {strides = array<i32>} : memref<64x64xf32, #tpu.memory_space<vmem>>, vector<16xf32>,
        %add3A_1891 = arith.addf %get3A_1887, %get3A_1890 : vector<16xf32>
        %max3A_1892 = arith.constant 0.000000e+00 : f32
        %max3A_1893 = vector.broadcast %max3A_1892 : f32 to vector<16xf32>
        %max3A_1894 = arith.maximumf %add3A_1891, %max3A_1893 : vector<16xf32>
        %mul3A_1895 = arith.mulf %max3A_1894, %get3A_17 : vector<16xf32>
        %add3A_1896 = arith.addf %mul3A_1862, %mul3A_1873 : vector<16xf32>
        %add3A_1897 = arith.addf %mul3A_1884, %mul3A_1895 : vector<16xf32>
        %add3A_1898 = arith.addf %add3A_1896, %add3A_1897 : vector<16xf32>
        %swap3A_1899 = arith.constant 12 : i32
        %swap3A_1900 = arith.index_cast %swap3A_1899 : i32 to index
        %swap3A_1901 = arith.constant 0 : index
        %swap3A_1902 = tpu.vector_load %arg18[%swap3A_1900, %swap3A_1901] {strides = array<i32>} : memref<16x17xf32, #tpu.memory_space<vmem>>, vector<16xf32>,
        tpu.vector_store %arg18[%swap3A_1900, %swap3A_1901], %add3A_1898 {strides = array<i32>} : memref<16x17xf32, #tpu.memory_space<vmem>>, vector<16xf32>,
        %mul3A_1903 = arith.constant 16 : i32
        %mul3A_1904 = arith.muli %scan3A_1187, %mul3A_1903 : i32
        %add3A_1905 = arith.constant 13 : i32
        %add3A_1906 = arith.addi %mul3A_1904, %add3A_1905 : i32
        %get3A_1907 = arith.index_cast %add3A_1906 : i32 to index
        %get3A_1908 = arith.constant 0 : index
        %get3A_1909 = tpu.vector_load %arg12[%get3A_1907, %get3A_1908] {strides = array<i32>} : memref<64x64xf32, #tpu.memory_space<vmem>>, vector<16xf32>,
        %get3A_1910 = arith.index_cast %add3A_1906 : i32 to index
        %get3A_1911 = arith.constant 0 : index
        %get3A_1912 = tpu.vector_load %arg14[%get3A_1910, %get3A_1911] {strides = array<i32>} : memref<64x64xf32, #tpu.memory_space<vmem>>, vector<16xf32>,
        %add3A_1913 = arith.addf %get3A_1909, %get3A_1912 : vector<16xf32>
        %max3A_1914 = arith.constant 0.000000e+00 : f32
        %max3A_1915 = vector.broadcast %max3A_1914 : f32 to vector<16xf32>
        %max3A_1916 = arith.maximumf %add3A_1913, %max3A_1915 : vector<16xf32>
        %mul3A_1917 = arith.mulf %max3A_1916, %get3A_11 : vector<16xf32>
        %get3A_1918 = arith.index_cast %add3A_1906 : i32 to index
        %get3A_1919 = arith.constant 16 : index
        %get3A_1920 = tpu.vector_load %arg12[%get3A_1918, %get3A_1919] {strides = array<i32>} : memref<64x64xf32, #tpu.memory_space<vmem>>, vector<16xf32>,
        %get3A_1921 = arith.index_cast %add3A_1906 : i32 to index
        %get3A_1922 = arith.constant 16 : index
        %get3A_1923 = tpu.vector_load %arg14[%get3A_1921, %get3A_1922] {strides = array<i32>} : memref<64x64xf32, #tpu.memory_space<vmem>>, vector<16xf32>,
        %add3A_1924 = arith.addf %get3A_1920, %get3A_1923 : vector<16xf32>
        %max3A_1925 = arith.constant 0.000000e+00 : f32
        %max3A_1926 = vector.broadcast %max3A_1925 : f32 to vector<16xf32>
        %max3A_1927 = arith.maximumf %add3A_1924, %max3A_1926 : vector<16xf32>
        %mul3A_1928 = arith.mulf %max3A_1927, %get3A_13 : vector<16xf32>
        %get3A_1929 = arith.index_cast %add3A_1906 : i32 to index
        %get3A_1930 = arith.constant 32 : index
        %get3A_1931 = tpu.vector_load %arg12[%get3A_1929, %get3A_1930] {strides = array<i32>} : memref<64x64xf32, #tpu.memory_space<vmem>>, vector<16xf32>,
        %get3A_1932 = arith.index_cast %add3A_1906 : i32 to index
        %get3A_1933 = arith.constant 32 : index
        %get3A_1934 = tpu.vector_load %arg14[%get3A_1932, %get3A_1933] {strides = array<i32>} : memref<64x64xf32, #tpu.memory_space<vmem>>, vector<16xf32>,
        %add3A_1935 = arith.addf %get3A_1931, %get3A_1934 : vector<16xf32>
        %max3A_1936 = arith.constant 0.000000e+00 : f32
        %max3A_1937 = vector.broadcast %max3A_1936 : f32 to vector<16xf32>
        %max3A_1938 = arith.maximumf %add3A_1935, %max3A_1937 : vector<16xf32>
        %mul3A_1939 = arith.mulf %max3A_1938, %get3A_15 : vector<16xf32>
        %get3A_1940 = arith.index_cast %add3A_1906 : i32 to index
        %get3A_1941 = arith.constant 48 : index
        %get3A_1942 = tpu.vector_load %arg12[%get3A_1940, %get3A_1941] {strides = array<i32>} : memref<64x64xf32, #tpu.memory_space<vmem>>, vector<16xf32>,
        %get3A_1943 = arith.index_cast %add3A_1906 : i32 to index
        %get3A_1944 = arith.constant 48 : index
        %get3A_1945 = tpu.vector_load %arg14[%get3A_1943, %get3A_1944] {strides = array<i32>} : memref<64x64xf32, #tpu.memory_space<vmem>>, vector<16xf32>,
        %add3A_1946 = arith.addf %get3A_1942, %get3A_1945 : vector<16xf32>
        %max3A_1947 = arith.constant 0.000000e+00 : f32
        %max3A_1948 = vector.broadcast %max3A_1947 : f32 to vector<16xf32>
        %max3A_1949 = arith.maximumf %add3A_1946, %max3A_1948 : vector<16xf32>
        %mul3A_1950 = arith.mulf %max3A_1949, %get3A_17 : vector<16xf32>
        %add3A_1951 = arith.addf %mul3A_1917, %mul3A_1928 : vector<16xf32>
        %add3A_1952 = arith.addf %mul3A_1939, %mul3A_1950 : vector<16xf32>
        %add3A_1953 = arith.addf %add3A_1951, %add3A_1952 : vector<16xf32>
        %swap3A_1954 = arith.constant 13 : i32
        %swap3A_1955 = arith.index_cast %swap3A_1954 : i32 to index
        %swap3A_1956 = arith.constant 0 : index
        %swap3A_1957 = tpu.vector_load %arg18[%swap3A_1955, %swap3A_1956] {strides = array<i32>} : memref<16x17xf32, #tpu.memory_space<vmem>>, vector<16xf32>,
        tpu.vector_store %arg18[%swap3A_1955, %swap3A_1956], %add3A_1953 {strides = array<i32>} : memref<16x17xf32, #tpu.memory_space<vmem>>, vector<16xf32>,
        %mul3A_1958 = arith.constant 16 : i32
        %mul3A_1959 = arith.muli %scan3A_1187, %mul3A_1958 : i32
        %add3A_1960 = arith.constant 14 : i32
        %add3A_1961 = arith.addi %mul3A_1959, %add3A_1960 : i32
        %get3A_1962 = arith.index_cast %add3A_1961 : i32 to index
        %get3A_1963 = arith.constant 0 : index
        %get3A_1964 = tpu.vector_load %arg12[%get3A_1962, %get3A_1963] {strides = array<i32>} : memref<64x64xf32, #tpu.memory_space<vmem>>, vector<16xf32>,
        %get3A_1965 = arith.index_cast %add3A_1961 : i32 to index
        %get3A_1966 = arith.constant 0 : index
        %get3A_1967 = tpu.vector_load %arg14[%get3A_1965, %get3A_1966] {strides = array<i32>} : memref<64x64xf32, #tpu.memory_space<vmem>>, vector<16xf32>,
        %add3A_1968 = arith.addf %get3A_1964, %get3A_1967 : vector<16xf32>
        %max3A_1969 = arith.constant 0.000000e+00 : f32
        %max3A_1970 = vector.broadcast %max3A_1969 : f32 to vector<16xf32>
        %max3A_1971 = arith.maximumf %add3A_1968, %max3A_1970 : vector<16xf32>
        %mul3A_1972 = arith.mulf %max3A_1971, %get3A_11 : vector<16xf32>
        %get3A_1973 = arith.index_cast %add3A_1961 : i32 to index
        %get3A_1974 = arith.constant 16 : index
        %get3A_1975 = tpu.vector_load %arg12[%get3A_1973, %get3A_1974] {strides = array<i32>} : memref<64x64xf32, #tpu.memory_space<vmem>>, vector<16xf32>,
        %get3A_1976 = arith.index_cast %add3A_1961 : i32 to index
        %get3A_1977 = arith.constant 16 : index
        %get3A_1978 = tpu.vector_load %arg14[%get3A_1976, %get3A_1977] {strides = array<i32>} : memref<64x64xf32, #tpu.memory_space<vmem>>, vector<16xf32>,
        %add3A_1979 = arith.addf %get3A_1975, %get3A_1978 : vector<16xf32>
        %max3A_1980 = arith.constant 0.000000e+00 : f32
        %max3A_1981 = vector.broadcast %max3A_1980 : f32 to vector<16xf32>
        %max3A_1982 = arith.maximumf %add3A_1979, %max3A_1981 : vector<16xf32>
        %mul3A_1983 = arith.mulf %max3A_1982, %get3A_13 : vector<16xf32>
        %get3A_1984 = arith.index_cast %add3A_1961 : i32 to index
        %get3A_1985 = arith.constant 32 : index
        %get3A_1986 = tpu.vector_load %arg12[%get3A_1984, %get3A_1985] {strides = array<i32>} : memref<64x64xf32, #tpu.memory_space<vmem>>, vector<16xf32>,
        %get3A_1987 = arith.index_cast %add3A_1961 : i32 to index
        %get3A_1988 = arith.constant 32 : index
        %get3A_1989 = tpu.vector_load %arg14[%get3A_1987, %get3A_1988] {strides = array<i32>} : memref<64x64xf32, #tpu.memory_space<vmem>>, vector<16xf32>,
        %add3A_1990 = arith.addf %get3A_1986, %get3A_1989 : vector<16xf32>
        %max3A_1991 = arith.constant 0.000000e+00 : f32
        %max3A_1992 = vector.broadcast %max3A_1991 : f32 to vector<16xf32>
        %max3A_1993 = arith.maximumf %add3A_1990, %max3A_1992 : vector<16xf32>
        %mul3A_1994 = arith.mulf %max3A_1993, %get3A_15 : vector<16xf32>
        %get3A_1995 = arith.index_cast %add3A_1961 : i32 to index
        %get3A_1996 = arith.constant 48 : index
        %get3A_1997 = tpu.vector_load %arg12[%get3A_1995, %get3A_1996] {strides = array<i32>} : memref<64x64xf32, #tpu.memory_space<vmem>>, vector<16xf32>,
        %get3A_1998 = arith.index_cast %add3A_1961 : i32 to index
        %get3A_1999 = arith.constant 48 : index
        %get3A_2000 = tpu.vector_load %arg14[%get3A_1998, %get3A_1999] {strides = array<i32>} : memref<64x64xf32, #tpu.memory_space<vmem>>, vector<16xf32>,
        %add3A_2001 = arith.addf %get3A_1997, %get3A_2000 : vector<16xf32>
        %max3A_2002 = arith.constant 0.000000e+00 : f32
        %max3A_2003 = vector.broadcast %max3A_2002 : f32 to vector<16xf32>
        %max3A_2004 = arith.maximumf %add3A_2001, %max3A_2003 : vector<16xf32>
        %mul3A_2005 = arith.mulf %max3A_2004, %get3A_17 : vector<16xf32>
        %add3A_2006 = arith.addf %mul3A_1972, %mul3A_1983 : vector<16xf32>
        %add3A_2007 = arith.addf %mul3A_1994, %mul3A_2005 : vector<16xf32>
        %add3A_2008 = arith.addf %add3A_2006, %add3A_2007 : vector<16xf32>
        %swap3A_2009 = arith.constant 14 : i32
        %swap3A_2010 = arith.index_cast %swap3A_2009 : i32 to index
        %swap3A_2011 = arith.constant 0 : index
        %swap3A_2012 = tpu.vector_load %arg18[%swap3A_2010, %swap3A_2011] {strides = array<i32>} : memref<16x17xf32, #tpu.memory_space<vmem>>, vector<16xf32>,
        tpu.vector_store %arg18[%swap3A_2010, %swap3A_2011], %add3A_2008 {strides = array<i32>} : memref<16x17xf32, #tpu.memory_space<vmem>>, vector<16xf32>,
        %mul3A_2013 = arith.constant 16 : i32
        %mul3A_2014 = arith.muli %scan3A_1187, %mul3A_2013 : i32
        %add3A_2015 = arith.constant 15 : i32
        %add3A_2016 = arith.addi %mul3A_2014, %add3A_2015 : i32
        %get3A_2017 = arith.index_cast %add3A_2016 : i32 to index
        %get3A_2018 = arith.constant 0 : index
        %get3A_2019 = tpu.vector_load %arg12[%get3A_2017, %get3A_2018] {strides = array<i32>} : memref<64x64xf32, #tpu.memory_space<vmem>>, vector<16xf32>,
        %get3A_2020 = arith.index_cast %add3A_2016 : i32 to index
        %get3A_2021 = arith.constant 0 : index
        %get3A_2022 = tpu.vector_load %arg14[%get3A_2020, %get3A_2021] {strides = array<i32>} : memref<64x64xf32, #tpu.memory_space<vmem>>, vector<16xf32>,
        %add3A_2023 = arith.addf %get3A_2019, %get3A_2022 : vector<16xf32>
        %max3A_2024 = arith.constant 0.000000e+00 : f32
        %max3A_2025 = vector.broadcast %max3A_2024 : f32 to vector<16xf32>
        %max3A_2026 = arith.maximumf %add3A_2023, %max3A_2025 : vector<16xf32>
        %mul3A_2027 = arith.mulf %max3A_2026, %get3A_11 : vector<16xf32>
        %get3A_2028 = arith.index_cast %add3A_2016 : i32 to index
        %get3A_2029 = arith.constant 16 : index
        %get3A_2030 = tpu.vector_load %arg12[%get3A_2028, %get3A_2029] {strides = array<i32>} : memref<64x64xf32, #tpu.memory_space<vmem>>, vector<16xf32>,
        %get3A_2031 = arith.index_cast %add3A_2016 : i32 to index
        %get3A_2032 = arith.constant 16 : index
        %get3A_2033 = tpu.vector_load %arg14[%get3A_2031, %get3A_2032] {strides = array<i32>} : memref<64x64xf32, #tpu.memory_space<vmem>>, vector<16xf32>,
        %add3A_2034 = arith.addf %get3A_2030, %get3A_2033 : vector<16xf32>
        %max3A_2035 = arith.constant 0.000000e+00 : f32
        %max3A_2036 = vector.broadcast %max3A_2035 : f32 to vector<16xf32>
        %max3A_2037 = arith.maximumf %add3A_2034, %max3A_2036 : vector<16xf32>
        %mul3A_2038 = arith.mulf %max3A_2037, %get3A_13 : vector<16xf32>
        %get3A_2039 = arith.index_cast %add3A_2016 : i32 to index
        %get3A_2040 = arith.constant 32 : index
        %get3A_2041 = tpu.vector_load %arg12[%get3A_2039, %get3A_2040] {strides = array<i32>} : memref<64x64xf32, #tpu.memory_space<vmem>>, vector<16xf32>,
        %get3A_2042 = arith.index_cast %add3A_2016 : i32 to index
        %get3A_2043 = arith.constant 32 : index
        %get3A_2044 = tpu.vector_load %arg14[%get3A_2042, %get3A_2043] {strides = array<i32>} : memref<64x64xf32, #tpu.memory_space<vmem>>, vector<16xf32>,
        %add3A_2045 = arith.addf %get3A_2041, %get3A_2044 : vector<16xf32>
        %max3A_2046 = arith.constant 0.000000e+00 : f32
        %max3A_2047 = vector.broadcast %max3A_2046 : f32 to vector<16xf32>
        %max3A_2048 = arith.maximumf %add3A_2045, %max3A_2047 : vector<16xf32>
        %mul3A_2049 = arith.mulf %max3A_2048, %get3A_15 : vector<16xf32>
        %get3A_2050 = arith.index_cast %add3A_2016 : i32 to index
        %get3A_2051 = arith.constant 48 : index
        %get3A_2052 = tpu.vector_load %arg12[%get3A_2050, %get3A_2051] {strides = array<i32>} : memref<64x64xf32, #tpu.memory_space<vmem>>, vector<16xf32>,
        %get3A_2053 = arith.index_cast %add3A_2016 : i32 to index
        %get3A_2054 = arith.constant 48 : index
        %get3A_2055 = tpu.vector_load %arg14[%get3A_2053, %get3A_2054] {strides = array<i32>} : memref<64x64xf32, #tpu.memory_space<vmem>>, vector<16xf32>,
        %add3A_2056 = arith.addf %get3A_2052, %get3A_2055 : vector<16xf32>
        %max3A_2057 = arith.constant 0.000000e+00 : f32
        %max3A_2058 = vector.broadcast %max3A_2057 : f32 to vector<16xf32>
        %max3A_2059 = arith.maximumf %add3A_2056, %max3A_2058 : vector<16xf32>
        %mul3A_2060 = arith.mulf %max3A_2059, %get3A_17 : vector<16xf32>
        %add3A_2061 = arith.addf %mul3A_2027, %mul3A_2038 : vector<16xf32>
        %add3A_2062 = arith.addf %mul3A_2049, %mul3A_2060 : vector<16xf32>
        %add3A_2063 = arith.addf %add3A_2061, %add3A_2062 : vector<16xf32>
        %swap3A_2064 = arith.constant 15 : i32
        %swap3A_2065 = arith.index_cast %swap3A_2064 : i32 to index
        %swap3A_2066 = arith.constant 0 : index
        %swap3A_2067 = tpu.vector_load %arg18[%swap3A_2065, %swap3A_2066] {strides = array<i32>} : memref<16x17xf32, #tpu.memory_space<vmem>>, vector<16xf32>,
        tpu.vector_store %arg18[%swap3A_2065, %swap3A_2066], %add3A_2063 {strides = array<i32>} : memref<16x17xf32, #tpu.memory_space<vmem>>, vector<16xf32>,
        %broadcast_in_dim3A_2068 = arith.constant 0 : i32
        %broadcast_in_dim3A_2069 = vector.broadcast %broadcast_in_dim3A_2068 : i32 to vector<16xi32>
        %gather3A_2070 = tpu.vector_load_idx %arg18[%iota3A, %broadcast_in_dim3A_2069] : memref<16x17xf32, #tpu.memory_space<vmem>>[vector<16xi32>, vector<16xi32>], vector<16xf32>,
        %broadcast_in_dim3A_2071 = arith.constant 1 : i32
        %broadcast_in_dim3A_2072 = vector.broadcast %broadcast_in_dim3A_2071 : i32 to vector<16xi32>
        %gather3A_2073 = tpu.vector_load_idx %arg18[%iota3A, %broadcast_in_dim3A_2072] : memref<16x17xf32, #tpu.memory_space<vmem>>[vector<16xi32>, vector<16xi32>], vector<16xf32>,
        %broadcast_in_dim3A_2074 = arith.constant 2 : i32
        %broadcast_in_dim3A_2075 = vector.broadcast %broadcast_in_dim3A_2074 : i32 to vector<16xi32>
        %gather3A_2076 = tpu.vector_load_idx %arg18[%iota3A, %broadcast_in_dim3A_2075] : memref<16x17xf32, #tpu.memory_space<vmem>>[vector<16xi32>, vector<16xi32>], vector<16xf32>,
        %broadcast_in_dim3A_2077 = arith.constant 3 : i32
        %broadcast_in_dim3A_2078 = vector.broadcast %broadcast_in_dim3A_2077 : i32 to vector<16xi32>
        %gather3A_2079 = tpu.vector_load_idx %arg18[%iota3A, %broadcast_in_dim3A_2078] : memref<16x17xf32, #tpu.memory_space<vmem>>[vector<16xi32>, vector<16xi32>], vector<16xf32>,
        %broadcast_in_dim3A_2080 = arith.constant 4 : i32
        %broadcast_in_dim3A_2081 = vector.broadcast %broadcast_in_dim3A_2080 : i32 to vector<16xi32>
        %gather3A_2082 = tpu.vector_load_idx %arg18[%iota3A, %broadcast_in_dim3A_2081] : memref<16x17xf32, #tpu.memory_space<vmem>>[vector<16xi32>, vector<16xi32>], vector<16xf32>,
        %broadcast_in_dim3A_2083 = arith.constant 5 : i32
        %broadcast_in_dim3A_2084 = vector.broadcast %broadcast_in_dim3A_2083 : i32 to vector<16xi32>
        %gather3A_2085 = tpu.vector_load_idx %arg18[%iota3A, %broadcast_in_dim3A_2084] : memref<16x17xf32, #tpu.memory_space<vmem>>[vector<16xi32>, vector<16xi32>], vector<16xf32>,
        %broadcast_in_dim3A_2086 = arith.constant 6 : i32
        %broadcast_in_dim3A_2087 = vector.broadcast %broadcast_in_dim3A_2086 : i32 to vector<16xi32>
        %gather3A_2088 = tpu.vector_load_idx %arg18[%iota3A, %broadcast_in_dim3A_2087] : memref<16x17xf32, #tpu.memory_space<vmem>>[vector<16xi32>, vector<16xi32>], vector<16xf32>,
        %broadcast_in_dim3A_2089 = arith.constant 7 : i32
        %broadcast_in_dim3A_2090 = vector.broadcast %broadcast_in_dim3A_2089 : i32 to vector<16xi32>
        %gather3A_2091 = tpu.vector_load_idx %arg18[%iota3A, %broadcast_in_dim3A_2090] : memref<16x17xf32, #tpu.memory_space<vmem>>[vector<16xi32>, vector<16xi32>], vector<16xf32>,
        %broadcast_in_dim3A_2092 = arith.constant 8 : i32
        %broadcast_in_dim3A_2093 = vector.broadcast %broadcast_in_dim3A_2092 : i32 to vector<16xi32>
        %gather3A_2094 = tpu.vector_load_idx %arg18[%iota3A, %broadcast_in_dim3A_2093] : memref<16x17xf32, #tpu.memory_space<vmem>>[vector<16xi32>, vector<16xi32>], vector<16xf32>,
        %broadcast_in_dim3A_2095 = arith.constant 9 : i32
        %broadcast_in_dim3A_2096 = vector.broadcast %broadcast_in_dim3A_2095 : i32 to vector<16xi32>
        %gather3A_2097 = tpu.vector_load_idx %arg18[%iota3A, %broadcast_in_dim3A_2096] : memref<16x17xf32, #tpu.memory_space<vmem>>[vector<16xi32>, vector<16xi32>], vector<16xf32>,
        %broadcast_in_dim3A_2098 = arith.constant 10 : i32
        %broadcast_in_dim3A_2099 = vector.broadcast %broadcast_in_dim3A_2098 : i32 to vector<16xi32>
        %gather3A_2100 = tpu.vector_load_idx %arg18[%iota3A, %broadcast_in_dim3A_2099] : memref<16x17xf32, #tpu.memory_space<vmem>>[vector<16xi32>, vector<16xi32>], vector<16xf32>,
        %broadcast_in_dim3A_2101 = arith.constant 11 : i32
        %broadcast_in_dim3A_2102 = vector.broadcast %broadcast_in_dim3A_2101 : i32 to vector<16xi32>
        %gather3A_2103 = tpu.vector_load_idx %arg18[%iota3A, %broadcast_in_dim3A_2102] : memref<16x17xf32, #tpu.memory_space<vmem>>[vector<16xi32>, vector<16xi32>], vector<16xf32>,
        %broadcast_in_dim3A_2104 = arith.constant 12 : i32
        %broadcast_in_dim3A_2105 = vector.broadcast %broadcast_in_dim3A_2104 : i32 to vector<16xi32>
        %gather3A_2106 = tpu.vector_load_idx %arg18[%iota3A, %broadcast_in_dim3A_2105] : memref<16x17xf32, #tpu.memory_space<vmem>>[vector<16xi32>, vector<16xi32>], vector<16xf32>,
        %broadcast_in_dim3A_2107 = arith.constant 13 : i32
        %broadcast_in_dim3A_2108 = vector.broadcast %broadcast_in_dim3A_2107 : i32 to vector<16xi32>
        %gather3A_2109 = tpu.vector_load_idx %arg18[%iota3A, %broadcast_in_dim3A_2108] : memref<16x17xf32, #tpu.memory_space<vmem>>[vector<16xi32>, vector<16xi32>], vector<16xf32>,
        %broadcast_in_dim3A_2110 = arith.constant 14 : i32
        %broadcast_in_dim3A_2111 = vector.broadcast %broadcast_in_dim3A_2110 : i32 to vector<16xi32>
        %gather3A_2112 = tpu.vector_load_idx %arg18[%iota3A, %broadcast_in_dim3A_2111] : memref<16x17xf32, #tpu.memory_space<vmem>>[vector<16xi32>, vector<16xi32>], vector<16xf32>,
        %broadcast_in_dim3A_2113 = arith.constant 15 : i32
        %broadcast_in_dim3A_2114 = vector.broadcast %broadcast_in_dim3A_2113 : i32 to vector<16xi32>
        %gather3A_2115 = tpu.vector_load_idx %arg18[%iota3A, %broadcast_in_dim3A_2114] : memref<16x17xf32, #tpu.memory_space<vmem>>[vector<16xi32>, vector<16xi32>], vector<16xf32>,
        %mul3A_2116 = arith.constant 64 : i32
        %mul3A_2117 = arith.muli %add3A_1105, %mul3A_2116 : i32
        %mul3A_2118 = arith.constant 16 : i32
        %mul3A_2119 = arith.muli %scan3A_1187, %mul3A_2118 : i32
        %add3A_2120 = arith.addi %mul3A_2117, %mul3A_2119 : i32
        %mul3A_2121 = arith.constant 16 : i32
        %mul3A_2122 = arith.muli %scan3A_1187, %mul3A_2121 : i32
        %get3A_2123 = arith.index_cast %mul3A_2122 : i32 to index
        %get3A_2124 = tpu.vector_load %arg16[%get3A_2123] {strides = array<i32>} : memref<64xf32, #tpu.memory_space<vmem>>, vector<16xf32>,
        %add3A_2125 = arith.addf %gather3A_2070, %gather3A_2073 : vector<16xf32>
        %add3A_2126 = arith.addf %gather3A_2076, %gather3A_2079 : vector<16xf32>
        %add3A_2127 = arith.addf %gather3A_2082, %gather3A_2085 : vector<16xf32>
        %add3A_2128 = arith.addf %gather3A_2088, %gather3A_2091 : vector<16xf32>
        %add3A_2129 = arith.addf %gather3A_2094, %gather3A_2097 : vector<16xf32>
        %add3A_2130 = arith.addf %gather3A_2100, %gather3A_2103 : vector<16xf32>
        %add3A_2131 = arith.addf %gather3A_2106, %gather3A_2109 : vector<16xf32>
        %add3A_2132 = arith.addf %gather3A_2112, %gather3A_2115 : vector<16xf32>
        %add3A_2133 = arith.addf %add3A_2125, %add3A_2126 : vector<16xf32>
        %add3A_2134 = arith.addf %add3A_2127, %add3A_2128 : vector<16xf32>
        %add3A_2135 = arith.addf %add3A_2129, %add3A_2130 : vector<16xf32>
        %add3A_2136 = arith.addf %add3A_2131, %add3A_2132 : vector<16xf32>
        %add3A_2137 = arith.addf %add3A_2133, %add3A_2134 : vector<16xf32>
        %add3A_2138 = arith.addf %add3A_2135, %add3A_2136 : vector<16xf32>
        %add3A_2139 = arith.addf %add3A_2137, %add3A_2138 : vector<16xf32>
        %add3A_2140 = arith.addf %get3A_2124, %add3A_2139 : vector<16xf32>
        %swap3A_2141 = arith.index_cast %add3A_2120 : i32 to index
        %swap3A_2142 = tpu.vector_load %arg11[%swap3A_2141] {strides = array<i32>} : memref<10000xf32, #tpu.memory_space<vmem>>, vector<16xf32>,
        tpu.vector_store %arg11[%swap3A_2141], %add3A_2140 {strides = array<i32>} : memref<10000xf32, #tpu.memory_space<vmem>>, vector<16xf32>,
      }
      %scan3A_1142 = arith.constant 4 : i32
      %mul3A_1143 = arith.constant 2 : i32
      %mul3A_1144 = arith.muli %scan3A_1101, %mul3A_1143 : i32
      %add3A_1145 = arith.constant 1 : i32
      %add3A_1146 = arith.addi %mul3A_1144, %add3A_1145 : i32
      %add3A_1147 = arith.constant 1 : i32
      %add3A_1148 = arith.addi %add3A_1146, %add3A_1147 : i32
      %lt3A_1149 = arith.constant 156 : i32
      %lt3A_1150 = arith.cmpi slt, %add3A_1148, %lt3A_1149 : i32
      %convert_element_type3A_1151 = arith.extui %lt3A_1150 : i1 to i32
      %cond3A_1152 = arith.constant 0 : i32
      %cond3A_1153 = arith.cmpi ne, %convert_element_type3A_1151, %cond3A_1152 : i32
      scf.if %cond3A_1153 {
        %add3A_1187 = arith.constant 1 : i32
        %add3A_1188 = arith.addi %add3A_1146, %add3A_1187 : i32
        %mul3A_1189 = arith.constant 64 : i32
        %mul3A_1190 = arith.muli %add3A_1188, %mul3A_1189 : i32
        %mul3A_1191 = arith.constant 64 : i32
        %mul3A_1192 = arith.muli %add3A_1188, %mul3A_1191 : i32
        %mul3A_1193 = arith.constant 64 : i32
        %mul3A_1194 = arith.muli %add3A_1188, %mul3A_1193 : i32
        %add3A_1195 = arith.addi %mul3A_2, %mul3A_1194 : i32
        %dma_start3A_1196 = arith.constant 0 : i32
        %dma_start3A_1197 = arith.constant 0 : i32
        %dma_start3A_1198 = tpu.memref_slice %arg12[%dma_start3A_1196, %dma_start3A_1197] : memref<64x64xf32, #tpu.memory_space<vmem>> -> memref<64x64xf32, #tpu.memory_space<vmem>>
        %dma_start3A_1199 = tpu.memref_slice %arg9[%mul3A_1190] : memref<10000xi32, #tpu.memory_space<vmem>> -> memref<64xi32, #tpu.memory_space<vmem>>
        %dma_start3A_1200 = arith.constant 0 : i32
        %dma_start3A_1201 = arith.constant 0 : i32
        %dma_start3A_1202 = tpu.memref_slice %arg20[%dma_start3A_1200, %dma_start3A_1201] : memref<10000x64xf32, #tpu.memory_space<vmem_shared>> -> memref<10000x64xf32, #tpu.memory_space<vmem_shared>>
        tpu.enqueue_indirect_dma source(%dma_start3A_1202 : memref<10000x64xf32, #tpu.memory_space<vmem_shared>>) target(%dma_start3A_1198 : memref<64x64xf32, #tpu.memory_space<vmem>>) offsets(%dma_start3A_1199 : memref<64xi32, #tpu.memory_space<vmem>>) semaphore(%arg22 : memref<!tpu.dma_semaphore, #tpu.memory_space<semaphore_mem>>)
        %dma_start3A_1203 = arith.constant 0 : i32
        %dma_start3A_1204 = arith.constant 0 : i32
        %dma_start3A_1205 = tpu.memref_slice %arg14[%dma_start3A_1203, %dma_start3A_1204] : memref<64x64xf32, #tpu.memory_space<vmem>> -> memref<64x64xf32, #tpu.memory_space<vmem>>
        %dma_start3A_1206 = tpu.memref_slice %arg10[%mul3A_1192] : memref<10000xi32, #tpu.memory_space<vmem>> -> memref<64xi32, #tpu.memory_space<vmem>>
        %dma_start3A_1207 = arith.constant 0 : i32
        %dma_start3A_1208 = arith.constant 0 : i32
        %dma_start3A_1209 = tpu.memref_slice %arg21[%dma_start3A_1207, %dma_start3A_1208] : memref<10000x64xf32, #tpu.memory_space<vmem_shared>> -> memref<10000x64xf32, #tpu.memory_space<vmem_shared>>
        tpu.enqueue_indirect_dma source(%dma_start3A_1209 : memref<10000x64xf32, #tpu.memory_space<vmem_shared>>) target(%dma_start3A_1205 : memref<64x64xf32, #tpu.memory_space<vmem>>) offsets(%dma_start3A_1206 : memref<64xi32, #tpu.memory_space<vmem>>) semaphore(%arg24 : memref<!tpu.dma_semaphore, #tpu.memory_space<semaphore_mem>>)
        %dma_start3A_1210 = arith.constant 0 : i32
        %dma_start3A_1211 = tpu.memref_slice %arg16[%dma_start3A_1210] : memref<64xf32, #tpu.memory_space<vmem>> -> memref<64xf32, #tpu.memory_space<vmem>>
        %dma_start3A_1212 = tpu.memref_slice %arg6[%add3A_1195] : memref<320000xf32, #tpu.memory_space<hbm>> -> memref<64xf32, #tpu.memory_space<hbm>>
        %dma_start3A_1213 = arith.constant 0 : i32
        %dma_start3A_1214 = tpu.memref_slice %arg16[%dma_start3A_1213] : memref<64xf32, #tpu.memory_space<vmem>> -> memref<64xf32, #tpu.memory_space<vmem>>
        %dma_start3A_1215 = tpu.memref_slice %arg6[%add3A_1195] : memref<320000xf32, #tpu.memory_space<hbm>> -> memref<64xf32, #tpu.memory_space<hbm>>
        tpu.enqueue_dma source(%dma_start3A_1215 : memref<64xf32, #tpu.memory_space<hbm>>) target(%dma_start3A_1214 : memref<64xf32, #tpu.memory_space<vmem>>) target_semaphore(%arg26 : memref<!tpu.dma_semaphore, #tpu.memory_space<semaphore_mem>>)
      } else {
      }
      %mul3A_1154 = arith.constant 64 : i32
      %mul3A_1155 = arith.muli %add3A_1146, %mul3A_1154 : i32
      %mul3A_1156 = arith.constant 64 : i32
      %mul3A_1157 = arith.muli %add3A_1146, %mul3A_1156 : i32
      %mul3A_1158 = arith.constant 64 : i32
      %mul3A_1159 = arith.muli %add3A_1146, %mul3A_1158 : i32
      %add3A_1160 = arith.addi %mul3A_2, %mul3A_1159 : i32
      %dma_wait3A_1161 = arith.constant 0 : i32
      %dma_wait3A_1162 = arith.constant 0 : i32
      %dma_wait3A_1163 = tpu.memref_slice %arg13[%dma_wait3A_1161, %dma_wait3A_1162] : memref<64x64xf32, #tpu.memory_space<vmem>> -> memref<64x64xf32, #tpu.memory_space<vmem>>
      %dma_wait3A_1164 = tpu.memref_slice %arg9[%mul3A_1155] : memref<10000xi32, #tpu.memory_space<vmem>> -> memref<64xi32, #tpu.memory_space<vmem>>
      %dma_wait3A_1165 = arith.constant 0 : i32
      %dma_wait3A_1166 = arith.constant 0 : i32
      %dma_wait3A_1167 = tpu.memref_slice %arg20[%dma_wait3A_1165, %dma_wait3A_1166] : memref<10000x64xf32, #tpu.memory_space<vmem_shared>> -> memref<10000x64xf32, #tpu.memory_space<vmem_shared>>
      tpu.wait_indirect_dma semaphore(%arg23 : memref<!tpu.dma_semaphore, #tpu.memory_space<semaphore_mem>>) src(%dma_wait3A_1167 : memref<10000x64xf32, #tpu.memory_space<vmem_shared>>) dst(%dma_wait3A_1163 : memref<64x64xf32, #tpu.memory_space<vmem>>)
      %dma_wait3A_1168 = arith.constant 0 : i32
      %dma_wait3A_1169 = arith.constant 0 : i32
      %dma_wait3A_1170 = tpu.memref_slice %arg15[%dma_wait3A_1168, %dma_wait3A_1169] : memref<64x64xf32, #tpu.memory_space<vmem>> -> memref<64x64xf32, #tpu.memory_space<vmem>>
      %dma_wait3A_1171 = tpu.memref_slice %arg10[%mul3A_1157] : memref<10000xi32, #tpu.memory_space<vmem>> -> memref<64xi32, #tpu.memory_space<vmem>>
      %dma_wait3A_1172 = arith.constant 0 : i32
      %dma_wait3A_1173 = arith.constant 0 : i32
      %dma_wait3A_1174 = tpu.memref_slice %arg21[%dma_wait3A_1172, %dma_wait3A_1173] : memref<10000x64xf32, #tpu.memory_space<vmem_shared>> -> memref<10000x64xf32, #tpu.memory_space<vmem_shared>>
      tpu.wait_indirect_dma semaphore(%arg25 : memref<!tpu.dma_semaphore, #tpu.memory_space<semaphore_mem>>) src(%dma_wait3A_1174 : memref<10000x64xf32, #tpu.memory_space<vmem_shared>>) dst(%dma_wait3A_1170 : memref<64x64xf32, #tpu.memory_space<vmem>>)
      %dma_wait3A_1175 = arith.constant 0 : i32
      %dma_wait3A_1176 = tpu.memref_slice %arg17[%dma_wait3A_1175] : memref<64xf32, #tpu.memory_space<vmem>> -> memref<64xf32, #tpu.memory_space<vmem>>
      %dma_wait3A_1177 = tpu.memref_slice %arg6[%add3A_1160] : memref<320000xf32, #tpu.memory_space<hbm>> -> memref<64xf32, #tpu.memory_space<hbm>>
      %dma_wait3A_1178 = arith.constant 0 : i32
      %dma_wait3A_1179 = tpu.memref_slice %arg17[%dma_wait3A_1178] : memref<64xf32, #tpu.memory_space<vmem>> -> memref<64xf32, #tpu.memory_space<vmem>>
      %dma_wait3A_1180 = tpu.memref_slice %arg6[%add3A_1160] : memref<320000xf32, #tpu.memory_space<hbm>> -> memref<64xf32, #tpu.memory_space<hbm>>
      tpu.wait_dma2 semaphore(%arg27 : memref<!tpu.dma_semaphore, #tpu.memory_space<semaphore_mem>>) src(%dma_wait3A_1180 : memref<64xf32, #tpu.memory_space<hbm>>) dst(%dma_wait3A_1179 : memref<64xf32, #tpu.memory_space<vmem>>)
      %scan3A_1181 = arith.constant 0 : i32
      %scan3A_1182 = arith.constant 0 : i32
      %scan3A_1183 = arith.constant 4 : i32
      %scan3A_1184 = arith.addi %scan3A_1182, %scan3A_1183 : i32
      %scan3A_1185 = arith.constant 1 : i32
      scf.for %scan3A_1187 = %scan3A_1182 to %scan3A_1184 step %scan3A_1185  : i32 {
        %mul3A_1188 = arith.constant 16 : i32
        %mul3A_1189 = arith.muli %scan3A_1187, %mul3A_1188 : i32
        %add3A_1190 = arith.constant 0 : i32
        %add3A_1191 = arith.addi %mul3A_1189, %add3A_1190 : i32
        %get3A_1192 = arith.index_cast %add3A_1191 : i32 to index
        %get3A_1193 = arith.constant 0 : index
        %get3A_1194 = tpu.vector_load %arg13[%get3A_1192, %get3A_1193] {strides = array<i32>} : memref<64x64xf32, #tpu.memory_space<vmem>>, vector<16xf32>,
        %get3A_1195 = arith.index_cast %add3A_1191 : i32 to index
        %get3A_1196 = arith.constant 0 : index
        %get3A_1197 = tpu.vector_load %arg15[%get3A_1195, %get3A_1196] {strides = array<i32>} : memref<64x64xf32, #tpu.memory_space<vmem>>, vector<16xf32>,
        %add3A_1198 = arith.addf %get3A_1194, %get3A_1197 : vector<16xf32>
        %max3A_1199 = arith.constant 0.000000e+00 : f32
        %max3A_1200 = vector.broadcast %max3A_1199 : f32 to vector<16xf32>
        %max3A_1201 = arith.maximumf %add3A_1198, %max3A_1200 : vector<16xf32>
        %mul3A_1202 = arith.mulf %max3A_1201, %get3A_11 : vector<16xf32>
        %get3A_1203 = arith.index_cast %add3A_1191 : i32 to index
        %get3A_1204 = arith.constant 16 : index
        %get3A_1205 = tpu.vector_load %arg13[%get3A_1203, %get3A_1204] {strides = array<i32>} : memref<64x64xf32, #tpu.memory_space<vmem>>, vector<16xf32>,
        %get3A_1206 = arith.index_cast %add3A_1191 : i32 to index
        %get3A_1207 = arith.constant 16 : index
        %get3A_1208 = tpu.vector_load %arg15[%get3A_1206, %get3A_1207] {strides = array<i32>} : memref<64x64xf32, #tpu.memory_space<vmem>>, vector<16xf32>,
        %add3A_1209 = arith.addf %get3A_1205, %get3A_1208 : vector<16xf32>
        %max3A_1210 = arith.constant 0.000000e+00 : f32
        %max3A_1211 = vector.broadcast %max3A_1210 : f32 to vector<16xf32>
        %max3A_1212 = arith.maximumf %add3A_1209, %max3A_1211 : vector<16xf32>
        %mul3A_1213 = arith.mulf %max3A_1212, %get3A_13 : vector<16xf32>
        %get3A_1214 = arith.index_cast %add3A_1191 : i32 to index
        %get3A_1215 = arith.constant 32 : index
        %get3A_1216 = tpu.vector_load %arg13[%get3A_1214, %get3A_1215] {strides = array<i32>} : memref<64x64xf32, #tpu.memory_space<vmem>>, vector<16xf32>,
        %get3A_1217 = arith.index_cast %add3A_1191 : i32 to index
        %get3A_1218 = arith.constant 32 : index
        %get3A_1219 = tpu.vector_load %arg15[%get3A_1217, %get3A_1218] {strides = array<i32>} : memref<64x64xf32, #tpu.memory_space<vmem>>, vector<16xf32>,
        %add3A_1220 = arith.addf %get3A_1216, %get3A_1219 : vector<16xf32>
        %max3A_1221 = arith.constant 0.000000e+00 : f32
        %max3A_1222 = vector.broadcast %max3A_1221 : f32 to vector<16xf32>
        %max3A_1223 = arith.maximumf %add3A_1220, %max3A_1222 : vector<16xf32>
        %mul3A_1224 = arith.mulf %max3A_1223, %get3A_15 : vector<16xf32>
        %get3A_1225 = arith.index_cast %add3A_1191 : i32 to index
        %get3A_1226 = arith.constant 48 : index
        %get3A_1227 = tpu.vector_load %arg13[%get3A_1225, %get3A_1226] {strides = array<i32>} : memref<64x64xf32, #tpu.memory_space<vmem>>, vector<16xf32>,
        %get3A_1228 = arith.index_cast %add3A_1191 : i32 to index
        %get3A_1229 = arith.constant 48 : index
        %get3A_1230 = tpu.vector_load %arg15[%get3A_1228, %get3A_1229] {strides = array<i32>} : memref<64x64xf32, #tpu.memory_space<vmem>>, vector<16xf32>,
        %add3A_1231 = arith.addf %get3A_1227, %get3A_1230 : vector<16xf32>
        %max3A_1232 = arith.constant 0.000000e+00 : f32
        %max3A_1233 = vector.broadcast %max3A_1232 : f32 to vector<16xf32>
        %max3A_1234 = arith.maximumf %add3A_1231, %max3A_1233 : vector<16xf32>
        %mul3A_1235 = arith.mulf %max3A_1234, %get3A_17 : vector<16xf32>
        %add3A_1236 = arith.addf %mul3A_1202, %mul3A_1213 : vector<16xf32>
        %add3A_1237 = arith.addf %mul3A_1224, %mul3A_1235 : vector<16xf32>
        %add3A_1238 = arith.addf %add3A_1236, %add3A_1237 : vector<16xf32>
        %swap3A_1239 = arith.constant 0 : i32
        %swap3A_1240 = arith.index_cast %swap3A_1239 : i32 to index
        %swap3A_1241 = arith.constant 0 : index
        %swap3A_1242 = tpu.vector_load %arg18[%swap3A_1240, %swap3A_1241] {strides = array<i32>} : memref<16x17xf32, #tpu.memory_space<vmem>>, vector<16xf32>,
        tpu.vector_store %arg18[%swap3A_1240, %swap3A_1241], %add3A_1238 {strides = array<i32>} : memref<16x17xf32, #tpu.memory_space<vmem>>, vector<16xf32>,
        %mul3A_1243 = arith.constant 16 : i32
        %mul3A_1244 = arith.muli %scan3A_1187, %mul3A_1243 : i32
        %add3A_1245 = arith.constant 1 : i32
        %add3A_1246 = arith.addi %mul3A_1244, %add3A_1245 : i32
        %get3A_1247 = arith.index_cast %add3A_1246 : i32 to index
        %get3A_1248 = arith.constant 0 : index
        %get3A_1249 = tpu.vector_load %arg13[%get3A_1247, %get3A_1248] {strides = array<i32>} : memref<64x64xf32, #tpu.memory_space<vmem>>, vector<16xf32>,
        %get3A_1250 = arith.index_cast %add3A_1246 : i32 to index
        %get3A_1251 = arith.constant 0 : index
        %get3A_1252 = tpu.vector_load %arg15[%get3A_1250, %get3A_1251] {strides = array<i32>} : memref<64x64xf32, #tpu.memory_space<vmem>>, vector<16xf32>,
        %add3A_1253 = arith.addf %get3A_1249, %get3A_1252 : vector<16xf32>
        %max3A_1254 = arith.constant 0.000000e+00 : f32
        %max3A_1255 = vector.broadcast %max3A_1254 : f32 to vector<16xf32>
        %max3A_1256 = arith.maximumf %add3A_1253, %max3A_1255 : vector<16xf32>
        %mul3A_1257 = arith.mulf %max3A_1256, %get3A_11 : vector<16xf32>
        %get3A_1258 = arith.index_cast %add3A_1246 : i32 to index
        %get3A_1259 = arith.constant 16 : index
        %get3A_1260 = tpu.vector_load %arg13[%get3A_1258, %get3A_1259] {strides = array<i32>} : memref<64x64xf32, #tpu.memory_space<vmem>>, vector<16xf32>,
        %get3A_1261 = arith.index_cast %add3A_1246 : i32 to index
        %get3A_1262 = arith.constant 16 : index
        %get3A_1263 = tpu.vector_load %arg15[%get3A_1261, %get3A_1262] {strides = array<i32>} : memref<64x64xf32, #tpu.memory_space<vmem>>, vector<16xf32>,
        %add3A_1264 = arith.addf %get3A_1260, %get3A_1263 : vector<16xf32>
        %max3A_1265 = arith.constant 0.000000e+00 : f32
        %max3A_1266 = vector.broadcast %max3A_1265 : f32 to vector<16xf32>
        %max3A_1267 = arith.maximumf %add3A_1264, %max3A_1266 : vector<16xf32>
        %mul3A_1268 = arith.mulf %max3A_1267, %get3A_13 : vector<16xf32>
        %get3A_1269 = arith.index_cast %add3A_1246 : i32 to index
        %get3A_1270 = arith.constant 32 : index
        %get3A_1271 = tpu.vector_load %arg13[%get3A_1269, %get3A_1270] {strides = array<i32>} : memref<64x64xf32, #tpu.memory_space<vmem>>, vector<16xf32>,
        %get3A_1272 = arith.index_cast %add3A_1246 : i32 to index
        %get3A_1273 = arith.constant 32 : index
        %get3A_1274 = tpu.vector_load %arg15[%get3A_1272, %get3A_1273] {strides = array<i32>} : memref<64x64xf32, #tpu.memory_space<vmem>>, vector<16xf32>,
        %add3A_1275 = arith.addf %get3A_1271, %get3A_1274 : vector<16xf32>
        %max3A_1276 = arith.constant 0.000000e+00 : f32
        %max3A_1277 = vector.broadcast %max3A_1276 : f32 to vector<16xf32>
        %max3A_1278 = arith.maximumf %add3A_1275, %max3A_1277 : vector<16xf32>
        %mul3A_1279 = arith.mulf %max3A_1278, %get3A_15 : vector<16xf32>
        %get3A_1280 = arith.index_cast %add3A_1246 : i32 to index
        %get3A_1281 = arith.constant 48 : index
        %get3A_1282 = tpu.vector_load %arg13[%get3A_1280, %get3A_1281] {strides = array<i32>} : memref<64x64xf32, #tpu.memory_space<vmem>>, vector<16xf32>,
        %get3A_1283 = arith.index_cast %add3A_1246 : i32 to index
        %get3A_1284 = arith.constant 48 : index
        %get3A_1285 = tpu.vector_load %arg15[%get3A_1283, %get3A_1284] {strides = array<i32>} : memref<64x64xf32, #tpu.memory_space<vmem>>, vector<16xf32>,
        %add3A_1286 = arith.addf %get3A_1282, %get3A_1285 : vector<16xf32>
        %max3A_1287 = arith.constant 0.000000e+00 : f32
        %max3A_1288 = vector.broadcast %max3A_1287 : f32 to vector<16xf32>
        %max3A_1289 = arith.maximumf %add3A_1286, %max3A_1288 : vector<16xf32>
        %mul3A_1290 = arith.mulf %max3A_1289, %get3A_17 : vector<16xf32>
        %add3A_1291 = arith.addf %mul3A_1257, %mul3A_1268 : vector<16xf32>
        %add3A_1292 = arith.addf %mul3A_1279, %mul3A_1290 : vector<16xf32>
        %add3A_1293 = arith.addf %add3A_1291, %add3A_1292 : vector<16xf32>
        %swap3A_1294 = arith.constant 1 : i32
        %swap3A_1295 = arith.index_cast %swap3A_1294 : i32 to index
        %swap3A_1296 = arith.constant 0 : index
        %swap3A_1297 = tpu.vector_load %arg18[%swap3A_1295, %swap3A_1296] {strides = array<i32>} : memref<16x17xf32, #tpu.memory_space<vmem>>, vector<16xf32>,
        tpu.vector_store %arg18[%swap3A_1295, %swap3A_1296], %add3A_1293 {strides = array<i32>} : memref<16x17xf32, #tpu.memory_space<vmem>>, vector<16xf32>,
        %mul3A_1298 = arith.constant 16 : i32
        %mul3A_1299 = arith.muli %scan3A_1187, %mul3A_1298 : i32
        %add3A_1300 = arith.constant 2 : i32
        %add3A_1301 = arith.addi %mul3A_1299, %add3A_1300 : i32
        %get3A_1302 = arith.index_cast %add3A_1301 : i32 to index
        %get3A_1303 = arith.constant 0 : index
        %get3A_1304 = tpu.vector_load %arg13[%get3A_1302, %get3A_1303] {strides = array<i32>} : memref<64x64xf32, #tpu.memory_space<vmem>>, vector<16xf32>,
        %get3A_1305 = arith.index_cast %add3A_1301 : i32 to index
        %get3A_1306 = arith.constant 0 : index
        %get3A_1307 = tpu.vector_load %arg15[%get3A_1305, %get3A_1306] {strides = array<i32>} : memref<64x64xf32, #tpu.memory_space<vmem>>, vector<16xf32>,
        %add3A_1308 = arith.addf %get3A_1304, %get3A_1307 : vector<16xf32>
        %max3A_1309 = arith.constant 0.000000e+00 : f32
        %max3A_1310 = vector.broadcast %max3A_1309 : f32 to vector<16xf32>
        %max3A_1311 = arith.maximumf %add3A_1308, %max3A_1310 : vector<16xf32>
        %mul3A_1312 = arith.mulf %max3A_1311, %get3A_11 : vector<16xf32>
        %get3A_1313 = arith.index_cast %add3A_1301 : i32 to index
        %get3A_1314 = arith.constant 16 : index
        %get3A_1315 = tpu.vector_load %arg13[%get3A_1313, %get3A_1314] {strides = array<i32>} : memref<64x64xf32, #tpu.memory_space<vmem>>, vector<16xf32>,
        %get3A_1316 = arith.index_cast %add3A_1301 : i32 to index
        %get3A_1317 = arith.constant 16 : index
        %get3A_1318 = tpu.vector_load %arg15[%get3A_1316, %get3A_1317] {strides = array<i32>} : memref<64x64xf32, #tpu.memory_space<vmem>>, vector<16xf32>,
        %add3A_1319 = arith.addf %get3A_1315, %get3A_1318 : vector<16xf32>
        %max3A_1320 = arith.constant 0.000000e+00 : f32
        %max3A_1321 = vector.broadcast %max3A_1320 : f32 to vector<16xf32>
        %max3A_1322 = arith.maximumf %add3A_1319, %max3A_1321 : vector<16xf32>
        %mul3A_1323 = arith.mulf %max3A_1322, %get3A_13 : vector<16xf32>
        %get3A_1324 = arith.index_cast %add3A_1301 : i32 to index
        %get3A_1325 = arith.constant 32 : index
        %get3A_1326 = tpu.vector_load %arg13[%get3A_1324, %get3A_1325] {strides = array<i32>} : memref<64x64xf32, #tpu.memory_space<vmem>>, vector<16xf32>,
        %get3A_1327 = arith.index_cast %add3A_1301 : i32 to index
        %get3A_1328 = arith.constant 32 : index
        %get3A_1329 = tpu.vector_load %arg15[%get3A_1327, %get3A_1328] {strides = array<i32>} : memref<64x64xf32, #tpu.memory_space<vmem>>, vector<16xf32>,
        %add3A_1330 = arith.addf %get3A_1326, %get3A_1329 : vector<16xf32>
        %max3A_1331 = arith.constant 0.000000e+00 : f32
        %max3A_1332 = vector.broadcast %max3A_1331 : f32 to vector<16xf32>
        %max3A_1333 = arith.maximumf %add3A_1330, %max3A_1332 : vector<16xf32>
        %mul3A_1334 = arith.mulf %max3A_1333, %get3A_15 : vector<16xf32>
        %get3A_1335 = arith.index_cast %add3A_1301 : i32 to index
        %get3A_1336 = arith.constant 48 : index
        %get3A_1337 = tpu.vector_load %arg13[%get3A_1335, %get3A_1336] {strides = array<i32>} : memref<64x64xf32, #tpu.memory_space<vmem>>, vector<16xf32>,
        %get3A_1338 = arith.index_cast %add3A_1301 : i32 to index
        %get3A_1339 = arith.constant 48 : index
        %get3A_1340 = tpu.vector_load %arg15[%get3A_1338, %get3A_1339] {strides = array<i32>} : memref<64x64xf32, #tpu.memory_space<vmem>>, vector<16xf32>,
        %add3A_1341 = arith.addf %get3A_1337, %get3A_1340 : vector<16xf32>
        %max3A_1342 = arith.constant 0.000000e+00 : f32
        %max3A_1343 = vector.broadcast %max3A_1342 : f32 to vector<16xf32>
        %max3A_1344 = arith.maximumf %add3A_1341, %max3A_1343 : vector<16xf32>
        %mul3A_1345 = arith.mulf %max3A_1344, %get3A_17 : vector<16xf32>
        %add3A_1346 = arith.addf %mul3A_1312, %mul3A_1323 : vector<16xf32>
        %add3A_1347 = arith.addf %mul3A_1334, %mul3A_1345 : vector<16xf32>
        %add3A_1348 = arith.addf %add3A_1346, %add3A_1347 : vector<16xf32>
        %swap3A_1349 = arith.constant 2 : i32
        %swap3A_1350 = arith.index_cast %swap3A_1349 : i32 to index
        %swap3A_1351 = arith.constant 0 : index
        %swap3A_1352 = tpu.vector_load %arg18[%swap3A_1350, %swap3A_1351] {strides = array<i32>} : memref<16x17xf32, #tpu.memory_space<vmem>>, vector<16xf32>,
        tpu.vector_store %arg18[%swap3A_1350, %swap3A_1351], %add3A_1348 {strides = array<i32>} : memref<16x17xf32, #tpu.memory_space<vmem>>, vector<16xf32>,
        %mul3A_1353 = arith.constant 16 : i32
        %mul3A_1354 = arith.muli %scan3A_1187, %mul3A_1353 : i32
        %add3A_1355 = arith.constant 3 : i32
        %add3A_1356 = arith.addi %mul3A_1354, %add3A_1355 : i32
        %get3A_1357 = arith.index_cast %add3A_1356 : i32 to index
        %get3A_1358 = arith.constant 0 : index
        %get3A_1359 = tpu.vector_load %arg13[%get3A_1357, %get3A_1358] {strides = array<i32>} : memref<64x64xf32, #tpu.memory_space<vmem>>, vector<16xf32>,
        %get3A_1360 = arith.index_cast %add3A_1356 : i32 to index
        %get3A_1361 = arith.constant 0 : index
        %get3A_1362 = tpu.vector_load %arg15[%get3A_1360, %get3A_1361] {strides = array<i32>} : memref<64x64xf32, #tpu.memory_space<vmem>>, vector<16xf32>,
        %add3A_1363 = arith.addf %get3A_1359, %get3A_1362 : vector<16xf32>
        %max3A_1364 = arith.constant 0.000000e+00 : f32
        %max3A_1365 = vector.broadcast %max3A_1364 : f32 to vector<16xf32>
        %max3A_1366 = arith.maximumf %add3A_1363, %max3A_1365 : vector<16xf32>
        %mul3A_1367 = arith.mulf %max3A_1366, %get3A_11 : vector<16xf32>
        %get3A_1368 = arith.index_cast %add3A_1356 : i32 to index
        %get3A_1369 = arith.constant 16 : index
        %get3A_1370 = tpu.vector_load %arg13[%get3A_1368, %get3A_1369] {strides = array<i32>} : memref<64x64xf32, #tpu.memory_space<vmem>>, vector<16xf32>,
        %get3A_1371 = arith.index_cast %add3A_1356 : i32 to index
        %get3A_1372 = arith.constant 16 : index
        %get3A_1373 = tpu.vector_load %arg15[%get3A_1371, %get3A_1372] {strides = array<i32>} : memref<64x64xf32, #tpu.memory_space<vmem>>, vector<16xf32>,
        %add3A_1374 = arith.addf %get3A_1370, %get3A_1373 : vector<16xf32>
        %max3A_1375 = arith.constant 0.000000e+00 : f32
        %max3A_1376 = vector.broadcast %max3A_1375 : f32 to vector<16xf32>
        %max3A_1377 = arith.maximumf %add3A_1374, %max3A_1376 : vector<16xf32>
        %mul3A_1378 = arith.mulf %max3A_1377, %get3A_13 : vector<16xf32>
        %get3A_1379 = arith.index_cast %add3A_1356 : i32 to index
        %get3A_1380 = arith.constant 32 : index
        %get3A_1381 = tpu.vector_load %arg13[%get3A_1379, %get3A_1380] {strides = array<i32>} : memref<64x64xf32, #tpu.memory_space<vmem>>, vector<16xf32>,
        %get3A_1382 = arith.index_cast %add3A_1356 : i32 to index
        %get3A_1383 = arith.constant 32 : index
        %get3A_1384 = tpu.vector_load %arg15[%get3A_1382, %get3A_1383] {strides = array<i32>} : memref<64x64xf32, #tpu.memory_space<vmem>>, vector<16xf32>,
        %add3A_1385 = arith.addf %get3A_1381, %get3A_1384 : vector<16xf32>
        %max3A_1386 = arith.constant 0.000000e+00 : f32
        %max3A_1387 = vector.broadcast %max3A_1386 : f32 to vector<16xf32>
        %max3A_1388 = arith.maximumf %add3A_1385, %max3A_1387 : vector<16xf32>
        %mul3A_1389 = arith.mulf %max3A_1388, %get3A_15 : vector<16xf32>
        %get3A_1390 = arith.index_cast %add3A_1356 : i32 to index
        %get3A_1391 = arith.constant 48 : index
        %get3A_1392 = tpu.vector_load %arg13[%get3A_1390, %get3A_1391] {strides = array<i32>} : memref<64x64xf32, #tpu.memory_space<vmem>>, vector<16xf32>,
        %get3A_1393 = arith.index_cast %add3A_1356 : i32 to index
        %get3A_1394 = arith.constant 48 : index
        %get3A_1395 = tpu.vector_load %arg15[%get3A_1393, %get3A_1394] {strides = array<i32>} : memref<64x64xf32, #tpu.memory_space<vmem>>, vector<16xf32>,
        %add3A_1396 = arith.addf %get3A_1392, %get3A_1395 : vector<16xf32>
        %max3A_1397 = arith.constant 0.000000e+00 : f32
        %max3A_1398 = vector.broadcast %max3A_1397 : f32 to vector<16xf32>
        %max3A_1399 = arith.maximumf %add3A_1396, %max3A_1398 : vector<16xf32>
        %mul3A_1400 = arith.mulf %max3A_1399, %get3A_17 : vector<16xf32>
        %add3A_1401 = arith.addf %mul3A_1367, %mul3A_1378 : vector<16xf32>
        %add3A_1402 = arith.addf %mul3A_1389, %mul3A_1400 : vector<16xf32>
        %add3A_1403 = arith.addf %add3A_1401, %add3A_1402 : vector<16xf32>
        %swap3A_1404 = arith.constant 3 : i32
        %swap3A_1405 = arith.index_cast %swap3A_1404 : i32 to index
        %swap3A_1406 = arith.constant 0 : index
        %swap3A_1407 = tpu.vector_load %arg18[%swap3A_1405, %swap3A_1406] {strides = array<i32>} : memref<16x17xf32, #tpu.memory_space<vmem>>, vector<16xf32>,
        tpu.vector_store %arg18[%swap3A_1405, %swap3A_1406], %add3A_1403 {strides = array<i32>} : memref<16x17xf32, #tpu.memory_space<vmem>>, vector<16xf32>,
        %mul3A_1408 = arith.constant 16 : i32
        %mul3A_1409 = arith.muli %scan3A_1187, %mul3A_1408 : i32
        %add3A_1410 = arith.constant 4 : i32
        %add3A_1411 = arith.addi %mul3A_1409, %add3A_1410 : i32
        %get3A_1412 = arith.index_cast %add3A_1411 : i32 to index
        %get3A_1413 = arith.constant 0 : index
        %get3A_1414 = tpu.vector_load %arg13[%get3A_1412, %get3A_1413] {strides = array<i32>} : memref<64x64xf32, #tpu.memory_space<vmem>>, vector<16xf32>,
        %get3A_1415 = arith.index_cast %add3A_1411 : i32 to index
        %get3A_1416 = arith.constant 0 : index
        %get3A_1417 = tpu.vector_load %arg15[%get3A_1415, %get3A_1416] {strides = array<i32>} : memref<64x64xf32, #tpu.memory_space<vmem>>, vector<16xf32>,
        %add3A_1418 = arith.addf %get3A_1414, %get3A_1417 : vector<16xf32>
        %max3A_1419 = arith.constant 0.000000e+00 : f32
        %max3A_1420 = vector.broadcast %max3A_1419 : f32 to vector<16xf32>
        %max3A_1421 = arith.maximumf %add3A_1418, %max3A_1420 : vector<16xf32>
        %mul3A_1422 = arith.mulf %max3A_1421, %get3A_11 : vector<16xf32>
        %get3A_1423 = arith.index_cast %add3A_1411 : i32 to index
        %get3A_1424 = arith.constant 16 : index
        %get3A_1425 = tpu.vector_load %arg13[%get3A_1423, %get3A_1424] {strides = array<i32>} : memref<64x64xf32, #tpu.memory_space<vmem>>, vector<16xf32>,
        %get3A_1426 = arith.index_cast %add3A_1411 : i32 to index
        %get3A_1427 = arith.constant 16 : index
        %get3A_1428 = tpu.vector_load %arg15[%get3A_1426, %get3A_1427] {strides = array<i32>} : memref<64x64xf32, #tpu.memory_space<vmem>>, vector<16xf32>,
        %add3A_1429 = arith.addf %get3A_1425, %get3A_1428 : vector<16xf32>
        %max3A_1430 = arith.constant 0.000000e+00 : f32
        %max3A_1431 = vector.broadcast %max3A_1430 : f32 to vector<16xf32>
        %max3A_1432 = arith.maximumf %add3A_1429, %max3A_1431 : vector<16xf32>
        %mul3A_1433 = arith.mulf %max3A_1432, %get3A_13 : vector<16xf32>
        %get3A_1434 = arith.index_cast %add3A_1411 : i32 to index
        %get3A_1435 = arith.constant 32 : index
        %get3A_1436 = tpu.vector_load %arg13[%get3A_1434, %get3A_1435] {strides = array<i32>} : memref<64x64xf32, #tpu.memory_space<vmem>>, vector<16xf32>,
        %get3A_1437 = arith.index_cast %add3A_1411 : i32 to index
        %get3A_1438 = arith.constant 32 : index
        %get3A_1439 = tpu.vector_load %arg15[%get3A_1437, %get3A_1438] {strides = array<i32>} : memref<64x64xf32, #tpu.memory_space<vmem>>, vector<16xf32>,
        %add3A_1440 = arith.addf %get3A_1436, %get3A_1439 : vector<16xf32>
        %max3A_1441 = arith.constant 0.000000e+00 : f32
        %max3A_1442 = vector.broadcast %max3A_1441 : f32 to vector<16xf32>
        %max3A_1443 = arith.maximumf %add3A_1440, %max3A_1442 : vector<16xf32>
        %mul3A_1444 = arith.mulf %max3A_1443, %get3A_15 : vector<16xf32>
        %get3A_1445 = arith.index_cast %add3A_1411 : i32 to index
        %get3A_1446 = arith.constant 48 : index
        %get3A_1447 = tpu.vector_load %arg13[%get3A_1445, %get3A_1446] {strides = array<i32>} : memref<64x64xf32, #tpu.memory_space<vmem>>, vector<16xf32>,
        %get3A_1448 = arith.index_cast %add3A_1411 : i32 to index
        %get3A_1449 = arith.constant 48 : index
        %get3A_1450 = tpu.vector_load %arg15[%get3A_1448, %get3A_1449] {strides = array<i32>} : memref<64x64xf32, #tpu.memory_space<vmem>>, vector<16xf32>,
        %add3A_1451 = arith.addf %get3A_1447, %get3A_1450 : vector<16xf32>
        %max3A_1452 = arith.constant 0.000000e+00 : f32
        %max3A_1453 = vector.broadcast %max3A_1452 : f32 to vector<16xf32>
        %max3A_1454 = arith.maximumf %add3A_1451, %max3A_1453 : vector<16xf32>
        %mul3A_1455 = arith.mulf %max3A_1454, %get3A_17 : vector<16xf32>
        %add3A_1456 = arith.addf %mul3A_1422, %mul3A_1433 : vector<16xf32>
        %add3A_1457 = arith.addf %mul3A_1444, %mul3A_1455 : vector<16xf32>
        %add3A_1458 = arith.addf %add3A_1456, %add3A_1457 : vector<16xf32>
        %swap3A_1459 = arith.constant 4 : i32
        %swap3A_1460 = arith.index_cast %swap3A_1459 : i32 to index
        %swap3A_1461 = arith.constant 0 : index
        %swap3A_1462 = tpu.vector_load %arg18[%swap3A_1460, %swap3A_1461] {strides = array<i32>} : memref<16x17xf32, #tpu.memory_space<vmem>>, vector<16xf32>,
        tpu.vector_store %arg18[%swap3A_1460, %swap3A_1461], %add3A_1458 {strides = array<i32>} : memref<16x17xf32, #tpu.memory_space<vmem>>, vector<16xf32>,
        %mul3A_1463 = arith.constant 16 : i32
        %mul3A_1464 = arith.muli %scan3A_1187, %mul3A_1463 : i32
        %add3A_1465 = arith.constant 5 : i32
        %add3A_1466 = arith.addi %mul3A_1464, %add3A_1465 : i32
        %get3A_1467 = arith.index_cast %add3A_1466 : i32 to index
        %get3A_1468 = arith.constant 0 : index
        %get3A_1469 = tpu.vector_load %arg13[%get3A_1467, %get3A_1468] {strides = array<i32>} : memref<64x64xf32, #tpu.memory_space<vmem>>, vector<16xf32>,
        %get3A_1470 = arith.index_cast %add3A_1466 : i32 to index
        %get3A_1471 = arith.constant 0 : index
        %get3A_1472 = tpu.vector_load %arg15[%get3A_1470, %get3A_1471] {strides = array<i32>} : memref<64x64xf32, #tpu.memory_space<vmem>>, vector<16xf32>,
        %add3A_1473 = arith.addf %get3A_1469, %get3A_1472 : vector<16xf32>
        %max3A_1474 = arith.constant 0.000000e+00 : f32
        %max3A_1475 = vector.broadcast %max3A_1474 : f32 to vector<16xf32>
        %max3A_1476 = arith.maximumf %add3A_1473, %max3A_1475 : vector<16xf32>
        %mul3A_1477 = arith.mulf %max3A_1476, %get3A_11 : vector<16xf32>
        %get3A_1478 = arith.index_cast %add3A_1466 : i32 to index
        %get3A_1479 = arith.constant 16 : index
        %get3A_1480 = tpu.vector_load %arg13[%get3A_1478, %get3A_1479] {strides = array<i32>} : memref<64x64xf32, #tpu.memory_space<vmem>>, vector<16xf32>,
        %get3A_1481 = arith.index_cast %add3A_1466 : i32 to index
        %get3A_1482 = arith.constant 16 : index
        %get3A_1483 = tpu.vector_load %arg15[%get3A_1481, %get3A_1482] {strides = array<i32>} : memref<64x64xf32, #tpu.memory_space<vmem>>, vector<16xf32>,
        %add3A_1484 = arith.addf %get3A_1480, %get3A_1483 : vector<16xf32>
        %max3A_1485 = arith.constant 0.000000e+00 : f32
        %max3A_1486 = vector.broadcast %max3A_1485 : f32 to vector<16xf32>
        %max3A_1487 = arith.maximumf %add3A_1484, %max3A_1486 : vector<16xf32>
        %mul3A_1488 = arith.mulf %max3A_1487, %get3A_13 : vector<16xf32>
        %get3A_1489 = arith.index_cast %add3A_1466 : i32 to index
        %get3A_1490 = arith.constant 32 : index
        %get3A_1491 = tpu.vector_load %arg13[%get3A_1489, %get3A_1490] {strides = array<i32>} : memref<64x64xf32, #tpu.memory_space<vmem>>, vector<16xf32>,
        %get3A_1492 = arith.index_cast %add3A_1466 : i32 to index
        %get3A_1493 = arith.constant 32 : index
        %get3A_1494 = tpu.vector_load %arg15[%get3A_1492, %get3A_1493] {strides = array<i32>} : memref<64x64xf32, #tpu.memory_space<vmem>>, vector<16xf32>,
        %add3A_1495 = arith.addf %get3A_1491, %get3A_1494 : vector<16xf32>
        %max3A_1496 = arith.constant 0.000000e+00 : f32
        %max3A_1497 = vector.broadcast %max3A_1496 : f32 to vector<16xf32>
        %max3A_1498 = arith.maximumf %add3A_1495, %max3A_1497 : vector<16xf32>
        %mul3A_1499 = arith.mulf %max3A_1498, %get3A_15 : vector<16xf32>
        %get3A_1500 = arith.index_cast %add3A_1466 : i32 to index
        %get3A_1501 = arith.constant 48 : index
        %get3A_1502 = tpu.vector_load %arg13[%get3A_1500, %get3A_1501] {strides = array<i32>} : memref<64x64xf32, #tpu.memory_space<vmem>>, vector<16xf32>,
        %get3A_1503 = arith.index_cast %add3A_1466 : i32 to index
        %get3A_1504 = arith.constant 48 : index
        %get3A_1505 = tpu.vector_load %arg15[%get3A_1503, %get3A_1504] {strides = array<i32>} : memref<64x64xf32, #tpu.memory_space<vmem>>, vector<16xf32>,
        %add3A_1506 = arith.addf %get3A_1502, %get3A_1505 : vector<16xf32>
        %max3A_1507 = arith.constant 0.000000e+00 : f32
        %max3A_1508 = vector.broadcast %max3A_1507 : f32 to vector<16xf32>
        %max3A_1509 = arith.maximumf %add3A_1506, %max3A_1508 : vector<16xf32>
        %mul3A_1510 = arith.mulf %max3A_1509, %get3A_17 : vector<16xf32>
        %add3A_1511 = arith.addf %mul3A_1477, %mul3A_1488 : vector<16xf32>
        %add3A_1512 = arith.addf %mul3A_1499, %mul3A_1510 : vector<16xf32>
        %add3A_1513 = arith.addf %add3A_1511, %add3A_1512 : vector<16xf32>
        %swap3A_1514 = arith.constant 5 : i32
        %swap3A_1515 = arith.index_cast %swap3A_1514 : i32 to index
        %swap3A_1516 = arith.constant 0 : index
        %swap3A_1517 = tpu.vector_load %arg18[%swap3A_1515, %swap3A_1516] {strides = array<i32>} : memref<16x17xf32, #tpu.memory_space<vmem>>, vector<16xf32>,
        tpu.vector_store %arg18[%swap3A_1515, %swap3A_1516], %add3A_1513 {strides = array<i32>} : memref<16x17xf32, #tpu.memory_space<vmem>>, vector<16xf32>,
        %mul3A_1518 = arith.constant 16 : i32
        %mul3A_1519 = arith.muli %scan3A_1187, %mul3A_1518 : i32
        %add3A_1520 = arith.constant 6 : i32
        %add3A_1521 = arith.addi %mul3A_1519, %add3A_1520 : i32
        %get3A_1522 = arith.index_cast %add3A_1521 : i32 to index
        %get3A_1523 = arith.constant 0 : index
        %get3A_1524 = tpu.vector_load %arg13[%get3A_1522, %get3A_1523] {strides = array<i32>} : memref<64x64xf32, #tpu.memory_space<vmem>>, vector<16xf32>,
        %get3A_1525 = arith.index_cast %add3A_1521 : i32 to index
        %get3A_1526 = arith.constant 0 : index
        %get3A_1527 = tpu.vector_load %arg15[%get3A_1525, %get3A_1526] {strides = array<i32>} : memref<64x64xf32, #tpu.memory_space<vmem>>, vector<16xf32>,
        %add3A_1528 = arith.addf %get3A_1524, %get3A_1527 : vector<16xf32>
        %max3A_1529 = arith.constant 0.000000e+00 : f32
        %max3A_1530 = vector.broadcast %max3A_1529 : f32 to vector<16xf32>
        %max3A_1531 = arith.maximumf %add3A_1528, %max3A_1530 : vector<16xf32>
        %mul3A_1532 = arith.mulf %max3A_1531, %get3A_11 : vector<16xf32>
        %get3A_1533 = arith.index_cast %add3A_1521 : i32 to index
        %get3A_1534 = arith.constant 16 : index
        %get3A_1535 = tpu.vector_load %arg13[%get3A_1533, %get3A_1534] {strides = array<i32>} : memref<64x64xf32, #tpu.memory_space<vmem>>, vector<16xf32>,
        %get3A_1536 = arith.index_cast %add3A_1521 : i32 to index
        %get3A_1537 = arith.constant 16 : index
        %get3A_1538 = tpu.vector_load %arg15[%get3A_1536, %get3A_1537] {strides = array<i32>} : memref<64x64xf32, #tpu.memory_space<vmem>>, vector<16xf32>,
        %add3A_1539 = arith.addf %get3A_1535, %get3A_1538 : vector<16xf32>
        %max3A_1540 = arith.constant 0.000000e+00 : f32
        %max3A_1541 = vector.broadcast %max3A_1540 : f32 to vector<16xf32>
        %max3A_1542 = arith.maximumf %add3A_1539, %max3A_1541 : vector<16xf32>
        %mul3A_1543 = arith.mulf %max3A_1542, %get3A_13 : vector<16xf32>
        %get3A_1544 = arith.index_cast %add3A_1521 : i32 to index
        %get3A_1545 = arith.constant 32 : index
        %get3A_1546 = tpu.vector_load %arg13[%get3A_1544, %get3A_1545] {strides = array<i32>} : memref<64x64xf32, #tpu.memory_space<vmem>>, vector<16xf32>,
        %get3A_1547 = arith.index_cast %add3A_1521 : i32 to index
        %get3A_1548 = arith.constant 32 : index
        %get3A_1549 = tpu.vector_load %arg15[%get3A_1547, %get3A_1548] {strides = array<i32>} : memref<64x64xf32, #tpu.memory_space<vmem>>, vector<16xf32>,
        %add3A_1550 = arith.addf %get3A_1546, %get3A_1549 : vector<16xf32>
        %max3A_1551 = arith.constant 0.000000e+00 : f32
        %max3A_1552 = vector.broadcast %max3A_1551 : f32 to vector<16xf32>
        %max3A_1553 = arith.maximumf %add3A_1550, %max3A_1552 : vector<16xf32>
        %mul3A_1554 = arith.mulf %max3A_1553, %get3A_15 : vector<16xf32>
        %get3A_1555 = arith.index_cast %add3A_1521 : i32 to index
        %get3A_1556 = arith.constant 48 : index
        %get3A_1557 = tpu.vector_load %arg13[%get3A_1555, %get3A_1556] {strides = array<i32>} : memref<64x64xf32, #tpu.memory_space<vmem>>, vector<16xf32>,
        %get3A_1558 = arith.index_cast %add3A_1521 : i32 to index
        %get3A_1559 = arith.constant 48 : index
        %get3A_1560 = tpu.vector_load %arg15[%get3A_1558, %get3A_1559] {strides = array<i32>} : memref<64x64xf32, #tpu.memory_space<vmem>>, vector<16xf32>,
        %add3A_1561 = arith.addf %get3A_1557, %get3A_1560 : vector<16xf32>
        %max3A_1562 = arith.constant 0.000000e+00 : f32
        %max3A_1563 = vector.broadcast %max3A_1562 : f32 to vector<16xf32>
        %max3A_1564 = arith.maximumf %add3A_1561, %max3A_1563 : vector<16xf32>
        %mul3A_1565 = arith.mulf %max3A_1564, %get3A_17 : vector<16xf32>
        %add3A_1566 = arith.addf %mul3A_1532, %mul3A_1543 : vector<16xf32>
        %add3A_1567 = arith.addf %mul3A_1554, %mul3A_1565 : vector<16xf32>
        %add3A_1568 = arith.addf %add3A_1566, %add3A_1567 : vector<16xf32>
        %swap3A_1569 = arith.constant 6 : i32
        %swap3A_1570 = arith.index_cast %swap3A_1569 : i32 to index
        %swap3A_1571 = arith.constant 0 : index
        %swap3A_1572 = tpu.vector_load %arg18[%swap3A_1570, %swap3A_1571] {strides = array<i32>} : memref<16x17xf32, #tpu.memory_space<vmem>>, vector<16xf32>,
        tpu.vector_store %arg18[%swap3A_1570, %swap3A_1571], %add3A_1568 {strides = array<i32>} : memref<16x17xf32, #tpu.memory_space<vmem>>, vector<16xf32>,
        %mul3A_1573 = arith.constant 16 : i32
        %mul3A_1574 = arith.muli %scan3A_1187, %mul3A_1573 : i32
        %add3A_1575 = arith.constant 7 : i32
        %add3A_1576 = arith.addi %mul3A_1574, %add3A_1575 : i32
        %get3A_1577 = arith.index_cast %add3A_1576 : i32 to index
        %get3A_1578 = arith.constant 0 : index
        %get3A_1579 = tpu.vector_load %arg13[%get3A_1577, %get3A_1578] {strides = array<i32>} : memref<64x64xf32, #tpu.memory_space<vmem>>, vector<16xf32>,
        %get3A_1580 = arith.index_cast %add3A_1576 : i32 to index
        %get3A_1581 = arith.constant 0 : index
        %get3A_1582 = tpu.vector_load %arg15[%get3A_1580, %get3A_1581] {strides = array<i32>} : memref<64x64xf32, #tpu.memory_space<vmem>>, vector<16xf32>,
        %add3A_1583 = arith.addf %get3A_1579, %get3A_1582 : vector<16xf32>
        %max3A_1584 = arith.constant 0.000000e+00 : f32
        %max3A_1585 = vector.broadcast %max3A_1584 : f32 to vector<16xf32>
        %max3A_1586 = arith.maximumf %add3A_1583, %max3A_1585 : vector<16xf32>
        %mul3A_1587 = arith.mulf %max3A_1586, %get3A_11 : vector<16xf32>
        %get3A_1588 = arith.index_cast %add3A_1576 : i32 to index
        %get3A_1589 = arith.constant 16 : index
        %get3A_1590 = tpu.vector_load %arg13[%get3A_1588, %get3A_1589] {strides = array<i32>} : memref<64x64xf32, #tpu.memory_space<vmem>>, vector<16xf32>,
        %get3A_1591 = arith.index_cast %add3A_1576 : i32 to index
        %get3A_1592 = arith.constant 16 : index
        %get3A_1593 = tpu.vector_load %arg15[%get3A_1591, %get3A_1592] {strides = array<i32>} : memref<64x64xf32, #tpu.memory_space<vmem>>, vector<16xf32>,
        %add3A_1594 = arith.addf %get3A_1590, %get3A_1593 : vector<16xf32>
        %max3A_1595 = arith.constant 0.000000e+00 : f32
        %max3A_1596 = vector.broadcast %max3A_1595 : f32 to vector<16xf32>
        %max3A_1597 = arith.maximumf %add3A_1594, %max3A_1596 : vector<16xf32>
        %mul3A_1598 = arith.mulf %max3A_1597, %get3A_13 : vector<16xf32>
        %get3A_1599 = arith.index_cast %add3A_1576 : i32 to index
        %get3A_1600 = arith.constant 32 : index
        %get3A_1601 = tpu.vector_load %arg13[%get3A_1599, %get3A_1600] {strides = array<i32>} : memref<64x64xf32, #tpu.memory_space<vmem>>, vector<16xf32>,
        %get3A_1602 = arith.index_cast %add3A_1576 : i32 to index
        %get3A_1603 = arith.constant 32 : index
        %get3A_1604 = tpu.vector_load %arg15[%get3A_1602, %get3A_1603] {strides = array<i32>} : memref<64x64xf32, #tpu.memory_space<vmem>>, vector<16xf32>,
        %add3A_1605 = arith.addf %get3A_1601, %get3A_1604 : vector<16xf32>
        %max3A_1606 = arith.constant 0.000000e+00 : f32
        %max3A_1607 = vector.broadcast %max3A_1606 : f32 to vector<16xf32>
        %max3A_1608 = arith.maximumf %add3A_1605, %max3A_1607 : vector<16xf32>
        %mul3A_1609 = arith.mulf %max3A_1608, %get3A_15 : vector<16xf32>
        %get3A_1610 = arith.index_cast %add3A_1576 : i32 to index
        %get3A_1611 = arith.constant 48 : index
        %get3A_1612 = tpu.vector_load %arg13[%get3A_1610, %get3A_1611] {strides = array<i32>} : memref<64x64xf32, #tpu.memory_space<vmem>>, vector<16xf32>,
        %get3A_1613 = arith.index_cast %add3A_1576 : i32 to index
        %get3A_1614 = arith.constant 48 : index
        %get3A_1615 = tpu.vector_load %arg15[%get3A_1613, %get3A_1614] {strides = array<i32>} : memref<64x64xf32, #tpu.memory_space<vmem>>, vector<16xf32>,
        %add3A_1616 = arith.addf %get3A_1612, %get3A_1615 : vector<16xf32>
        %max3A_1617 = arith.constant 0.000000e+00 : f32
        %max3A_1618 = vector.broadcast %max3A_1617 : f32 to vector<16xf32>
        %max3A_1619 = arith.maximumf %add3A_1616, %max3A_1618 : vector<16xf32>
        %mul3A_1620 = arith.mulf %max3A_1619, %get3A_17 : vector<16xf32>
        %add3A_1621 = arith.addf %mul3A_1587, %mul3A_1598 : vector<16xf32>
        %add3A_1622 = arith.addf %mul3A_1609, %mul3A_1620 : vector<16xf32>
        %add3A_1623 = arith.addf %add3A_1621, %add3A_1622 : vector<16xf32>
        %swap3A_1624 = arith.constant 7 : i32
        %swap3A_1625 = arith.index_cast %swap3A_1624 : i32 to index
        %swap3A_1626 = arith.constant 0 : index
        %swap3A_1627 = tpu.vector_load %arg18[%swap3A_1625, %swap3A_1626] {strides = array<i32>} : memref<16x17xf32, #tpu.memory_space<vmem>>, vector<16xf32>,
        tpu.vector_store %arg18[%swap3A_1625, %swap3A_1626], %add3A_1623 {strides = array<i32>} : memref<16x17xf32, #tpu.memory_space<vmem>>, vector<16xf32>,
        %mul3A_1628 = arith.constant 16 : i32
        %mul3A_1629 = arith.muli %scan3A_1187, %mul3A_1628 : i32
        %add3A_1630 = arith.constant 8 : i32
        %add3A_1631 = arith.addi %mul3A_1629, %add3A_1630 : i32
        %get3A_1632 = arith.index_cast %add3A_1631 : i32 to index
        %get3A_1633 = arith.constant 0 : index
        %get3A_1634 = tpu.vector_load %arg13[%get3A_1632, %get3A_1633] {strides = array<i32>} : memref<64x64xf32, #tpu.memory_space<vmem>>, vector<16xf32>,
        %get3A_1635 = arith.index_cast %add3A_1631 : i32 to index
        %get3A_1636 = arith.constant 0 : index
        %get3A_1637 = tpu.vector_load %arg15[%get3A_1635, %get3A_1636] {strides = array<i32>} : memref<64x64xf32, #tpu.memory_space<vmem>>, vector<16xf32>,
        %add3A_1638 = arith.addf %get3A_1634, %get3A_1637 : vector<16xf32>
        %max3A_1639 = arith.constant 0.000000e+00 : f32
        %max3A_1640 = vector.broadcast %max3A_1639 : f32 to vector<16xf32>
        %max3A_1641 = arith.maximumf %add3A_1638, %max3A_1640 : vector<16xf32>
        %mul3A_1642 = arith.mulf %max3A_1641, %get3A_11 : vector<16xf32>
        %get3A_1643 = arith.index_cast %add3A_1631 : i32 to index
        %get3A_1644 = arith.constant 16 : index
        %get3A_1645 = tpu.vector_load %arg13[%get3A_1643, %get3A_1644] {strides = array<i32>} : memref<64x64xf32, #tpu.memory_space<vmem>>, vector<16xf32>,
        %get3A_1646 = arith.index_cast %add3A_1631 : i32 to index
        %get3A_1647 = arith.constant 16 : index
        %get3A_1648 = tpu.vector_load %arg15[%get3A_1646, %get3A_1647] {strides = array<i32>} : memref<64x64xf32, #tpu.memory_space<vmem>>, vector<16xf32>,
        %add3A_1649 = arith.addf %get3A_1645, %get3A_1648 : vector<16xf32>
        %max3A_1650 = arith.constant 0.000000e+00 : f32
        %max3A_1651 = vector.broadcast %max3A_1650 : f32 to vector<16xf32>
        %max3A_1652 = arith.maximumf %add3A_1649, %max3A_1651 : vector<16xf32>
        %mul3A_1653 = arith.mulf %max3A_1652, %get3A_13 : vector<16xf32>
        %get3A_1654 = arith.index_cast %add3A_1631 : i32 to index
        %get3A_1655 = arith.constant 32 : index
        %get3A_1656 = tpu.vector_load %arg13[%get3A_1654, %get3A_1655] {strides = array<i32>} : memref<64x64xf32, #tpu.memory_space<vmem>>, vector<16xf32>,
        %get3A_1657 = arith.index_cast %add3A_1631 : i32 to index
        %get3A_1658 = arith.constant 32 : index
        %get3A_1659 = tpu.vector_load %arg15[%get3A_1657, %get3A_1658] {strides = array<i32>} : memref<64x64xf32, #tpu.memory_space<vmem>>, vector<16xf32>,
        %add3A_1660 = arith.addf %get3A_1656, %get3A_1659 : vector<16xf32>
        %max3A_1661 = arith.constant 0.000000e+00 : f32
        %max3A_1662 = vector.broadcast %max3A_1661 : f32 to vector<16xf32>
        %max3A_1663 = arith.maximumf %add3A_1660, %max3A_1662 : vector<16xf32>
        %mul3A_1664 = arith.mulf %max3A_1663, %get3A_15 : vector<16xf32>
        %get3A_1665 = arith.index_cast %add3A_1631 : i32 to index
        %get3A_1666 = arith.constant 48 : index
        %get3A_1667 = tpu.vector_load %arg13[%get3A_1665, %get3A_1666] {strides = array<i32>} : memref<64x64xf32, #tpu.memory_space<vmem>>, vector<16xf32>,
        %get3A_1668 = arith.index_cast %add3A_1631 : i32 to index
        %get3A_1669 = arith.constant 48 : index
        %get3A_1670 = tpu.vector_load %arg15[%get3A_1668, %get3A_1669] {strides = array<i32>} : memref<64x64xf32, #tpu.memory_space<vmem>>, vector<16xf32>,
        %add3A_1671 = arith.addf %get3A_1667, %get3A_1670 : vector<16xf32>
        %max3A_1672 = arith.constant 0.000000e+00 : f32
        %max3A_1673 = vector.broadcast %max3A_1672 : f32 to vector<16xf32>
        %max3A_1674 = arith.maximumf %add3A_1671, %max3A_1673 : vector<16xf32>
        %mul3A_1675 = arith.mulf %max3A_1674, %get3A_17 : vector<16xf32>
        %add3A_1676 = arith.addf %mul3A_1642, %mul3A_1653 : vector<16xf32>
        %add3A_1677 = arith.addf %mul3A_1664, %mul3A_1675 : vector<16xf32>
        %add3A_1678 = arith.addf %add3A_1676, %add3A_1677 : vector<16xf32>
        %swap3A_1679 = arith.constant 8 : i32
        %swap3A_1680 = arith.index_cast %swap3A_1679 : i32 to index
        %swap3A_1681 = arith.constant 0 : index
        %swap3A_1682 = tpu.vector_load %arg18[%swap3A_1680, %swap3A_1681] {strides = array<i32>} : memref<16x17xf32, #tpu.memory_space<vmem>>, vector<16xf32>,
        tpu.vector_store %arg18[%swap3A_1680, %swap3A_1681], %add3A_1678 {strides = array<i32>} : memref<16x17xf32, #tpu.memory_space<vmem>>, vector<16xf32>,
        %mul3A_1683 = arith.constant 16 : i32
        %mul3A_1684 = arith.muli %scan3A_1187, %mul3A_1683 : i32
        %add3A_1685 = arith.constant 9 : i32
        %add3A_1686 = arith.addi %mul3A_1684, %add3A_1685 : i32
        %get3A_1687 = arith.index_cast %add3A_1686 : i32 to index
        %get3A_1688 = arith.constant 0 : index
        %get3A_1689 = tpu.vector_load %arg13[%get3A_1687, %get3A_1688] {strides = array<i32>} : memref<64x64xf32, #tpu.memory_space<vmem>>, vector<16xf32>,
        %get3A_1690 = arith.index_cast %add3A_1686 : i32 to index
        %get3A_1691 = arith.constant 0 : index
        %get3A_1692 = tpu.vector_load %arg15[%get3A_1690, %get3A_1691] {strides = array<i32>} : memref<64x64xf32, #tpu.memory_space<vmem>>, vector<16xf32>,
        %add3A_1693 = arith.addf %get3A_1689, %get3A_1692 : vector<16xf32>
        %max3A_1694 = arith.constant 0.000000e+00 : f32
        %max3A_1695 = vector.broadcast %max3A_1694 : f32 to vector<16xf32>
        %max3A_1696 = arith.maximumf %add3A_1693, %max3A_1695 : vector<16xf32>
        %mul3A_1697 = arith.mulf %max3A_1696, %get3A_11 : vector<16xf32>
        %get3A_1698 = arith.index_cast %add3A_1686 : i32 to index
        %get3A_1699 = arith.constant 16 : index
        %get3A_1700 = tpu.vector_load %arg13[%get3A_1698, %get3A_1699] {strides = array<i32>} : memref<64x64xf32, #tpu.memory_space<vmem>>, vector<16xf32>,
        %get3A_1701 = arith.index_cast %add3A_1686 : i32 to index
        %get3A_1702 = arith.constant 16 : index
        %get3A_1703 = tpu.vector_load %arg15[%get3A_1701, %get3A_1702] {strides = array<i32>} : memref<64x64xf32, #tpu.memory_space<vmem>>, vector<16xf32>,
        %add3A_1704 = arith.addf %get3A_1700, %get3A_1703 : vector<16xf32>
        %max3A_1705 = arith.constant 0.000000e+00 : f32
        %max3A_1706 = vector.broadcast %max3A_1705 : f32 to vector<16xf32>
        %max3A_1707 = arith.maximumf %add3A_1704, %max3A_1706 : vector<16xf32>
        %mul3A_1708 = arith.mulf %max3A_1707, %get3A_13 : vector<16xf32>
        %get3A_1709 = arith.index_cast %add3A_1686 : i32 to index
        %get3A_1710 = arith.constant 32 : index
        %get3A_1711 = tpu.vector_load %arg13[%get3A_1709, %get3A_1710] {strides = array<i32>} : memref<64x64xf32, #tpu.memory_space<vmem>>, vector<16xf32>,
        %get3A_1712 = arith.index_cast %add3A_1686 : i32 to index
        %get3A_1713 = arith.constant 32 : index
        %get3A_1714 = tpu.vector_load %arg15[%get3A_1712, %get3A_1713] {strides = array<i32>} : memref<64x64xf32, #tpu.memory_space<vmem>>, vector<16xf32>,
        %add3A_1715 = arith.addf %get3A_1711, %get3A_1714 : vector<16xf32>
        %max3A_1716 = arith.constant 0.000000e+00 : f32
        %max3A_1717 = vector.broadcast %max3A_1716 : f32 to vector<16xf32>
        %max3A_1718 = arith.maximumf %add3A_1715, %max3A_1717 : vector<16xf32>
        %mul3A_1719 = arith.mulf %max3A_1718, %get3A_15 : vector<16xf32>
        %get3A_1720 = arith.index_cast %add3A_1686 : i32 to index
        %get3A_1721 = arith.constant 48 : index
        %get3A_1722 = tpu.vector_load %arg13[%get3A_1720, %get3A_1721] {strides = array<i32>} : memref<64x64xf32, #tpu.memory_space<vmem>>, vector<16xf32>,
        %get3A_1723 = arith.index_cast %add3A_1686 : i32 to index
        %get3A_1724 = arith.constant 48 : index
        %get3A_1725 = tpu.vector_load %arg15[%get3A_1723, %get3A_1724] {strides = array<i32>} : memref<64x64xf32, #tpu.memory_space<vmem>>, vector<16xf32>,
        %add3A_1726 = arith.addf %get3A_1722, %get3A_1725 : vector<16xf32>
        %max3A_1727 = arith.constant 0.000000e+00 : f32
        %max3A_1728 = vector.broadcast %max3A_1727 : f32 to vector<16xf32>
        %max3A_1729 = arith.maximumf %add3A_1726, %max3A_1728 : vector<16xf32>
        %mul3A_1730 = arith.mulf %max3A_1729, %get3A_17 : vector<16xf32>
        %add3A_1731 = arith.addf %mul3A_1697, %mul3A_1708 : vector<16xf32>
        %add3A_1732 = arith.addf %mul3A_1719, %mul3A_1730 : vector<16xf32>
        %add3A_1733 = arith.addf %add3A_1731, %add3A_1732 : vector<16xf32>
        %swap3A_1734 = arith.constant 9 : i32
        %swap3A_1735 = arith.index_cast %swap3A_1734 : i32 to index
        %swap3A_1736 = arith.constant 0 : index
        %swap3A_1737 = tpu.vector_load %arg18[%swap3A_1735, %swap3A_1736] {strides = array<i32>} : memref<16x17xf32, #tpu.memory_space<vmem>>, vector<16xf32>,
        tpu.vector_store %arg18[%swap3A_1735, %swap3A_1736], %add3A_1733 {strides = array<i32>} : memref<16x17xf32, #tpu.memory_space<vmem>>, vector<16xf32>,
        %mul3A_1738 = arith.constant 16 : i32
        %mul3A_1739 = arith.muli %scan3A_1187, %mul3A_1738 : i32
        %add3A_1740 = arith.constant 10 : i32
        %add3A_1741 = arith.addi %mul3A_1739, %add3A_1740 : i32
        %get3A_1742 = arith.index_cast %add3A_1741 : i32 to index
        %get3A_1743 = arith.constant 0 : index
        %get3A_1744 = tpu.vector_load %arg13[%get3A_1742, %get3A_1743] {strides = array<i32>} : memref<64x64xf32, #tpu.memory_space<vmem>>, vector<16xf32>,
        %get3A_1745 = arith.index_cast %add3A_1741 : i32 to index
        %get3A_1746 = arith.constant 0 : index
        %get3A_1747 = tpu.vector_load %arg15[%get3A_1745, %get3A_1746] {strides = array<i32>} : memref<64x64xf32, #tpu.memory_space<vmem>>, vector<16xf32>,
        %add3A_1748 = arith.addf %get3A_1744, %get3A_1747 : vector<16xf32>
        %max3A_1749 = arith.constant 0.000000e+00 : f32
        %max3A_1750 = vector.broadcast %max3A_1749 : f32 to vector<16xf32>
        %max3A_1751 = arith.maximumf %add3A_1748, %max3A_1750 : vector<16xf32>
        %mul3A_1752 = arith.mulf %max3A_1751, %get3A_11 : vector<16xf32>
        %get3A_1753 = arith.index_cast %add3A_1741 : i32 to index
        %get3A_1754 = arith.constant 16 : index
        %get3A_1755 = tpu.vector_load %arg13[%get3A_1753, %get3A_1754] {strides = array<i32>} : memref<64x64xf32, #tpu.memory_space<vmem>>, vector<16xf32>,
        %get3A_1756 = arith.index_cast %add3A_1741 : i32 to index
        %get3A_1757 = arith.constant 16 : index
        %get3A_1758 = tpu.vector_load %arg15[%get3A_1756, %get3A_1757] {strides = array<i32>} : memref<64x64xf32, #tpu.memory_space<vmem>>, vector<16xf32>,
        %add3A_1759 = arith.addf %get3A_1755, %get3A_1758 : vector<16xf32>
        %max3A_1760 = arith.constant 0.000000e+00 : f32
        %max3A_1761 = vector.broadcast %max3A_1760 : f32 to vector<16xf32>
        %max3A_1762 = arith.maximumf %add3A_1759, %max3A_1761 : vector<16xf32>
        %mul3A_1763 = arith.mulf %max3A_1762, %get3A_13 : vector<16xf32>
        %get3A_1764 = arith.index_cast %add3A_1741 : i32 to index
        %get3A_1765 = arith.constant 32 : index
        %get3A_1766 = tpu.vector_load %arg13[%get3A_1764, %get3A_1765] {strides = array<i32>} : memref<64x64xf32, #tpu.memory_space<vmem>>, vector<16xf32>,
        %get3A_1767 = arith.index_cast %add3A_1741 : i32 to index
        %get3A_1768 = arith.constant 32 : index
        %get3A_1769 = tpu.vector_load %arg15[%get3A_1767, %get3A_1768] {strides = array<i32>} : memref<64x64xf32, #tpu.memory_space<vmem>>, vector<16xf32>,
        %add3A_1770 = arith.addf %get3A_1766, %get3A_1769 : vector<16xf32>
        %max3A_1771 = arith.constant 0.000000e+00 : f32
        %max3A_1772 = vector.broadcast %max3A_1771 : f32 to vector<16xf32>
        %max3A_1773 = arith.maximumf %add3A_1770, %max3A_1772 : vector<16xf32>
        %mul3A_1774 = arith.mulf %max3A_1773, %get3A_15 : vector<16xf32>
        %get3A_1775 = arith.index_cast %add3A_1741 : i32 to index
        %get3A_1776 = arith.constant 48 : index
        %get3A_1777 = tpu.vector_load %arg13[%get3A_1775, %get3A_1776] {strides = array<i32>} : memref<64x64xf32, #tpu.memory_space<vmem>>, vector<16xf32>,
        %get3A_1778 = arith.index_cast %add3A_1741 : i32 to index
        %get3A_1779 = arith.constant 48 : index
        %get3A_1780 = tpu.vector_load %arg15[%get3A_1778, %get3A_1779] {strides = array<i32>} : memref<64x64xf32, #tpu.memory_space<vmem>>, vector<16xf32>,
        %add3A_1781 = arith.addf %get3A_1777, %get3A_1780 : vector<16xf32>
        %max3A_1782 = arith.constant 0.000000e+00 : f32
        %max3A_1783 = vector.broadcast %max3A_1782 : f32 to vector<16xf32>
        %max3A_1784 = arith.maximumf %add3A_1781, %max3A_1783 : vector<16xf32>
        %mul3A_1785 = arith.mulf %max3A_1784, %get3A_17 : vector<16xf32>
        %add3A_1786 = arith.addf %mul3A_1752, %mul3A_1763 : vector<16xf32>
        %add3A_1787 = arith.addf %mul3A_1774, %mul3A_1785 : vector<16xf32>
        %add3A_1788 = arith.addf %add3A_1786, %add3A_1787 : vector<16xf32>
        %swap3A_1789 = arith.constant 10 : i32
        %swap3A_1790 = arith.index_cast %swap3A_1789 : i32 to index
        %swap3A_1791 = arith.constant 0 : index
        %swap3A_1792 = tpu.vector_load %arg18[%swap3A_1790, %swap3A_1791] {strides = array<i32>} : memref<16x17xf32, #tpu.memory_space<vmem>>, vector<16xf32>,
        tpu.vector_store %arg18[%swap3A_1790, %swap3A_1791], %add3A_1788 {strides = array<i32>} : memref<16x17xf32, #tpu.memory_space<vmem>>, vector<16xf32>,
        %mul3A_1793 = arith.constant 16 : i32
        %mul3A_1794 = arith.muli %scan3A_1187, %mul3A_1793 : i32
        %add3A_1795 = arith.constant 11 : i32
        %add3A_1796 = arith.addi %mul3A_1794, %add3A_1795 : i32
        %get3A_1797 = arith.index_cast %add3A_1796 : i32 to index
        %get3A_1798 = arith.constant 0 : index
        %get3A_1799 = tpu.vector_load %arg13[%get3A_1797, %get3A_1798] {strides = array<i32>} : memref<64x64xf32, #tpu.memory_space<vmem>>, vector<16xf32>,
        %get3A_1800 = arith.index_cast %add3A_1796 : i32 to index
        %get3A_1801 = arith.constant 0 : index
        %get3A_1802 = tpu.vector_load %arg15[%get3A_1800, %get3A_1801] {strides = array<i32>} : memref<64x64xf32, #tpu.memory_space<vmem>>, vector<16xf32>,
        %add3A_1803 = arith.addf %get3A_1799, %get3A_1802 : vector<16xf32>
        %max3A_1804 = arith.constant 0.000000e+00 : f32
        %max3A_1805 = vector.broadcast %max3A_1804 : f32 to vector<16xf32>
        %max3A_1806 = arith.maximumf %add3A_1803, %max3A_1805 : vector<16xf32>
        %mul3A_1807 = arith.mulf %max3A_1806, %get3A_11 : vector<16xf32>
        %get3A_1808 = arith.index_cast %add3A_1796 : i32 to index
        %get3A_1809 = arith.constant 16 : index
        %get3A_1810 = tpu.vector_load %arg13[%get3A_1808, %get3A_1809] {strides = array<i32>} : memref<64x64xf32, #tpu.memory_space<vmem>>, vector<16xf32>,
        %get3A_1811 = arith.index_cast %add3A_1796 : i32 to index
        %get3A_1812 = arith.constant 16 : index
        %get3A_1813 = tpu.vector_load %arg15[%get3A_1811, %get3A_1812] {strides = array<i32>} : memref<64x64xf32, #tpu.memory_space<vmem>>, vector<16xf32>,
        %add3A_1814 = arith.addf %get3A_1810, %get3A_1813 : vector<16xf32>
        %max3A_1815 = arith.constant 0.000000e+00 : f32
        %max3A_1816 = vector.broadcast %max3A_1815 : f32 to vector<16xf32>
        %max3A_1817 = arith.maximumf %add3A_1814, %max3A_1816 : vector<16xf32>
        %mul3A_1818 = arith.mulf %max3A_1817, %get3A_13 : vector<16xf32>
        %get3A_1819 = arith.index_cast %add3A_1796 : i32 to index
        %get3A_1820 = arith.constant 32 : index
        %get3A_1821 = tpu.vector_load %arg13[%get3A_1819, %get3A_1820] {strides = array<i32>} : memref<64x64xf32, #tpu.memory_space<vmem>>, vector<16xf32>,
        %get3A_1822 = arith.index_cast %add3A_1796 : i32 to index
        %get3A_1823 = arith.constant 32 : index
        %get3A_1824 = tpu.vector_load %arg15[%get3A_1822, %get3A_1823] {strides = array<i32>} : memref<64x64xf32, #tpu.memory_space<vmem>>, vector<16xf32>,
        %add3A_1825 = arith.addf %get3A_1821, %get3A_1824 : vector<16xf32>
        %max3A_1826 = arith.constant 0.000000e+00 : f32
        %max3A_1827 = vector.broadcast %max3A_1826 : f32 to vector<16xf32>
        %max3A_1828 = arith.maximumf %add3A_1825, %max3A_1827 : vector<16xf32>
        %mul3A_1829 = arith.mulf %max3A_1828, %get3A_15 : vector<16xf32>
        %get3A_1830 = arith.index_cast %add3A_1796 : i32 to index
        %get3A_1831 = arith.constant 48 : index
        %get3A_1832 = tpu.vector_load %arg13[%get3A_1830, %get3A_1831] {strides = array<i32>} : memref<64x64xf32, #tpu.memory_space<vmem>>, vector<16xf32>,
        %get3A_1833 = arith.index_cast %add3A_1796 : i32 to index
        %get3A_1834 = arith.constant 48 : index
        %get3A_1835 = tpu.vector_load %arg15[%get3A_1833, %get3A_1834] {strides = array<i32>} : memref<64x64xf32, #tpu.memory_space<vmem>>, vector<16xf32>,
        %add3A_1836 = arith.addf %get3A_1832, %get3A_1835 : vector<16xf32>
        %max3A_1837 = arith.constant 0.000000e+00 : f32
        %max3A_1838 = vector.broadcast %max3A_1837 : f32 to vector<16xf32>
        %max3A_1839 = arith.maximumf %add3A_1836, %max3A_1838 : vector<16xf32>
        %mul3A_1840 = arith.mulf %max3A_1839, %get3A_17 : vector<16xf32>
        %add3A_1841 = arith.addf %mul3A_1807, %mul3A_1818 : vector<16xf32>
        %add3A_1842 = arith.addf %mul3A_1829, %mul3A_1840 : vector<16xf32>
        %add3A_1843 = arith.addf %add3A_1841, %add3A_1842 : vector<16xf32>
        %swap3A_1844 = arith.constant 11 : i32
        %swap3A_1845 = arith.index_cast %swap3A_1844 : i32 to index
        %swap3A_1846 = arith.constant 0 : index
        %swap3A_1847 = tpu.vector_load %arg18[%swap3A_1845, %swap3A_1846] {strides = array<i32>} : memref<16x17xf32, #tpu.memory_space<vmem>>, vector<16xf32>,
        tpu.vector_store %arg18[%swap3A_1845, %swap3A_1846], %add3A_1843 {strides = array<i32>} : memref<16x17xf32, #tpu.memory_space<vmem>>, vector<16xf32>,
        %mul3A_1848 = arith.constant 16 : i32
        %mul3A_1849 = arith.muli %scan3A_1187, %mul3A_1848 : i32
        %add3A_1850 = arith.constant 12 : i32
        %add3A_1851 = arith.addi %mul3A_1849, %add3A_1850 : i32
        %get3A_1852 = arith.index_cast %add3A_1851 : i32 to index
        %get3A_1853 = arith.constant 0 : index
        %get3A_1854 = tpu.vector_load %arg13[%get3A_1852, %get3A_1853] {strides = array<i32>} : memref<64x64xf32, #tpu.memory_space<vmem>>, vector<16xf32>,
        %get3A_1855 = arith.index_cast %add3A_1851 : i32 to index
        %get3A_1856 = arith.constant 0 : index
        %get3A_1857 = tpu.vector_load %arg15[%get3A_1855, %get3A_1856] {strides = array<i32>} : memref<64x64xf32, #tpu.memory_space<vmem>>, vector<16xf32>,
        %add3A_1858 = arith.addf %get3A_1854, %get3A_1857 : vector<16xf32>
        %max3A_1859 = arith.constant 0.000000e+00 : f32
        %max3A_1860 = vector.broadcast %max3A_1859 : f32 to vector<16xf32>
        %max3A_1861 = arith.maximumf %add3A_1858, %max3A_1860 : vector<16xf32>
        %mul3A_1862 = arith.mulf %max3A_1861, %get3A_11 : vector<16xf32>
        %get3A_1863 = arith.index_cast %add3A_1851 : i32 to index
        %get3A_1864 = arith.constant 16 : index
        %get3A_1865 = tpu.vector_load %arg13[%get3A_1863, %get3A_1864] {strides = array<i32>} : memref<64x64xf32, #tpu.memory_space<vmem>>, vector<16xf32>,
        %get3A_1866 = arith.index_cast %add3A_1851 : i32 to index
        %get3A_1867 = arith.constant 16 : index
        %get3A_1868 = tpu.vector_load %arg15[%get3A_1866, %get3A_1867] {strides = array<i32>} : memref<64x64xf32, #tpu.memory_space<vmem>>, vector<16xf32>,
        %add3A_1869 = arith.addf %get3A_1865, %get3A_1868 : vector<16xf32>
        %max3A_1870 = arith.constant 0.000000e+00 : f32
        %max3A_1871 = vector.broadcast %max3A_1870 : f32 to vector<16xf32>
        %max3A_1872 = arith.maximumf %add3A_1869, %max3A_1871 : vector<16xf32>
        %mul3A_1873 = arith.mulf %max3A_1872, %get3A_13 : vector<16xf32>
        %get3A_1874 = arith.index_cast %add3A_1851 : i32 to index
        %get3A_1875 = arith.constant 32 : index
        %get3A_1876 = tpu.vector_load %arg13[%get3A_1874, %get3A_1875] {strides = array<i32>} : memref<64x64xf32, #tpu.memory_space<vmem>>, vector<16xf32>,
        %get3A_1877 = arith.index_cast %add3A_1851 : i32 to index
        %get3A_1878 = arith.constant 32 : index
        %get3A_1879 = tpu.vector_load %arg15[%get3A_1877, %get3A_1878] {strides = array<i32>} : memref<64x64xf32, #tpu.memory_space<vmem>>, vector<16xf32>,
        %add3A_1880 = arith.addf %get3A_1876, %get3A_1879 : vector<16xf32>
        %max3A_1881 = arith.constant 0.000000e+00 : f32
        %max3A_1882 = vector.broadcast %max3A_1881 : f32 to vector<16xf32>
        %max3A_1883 = arith.maximumf %add3A_1880, %max3A_1882 : vector<16xf32>
        %mul3A_1884 = arith.mulf %max3A_1883, %get3A_15 : vector<16xf32>
        %get3A_1885 = arith.index_cast %add3A_1851 : i32 to index
        %get3A_1886 = arith.constant 48 : index
        %get3A_1887 = tpu.vector_load %arg13[%get3A_1885, %get3A_1886] {strides = array<i32>} : memref<64x64xf32, #tpu.memory_space<vmem>>, vector<16xf32>,
        %get3A_1888 = arith.index_cast %add3A_1851 : i32 to index
        %get3A_1889 = arith.constant 48 : index
        %get3A_1890 = tpu.vector_load %arg15[%get3A_1888, %get3A_1889] {strides = array<i32>} : memref<64x64xf32, #tpu.memory_space<vmem>>, vector<16xf32>,
        %add3A_1891 = arith.addf %get3A_1887, %get3A_1890 : vector<16xf32>
        %max3A_1892 = arith.constant 0.000000e+00 : f32
        %max3A_1893 = vector.broadcast %max3A_1892 : f32 to vector<16xf32>
        %max3A_1894 = arith.maximumf %add3A_1891, %max3A_1893 : vector<16xf32>
        %mul3A_1895 = arith.mulf %max3A_1894, %get3A_17 : vector<16xf32>
        %add3A_1896 = arith.addf %mul3A_1862, %mul3A_1873 : vector<16xf32>
        %add3A_1897 = arith.addf %mul3A_1884, %mul3A_1895 : vector<16xf32>
        %add3A_1898 = arith.addf %add3A_1896, %add3A_1897 : vector<16xf32>
        %swap3A_1899 = arith.constant 12 : i32
        %swap3A_1900 = arith.index_cast %swap3A_1899 : i32 to index
        %swap3A_1901 = arith.constant 0 : index
        %swap3A_1902 = tpu.vector_load %arg18[%swap3A_1900, %swap3A_1901] {strides = array<i32>} : memref<16x17xf32, #tpu.memory_space<vmem>>, vector<16xf32>,
        tpu.vector_store %arg18[%swap3A_1900, %swap3A_1901], %add3A_1898 {strides = array<i32>} : memref<16x17xf32, #tpu.memory_space<vmem>>, vector<16xf32>,
        %mul3A_1903 = arith.constant 16 : i32
        %mul3A_1904 = arith.muli %scan3A_1187, %mul3A_1903 : i32
        %add3A_1905 = arith.constant 13 : i32
        %add3A_1906 = arith.addi %mul3A_1904, %add3A_1905 : i32
        %get3A_1907 = arith.index_cast %add3A_1906 : i32 to index
        %get3A_1908 = arith.constant 0 : index
        %get3A_1909 = tpu.vector_load %arg13[%get3A_1907, %get3A_1908] {strides = array<i32>} : memref<64x64xf32, #tpu.memory_space<vmem>>, vector<16xf32>,
        %get3A_1910 = arith.index_cast %add3A_1906 : i32 to index
        %get3A_1911 = arith.constant 0 : index
        %get3A_1912 = tpu.vector_load %arg15[%get3A_1910, %get3A_1911] {strides = array<i32>} : memref<64x64xf32, #tpu.memory_space<vmem>>, vector<16xf32>,
        %add3A_1913 = arith.addf %get3A_1909, %get3A_1912 : vector<16xf32>
        %max3A_1914 = arith.constant 0.000000e+00 : f32
        %max3A_1915 = vector.broadcast %max3A_1914 : f32 to vector<16xf32>
        %max3A_1916 = arith.maximumf %add3A_1913, %max3A_1915 : vector<16xf32>
        %mul3A_1917 = arith.mulf %max3A_1916, %get3A_11 : vector<16xf32>
        %get3A_1918 = arith.index_cast %add3A_1906 : i32 to index
        %get3A_1919 = arith.constant 16 : index
        %get3A_1920 = tpu.vector_load %arg13[%get3A_1918, %get3A_1919] {strides = array<i32>} : memref<64x64xf32, #tpu.memory_space<vmem>>, vector<16xf32>,
        %get3A_1921 = arith.index_cast %add3A_1906 : i32 to index
        %get3A_1922 = arith.constant 16 : index
        %get3A_1923 = tpu.vector_load %arg15[%get3A_1921, %get3A_1922] {strides = array<i32>} : memref<64x64xf32, #tpu.memory_space<vmem>>, vector<16xf32>,
        %add3A_1924 = arith.addf %get3A_1920, %get3A_1923 : vector<16xf32>
        %max3A_1925 = arith.constant 0.000000e+00 : f32
        %max3A_1926 = vector.broadcast %max3A_1925 : f32 to vector<16xf32>
        %max3A_1927 = arith.maximumf %add3A_1924, %max3A_1926 : vector<16xf32>
        %mul3A_1928 = arith.mulf %max3A_1927, %get3A_13 : vector<16xf32>
        %get3A_1929 = arith.index_cast %add3A_1906 : i32 to index
        %get3A_1930 = arith.constant 32 : index
        %get3A_1931 = tpu.vector_load %arg13[%get3A_1929, %get3A_1930] {strides = array<i32>} : memref<64x64xf32, #tpu.memory_space<vmem>>, vector<16xf32>,
        %get3A_1932 = arith.index_cast %add3A_1906 : i32 to index
        %get3A_1933 = arith.constant 32 : index
        %get3A_1934 = tpu.vector_load %arg15[%get3A_1932, %get3A_1933] {strides = array<i32>} : memref<64x64xf32, #tpu.memory_space<vmem>>, vector<16xf32>,
        %add3A_1935 = arith.addf %get3A_1931, %get3A_1934 : vector<16xf32>
        %max3A_1936 = arith.constant 0.000000e+00 : f32
        %max3A_1937 = vector.broadcast %max3A_1936 : f32 to vector<16xf32>
        %max3A_1938 = arith.maximumf %add3A_1935, %max3A_1937 : vector<16xf32>
        %mul3A_1939 = arith.mulf %max3A_1938, %get3A_15 : vector<16xf32>
        %get3A_1940 = arith.index_cast %add3A_1906 : i32 to index
        %get3A_1941 = arith.constant 48 : index
        %get3A_1942 = tpu.vector_load %arg13[%get3A_1940, %get3A_1941] {strides = array<i32>} : memref<64x64xf32, #tpu.memory_space<vmem>>, vector<16xf32>,
        %get3A_1943 = arith.index_cast %add3A_1906 : i32 to index
        %get3A_1944 = arith.constant 48 : index
        %get3A_1945 = tpu.vector_load %arg15[%get3A_1943, %get3A_1944] {strides = array<i32>} : memref<64x64xf32, #tpu.memory_space<vmem>>, vector<16xf32>,
        %add3A_1946 = arith.addf %get3A_1942, %get3A_1945 : vector<16xf32>
        %max3A_1947 = arith.constant 0.000000e+00 : f32
        %max3A_1948 = vector.broadcast %max3A_1947 : f32 to vector<16xf32>
        %max3A_1949 = arith.maximumf %add3A_1946, %max3A_1948 : vector<16xf32>
        %mul3A_1950 = arith.mulf %max3A_1949, %get3A_17 : vector<16xf32>
        %add3A_1951 = arith.addf %mul3A_1917, %mul3A_1928 : vector<16xf32>
        %add3A_1952 = arith.addf %mul3A_1939, %mul3A_1950 : vector<16xf32>
        %add3A_1953 = arith.addf %add3A_1951, %add3A_1952 : vector<16xf32>
        %swap3A_1954 = arith.constant 13 : i32
        %swap3A_1955 = arith.index_cast %swap3A_1954 : i32 to index
        %swap3A_1956 = arith.constant 0 : index
        %swap3A_1957 = tpu.vector_load %arg18[%swap3A_1955, %swap3A_1956] {strides = array<i32>} : memref<16x17xf32, #tpu.memory_space<vmem>>, vector<16xf32>,
        tpu.vector_store %arg18[%swap3A_1955, %swap3A_1956], %add3A_1953 {strides = array<i32>} : memref<16x17xf32, #tpu.memory_space<vmem>>, vector<16xf32>,
        %mul3A_1958 = arith.constant 16 : i32
        %mul3A_1959 = arith.muli %scan3A_1187, %mul3A_1958 : i32
        %add3A_1960 = arith.constant 14 : i32
        %add3A_1961 = arith.addi %mul3A_1959, %add3A_1960 : i32
        %get3A_1962 = arith.index_cast %add3A_1961 : i32 to index
        %get3A_1963 = arith.constant 0 : index
        %get3A_1964 = tpu.vector_load %arg13[%get3A_1962, %get3A_1963] {strides = array<i32>} : memref<64x64xf32, #tpu.memory_space<vmem>>, vector<16xf32>,
        %get3A_1965 = arith.index_cast %add3A_1961 : i32 to index
        %get3A_1966 = arith.constant 0 : index
        %get3A_1967 = tpu.vector_load %arg15[%get3A_1965, %get3A_1966] {strides = array<i32>} : memref<64x64xf32, #tpu.memory_space<vmem>>, vector<16xf32>,
        %add3A_1968 = arith.addf %get3A_1964, %get3A_1967 : vector<16xf32>
        %max3A_1969 = arith.constant 0.000000e+00 : f32
        %max3A_1970 = vector.broadcast %max3A_1969 : f32 to vector<16xf32>
        %max3A_1971 = arith.maximumf %add3A_1968, %max3A_1970 : vector<16xf32>
        %mul3A_1972 = arith.mulf %max3A_1971, %get3A_11 : vector<16xf32>
        %get3A_1973 = arith.index_cast %add3A_1961 : i32 to index
        %get3A_1974 = arith.constant 16 : index
        %get3A_1975 = tpu.vector_load %arg13[%get3A_1973, %get3A_1974] {strides = array<i32>} : memref<64x64xf32, #tpu.memory_space<vmem>>, vector<16xf32>,
        %get3A_1976 = arith.index_cast %add3A_1961 : i32 to index
        %get3A_1977 = arith.constant 16 : index
        %get3A_1978 = tpu.vector_load %arg15[%get3A_1976, %get3A_1977] {strides = array<i32>} : memref<64x64xf32, #tpu.memory_space<vmem>>, vector<16xf32>,
        %add3A_1979 = arith.addf %get3A_1975, %get3A_1978 : vector<16xf32>
        %max3A_1980 = arith.constant 0.000000e+00 : f32
        %max3A_1981 = vector.broadcast %max3A_1980 : f32 to vector<16xf32>
        %max3A_1982 = arith.maximumf %add3A_1979, %max3A_1981 : vector<16xf32>
        %mul3A_1983 = arith.mulf %max3A_1982, %get3A_13 : vector<16xf32>
        %get3A_1984 = arith.index_cast %add3A_1961 : i32 to index
        %get3A_1985 = arith.constant 32 : index
        %get3A_1986 = tpu.vector_load %arg13[%get3A_1984, %get3A_1985] {strides = array<i32>} : memref<64x64xf32, #tpu.memory_space<vmem>>, vector<16xf32>,
        %get3A_1987 = arith.index_cast %add3A_1961 : i32 to index
        %get3A_1988 = arith.constant 32 : index
        %get3A_1989 = tpu.vector_load %arg15[%get3A_1987, %get3A_1988] {strides = array<i32>} : memref<64x64xf32, #tpu.memory_space<vmem>>, vector<16xf32>,
        %add3A_1990 = arith.addf %get3A_1986, %get3A_1989 : vector<16xf32>
        %max3A_1991 = arith.constant 0.000000e+00 : f32
        %max3A_1992 = vector.broadcast %max3A_1991 : f32 to vector<16xf32>
        %max3A_1993 = arith.maximumf %add3A_1990, %max3A_1992 : vector<16xf32>
        %mul3A_1994 = arith.mulf %max3A_1993, %get3A_15 : vector<16xf32>
        %get3A_1995 = arith.index_cast %add3A_1961 : i32 to index
        %get3A_1996 = arith.constant 48 : index
        %get3A_1997 = tpu.vector_load %arg13[%get3A_1995, %get3A_1996] {strides = array<i32>} : memref<64x64xf32, #tpu.memory_space<vmem>>, vector<16xf32>,
        %get3A_1998 = arith.index_cast %add3A_1961 : i32 to index
        %get3A_1999 = arith.constant 48 : index
        %get3A_2000 = tpu.vector_load %arg15[%get3A_1998, %get3A_1999] {strides = array<i32>} : memref<64x64xf32, #tpu.memory_space<vmem>>, vector<16xf32>,
        %add3A_2001 = arith.addf %get3A_1997, %get3A_2000 : vector<16xf32>
        %max3A_2002 = arith.constant 0.000000e+00 : f32
        %max3A_2003 = vector.broadcast %max3A_2002 : f32 to vector<16xf32>
        %max3A_2004 = arith.maximumf %add3A_2001, %max3A_2003 : vector<16xf32>
        %mul3A_2005 = arith.mulf %max3A_2004, %get3A_17 : vector<16xf32>
        %add3A_2006 = arith.addf %mul3A_1972, %mul3A_1983 : vector<16xf32>
        %add3A_2007 = arith.addf %mul3A_1994, %mul3A_2005 : vector<16xf32>
        %add3A_2008 = arith.addf %add3A_2006, %add3A_2007 : vector<16xf32>
        %swap3A_2009 = arith.constant 14 : i32
        %swap3A_2010 = arith.index_cast %swap3A_2009 : i32 to index
        %swap3A_2011 = arith.constant 0 : index
        %swap3A_2012 = tpu.vector_load %arg18[%swap3A_2010, %swap3A_2011] {strides = array<i32>} : memref<16x17xf32, #tpu.memory_space<vmem>>, vector<16xf32>,
        tpu.vector_store %arg18[%swap3A_2010, %swap3A_2011], %add3A_2008 {strides = array<i32>} : memref<16x17xf32, #tpu.memory_space<vmem>>, vector<16xf32>,
        %mul3A_2013 = arith.constant 16 : i32
        %mul3A_2014 = arith.muli %scan3A_1187, %mul3A_2013 : i32
        %add3A_2015 = arith.constant 15 : i32
        %add3A_2016 = arith.addi %mul3A_2014, %add3A_2015 : i32
        %get3A_2017 = arith.index_cast %add3A_2016 : i32 to index
        %get3A_2018 = arith.constant 0 : index
        %get3A_2019 = tpu.vector_load %arg13[%get3A_2017, %get3A_2018] {strides = array<i32>} : memref<64x64xf32, #tpu.memory_space<vmem>>, vector<16xf32>,
        %get3A_2020 = arith.index_cast %add3A_2016 : i32 to index
        %get3A_2021 = arith.constant 0 : index
        %get3A_2022 = tpu.vector_load %arg15[%get3A_2020, %get3A_2021] {strides = array<i32>} : memref<64x64xf32, #tpu.memory_space<vmem>>, vector<16xf32>,
        %add3A_2023 = arith.addf %get3A_2019, %get3A_2022 : vector<16xf32>
        %max3A_2024 = arith.constant 0.000000e+00 : f32
        %max3A_2025 = vector.broadcast %max3A_2024 : f32 to vector<16xf32>
        %max3A_2026 = arith.maximumf %add3A_2023, %max3A_2025 : vector<16xf32>
        %mul3A_2027 = arith.mulf %max3A_2026, %get3A_11 : vector<16xf32>
        %get3A_2028 = arith.index_cast %add3A_2016 : i32 to index
        %get3A_2029 = arith.constant 16 : index
        %get3A_2030 = tpu.vector_load %arg13[%get3A_2028, %get3A_2029] {strides = array<i32>} : memref<64x64xf32, #tpu.memory_space<vmem>>, vector<16xf32>,
        %get3A_2031 = arith.index_cast %add3A_2016 : i32 to index
        %get3A_2032 = arith.constant 16 : index
        %get3A_2033 = tpu.vector_load %arg15[%get3A_2031, %get3A_2032] {strides = array<i32>} : memref<64x64xf32, #tpu.memory_space<vmem>>, vector<16xf32>,
        %add3A_2034 = arith.addf %get3A_2030, %get3A_2033 : vector<16xf32>
        %max3A_2035 = arith.constant 0.000000e+00 : f32
        %max3A_2036 = vector.broadcast %max3A_2035 : f32 to vector<16xf32>
        %max3A_2037 = arith.maximumf %add3A_2034, %max3A_2036 : vector<16xf32>
        %mul3A_2038 = arith.mulf %max3A_2037, %get3A_13 : vector<16xf32>
        %get3A_2039 = arith.index_cast %add3A_2016 : i32 to index
        %get3A_2040 = arith.constant 32 : index
        %get3A_2041 = tpu.vector_load %arg13[%get3A_2039, %get3A_2040] {strides = array<i32>} : memref<64x64xf32, #tpu.memory_space<vmem>>, vector<16xf32>,
        %get3A_2042 = arith.index_cast %add3A_2016 : i32 to index
        %get3A_2043 = arith.constant 32 : index
        %get3A_2044 = tpu.vector_load %arg15[%get3A_2042, %get3A_2043] {strides = array<i32>} : memref<64x64xf32, #tpu.memory_space<vmem>>, vector<16xf32>,
        %add3A_2045 = arith.addf %get3A_2041, %get3A_2044 : vector<16xf32>
        %max3A_2046 = arith.constant 0.000000e+00 : f32
        %max3A_2047 = vector.broadcast %max3A_2046 : f32 to vector<16xf32>
        %max3A_2048 = arith.maximumf %add3A_2045, %max3A_2047 : vector<16xf32>
        %mul3A_2049 = arith.mulf %max3A_2048, %get3A_15 : vector<16xf32>
        %get3A_2050 = arith.index_cast %add3A_2016 : i32 to index
        %get3A_2051 = arith.constant 48 : index
        %get3A_2052 = tpu.vector_load %arg13[%get3A_2050, %get3A_2051] {strides = array<i32>} : memref<64x64xf32, #tpu.memory_space<vmem>>, vector<16xf32>,
        %get3A_2053 = arith.index_cast %add3A_2016 : i32 to index
        %get3A_2054 = arith.constant 48 : index
        %get3A_2055 = tpu.vector_load %arg15[%get3A_2053, %get3A_2054] {strides = array<i32>} : memref<64x64xf32, #tpu.memory_space<vmem>>, vector<16xf32>,
        %add3A_2056 = arith.addf %get3A_2052, %get3A_2055 : vector<16xf32>
        %max3A_2057 = arith.constant 0.000000e+00 : f32
        %max3A_2058 = vector.broadcast %max3A_2057 : f32 to vector<16xf32>
        %max3A_2059 = arith.maximumf %add3A_2056, %max3A_2058 : vector<16xf32>
        %mul3A_2060 = arith.mulf %max3A_2059, %get3A_17 : vector<16xf32>
        %add3A_2061 = arith.addf %mul3A_2027, %mul3A_2038 : vector<16xf32>
        %add3A_2062 = arith.addf %mul3A_2049, %mul3A_2060 : vector<16xf32>
        %add3A_2063 = arith.addf %add3A_2061, %add3A_2062 : vector<16xf32>
        %swap3A_2064 = arith.constant 15 : i32
        %swap3A_2065 = arith.index_cast %swap3A_2064 : i32 to index
        %swap3A_2066 = arith.constant 0 : index
        %swap3A_2067 = tpu.vector_load %arg18[%swap3A_2065, %swap3A_2066] {strides = array<i32>} : memref<16x17xf32, #tpu.memory_space<vmem>>, vector<16xf32>,
        tpu.vector_store %arg18[%swap3A_2065, %swap3A_2066], %add3A_2063 {strides = array<i32>} : memref<16x17xf32, #tpu.memory_space<vmem>>, vector<16xf32>,
        %broadcast_in_dim3A_2068 = arith.constant 0 : i32
        %broadcast_in_dim3A_2069 = vector.broadcast %broadcast_in_dim3A_2068 : i32 to vector<16xi32>
        %gather3A_2070 = tpu.vector_load_idx %arg18[%iota3A, %broadcast_in_dim3A_2069] : memref<16x17xf32, #tpu.memory_space<vmem>>[vector<16xi32>, vector<16xi32>], vector<16xf32>,
        %broadcast_in_dim3A_2071 = arith.constant 1 : i32
        %broadcast_in_dim3A_2072 = vector.broadcast %broadcast_in_dim3A_2071 : i32 to vector<16xi32>
        %gather3A_2073 = tpu.vector_load_idx %arg18[%iota3A, %broadcast_in_dim3A_2072] : memref<16x17xf32, #tpu.memory_space<vmem>>[vector<16xi32>, vector<16xi32>], vector<16xf32>,
        %broadcast_in_dim3A_2074 = arith.constant 2 : i32
        %broadcast_in_dim3A_2075 = vector.broadcast %broadcast_in_dim3A_2074 : i32 to vector<16xi32>
        %gather3A_2076 = tpu.vector_load_idx %arg18[%iota3A, %broadcast_in_dim3A_2075] : memref<16x17xf32, #tpu.memory_space<vmem>>[vector<16xi32>, vector<16xi32>], vector<16xf32>,
        %broadcast_in_dim3A_2077 = arith.constant 3 : i32
        %broadcast_in_dim3A_2078 = vector.broadcast %broadcast_in_dim3A_2077 : i32 to vector<16xi32>
        %gather3A_2079 = tpu.vector_load_idx %arg18[%iota3A, %broadcast_in_dim3A_2078] : memref<16x17xf32, #tpu.memory_space<vmem>>[vector<16xi32>, vector<16xi32>], vector<16xf32>,
        %broadcast_in_dim3A_2080 = arith.constant 4 : i32
        %broadcast_in_dim3A_2081 = vector.broadcast %broadcast_in_dim3A_2080 : i32 to vector<16xi32>
        %gather3A_2082 = tpu.vector_load_idx %arg18[%iota3A, %broadcast_in_dim3A_2081] : memref<16x17xf32, #tpu.memory_space<vmem>>[vector<16xi32>, vector<16xi32>], vector<16xf32>,
        %broadcast_in_dim3A_2083 = arith.constant 5 : i32
        %broadcast_in_dim3A_2084 = vector.broadcast %broadcast_in_dim3A_2083 : i32 to vector<16xi32>
        %gather3A_2085 = tpu.vector_load_idx %arg18[%iota3A, %broadcast_in_dim3A_2084] : memref<16x17xf32, #tpu.memory_space<vmem>>[vector<16xi32>, vector<16xi32>], vector<16xf32>,
        %broadcast_in_dim3A_2086 = arith.constant 6 : i32
        %broadcast_in_dim3A_2087 = vector.broadcast %broadcast_in_dim3A_2086 : i32 to vector<16xi32>
        %gather3A_2088 = tpu.vector_load_idx %arg18[%iota3A, %broadcast_in_dim3A_2087] : memref<16x17xf32, #tpu.memory_space<vmem>>[vector<16xi32>, vector<16xi32>], vector<16xf32>,
        %broadcast_in_dim3A_2089 = arith.constant 7 : i32
        %broadcast_in_dim3A_2090 = vector.broadcast %broadcast_in_dim3A_2089 : i32 to vector<16xi32>
        %gather3A_2091 = tpu.vector_load_idx %arg18[%iota3A, %broadcast_in_dim3A_2090] : memref<16x17xf32, #tpu.memory_space<vmem>>[vector<16xi32>, vector<16xi32>], vector<16xf32>,
        %broadcast_in_dim3A_2092 = arith.constant 8 : i32
        %broadcast_in_dim3A_2093 = vector.broadcast %broadcast_in_dim3A_2092 : i32 to vector<16xi32>
        %gather3A_2094 = tpu.vector_load_idx %arg18[%iota3A, %broadcast_in_dim3A_2093] : memref<16x17xf32, #tpu.memory_space<vmem>>[vector<16xi32>, vector<16xi32>], vector<16xf32>,
        %broadcast_in_dim3A_2095 = arith.constant 9 : i32
        %broadcast_in_dim3A_2096 = vector.broadcast %broadcast_in_dim3A_2095 : i32 to vector<16xi32>
        %gather3A_2097 = tpu.vector_load_idx %arg18[%iota3A, %broadcast_in_dim3A_2096] : memref<16x17xf32, #tpu.memory_space<vmem>>[vector<16xi32>, vector<16xi32>], vector<16xf32>,
        %broadcast_in_dim3A_2098 = arith.constant 10 : i32
        %broadcast_in_dim3A_2099 = vector.broadcast %broadcast_in_dim3A_2098 : i32 to vector<16xi32>
        %gather3A_2100 = tpu.vector_load_idx %arg18[%iota3A, %broadcast_in_dim3A_2099] : memref<16x17xf32, #tpu.memory_space<vmem>>[vector<16xi32>, vector<16xi32>], vector<16xf32>,
        %broadcast_in_dim3A_2101 = arith.constant 11 : i32
        %broadcast_in_dim3A_2102 = vector.broadcast %broadcast_in_dim3A_2101 : i32 to vector<16xi32>
        %gather3A_2103 = tpu.vector_load_idx %arg18[%iota3A, %broadcast_in_dim3A_2102] : memref<16x17xf32, #tpu.memory_space<vmem>>[vector<16xi32>, vector<16xi32>], vector<16xf32>,
        %broadcast_in_dim3A_2104 = arith.constant 12 : i32
        %broadcast_in_dim3A_2105 = vector.broadcast %broadcast_in_dim3A_2104 : i32 to vector<16xi32>
        %gather3A_2106 = tpu.vector_load_idx %arg18[%iota3A, %broadcast_in_dim3A_2105] : memref<16x17xf32, #tpu.memory_space<vmem>>[vector<16xi32>, vector<16xi32>], vector<16xf32>,
        %broadcast_in_dim3A_2107 = arith.constant 13 : i32
        %broadcast_in_dim3A_2108 = vector.broadcast %broadcast_in_dim3A_2107 : i32 to vector<16xi32>
        %gather3A_2109 = tpu.vector_load_idx %arg18[%iota3A, %broadcast_in_dim3A_2108] : memref<16x17xf32, #tpu.memory_space<vmem>>[vector<16xi32>, vector<16xi32>], vector<16xf32>,
        %broadcast_in_dim3A_2110 = arith.constant 14 : i32
        %broadcast_in_dim3A_2111 = vector.broadcast %broadcast_in_dim3A_2110 : i32 to vector<16xi32>
        %gather3A_2112 = tpu.vector_load_idx %arg18[%iota3A, %broadcast_in_dim3A_2111] : memref<16x17xf32, #tpu.memory_space<vmem>>[vector<16xi32>, vector<16xi32>], vector<16xf32>,
        %broadcast_in_dim3A_2113 = arith.constant 15 : i32
        %broadcast_in_dim3A_2114 = vector.broadcast %broadcast_in_dim3A_2113 : i32 to vector<16xi32>
        %gather3A_2115 = tpu.vector_load_idx %arg18[%iota3A, %broadcast_in_dim3A_2114] : memref<16x17xf32, #tpu.memory_space<vmem>>[vector<16xi32>, vector<16xi32>], vector<16xf32>,
        %mul3A_2116 = arith.constant 64 : i32
        %mul3A_2117 = arith.muli %add3A_1146, %mul3A_2116 : i32
        %mul3A_2118 = arith.constant 16 : i32
        %mul3A_2119 = arith.muli %scan3A_1187, %mul3A_2118 : i32
        %add3A_2120 = arith.addi %mul3A_2117, %mul3A_2119 : i32
        %mul3A_2121 = arith.constant 16 : i32
        %mul3A_2122 = arith.muli %scan3A_1187, %mul3A_2121 : i32
        %get3A_2123 = arith.index_cast %mul3A_2122 : i32 to index
        %get3A_2124 = tpu.vector_load %arg17[%get3A_2123] {strides = array<i32>} : memref<64xf32, #tpu.memory_space<vmem>>, vector<16xf32>,
        %add3A_2125 = arith.addf %gather3A_2070, %gather3A_2073 : vector<16xf32>
        %add3A_2126 = arith.addf %gather3A_2076, %gather3A_2079 : vector<16xf32>
        %add3A_2127 = arith.addf %gather3A_2082, %gather3A_2085 : vector<16xf32>
        %add3A_2128 = arith.addf %gather3A_2088, %gather3A_2091 : vector<16xf32>
        %add3A_2129 = arith.addf %gather3A_2094, %gather3A_2097 : vector<16xf32>
        %add3A_2130 = arith.addf %gather3A_2100, %gather3A_2103 : vector<16xf32>
        %add3A_2131 = arith.addf %gather3A_2106, %gather3A_2109 : vector<16xf32>
        %add3A_2132 = arith.addf %gather3A_2112, %gather3A_2115 : vector<16xf32>
        %add3A_2133 = arith.addf %add3A_2125, %add3A_2126 : vector<16xf32>
        %add3A_2134 = arith.addf %add3A_2127, %add3A_2128 : vector<16xf32>
        %add3A_2135 = arith.addf %add3A_2129, %add3A_2130 : vector<16xf32>
        %add3A_2136 = arith.addf %add3A_2131, %add3A_2132 : vector<16xf32>
        %add3A_2137 = arith.addf %add3A_2133, %add3A_2134 : vector<16xf32>
        %add3A_2138 = arith.addf %add3A_2135, %add3A_2136 : vector<16xf32>
        %add3A_2139 = arith.addf %add3A_2137, %add3A_2138 : vector<16xf32>
        %add3A_2140 = arith.addf %get3A_2124, %add3A_2139 : vector<16xf32>
        %swap3A_2141 = arith.index_cast %add3A_2120 : i32 to index
        %swap3A_2142 = tpu.vector_load %arg11[%swap3A_2141] {strides = array<i32>} : memref<10000xf32, #tpu.memory_space<vmem>>, vector<16xf32>,
        tpu.vector_store %arg11[%swap3A_2141], %add3A_2140 {strides = array<i32>} : memref<10000xf32, #tpu.memory_space<vmem>>, vector<16xf32>,
      }
      %scan3A_1186 = arith.constant 4 : i32
    }
    %scan3A_45 = arith.constant 78 : i32
    %add3A_46 = arith.constant 9984 : i32
    %add3A_47 = arith.addi %mul3A_2, %add3A_46 : i32
    %dma_start3A_48 = arith.constant 0 : i32
    %dma_start3A_49 = arith.constant 0 : i32
    %dma_start3A_50 = tpu.memref_slice %arg12[%dma_start3A_48, %dma_start3A_49] : memref<64x64xf32, #tpu.memory_space<vmem>> -> memref<16x64xf32, #tpu.memory_space<vmem>>
    %dma_start3A_51 = arith.constant 9984 : i32
    %dma_start3A_52 = tpu.memref_slice %arg9[%dma_start3A_51] : memref<10000xi32, #tpu.memory_space<vmem>> -> memref<16xi32, #tpu.memory_space<vmem>>
    %dma_start3A_53 = arith.constant 0 : i32
    %dma_start3A_54 = arith.constant 0 : i32
    %dma_start3A_55 = tpu.memref_slice %arg20[%dma_start3A_53, %dma_start3A_54] : memref<10000x64xf32, #tpu.memory_space<vmem_shared>> -> memref<10000x64xf32, #tpu.memory_space<vmem_shared>>
    tpu.enqueue_indirect_dma source(%dma_start3A_55 : memref<10000x64xf32, #tpu.memory_space<vmem_shared>>) target(%dma_start3A_50 : memref<16x64xf32, #tpu.memory_space<vmem>>) offsets(%dma_start3A_52 : memref<16xi32, #tpu.memory_space<vmem>>) semaphore(%arg22 : memref<!tpu.dma_semaphore, #tpu.memory_space<semaphore_mem>>)
    %dma_start3A_56 = arith.constant 0 : i32
    %dma_start3A_57 = arith.constant 0 : i32
    %dma_start3A_58 = tpu.memref_slice %arg14[%dma_start3A_56, %dma_start3A_57] : memref<64x64xf32, #tpu.memory_space<vmem>> -> memref<16x64xf32, #tpu.memory_space<vmem>>
    %dma_start3A_59 = arith.constant 9984 : i32
    %dma_start3A_60 = tpu.memref_slice %arg10[%dma_start3A_59] : memref<10000xi32, #tpu.memory_space<vmem>> -> memref<16xi32, #tpu.memory_space<vmem>>
    %dma_start3A_61 = arith.constant 0 : i32
    %dma_start3A_62 = arith.constant 0 : i32
    %dma_start3A_63 = tpu.memref_slice %arg21[%dma_start3A_61, %dma_start3A_62] : memref<10000x64xf32, #tpu.memory_space<vmem_shared>> -> memref<10000x64xf32, #tpu.memory_space<vmem_shared>>
    tpu.enqueue_indirect_dma source(%dma_start3A_63 : memref<10000x64xf32, #tpu.memory_space<vmem_shared>>) target(%dma_start3A_58 : memref<16x64xf32, #tpu.memory_space<vmem>>) offsets(%dma_start3A_60 : memref<16xi32, #tpu.memory_space<vmem>>) semaphore(%arg24 : memref<!tpu.dma_semaphore, #tpu.memory_space<semaphore_mem>>)
    %dma_start3A_64 = arith.constant 0 : i32
    %dma_start3A_65 = tpu.memref_slice %arg16[%dma_start3A_64] : memref<64xf32, #tpu.memory_space<vmem>> -> memref<16xf32, #tpu.memory_space<vmem>>
    %dma_start3A_66 = tpu.memref_slice %arg6[%add3A_47] : memref<320000xf32, #tpu.memory_space<hbm>> -> memref<16xf32, #tpu.memory_space<hbm>>
    %dma_start3A_67 = arith.constant 0 : i32
    %dma_start3A_68 = tpu.memref_slice %arg16[%dma_start3A_67] : memref<64xf32, #tpu.memory_space<vmem>> -> memref<16xf32, #tpu.memory_space<vmem>>
    %dma_start3A_69 = tpu.memref_slice %arg6[%add3A_47] : memref<320000xf32, #tpu.memory_space<hbm>> -> memref<16xf32, #tpu.memory_space<hbm>>
    tpu.enqueue_dma source(%dma_start3A_69 : memref<16xf32, #tpu.memory_space<hbm>>) target(%dma_start3A_68 : memref<16xf32, #tpu.memory_space<vmem>>) target_semaphore(%arg26 : memref<!tpu.dma_semaphore, #tpu.memory_space<semaphore_mem>>)
    %add3A_70 = arith.constant 9984 : i32
    %add3A_71 = arith.addi %mul3A_2, %add3A_70 : i32
    %dma_wait3A = arith.constant 0 : i32
    %dma_wait3A_72 = arith.constant 0 : i32
    %dma_wait3A_73 = tpu.memref_slice %arg12[%dma_wait3A, %dma_wait3A_72] : memref<64x64xf32, #tpu.memory_space<vmem>> -> memref<16x64xf32, #tpu.memory_space<vmem>>
    %dma_wait3A_74 = arith.constant 9984 : i32
    %dma_wait3A_75 = tpu.memref_slice %arg9[%dma_wait3A_74] : memref<10000xi32, #tpu.memory_space<vmem>> -> memref<16xi32, #tpu.memory_space<vmem>>
    %dma_wait3A_76 = arith.constant 0 : i32
    %dma_wait3A_77 = arith.constant 0 : i32
    %dma_wait3A_78 = tpu.memref_slice %arg20[%dma_wait3A_76, %dma_wait3A_77] : memref<10000x64xf32, #tpu.memory_space<vmem_shared>> -> memref<10000x64xf32, #tpu.memory_space<vmem_shared>>
    tpu.wait_indirect_dma semaphore(%arg22 : memref<!tpu.dma_semaphore, #tpu.memory_space<semaphore_mem>>) src(%dma_wait3A_78 : memref<10000x64xf32, #tpu.memory_space<vmem_shared>>) dst(%dma_wait3A_73 : memref<16x64xf32, #tpu.memory_space<vmem>>)
    %dma_wait3A_79 = arith.constant 0 : i32
    %dma_wait3A_80 = arith.constant 0 : i32
    %dma_wait3A_81 = tpu.memref_slice %arg14[%dma_wait3A_79, %dma_wait3A_80] : memref<64x64xf32, #tpu.memory_space<vmem>> -> memref<16x64xf32, #tpu.memory_space<vmem>>
    %dma_wait3A_82 = arith.constant 9984 : i32
    %dma_wait3A_83 = tpu.memref_slice %arg10[%dma_wait3A_82] : memref<10000xi32, #tpu.memory_space<vmem>> -> memref<16xi32, #tpu.memory_space<vmem>>
    %dma_wait3A_84 = arith.constant 0 : i32
    %dma_wait3A_85 = arith.constant 0 : i32
    %dma_wait3A_86 = tpu.memref_slice %arg21[%dma_wait3A_84, %dma_wait3A_85] : memref<10000x64xf32, #tpu.memory_space<vmem_shared>> -> memref<10000x64xf32, #tpu.memory_space<vmem_shared>>
    tpu.wait_indirect_dma semaphore(%arg24 : memref<!tpu.dma_semaphore, #tpu.memory_space<semaphore_mem>>) src(%dma_wait3A_86 : memref<10000x64xf32, #tpu.memory_space<vmem_shared>>) dst(%dma_wait3A_81 : memref<16x64xf32, #tpu.memory_space<vmem>>)
    %dma_wait3A_87 = arith.constant 0 : i32
    %dma_wait3A_88 = tpu.memref_slice %arg16[%dma_wait3A_87] : memref<64xf32, #tpu.memory_space<vmem>> -> memref<16xf32, #tpu.memory_space<vmem>>
    %dma_wait3A_89 = tpu.memref_slice %arg6[%add3A_71] : memref<320000xf32, #tpu.memory_space<hbm>> -> memref<16xf32, #tpu.memory_space<hbm>>
    %dma_wait3A_90 = arith.constant 0 : i32
    %dma_wait3A_91 = tpu.memref_slice %arg16[%dma_wait3A_90] : memref<64xf32, #tpu.memory_space<vmem>> -> memref<16xf32, #tpu.memory_space<vmem>>
    %dma_wait3A_92 = tpu.memref_slice %arg6[%add3A_71] : memref<320000xf32, #tpu.memory_space<hbm>> -> memref<16xf32, #tpu.memory_space<hbm>>
    tpu.wait_dma2 semaphore(%arg26 : memref<!tpu.dma_semaphore, #tpu.memory_space<semaphore_mem>>) src(%dma_wait3A_92 : memref<16xf32, #tpu.memory_space<hbm>>) dst(%dma_wait3A_91 : memref<16xf32, #tpu.memory_space<vmem>>)
    %get3A_93 = arith.constant 0 : i32
    %get3A_94 = arith.index_cast %get3A_93 : i32 to index
    %get3A_95 = arith.constant 0 : index
    %get3A_96 = tpu.vector_load %arg12[%get3A_94, %get3A_95] {strides = array<i32>} : memref<64x64xf32, #tpu.memory_space<vmem>>, vector<16xf32>,
    %get3A_97 = arith.constant 0 : i32
    %get3A_98 = arith.index_cast %get3A_97 : i32 to index
    %get3A_99 = arith.constant 0 : index
    %get3A_100 = tpu.vector_load %arg14[%get3A_98, %get3A_99] {strides = array<i32>} : memref<64x64xf32, #tpu.memory_space<vmem>>, vector<16xf32>,
    %add3A_101 = arith.addf %get3A_96, %get3A_100 : vector<16xf32>
    %max3A = arith.constant 0.000000e+00 : f32
    %max3A_102 = vector.broadcast %max3A : f32 to vector<16xf32>
    %max3A_103 = arith.maximumf %add3A_101, %max3A_102 : vector<16xf32>
    %mul3A_104 = arith.mulf %max3A_103, %get3A_11 : vector<16xf32>
    %get3A_105 = arith.constant 0 : i32
    %get3A_106 = arith.index_cast %get3A_105 : i32 to index
    %get3A_107 = arith.constant 16 : index
    %get3A_108 = tpu.vector_load %arg12[%get3A_106, %get3A_107] {strides = array<i32>} : memref<64x64xf32, #tpu.memory_space<vmem>>, vector<16xf32>,
    %get3A_109 = arith.constant 0 : i32
    %get3A_110 = arith.index_cast %get3A_109 : i32 to index
    %get3A_111 = arith.constant 16 : index
    %get3A_112 = tpu.vector_load %arg14[%get3A_110, %get3A_111] {strides = array<i32>} : memref<64x64xf32, #tpu.memory_space<vmem>>, vector<16xf32>,
    %add3A_113 = arith.addf %get3A_108, %get3A_112 : vector<16xf32>
    %max3A_114 = arith.constant 0.000000e+00 : f32
    %max3A_115 = vector.broadcast %max3A_114 : f32 to vector<16xf32>
    %max3A_116 = arith.maximumf %add3A_113, %max3A_115 : vector<16xf32>
    %mul3A_117 = arith.mulf %max3A_116, %get3A_13 : vector<16xf32>
    %get3A_118 = arith.constant 0 : i32
    %get3A_119 = arith.index_cast %get3A_118 : i32 to index
    %get3A_120 = arith.constant 32 : index
    %get3A_121 = tpu.vector_load %arg12[%get3A_119, %get3A_120] {strides = array<i32>} : memref<64x64xf32, #tpu.memory_space<vmem>>, vector<16xf32>,
    %get3A_122 = arith.constant 0 : i32
    %get3A_123 = arith.index_cast %get3A_122 : i32 to index
    %get3A_124 = arith.constant 32 : index
    %get3A_125 = tpu.vector_load %arg14[%get3A_123, %get3A_124] {strides = array<i32>} : memref<64x64xf32, #tpu.memory_space<vmem>>, vector<16xf32>,
    %add3A_126 = arith.addf %get3A_121, %get3A_125 : vector<16xf32>
    %max3A_127 = arith.constant 0.000000e+00 : f32
    %max3A_128 = vector.broadcast %max3A_127 : f32 to vector<16xf32>
    %max3A_129 = arith.maximumf %add3A_126, %max3A_128 : vector<16xf32>
    %mul3A_130 = arith.mulf %max3A_129, %get3A_15 : vector<16xf32>
    %get3A_131 = arith.constant 0 : i32
    %get3A_132 = arith.index_cast %get3A_131 : i32 to index
    %get3A_133 = arith.constant 48 : index
    %get3A_134 = tpu.vector_load %arg12[%get3A_132, %get3A_133] {strides = array<i32>} : memref<64x64xf32, #tpu.memory_space<vmem>>, vector<16xf32>,
    %get3A_135 = arith.constant 0 : i32
    %get3A_136 = arith.index_cast %get3A_135 : i32 to index
    %get3A_137 = arith.constant 48 : index
    %get3A_138 = tpu.vector_load %arg14[%get3A_136, %get3A_137] {strides = array<i32>} : memref<64x64xf32, #tpu.memory_space<vmem>>, vector<16xf32>,
    %add3A_139 = arith.addf %get3A_134, %get3A_138 : vector<16xf32>
    %max3A_140 = arith.constant 0.000000e+00 : f32
    %max3A_141 = vector.broadcast %max3A_140 : f32 to vector<16xf32>
    %max3A_142 = arith.maximumf %add3A_139, %max3A_141 : vector<16xf32>
    %mul3A_143 = arith.mulf %max3A_142, %get3A_17 : vector<16xf32>
    %add3A_144 = arith.addf %mul3A_104, %mul3A_117 : vector<16xf32>
    %add3A_145 = arith.addf %mul3A_130, %mul3A_143 : vector<16xf32>
    %add3A_146 = arith.addf %add3A_144, %add3A_145 : vector<16xf32>
    %swap3A = arith.constant 0 : i32
    %swap3A_147 = arith.index_cast %swap3A : i32 to index
    %swap3A_148 = arith.constant 0 : index
    %swap3A_149 = tpu.vector_load %arg18[%swap3A_147, %swap3A_148] {strides = array<i32>} : memref<16x17xf32, #tpu.memory_space<vmem>>, vector<16xf32>,
    tpu.vector_store %arg18[%swap3A_147, %swap3A_148], %add3A_146 {strides = array<i32>} : memref<16x17xf32, #tpu.memory_space<vmem>>, vector<16xf32>,
    %get3A_150 = arith.constant 1 : i32
    %get3A_151 = arith.index_cast %get3A_150 : i32 to index
    %get3A_152 = arith.constant 0 : index
    %get3A_153 = tpu.vector_load %arg12[%get3A_151, %get3A_152] {strides = array<i32>} : memref<64x64xf32, #tpu.memory_space<vmem>>, vector<16xf32>,
    %get3A_154 = arith.constant 1 : i32
    %get3A_155 = arith.index_cast %get3A_154 : i32 to index
    %get3A_156 = arith.constant 0 : index
    %get3A_157 = tpu.vector_load %arg14[%get3A_155, %get3A_156] {strides = array<i32>} : memref<64x64xf32, #tpu.memory_space<vmem>>, vector<16xf32>,
    %add3A_158 = arith.addf %get3A_153, %get3A_157 : vector<16xf32>
    %max3A_159 = arith.constant 0.000000e+00 : f32
    %max3A_160 = vector.broadcast %max3A_159 : f32 to vector<16xf32>
    %max3A_161 = arith.maximumf %add3A_158, %max3A_160 : vector<16xf32>
    %mul3A_162 = arith.mulf %max3A_161, %get3A_11 : vector<16xf32>
    %get3A_163 = arith.constant 1 : i32
    %get3A_164 = arith.index_cast %get3A_163 : i32 to index
    %get3A_165 = arith.constant 16 : index
    %get3A_166 = tpu.vector_load %arg12[%get3A_164, %get3A_165] {strides = array<i32>} : memref<64x64xf32, #tpu.memory_space<vmem>>, vector<16xf32>,
    %get3A_167 = arith.constant 1 : i32
    %get3A_168 = arith.index_cast %get3A_167 : i32 to index
    %get3A_169 = arith.constant 16 : index
    %get3A_170 = tpu.vector_load %arg14[%get3A_168, %get3A_169] {strides = array<i32>} : memref<64x64xf32, #tpu.memory_space<vmem>>, vector<16xf32>,
    %add3A_171 = arith.addf %get3A_166, %get3A_170 : vector<16xf32>
    %max3A_172 = arith.constant 0.000000e+00 : f32
    %max3A_173 = vector.broadcast %max3A_172 : f32 to vector<16xf32>
    %max3A_174 = arith.maximumf %add3A_171, %max3A_173 : vector<16xf32>
    %mul3A_175 = arith.mulf %max3A_174, %get3A_13 : vector<16xf32>
    %get3A_176 = arith.constant 1 : i32
    %get3A_177 = arith.index_cast %get3A_176 : i32 to index
    %get3A_178 = arith.constant 32 : index
    %get3A_179 = tpu.vector_load %arg12[%get3A_177, %get3A_178] {strides = array<i32>} : memref<64x64xf32, #tpu.memory_space<vmem>>, vector<16xf32>,
    %get3A_180 = arith.constant 1 : i32
    %get3A_181 = arith.index_cast %get3A_180 : i32 to index
    %get3A_182 = arith.constant 32 : index
    %get3A_183 = tpu.vector_load %arg14[%get3A_181, %get3A_182] {strides = array<i32>} : memref<64x64xf32, #tpu.memory_space<vmem>>, vector<16xf32>,
    %add3A_184 = arith.addf %get3A_179, %get3A_183 : vector<16xf32>
    %max3A_185 = arith.constant 0.000000e+00 : f32
    %max3A_186 = vector.broadcast %max3A_185 : f32 to vector<16xf32>
    %max3A_187 = arith.maximumf %add3A_184, %max3A_186 : vector<16xf32>
    %mul3A_188 = arith.mulf %max3A_187, %get3A_15 : vector<16xf32>
    %get3A_189 = arith.constant 1 : i32
    %get3A_190 = arith.index_cast %get3A_189 : i32 to index
    %get3A_191 = arith.constant 48 : index
    %get3A_192 = tpu.vector_load %arg12[%get3A_190, %get3A_191] {strides = array<i32>} : memref<64x64xf32, #tpu.memory_space<vmem>>, vector<16xf32>,
    %get3A_193 = arith.constant 1 : i32
    %get3A_194 = arith.index_cast %get3A_193 : i32 to index
    %get3A_195 = arith.constant 48 : index
    %get3A_196 = tpu.vector_load %arg14[%get3A_194, %get3A_195] {strides = array<i32>} : memref<64x64xf32, #tpu.memory_space<vmem>>, vector<16xf32>,
    %add3A_197 = arith.addf %get3A_192, %get3A_196 : vector<16xf32>
    %max3A_198 = arith.constant 0.000000e+00 : f32
    %max3A_199 = vector.broadcast %max3A_198 : f32 to vector<16xf32>
    %max3A_200 = arith.maximumf %add3A_197, %max3A_199 : vector<16xf32>
    %mul3A_201 = arith.mulf %max3A_200, %get3A_17 : vector<16xf32>
    %add3A_202 = arith.addf %mul3A_162, %mul3A_175 : vector<16xf32>
    %add3A_203 = arith.addf %mul3A_188, %mul3A_201 : vector<16xf32>
    %add3A_204 = arith.addf %add3A_202, %add3A_203 : vector<16xf32>
    %swap3A_205 = arith.constant 1 : i32
    %swap3A_206 = arith.index_cast %swap3A_205 : i32 to index
    %swap3A_207 = arith.constant 0 : index
    %swap3A_208 = tpu.vector_load %arg18[%swap3A_206, %swap3A_207] {strides = array<i32>} : memref<16x17xf32, #tpu.memory_space<vmem>>, vector<16xf32>,
    tpu.vector_store %arg18[%swap3A_206, %swap3A_207], %add3A_204 {strides = array<i32>} : memref<16x17xf32, #tpu.memory_space<vmem>>, vector<16xf32>,
    %get3A_209 = arith.constant 2 : i32
    %get3A_210 = arith.index_cast %get3A_209 : i32 to index
    %get3A_211 = arith.constant 0 : index
    %get3A_212 = tpu.vector_load %arg12[%get3A_210, %get3A_211] {strides = array<i32>} : memref<64x64xf32, #tpu.memory_space<vmem>>, vector<16xf32>,
    %get3A_213 = arith.constant 2 : i32
    %get3A_214 = arith.index_cast %get3A_213 : i32 to index
    %get3A_215 = arith.constant 0 : index
    %get3A_216 = tpu.vector_load %arg14[%get3A_214, %get3A_215] {strides = array<i32>} : memref<64x64xf32, #tpu.memory_space<vmem>>, vector<16xf32>,
    %add3A_217 = arith.addf %get3A_212, %get3A_216 : vector<16xf32>
    %max3A_218 = arith.constant 0.000000e+00 : f32
    %max3A_219 = vector.broadcast %max3A_218 : f32 to vector<16xf32>
    %max3A_220 = arith.maximumf %add3A_217, %max3A_219 : vector<16xf32>
    %mul3A_221 = arith.mulf %max3A_220, %get3A_11 : vector<16xf32>
    %get3A_222 = arith.constant 2 : i32
    %get3A_223 = arith.index_cast %get3A_222 : i32 to index
    %get3A_224 = arith.constant 16 : index
    %get3A_225 = tpu.vector_load %arg12[%get3A_223, %get3A_224] {strides = array<i32>} : memref<64x64xf32, #tpu.memory_space<vmem>>, vector<16xf32>,
    %get3A_226 = arith.constant 2 : i32
    %get3A_227 = arith.index_cast %get3A_226 : i32 to index
    %get3A_228 = arith.constant 16 : index
    %get3A_229 = tpu.vector_load %arg14[%get3A_227, %get3A_228] {strides = array<i32>} : memref<64x64xf32, #tpu.memory_space<vmem>>, vector<16xf32>,
    %add3A_230 = arith.addf %get3A_225, %get3A_229 : vector<16xf32>
    %max3A_231 = arith.constant 0.000000e+00 : f32
    %max3A_232 = vector.broadcast %max3A_231 : f32 to vector<16xf32>
    %max3A_233 = arith.maximumf %add3A_230, %max3A_232 : vector<16xf32>
    %mul3A_234 = arith.mulf %max3A_233, %get3A_13 : vector<16xf32>
    %get3A_235 = arith.constant 2 : i32
    %get3A_236 = arith.index_cast %get3A_235 : i32 to index
    %get3A_237 = arith.constant 32 : index
    %get3A_238 = tpu.vector_load %arg12[%get3A_236, %get3A_237] {strides = array<i32>} : memref<64x64xf32, #tpu.memory_space<vmem>>, vector<16xf32>,
    %get3A_239 = arith.constant 2 : i32
    %get3A_240 = arith.index_cast %get3A_239 : i32 to index
    %get3A_241 = arith.constant 32 : index
    %get3A_242 = tpu.vector_load %arg14[%get3A_240, %get3A_241] {strides = array<i32>} : memref<64x64xf32, #tpu.memory_space<vmem>>, vector<16xf32>,
    %add3A_243 = arith.addf %get3A_238, %get3A_242 : vector<16xf32>
    %max3A_244 = arith.constant 0.000000e+00 : f32
    %max3A_245 = vector.broadcast %max3A_244 : f32 to vector<16xf32>
    %max3A_246 = arith.maximumf %add3A_243, %max3A_245 : vector<16xf32>
    %mul3A_247 = arith.mulf %max3A_246, %get3A_15 : vector<16xf32>
    %get3A_248 = arith.constant 2 : i32
    %get3A_249 = arith.index_cast %get3A_248 : i32 to index
    %get3A_250 = arith.constant 48 : index
    %get3A_251 = tpu.vector_load %arg12[%get3A_249, %get3A_250] {strides = array<i32>} : memref<64x64xf32, #tpu.memory_space<vmem>>, vector<16xf32>,
    %get3A_252 = arith.constant 2 : i32
    %get3A_253 = arith.index_cast %get3A_252 : i32 to index
    %get3A_254 = arith.constant 48 : index
    %get3A_255 = tpu.vector_load %arg14[%get3A_253, %get3A_254] {strides = array<i32>} : memref<64x64xf32, #tpu.memory_space<vmem>>, vector<16xf32>,
    %add3A_256 = arith.addf %get3A_251, %get3A_255 : vector<16xf32>
    %max3A_257 = arith.constant 0.000000e+00 : f32
    %max3A_258 = vector.broadcast %max3A_257 : f32 to vector<16xf32>
    %max3A_259 = arith.maximumf %add3A_256, %max3A_258 : vector<16xf32>
    %mul3A_260 = arith.mulf %max3A_259, %get3A_17 : vector<16xf32>
    %add3A_261 = arith.addf %mul3A_221, %mul3A_234 : vector<16xf32>
    %add3A_262 = arith.addf %mul3A_247, %mul3A_260 : vector<16xf32>
    %add3A_263 = arith.addf %add3A_261, %add3A_262 : vector<16xf32>
    %swap3A_264 = arith.constant 2 : i32
    %swap3A_265 = arith.index_cast %swap3A_264 : i32 to index
    %swap3A_266 = arith.constant 0 : index
    %swap3A_267 = tpu.vector_load %arg18[%swap3A_265, %swap3A_266] {strides = array<i32>} : memref<16x17xf32, #tpu.memory_space<vmem>>, vector<16xf32>,
    tpu.vector_store %arg18[%swap3A_265, %swap3A_266], %add3A_263 {strides = array<i32>} : memref<16x17xf32, #tpu.memory_space<vmem>>, vector<16xf32>,
    %get3A_268 = arith.constant 3 : i32
    %get3A_269 = arith.index_cast %get3A_268 : i32 to index
    %get3A_270 = arith.constant 0 : index
    %get3A_271 = tpu.vector_load %arg12[%get3A_269, %get3A_270] {strides = array<i32>} : memref<64x64xf32, #tpu.memory_space<vmem>>, vector<16xf32>,
    %get3A_272 = arith.constant 3 : i32
    %get3A_273 = arith.index_cast %get3A_272 : i32 to index
    %get3A_274 = arith.constant 0 : index
    %get3A_275 = tpu.vector_load %arg14[%get3A_273, %get3A_274] {strides = array<i32>} : memref<64x64xf32, #tpu.memory_space<vmem>>, vector<16xf32>,
    %add3A_276 = arith.addf %get3A_271, %get3A_275 : vector<16xf32>
    %max3A_277 = arith.constant 0.000000e+00 : f32
    %max3A_278 = vector.broadcast %max3A_277 : f32 to vector<16xf32>
    %max3A_279 = arith.maximumf %add3A_276, %max3A_278 : vector<16xf32>
    %mul3A_280 = arith.mulf %max3A_279, %get3A_11 : vector<16xf32>
    %get3A_281 = arith.constant 3 : i32
    %get3A_282 = arith.index_cast %get3A_281 : i32 to index
    %get3A_283 = arith.constant 16 : index
    %get3A_284 = tpu.vector_load %arg12[%get3A_282, %get3A_283] {strides = array<i32>} : memref<64x64xf32, #tpu.memory_space<vmem>>, vector<16xf32>,
    %get3A_285 = arith.constant 3 : i32
    %get3A_286 = arith.index_cast %get3A_285 : i32 to index
    %get3A_287 = arith.constant 16 : index
    %get3A_288 = tpu.vector_load %arg14[%get3A_286, %get3A_287] {strides = array<i32>} : memref<64x64xf32, #tpu.memory_space<vmem>>, vector<16xf32>,
    %add3A_289 = arith.addf %get3A_284, %get3A_288 : vector<16xf32>
    %max3A_290 = arith.constant 0.000000e+00 : f32
    %max3A_291 = vector.broadcast %max3A_290 : f32 to vector<16xf32>
    %max3A_292 = arith.maximumf %add3A_289, %max3A_291 : vector<16xf32>
    %mul3A_293 = arith.mulf %max3A_292, %get3A_13 : vector<16xf32>
    %get3A_294 = arith.constant 3 : i32
    %get3A_295 = arith.index_cast %get3A_294 : i32 to index
    %get3A_296 = arith.constant 32 : index
    %get3A_297 = tpu.vector_load %arg12[%get3A_295, %get3A_296] {strides = array<i32>} : memref<64x64xf32, #tpu.memory_space<vmem>>, vector<16xf32>,
    %get3A_298 = arith.constant 3 : i32
    %get3A_299 = arith.index_cast %get3A_298 : i32 to index
    %get3A_300 = arith.constant 32 : index
    %get3A_301 = tpu.vector_load %arg14[%get3A_299, %get3A_300] {strides = array<i32>} : memref<64x64xf32, #tpu.memory_space<vmem>>, vector<16xf32>,
    %add3A_302 = arith.addf %get3A_297, %get3A_301 : vector<16xf32>
    %max3A_303 = arith.constant 0.000000e+00 : f32
    %max3A_304 = vector.broadcast %max3A_303 : f32 to vector<16xf32>
    %max3A_305 = arith.maximumf %add3A_302, %max3A_304 : vector<16xf32>
    %mul3A_306 = arith.mulf %max3A_305, %get3A_15 : vector<16xf32>
    %get3A_307 = arith.constant 3 : i32
    %get3A_308 = arith.index_cast %get3A_307 : i32 to index
    %get3A_309 = arith.constant 48 : index
    %get3A_310 = tpu.vector_load %arg12[%get3A_308, %get3A_309] {strides = array<i32>} : memref<64x64xf32, #tpu.memory_space<vmem>>, vector<16xf32>,
    %get3A_311 = arith.constant 3 : i32
    %get3A_312 = arith.index_cast %get3A_311 : i32 to index
    %get3A_313 = arith.constant 48 : index
    %get3A_314 = tpu.vector_load %arg14[%get3A_312, %get3A_313] {strides = array<i32>} : memref<64x64xf32, #tpu.memory_space<vmem>>, vector<16xf32>,
    %add3A_315 = arith.addf %get3A_310, %get3A_314 : vector<16xf32>
    %max3A_316 = arith.constant 0.000000e+00 : f32
    %max3A_317 = vector.broadcast %max3A_316 : f32 to vector<16xf32>
    %max3A_318 = arith.maximumf %add3A_315, %max3A_317 : vector<16xf32>
    %mul3A_319 = arith.mulf %max3A_318, %get3A_17 : vector<16xf32>
    %add3A_320 = arith.addf %mul3A_280, %mul3A_293 : vector<16xf32>
    %add3A_321 = arith.addf %mul3A_306, %mul3A_319 : vector<16xf32>
    %add3A_322 = arith.addf %add3A_320, %add3A_321 : vector<16xf32>
    %swap3A_323 = arith.constant 3 : i32
    %swap3A_324 = arith.index_cast %swap3A_323 : i32 to index
    %swap3A_325 = arith.constant 0 : index
    %swap3A_326 = tpu.vector_load %arg18[%swap3A_324, %swap3A_325] {strides = array<i32>} : memref<16x17xf32, #tpu.memory_space<vmem>>, vector<16xf32>,
    tpu.vector_store %arg18[%swap3A_324, %swap3A_325], %add3A_322 {strides = array<i32>} : memref<16x17xf32, #tpu.memory_space<vmem>>, vector<16xf32>,
    %get3A_327 = arith.constant 4 : i32
    %get3A_328 = arith.index_cast %get3A_327 : i32 to index
    %get3A_329 = arith.constant 0 : index
    %get3A_330 = tpu.vector_load %arg12[%get3A_328, %get3A_329] {strides = array<i32>} : memref<64x64xf32, #tpu.memory_space<vmem>>, vector<16xf32>,
    %get3A_331 = arith.constant 4 : i32
    %get3A_332 = arith.index_cast %get3A_331 : i32 to index
    %get3A_333 = arith.constant 0 : index
    %get3A_334 = tpu.vector_load %arg14[%get3A_332, %get3A_333] {strides = array<i32>} : memref<64x64xf32, #tpu.memory_space<vmem>>, vector<16xf32>,
    %add3A_335 = arith.addf %get3A_330, %get3A_334 : vector<16xf32>
    %max3A_336 = arith.constant 0.000000e+00 : f32
    %max3A_337 = vector.broadcast %max3A_336 : f32 to vector<16xf32>
    %max3A_338 = arith.maximumf %add3A_335, %max3A_337 : vector<16xf32>
    %mul3A_339 = arith.mulf %max3A_338, %get3A_11 : vector<16xf32>
    %get3A_340 = arith.constant 4 : i32
    %get3A_341 = arith.index_cast %get3A_340 : i32 to index
    %get3A_342 = arith.constant 16 : index
    %get3A_343 = tpu.vector_load %arg12[%get3A_341, %get3A_342] {strides = array<i32>} : memref<64x64xf32, #tpu.memory_space<vmem>>, vector<16xf32>,
    %get3A_344 = arith.constant 4 : i32
    %get3A_345 = arith.index_cast %get3A_344 : i32 to index
    %get3A_346 = arith.constant 16 : index
    %get3A_347 = tpu.vector_load %arg14[%get3A_345, %get3A_346] {strides = array<i32>} : memref<64x64xf32, #tpu.memory_space<vmem>>, vector<16xf32>,
    %add3A_348 = arith.addf %get3A_343, %get3A_347 : vector<16xf32>
    %max3A_349 = arith.constant 0.000000e+00 : f32
    %max3A_350 = vector.broadcast %max3A_349 : f32 to vector<16xf32>
    %max3A_351 = arith.maximumf %add3A_348, %max3A_350 : vector<16xf32>
    %mul3A_352 = arith.mulf %max3A_351, %get3A_13 : vector<16xf32>
    %get3A_353 = arith.constant 4 : i32
    %get3A_354 = arith.index_cast %get3A_353 : i32 to index
    %get3A_355 = arith.constant 32 : index
    %get3A_356 = tpu.vector_load %arg12[%get3A_354, %get3A_355] {strides = array<i32>} : memref<64x64xf32, #tpu.memory_space<vmem>>, vector<16xf32>,
    %get3A_357 = arith.constant 4 : i32
    %get3A_358 = arith.index_cast %get3A_357 : i32 to index
    %get3A_359 = arith.constant 32 : index
    %get3A_360 = tpu.vector_load %arg14[%get3A_358, %get3A_359] {strides = array<i32>} : memref<64x64xf32, #tpu.memory_space<vmem>>, vector<16xf32>,
    %add3A_361 = arith.addf %get3A_356, %get3A_360 : vector<16xf32>
    %max3A_362 = arith.constant 0.000000e+00 : f32
    %max3A_363 = vector.broadcast %max3A_362 : f32 to vector<16xf32>
    %max3A_364 = arith.maximumf %add3A_361, %max3A_363 : vector<16xf32>
    %mul3A_365 = arith.mulf %max3A_364, %get3A_15 : vector<16xf32>
    %get3A_366 = arith.constant 4 : i32
    %get3A_367 = arith.index_cast %get3A_366 : i32 to index
    %get3A_368 = arith.constant 48 : index
    %get3A_369 = tpu.vector_load %arg12[%get3A_367, %get3A_368] {strides = array<i32>} : memref<64x64xf32, #tpu.memory_space<vmem>>, vector<16xf32>,
    %get3A_370 = arith.constant 4 : i32
    %get3A_371 = arith.index_cast %get3A_370 : i32 to index
    %get3A_372 = arith.constant 48 : index
    %get3A_373 = tpu.vector_load %arg14[%get3A_371, %get3A_372] {strides = array<i32>} : memref<64x64xf32, #tpu.memory_space<vmem>>, vector<16xf32>,
    %add3A_374 = arith.addf %get3A_369, %get3A_373 : vector<16xf32>
    %max3A_375 = arith.constant 0.000000e+00 : f32
    %max3A_376 = vector.broadcast %max3A_375 : f32 to vector<16xf32>
    %max3A_377 = arith.maximumf %add3A_374, %max3A_376 : vector<16xf32>
    %mul3A_378 = arith.mulf %max3A_377, %get3A_17 : vector<16xf32>
    %add3A_379 = arith.addf %mul3A_339, %mul3A_352 : vector<16xf32>
    %add3A_380 = arith.addf %mul3A_365, %mul3A_378 : vector<16xf32>
    %add3A_381 = arith.addf %add3A_379, %add3A_380 : vector<16xf32>
    %swap3A_382 = arith.constant 4 : i32
    %swap3A_383 = arith.index_cast %swap3A_382 : i32 to index
    %swap3A_384 = arith.constant 0 : index
    %swap3A_385 = tpu.vector_load %arg18[%swap3A_383, %swap3A_384] {strides = array<i32>} : memref<16x17xf32, #tpu.memory_space<vmem>>, vector<16xf32>,
    tpu.vector_store %arg18[%swap3A_383, %swap3A_384], %add3A_381 {strides = array<i32>} : memref<16x17xf32, #tpu.memory_space<vmem>>, vector<16xf32>,
    %get3A_386 = arith.constant 5 : i32
    %get3A_387 = arith.index_cast %get3A_386 : i32 to index
    %get3A_388 = arith.constant 0 : index
    %get3A_389 = tpu.vector_load %arg12[%get3A_387, %get3A_388] {strides = array<i32>} : memref<64x64xf32, #tpu.memory_space<vmem>>, vector<16xf32>,
    %get3A_390 = arith.constant 5 : i32
    %get3A_391 = arith.index_cast %get3A_390 : i32 to index
    %get3A_392 = arith.constant 0 : index
    %get3A_393 = tpu.vector_load %arg14[%get3A_391, %get3A_392] {strides = array<i32>} : memref<64x64xf32, #tpu.memory_space<vmem>>, vector<16xf32>,
    %add3A_394 = arith.addf %get3A_389, %get3A_393 : vector<16xf32>
    %max3A_395 = arith.constant 0.000000e+00 : f32
    %max3A_396 = vector.broadcast %max3A_395 : f32 to vector<16xf32>
    %max3A_397 = arith.maximumf %add3A_394, %max3A_396 : vector<16xf32>
    %mul3A_398 = arith.mulf %max3A_397, %get3A_11 : vector<16xf32>
    %get3A_399 = arith.constant 5 : i32
    %get3A_400 = arith.index_cast %get3A_399 : i32 to index
    %get3A_401 = arith.constant 16 : index
    %get3A_402 = tpu.vector_load %arg12[%get3A_400, %get3A_401] {strides = array<i32>} : memref<64x64xf32, #tpu.memory_space<vmem>>, vector<16xf32>,
    %get3A_403 = arith.constant 5 : i32
    %get3A_404 = arith.index_cast %get3A_403 : i32 to index
    %get3A_405 = arith.constant 16 : index
    %get3A_406 = tpu.vector_load %arg14[%get3A_404, %get3A_405] {strides = array<i32>} : memref<64x64xf32, #tpu.memory_space<vmem>>, vector<16xf32>,
    %add3A_407 = arith.addf %get3A_402, %get3A_406 : vector<16xf32>
    %max3A_408 = arith.constant 0.000000e+00 : f32
    %max3A_409 = vector.broadcast %max3A_408 : f32 to vector<16xf32>
    %max3A_410 = arith.maximumf %add3A_407, %max3A_409 : vector<16xf32>
    %mul3A_411 = arith.mulf %max3A_410, %get3A_13 : vector<16xf32>
    %get3A_412 = arith.constant 5 : i32
    %get3A_413 = arith.index_cast %get3A_412 : i32 to index
    %get3A_414 = arith.constant 32 : index
    %get3A_415 = tpu.vector_load %arg12[%get3A_413, %get3A_414] {strides = array<i32>} : memref<64x64xf32, #tpu.memory_space<vmem>>, vector<16xf32>,
    %get3A_416 = arith.constant 5 : i32
    %get3A_417 = arith.index_cast %get3A_416 : i32 to index
    %get3A_418 = arith.constant 32 : index
    %get3A_419 = tpu.vector_load %arg14[%get3A_417, %get3A_418] {strides = array<i32>} : memref<64x64xf32, #tpu.memory_space<vmem>>, vector<16xf32>,
    %add3A_420 = arith.addf %get3A_415, %get3A_419 : vector<16xf32>
    %max3A_421 = arith.constant 0.000000e+00 : f32
    %max3A_422 = vector.broadcast %max3A_421 : f32 to vector<16xf32>
    %max3A_423 = arith.maximumf %add3A_420, %max3A_422 : vector<16xf32>
    %mul3A_424 = arith.mulf %max3A_423, %get3A_15 : vector<16xf32>
    %get3A_425 = arith.constant 5 : i32
    %get3A_426 = arith.index_cast %get3A_425 : i32 to index
    %get3A_427 = arith.constant 48 : index
    %get3A_428 = tpu.vector_load %arg12[%get3A_426, %get3A_427] {strides = array<i32>} : memref<64x64xf32, #tpu.memory_space<vmem>>, vector<16xf32>,
    %get3A_429 = arith.constant 5 : i32
    %get3A_430 = arith.index_cast %get3A_429 : i32 to index
    %get3A_431 = arith.constant 48 : index
    %get3A_432 = tpu.vector_load %arg14[%get3A_430, %get3A_431] {strides = array<i32>} : memref<64x64xf32, #tpu.memory_space<vmem>>, vector<16xf32>,
    %add3A_433 = arith.addf %get3A_428, %get3A_432 : vector<16xf32>
    %max3A_434 = arith.constant 0.000000e+00 : f32
    %max3A_435 = vector.broadcast %max3A_434 : f32 to vector<16xf32>
    %max3A_436 = arith.maximumf %add3A_433, %max3A_435 : vector<16xf32>
    %mul3A_437 = arith.mulf %max3A_436, %get3A_17 : vector<16xf32>
    %add3A_438 = arith.addf %mul3A_398, %mul3A_411 : vector<16xf32>
    %add3A_439 = arith.addf %mul3A_424, %mul3A_437 : vector<16xf32>
    %add3A_440 = arith.addf %add3A_438, %add3A_439 : vector<16xf32>
    %swap3A_441 = arith.constant 5 : i32
    %swap3A_442 = arith.index_cast %swap3A_441 : i32 to index
    %swap3A_443 = arith.constant 0 : index
    %swap3A_444 = tpu.vector_load %arg18[%swap3A_442, %swap3A_443] {strides = array<i32>} : memref<16x17xf32, #tpu.memory_space<vmem>>, vector<16xf32>,
    tpu.vector_store %arg18[%swap3A_442, %swap3A_443], %add3A_440 {strides = array<i32>} : memref<16x17xf32, #tpu.memory_space<vmem>>, vector<16xf32>,
    %get3A_445 = arith.constant 6 : i32
    %get3A_446 = arith.index_cast %get3A_445 : i32 to index
    %get3A_447 = arith.constant 0 : index
    %get3A_448 = tpu.vector_load %arg12[%get3A_446, %get3A_447] {strides = array<i32>} : memref<64x64xf32, #tpu.memory_space<vmem>>, vector<16xf32>,
    %get3A_449 = arith.constant 6 : i32
    %get3A_450 = arith.index_cast %get3A_449 : i32 to index
    %get3A_451 = arith.constant 0 : index
    %get3A_452 = tpu.vector_load %arg14[%get3A_450, %get3A_451] {strides = array<i32>} : memref<64x64xf32, #tpu.memory_space<vmem>>, vector<16xf32>,
    %add3A_453 = arith.addf %get3A_448, %get3A_452 : vector<16xf32>
    %max3A_454 = arith.constant 0.000000e+00 : f32
    %max3A_455 = vector.broadcast %max3A_454 : f32 to vector<16xf32>
    %max3A_456 = arith.maximumf %add3A_453, %max3A_455 : vector<16xf32>
    %mul3A_457 = arith.mulf %max3A_456, %get3A_11 : vector<16xf32>
    %get3A_458 = arith.constant 6 : i32
    %get3A_459 = arith.index_cast %get3A_458 : i32 to index
    %get3A_460 = arith.constant 16 : index
    %get3A_461 = tpu.vector_load %arg12[%get3A_459, %get3A_460] {strides = array<i32>} : memref<64x64xf32, #tpu.memory_space<vmem>>, vector<16xf32>,
    %get3A_462 = arith.constant 6 : i32
    %get3A_463 = arith.index_cast %get3A_462 : i32 to index
    %get3A_464 = arith.constant 16 : index
    %get3A_465 = tpu.vector_load %arg14[%get3A_463, %get3A_464] {strides = array<i32>} : memref<64x64xf32, #tpu.memory_space<vmem>>, vector<16xf32>,
    %add3A_466 = arith.addf %get3A_461, %get3A_465 : vector<16xf32>
    %max3A_467 = arith.constant 0.000000e+00 : f32
    %max3A_468 = vector.broadcast %max3A_467 : f32 to vector<16xf32>
    %max3A_469 = arith.maximumf %add3A_466, %max3A_468 : vector<16xf32>
    %mul3A_470 = arith.mulf %max3A_469, %get3A_13 : vector<16xf32>
    %get3A_471 = arith.constant 6 : i32
    %get3A_472 = arith.index_cast %get3A_471 : i32 to index
    %get3A_473 = arith.constant 32 : index
    %get3A_474 = tpu.vector_load %arg12[%get3A_472, %get3A_473] {strides = array<i32>} : memref<64x64xf32, #tpu.memory_space<vmem>>, vector<16xf32>,
    %get3A_475 = arith.constant 6 : i32
    %get3A_476 = arith.index_cast %get3A_475 : i32 to index
    %get3A_477 = arith.constant 32 : index
    %get3A_478 = tpu.vector_load %arg14[%get3A_476, %get3A_477] {strides = array<i32>} : memref<64x64xf32, #tpu.memory_space<vmem>>, vector<16xf32>,
    %add3A_479 = arith.addf %get3A_474, %get3A_478 : vector<16xf32>
    %max3A_480 = arith.constant 0.000000e+00 : f32
    %max3A_481 = vector.broadcast %max3A_480 : f32 to vector<16xf32>
    %max3A_482 = arith.maximumf %add3A_479, %max3A_481 : vector<16xf32>
    %mul3A_483 = arith.mulf %max3A_482, %get3A_15 : vector<16xf32>
    %get3A_484 = arith.constant 6 : i32
    %get3A_485 = arith.index_cast %get3A_484 : i32 to index
    %get3A_486 = arith.constant 48 : index
    %get3A_487 = tpu.vector_load %arg12[%get3A_485, %get3A_486] {strides = array<i32>} : memref<64x64xf32, #tpu.memory_space<vmem>>, vector<16xf32>,
    %get3A_488 = arith.constant 6 : i32
    %get3A_489 = arith.index_cast %get3A_488 : i32 to index
    %get3A_490 = arith.constant 48 : index
    %get3A_491 = tpu.vector_load %arg14[%get3A_489, %get3A_490] {strides = array<i32>} : memref<64x64xf32, #tpu.memory_space<vmem>>, vector<16xf32>,
    %add3A_492 = arith.addf %get3A_487, %get3A_491 : vector<16xf32>
    %max3A_493 = arith.constant 0.000000e+00 : f32
    %max3A_494 = vector.broadcast %max3A_493 : f32 to vector<16xf32>
    %max3A_495 = arith.maximumf %add3A_492, %max3A_494 : vector<16xf32>
    %mul3A_496 = arith.mulf %max3A_495, %get3A_17 : vector<16xf32>
    %add3A_497 = arith.addf %mul3A_457, %mul3A_470 : vector<16xf32>
    %add3A_498 = arith.addf %mul3A_483, %mul3A_496 : vector<16xf32>
    %add3A_499 = arith.addf %add3A_497, %add3A_498 : vector<16xf32>
    %swap3A_500 = arith.constant 6 : i32
    %swap3A_501 = arith.index_cast %swap3A_500 : i32 to index
    %swap3A_502 = arith.constant 0 : index
    %swap3A_503 = tpu.vector_load %arg18[%swap3A_501, %swap3A_502] {strides = array<i32>} : memref<16x17xf32, #tpu.memory_space<vmem>>, vector<16xf32>,
    tpu.vector_store %arg18[%swap3A_501, %swap3A_502], %add3A_499 {strides = array<i32>} : memref<16x17xf32, #tpu.memory_space<vmem>>, vector<16xf32>,
    %get3A_504 = arith.constant 7 : i32
    %get3A_505 = arith.index_cast %get3A_504 : i32 to index
    %get3A_506 = arith.constant 0 : index
    %get3A_507 = tpu.vector_load %arg12[%get3A_505, %get3A_506] {strides = array<i32>} : memref<64x64xf32, #tpu.memory_space<vmem>>, vector<16xf32>,
    %get3A_508 = arith.constant 7 : i32
    %get3A_509 = arith.index_cast %get3A_508 : i32 to index
    %get3A_510 = arith.constant 0 : index
    %get3A_511 = tpu.vector_load %arg14[%get3A_509, %get3A_510] {strides = array<i32>} : memref<64x64xf32, #tpu.memory_space<vmem>>, vector<16xf32>,
    %add3A_512 = arith.addf %get3A_507, %get3A_511 : vector<16xf32>
    %max3A_513 = arith.constant 0.000000e+00 : f32
    %max3A_514 = vector.broadcast %max3A_513 : f32 to vector<16xf32>
    %max3A_515 = arith.maximumf %add3A_512, %max3A_514 : vector<16xf32>
    %mul3A_516 = arith.mulf %max3A_515, %get3A_11 : vector<16xf32>
    %get3A_517 = arith.constant 7 : i32
    %get3A_518 = arith.index_cast %get3A_517 : i32 to index
    %get3A_519 = arith.constant 16 : index
    %get3A_520 = tpu.vector_load %arg12[%get3A_518, %get3A_519] {strides = array<i32>} : memref<64x64xf32, #tpu.memory_space<vmem>>, vector<16xf32>,
    %get3A_521 = arith.constant 7 : i32
    %get3A_522 = arith.index_cast %get3A_521 : i32 to index
    %get3A_523 = arith.constant 16 : index
    %get3A_524 = tpu.vector_load %arg14[%get3A_522, %get3A_523] {strides = array<i32>} : memref<64x64xf32, #tpu.memory_space<vmem>>, vector<16xf32>,
    %add3A_525 = arith.addf %get3A_520, %get3A_524 : vector<16xf32>
    %max3A_526 = arith.constant 0.000000e+00 : f32
    %max3A_527 = vector.broadcast %max3A_526 : f32 to vector<16xf32>
    %max3A_528 = arith.maximumf %add3A_525, %max3A_527 : vector<16xf32>
    %mul3A_529 = arith.mulf %max3A_528, %get3A_13 : vector<16xf32>
    %get3A_530 = arith.constant 7 : i32
    %get3A_531 = arith.index_cast %get3A_530 : i32 to index
    %get3A_532 = arith.constant 32 : index
    %get3A_533 = tpu.vector_load %arg12[%get3A_531, %get3A_532] {strides = array<i32>} : memref<64x64xf32, #tpu.memory_space<vmem>>, vector<16xf32>,
    %get3A_534 = arith.constant 7 : i32
    %get3A_535 = arith.index_cast %get3A_534 : i32 to index
    %get3A_536 = arith.constant 32 : index
    %get3A_537 = tpu.vector_load %arg14[%get3A_535, %get3A_536] {strides = array<i32>} : memref<64x64xf32, #tpu.memory_space<vmem>>, vector<16xf32>,
    %add3A_538 = arith.addf %get3A_533, %get3A_537 : vector<16xf32>
    %max3A_539 = arith.constant 0.000000e+00 : f32
    %max3A_540 = vector.broadcast %max3A_539 : f32 to vector<16xf32>
    %max3A_541 = arith.maximumf %add3A_538, %max3A_540 : vector<16xf32>
    %mul3A_542 = arith.mulf %max3A_541, %get3A_15 : vector<16xf32>
    %get3A_543 = arith.constant 7 : i32
    %get3A_544 = arith.index_cast %get3A_543 : i32 to index
    %get3A_545 = arith.constant 48 : index
    %get3A_546 = tpu.vector_load %arg12[%get3A_544, %get3A_545] {strides = array<i32>} : memref<64x64xf32, #tpu.memory_space<vmem>>, vector<16xf32>,
    %get3A_547 = arith.constant 7 : i32
    %get3A_548 = arith.index_cast %get3A_547 : i32 to index
    %get3A_549 = arith.constant 48 : index
    %get3A_550 = tpu.vector_load %arg14[%get3A_548, %get3A_549] {strides = array<i32>} : memref<64x64xf32, #tpu.memory_space<vmem>>, vector<16xf32>,
    %add3A_551 = arith.addf %get3A_546, %get3A_550 : vector<16xf32>
    %max3A_552 = arith.constant 0.000000e+00 : f32
    %max3A_553 = vector.broadcast %max3A_552 : f32 to vector<16xf32>
    %max3A_554 = arith.maximumf %add3A_551, %max3A_553 : vector<16xf32>
    %mul3A_555 = arith.mulf %max3A_554, %get3A_17 : vector<16xf32>
    %add3A_556 = arith.addf %mul3A_516, %mul3A_529 : vector<16xf32>
    %add3A_557 = arith.addf %mul3A_542, %mul3A_555 : vector<16xf32>
    %add3A_558 = arith.addf %add3A_556, %add3A_557 : vector<16xf32>
    %swap3A_559 = arith.constant 7 : i32
    %swap3A_560 = arith.index_cast %swap3A_559 : i32 to index
    %swap3A_561 = arith.constant 0 : index
    %swap3A_562 = tpu.vector_load %arg18[%swap3A_560, %swap3A_561] {strides = array<i32>} : memref<16x17xf32, #tpu.memory_space<vmem>>, vector<16xf32>,
    tpu.vector_store %arg18[%swap3A_560, %swap3A_561], %add3A_558 {strides = array<i32>} : memref<16x17xf32, #tpu.memory_space<vmem>>, vector<16xf32>,
    %get3A_563 = arith.constant 8 : i32
    %get3A_564 = arith.index_cast %get3A_563 : i32 to index
    %get3A_565 = arith.constant 0 : index
    %get3A_566 = tpu.vector_load %arg12[%get3A_564, %get3A_565] {strides = array<i32>} : memref<64x64xf32, #tpu.memory_space<vmem>>, vector<16xf32>,
    %get3A_567 = arith.constant 8 : i32
    %get3A_568 = arith.index_cast %get3A_567 : i32 to index
    %get3A_569 = arith.constant 0 : index
    %get3A_570 = tpu.vector_load %arg14[%get3A_568, %get3A_569] {strides = array<i32>} : memref<64x64xf32, #tpu.memory_space<vmem>>, vector<16xf32>,
    %add3A_571 = arith.addf %get3A_566, %get3A_570 : vector<16xf32>
    %max3A_572 = arith.constant 0.000000e+00 : f32
    %max3A_573 = vector.broadcast %max3A_572 : f32 to vector<16xf32>
    %max3A_574 = arith.maximumf %add3A_571, %max3A_573 : vector<16xf32>
    %mul3A_575 = arith.mulf %max3A_574, %get3A_11 : vector<16xf32>
    %get3A_576 = arith.constant 8 : i32
    %get3A_577 = arith.index_cast %get3A_576 : i32 to index
    %get3A_578 = arith.constant 16 : index
    %get3A_579 = tpu.vector_load %arg12[%get3A_577, %get3A_578] {strides = array<i32>} : memref<64x64xf32, #tpu.memory_space<vmem>>, vector<16xf32>,
    %get3A_580 = arith.constant 8 : i32
    %get3A_581 = arith.index_cast %get3A_580 : i32 to index
    %get3A_582 = arith.constant 16 : index
    %get3A_583 = tpu.vector_load %arg14[%get3A_581, %get3A_582] {strides = array<i32>} : memref<64x64xf32, #tpu.memory_space<vmem>>, vector<16xf32>,
    %add3A_584 = arith.addf %get3A_579, %get3A_583 : vector<16xf32>
    %max3A_585 = arith.constant 0.000000e+00 : f32
    %max3A_586 = vector.broadcast %max3A_585 : f32 to vector<16xf32>
    %max3A_587 = arith.maximumf %add3A_584, %max3A_586 : vector<16xf32>
    %mul3A_588 = arith.mulf %max3A_587, %get3A_13 : vector<16xf32>
    %get3A_589 = arith.constant 8 : i32
    %get3A_590 = arith.index_cast %get3A_589 : i32 to index
    %get3A_591 = arith.constant 32 : index
    %get3A_592 = tpu.vector_load %arg12[%get3A_590, %get3A_591] {strides = array<i32>} : memref<64x64xf32, #tpu.memory_space<vmem>>, vector<16xf32>,
    %get3A_593 = arith.constant 8 : i32
    %get3A_594 = arith.index_cast %get3A_593 : i32 to index
    %get3A_595 = arith.constant 32 : index
    %get3A_596 = tpu.vector_load %arg14[%get3A_594, %get3A_595] {strides = array<i32>} : memref<64x64xf32, #tpu.memory_space<vmem>>, vector<16xf32>,
    %add3A_597 = arith.addf %get3A_592, %get3A_596 : vector<16xf32>
    %max3A_598 = arith.constant 0.000000e+00 : f32
    %max3A_599 = vector.broadcast %max3A_598 : f32 to vector<16xf32>
    %max3A_600 = arith.maximumf %add3A_597, %max3A_599 : vector<16xf32>
    %mul3A_601 = arith.mulf %max3A_600, %get3A_15 : vector<16xf32>
    %get3A_602 = arith.constant 8 : i32
    %get3A_603 = arith.index_cast %get3A_602 : i32 to index
    %get3A_604 = arith.constant 48 : index
    %get3A_605 = tpu.vector_load %arg12[%get3A_603, %get3A_604] {strides = array<i32>} : memref<64x64xf32, #tpu.memory_space<vmem>>, vector<16xf32>,
    %get3A_606 = arith.constant 8 : i32
    %get3A_607 = arith.index_cast %get3A_606 : i32 to index
    %get3A_608 = arith.constant 48 : index
    %get3A_609 = tpu.vector_load %arg14[%get3A_607, %get3A_608] {strides = array<i32>} : memref<64x64xf32, #tpu.memory_space<vmem>>, vector<16xf32>,
    %add3A_610 = arith.addf %get3A_605, %get3A_609 : vector<16xf32>
    %max3A_611 = arith.constant 0.000000e+00 : f32
    %max3A_612 = vector.broadcast %max3A_611 : f32 to vector<16xf32>
    %max3A_613 = arith.maximumf %add3A_610, %max3A_612 : vector<16xf32>
    %mul3A_614 = arith.mulf %max3A_613, %get3A_17 : vector<16xf32>
    %add3A_615 = arith.addf %mul3A_575, %mul3A_588 : vector<16xf32>
    %add3A_616 = arith.addf %mul3A_601, %mul3A_614 : vector<16xf32>
    %add3A_617 = arith.addf %add3A_615, %add3A_616 : vector<16xf32>
    %swap3A_618 = arith.constant 8 : i32
    %swap3A_619 = arith.index_cast %swap3A_618 : i32 to index
    %swap3A_620 = arith.constant 0 : index
    %swap3A_621 = tpu.vector_load %arg18[%swap3A_619, %swap3A_620] {strides = array<i32>} : memref<16x17xf32, #tpu.memory_space<vmem>>, vector<16xf32>,
    tpu.vector_store %arg18[%swap3A_619, %swap3A_620], %add3A_617 {strides = array<i32>} : memref<16x17xf32, #tpu.memory_space<vmem>>, vector<16xf32>,
    %get3A_622 = arith.constant 9 : i32
    %get3A_623 = arith.index_cast %get3A_622 : i32 to index
    %get3A_624 = arith.constant 0 : index
    %get3A_625 = tpu.vector_load %arg12[%get3A_623, %get3A_624] {strides = array<i32>} : memref<64x64xf32, #tpu.memory_space<vmem>>, vector<16xf32>,
    %get3A_626 = arith.constant 9 : i32
    %get3A_627 = arith.index_cast %get3A_626 : i32 to index
    %get3A_628 = arith.constant 0 : index
    %get3A_629 = tpu.vector_load %arg14[%get3A_627, %get3A_628] {strides = array<i32>} : memref<64x64xf32, #tpu.memory_space<vmem>>, vector<16xf32>,
    %add3A_630 = arith.addf %get3A_625, %get3A_629 : vector<16xf32>
    %max3A_631 = arith.constant 0.000000e+00 : f32
    %max3A_632 = vector.broadcast %max3A_631 : f32 to vector<16xf32>
    %max3A_633 = arith.maximumf %add3A_630, %max3A_632 : vector<16xf32>
    %mul3A_634 = arith.mulf %max3A_633, %get3A_11 : vector<16xf32>
    %get3A_635 = arith.constant 9 : i32
    %get3A_636 = arith.index_cast %get3A_635 : i32 to index
    %get3A_637 = arith.constant 16 : index
    %get3A_638 = tpu.vector_load %arg12[%get3A_636, %get3A_637] {strides = array<i32>} : memref<64x64xf32, #tpu.memory_space<vmem>>, vector<16xf32>,
    %get3A_639 = arith.constant 9 : i32
    %get3A_640 = arith.index_cast %get3A_639 : i32 to index
    %get3A_641 = arith.constant 16 : index
    %get3A_642 = tpu.vector_load %arg14[%get3A_640, %get3A_641] {strides = array<i32>} : memref<64x64xf32, #tpu.memory_space<vmem>>, vector<16xf32>,
    %add3A_643 = arith.addf %get3A_638, %get3A_642 : vector<16xf32>
    %max3A_644 = arith.constant 0.000000e+00 : f32
    %max3A_645 = vector.broadcast %max3A_644 : f32 to vector<16xf32>
    %max3A_646 = arith.maximumf %add3A_643, %max3A_645 : vector<16xf32>
    %mul3A_647 = arith.mulf %max3A_646, %get3A_13 : vector<16xf32>
    %get3A_648 = arith.constant 9 : i32
    %get3A_649 = arith.index_cast %get3A_648 : i32 to index
    %get3A_650 = arith.constant 32 : index
    %get3A_651 = tpu.vector_load %arg12[%get3A_649, %get3A_650] {strides = array<i32>} : memref<64x64xf32, #tpu.memory_space<vmem>>, vector<16xf32>,
    %get3A_652 = arith.constant 9 : i32
    %get3A_653 = arith.index_cast %get3A_652 : i32 to index
    %get3A_654 = arith.constant 32 : index
    %get3A_655 = tpu.vector_load %arg14[%get3A_653, %get3A_654] {strides = array<i32>} : memref<64x64xf32, #tpu.memory_space<vmem>>, vector<16xf32>,
    %add3A_656 = arith.addf %get3A_651, %get3A_655 : vector<16xf32>
    %max3A_657 = arith.constant 0.000000e+00 : f32
    %max3A_658 = vector.broadcast %max3A_657 : f32 to vector<16xf32>
    %max3A_659 = arith.maximumf %add3A_656, %max3A_658 : vector<16xf32>
    %mul3A_660 = arith.mulf %max3A_659, %get3A_15 : vector<16xf32>
    %get3A_661 = arith.constant 9 : i32
    %get3A_662 = arith.index_cast %get3A_661 : i32 to index
    %get3A_663 = arith.constant 48 : index
    %get3A_664 = tpu.vector_load %arg12[%get3A_662, %get3A_663] {strides = array<i32>} : memref<64x64xf32, #tpu.memory_space<vmem>>, vector<16xf32>,
    %get3A_665 = arith.constant 9 : i32
    %get3A_666 = arith.index_cast %get3A_665 : i32 to index
    %get3A_667 = arith.constant 48 : index
    %get3A_668 = tpu.vector_load %arg14[%get3A_666, %get3A_667] {strides = array<i32>} : memref<64x64xf32, #tpu.memory_space<vmem>>, vector<16xf32>,
    %add3A_669 = arith.addf %get3A_664, %get3A_668 : vector<16xf32>
    %max3A_670 = arith.constant 0.000000e+00 : f32
    %max3A_671 = vector.broadcast %max3A_670 : f32 to vector<16xf32>
    %max3A_672 = arith.maximumf %add3A_669, %max3A_671 : vector<16xf32>
    %mul3A_673 = arith.mulf %max3A_672, %get3A_17 : vector<16xf32>
    %add3A_674 = arith.addf %mul3A_634, %mul3A_647 : vector<16xf32>
    %add3A_675 = arith.addf %mul3A_660, %mul3A_673 : vector<16xf32>
    %add3A_676 = arith.addf %add3A_674, %add3A_675 : vector<16xf32>
    %swap3A_677 = arith.constant 9 : i32
    %swap3A_678 = arith.index_cast %swap3A_677 : i32 to index
    %swap3A_679 = arith.constant 0 : index
    %swap3A_680 = tpu.vector_load %arg18[%swap3A_678, %swap3A_679] {strides = array<i32>} : memref<16x17xf32, #tpu.memory_space<vmem>>, vector<16xf32>,
    tpu.vector_store %arg18[%swap3A_678, %swap3A_679], %add3A_676 {strides = array<i32>} : memref<16x17xf32, #tpu.memory_space<vmem>>, vector<16xf32>,
    %get3A_681 = arith.constant 10 : i32
    %get3A_682 = arith.index_cast %get3A_681 : i32 to index
    %get3A_683 = arith.constant 0 : index
    %get3A_684 = tpu.vector_load %arg12[%get3A_682, %get3A_683] {strides = array<i32>} : memref<64x64xf32, #tpu.memory_space<vmem>>, vector<16xf32>,
    %get3A_685 = arith.constant 10 : i32
    %get3A_686 = arith.index_cast %get3A_685 : i32 to index
    %get3A_687 = arith.constant 0 : index
    %get3A_688 = tpu.vector_load %arg14[%get3A_686, %get3A_687] {strides = array<i32>} : memref<64x64xf32, #tpu.memory_space<vmem>>, vector<16xf32>,
    %add3A_689 = arith.addf %get3A_684, %get3A_688 : vector<16xf32>
    %max3A_690 = arith.constant 0.000000e+00 : f32
    %max3A_691 = vector.broadcast %max3A_690 : f32 to vector<16xf32>
    %max3A_692 = arith.maximumf %add3A_689, %max3A_691 : vector<16xf32>
    %mul3A_693 = arith.mulf %max3A_692, %get3A_11 : vector<16xf32>
    %get3A_694 = arith.constant 10 : i32
    %get3A_695 = arith.index_cast %get3A_694 : i32 to index
    %get3A_696 = arith.constant 16 : index
    %get3A_697 = tpu.vector_load %arg12[%get3A_695, %get3A_696] {strides = array<i32>} : memref<64x64xf32, #tpu.memory_space<vmem>>, vector<16xf32>,
    %get3A_698 = arith.constant 10 : i32
    %get3A_699 = arith.index_cast %get3A_698 : i32 to index
    %get3A_700 = arith.constant 16 : index
    %get3A_701 = tpu.vector_load %arg14[%get3A_699, %get3A_700] {strides = array<i32>} : memref<64x64xf32, #tpu.memory_space<vmem>>, vector<16xf32>,
    %add3A_702 = arith.addf %get3A_697, %get3A_701 : vector<16xf32>
    %max3A_703 = arith.constant 0.000000e+00 : f32
    %max3A_704 = vector.broadcast %max3A_703 : f32 to vector<16xf32>
    %max3A_705 = arith.maximumf %add3A_702, %max3A_704 : vector<16xf32>
    %mul3A_706 = arith.mulf %max3A_705, %get3A_13 : vector<16xf32>
    %get3A_707 = arith.constant 10 : i32
    %get3A_708 = arith.index_cast %get3A_707 : i32 to index
    %get3A_709 = arith.constant 32 : index
    %get3A_710 = tpu.vector_load %arg12[%get3A_708, %get3A_709] {strides = array<i32>} : memref<64x64xf32, #tpu.memory_space<vmem>>, vector<16xf32>,
    %get3A_711 = arith.constant 10 : i32
    %get3A_712 = arith.index_cast %get3A_711 : i32 to index
    %get3A_713 = arith.constant 32 : index
    %get3A_714 = tpu.vector_load %arg14[%get3A_712, %get3A_713] {strides = array<i32>} : memref<64x64xf32, #tpu.memory_space<vmem>>, vector<16xf32>,
    %add3A_715 = arith.addf %get3A_710, %get3A_714 : vector<16xf32>
    %max3A_716 = arith.constant 0.000000e+00 : f32
    %max3A_717 = vector.broadcast %max3A_716 : f32 to vector<16xf32>
    %max3A_718 = arith.maximumf %add3A_715, %max3A_717 : vector<16xf32>
    %mul3A_719 = arith.mulf %max3A_718, %get3A_15 : vector<16xf32>
    %get3A_720 = arith.constant 10 : i32
    %get3A_721 = arith.index_cast %get3A_720 : i32 to index
    %get3A_722 = arith.constant 48 : index
    %get3A_723 = tpu.vector_load %arg12[%get3A_721, %get3A_722] {strides = array<i32>} : memref<64x64xf32, #tpu.memory_space<vmem>>, vector<16xf32>,
    %get3A_724 = arith.constant 10 : i32
    %get3A_725 = arith.index_cast %get3A_724 : i32 to index
    %get3A_726 = arith.constant 48 : index
    %get3A_727 = tpu.vector_load %arg14[%get3A_725, %get3A_726] {strides = array<i32>} : memref<64x64xf32, #tpu.memory_space<vmem>>, vector<16xf32>,
    %add3A_728 = arith.addf %get3A_723, %get3A_727 : vector<16xf32>
    %max3A_729 = arith.constant 0.000000e+00 : f32
    %max3A_730 = vector.broadcast %max3A_729 : f32 to vector<16xf32>
    %max3A_731 = arith.maximumf %add3A_728, %max3A_730 : vector<16xf32>
    %mul3A_732 = arith.mulf %max3A_731, %get3A_17 : vector<16xf32>
    %add3A_733 = arith.addf %mul3A_693, %mul3A_706 : vector<16xf32>
    %add3A_734 = arith.addf %mul3A_719, %mul3A_732 : vector<16xf32>
    %add3A_735 = arith.addf %add3A_733, %add3A_734 : vector<16xf32>
    %swap3A_736 = arith.constant 10 : i32
    %swap3A_737 = arith.index_cast %swap3A_736 : i32 to index
    %swap3A_738 = arith.constant 0 : index
    %swap3A_739 = tpu.vector_load %arg18[%swap3A_737, %swap3A_738] {strides = array<i32>} : memref<16x17xf32, #tpu.memory_space<vmem>>, vector<16xf32>,
    tpu.vector_store %arg18[%swap3A_737, %swap3A_738], %add3A_735 {strides = array<i32>} : memref<16x17xf32, #tpu.memory_space<vmem>>, vector<16xf32>,
    %get3A_740 = arith.constant 11 : i32
    %get3A_741 = arith.index_cast %get3A_740 : i32 to index
    %get3A_742 = arith.constant 0 : index
    %get3A_743 = tpu.vector_load %arg12[%get3A_741, %get3A_742] {strides = array<i32>} : memref<64x64xf32, #tpu.memory_space<vmem>>, vector<16xf32>,
    %get3A_744 = arith.constant 11 : i32
    %get3A_745 = arith.index_cast %get3A_744 : i32 to index
    %get3A_746 = arith.constant 0 : index
    %get3A_747 = tpu.vector_load %arg14[%get3A_745, %get3A_746] {strides = array<i32>} : memref<64x64xf32, #tpu.memory_space<vmem>>, vector<16xf32>,
    %add3A_748 = arith.addf %get3A_743, %get3A_747 : vector<16xf32>
    %max3A_749 = arith.constant 0.000000e+00 : f32
    %max3A_750 = vector.broadcast %max3A_749 : f32 to vector<16xf32>
    %max3A_751 = arith.maximumf %add3A_748, %max3A_750 : vector<16xf32>
    %mul3A_752 = arith.mulf %max3A_751, %get3A_11 : vector<16xf32>
    %get3A_753 = arith.constant 11 : i32
    %get3A_754 = arith.index_cast %get3A_753 : i32 to index
    %get3A_755 = arith.constant 16 : index
    %get3A_756 = tpu.vector_load %arg12[%get3A_754, %get3A_755] {strides = array<i32>} : memref<64x64xf32, #tpu.memory_space<vmem>>, vector<16xf32>,
    %get3A_757 = arith.constant 11 : i32
    %get3A_758 = arith.index_cast %get3A_757 : i32 to index
    %get3A_759 = arith.constant 16 : index
    %get3A_760 = tpu.vector_load %arg14[%get3A_758, %get3A_759] {strides = array<i32>} : memref<64x64xf32, #tpu.memory_space<vmem>>, vector<16xf32>,
    %add3A_761 = arith.addf %get3A_756, %get3A_760 : vector<16xf32>
    %max3A_762 = arith.constant 0.000000e+00 : f32
    %max3A_763 = vector.broadcast %max3A_762 : f32 to vector<16xf32>
    %max3A_764 = arith.maximumf %add3A_761, %max3A_763 : vector<16xf32>
    %mul3A_765 = arith.mulf %max3A_764, %get3A_13 : vector<16xf32>
    %get3A_766 = arith.constant 11 : i32
    %get3A_767 = arith.index_cast %get3A_766 : i32 to index
    %get3A_768 = arith.constant 32 : index
    %get3A_769 = tpu.vector_load %arg12[%get3A_767, %get3A_768] {strides = array<i32>} : memref<64x64xf32, #tpu.memory_space<vmem>>, vector<16xf32>,
    %get3A_770 = arith.constant 11 : i32
    %get3A_771 = arith.index_cast %get3A_770 : i32 to index
    %get3A_772 = arith.constant 32 : index
    %get3A_773 = tpu.vector_load %arg14[%get3A_771, %get3A_772] {strides = array<i32>} : memref<64x64xf32, #tpu.memory_space<vmem>>, vector<16xf32>,
    %add3A_774 = arith.addf %get3A_769, %get3A_773 : vector<16xf32>
    %max3A_775 = arith.constant 0.000000e+00 : f32
    %max3A_776 = vector.broadcast %max3A_775 : f32 to vector<16xf32>
    %max3A_777 = arith.maximumf %add3A_774, %max3A_776 : vector<16xf32>
    %mul3A_778 = arith.mulf %max3A_777, %get3A_15 : vector<16xf32>
    %get3A_779 = arith.constant 11 : i32
    %get3A_780 = arith.index_cast %get3A_779 : i32 to index
    %get3A_781 = arith.constant 48 : index
    %get3A_782 = tpu.vector_load %arg12[%get3A_780, %get3A_781] {strides = array<i32>} : memref<64x64xf32, #tpu.memory_space<vmem>>, vector<16xf32>,
    %get3A_783 = arith.constant 11 : i32
    %get3A_784 = arith.index_cast %get3A_783 : i32 to index
    %get3A_785 = arith.constant 48 : index
    %get3A_786 = tpu.vector_load %arg14[%get3A_784, %get3A_785] {strides = array<i32>} : memref<64x64xf32, #tpu.memory_space<vmem>>, vector<16xf32>,
    %add3A_787 = arith.addf %get3A_782, %get3A_786 : vector<16xf32>
    %max3A_788 = arith.constant 0.000000e+00 : f32
    %max3A_789 = vector.broadcast %max3A_788 : f32 to vector<16xf32>
    %max3A_790 = arith.maximumf %add3A_787, %max3A_789 : vector<16xf32>
    %mul3A_791 = arith.mulf %max3A_790, %get3A_17 : vector<16xf32>
    %add3A_792 = arith.addf %mul3A_752, %mul3A_765 : vector<16xf32>
    %add3A_793 = arith.addf %mul3A_778, %mul3A_791 : vector<16xf32>
    %add3A_794 = arith.addf %add3A_792, %add3A_793 : vector<16xf32>
    %swap3A_795 = arith.constant 11 : i32
    %swap3A_796 = arith.index_cast %swap3A_795 : i32 to index
    %swap3A_797 = arith.constant 0 : index
    %swap3A_798 = tpu.vector_load %arg18[%swap3A_796, %swap3A_797] {strides = array<i32>} : memref<16x17xf32, #tpu.memory_space<vmem>>, vector<16xf32>,
    tpu.vector_store %arg18[%swap3A_796, %swap3A_797], %add3A_794 {strides = array<i32>} : memref<16x17xf32, #tpu.memory_space<vmem>>, vector<16xf32>,
    %get3A_799 = arith.constant 12 : i32
    %get3A_800 = arith.index_cast %get3A_799 : i32 to index
    %get3A_801 = arith.constant 0 : index
    %get3A_802 = tpu.vector_load %arg12[%get3A_800, %get3A_801] {strides = array<i32>} : memref<64x64xf32, #tpu.memory_space<vmem>>, vector<16xf32>,
    %get3A_803 = arith.constant 12 : i32
    %get3A_804 = arith.index_cast %get3A_803 : i32 to index
    %get3A_805 = arith.constant 0 : index
    %get3A_806 = tpu.vector_load %arg14[%get3A_804, %get3A_805] {strides = array<i32>} : memref<64x64xf32, #tpu.memory_space<vmem>>, vector<16xf32>,
    %add3A_807 = arith.addf %get3A_802, %get3A_806 : vector<16xf32>
    %max3A_808 = arith.constant 0.000000e+00 : f32
    %max3A_809 = vector.broadcast %max3A_808 : f32 to vector<16xf32>
    %max3A_810 = arith.maximumf %add3A_807, %max3A_809 : vector<16xf32>
    %mul3A_811 = arith.mulf %max3A_810, %get3A_11 : vector<16xf32>
    %get3A_812 = arith.constant 12 : i32
    %get3A_813 = arith.index_cast %get3A_812 : i32 to index
    %get3A_814 = arith.constant 16 : index
    %get3A_815 = tpu.vector_load %arg12[%get3A_813, %get3A_814] {strides = array<i32>} : memref<64x64xf32, #tpu.memory_space<vmem>>, vector<16xf32>,
    %get3A_816 = arith.constant 12 : i32
    %get3A_817 = arith.index_cast %get3A_816 : i32 to index
    %get3A_818 = arith.constant 16 : index
    %get3A_819 = tpu.vector_load %arg14[%get3A_817, %get3A_818] {strides = array<i32>} : memref<64x64xf32, #tpu.memory_space<vmem>>, vector<16xf32>,
    %add3A_820 = arith.addf %get3A_815, %get3A_819 : vector<16xf32>
    %max3A_821 = arith.constant 0.000000e+00 : f32
    %max3A_822 = vector.broadcast %max3A_821 : f32 to vector<16xf32>
    %max3A_823 = arith.maximumf %add3A_820, %max3A_822 : vector<16xf32>
    %mul3A_824 = arith.mulf %max3A_823, %get3A_13 : vector<16xf32>
    %get3A_825 = arith.constant 12 : i32
    %get3A_826 = arith.index_cast %get3A_825 : i32 to index
    %get3A_827 = arith.constant 32 : index
    %get3A_828 = tpu.vector_load %arg12[%get3A_826, %get3A_827] {strides = array<i32>} : memref<64x64xf32, #tpu.memory_space<vmem>>, vector<16xf32>,
    %get3A_829 = arith.constant 12 : i32
    %get3A_830 = arith.index_cast %get3A_829 : i32 to index
    %get3A_831 = arith.constant 32 : index
    %get3A_832 = tpu.vector_load %arg14[%get3A_830, %get3A_831] {strides = array<i32>} : memref<64x64xf32, #tpu.memory_space<vmem>>, vector<16xf32>,
    %add3A_833 = arith.addf %get3A_828, %get3A_832 : vector<16xf32>
    %max3A_834 = arith.constant 0.000000e+00 : f32
    %max3A_835 = vector.broadcast %max3A_834 : f32 to vector<16xf32>
    %max3A_836 = arith.maximumf %add3A_833, %max3A_835 : vector<16xf32>
    %mul3A_837 = arith.mulf %max3A_836, %get3A_15 : vector<16xf32>
    %get3A_838 = arith.constant 12 : i32
    %get3A_839 = arith.index_cast %get3A_838 : i32 to index
    %get3A_840 = arith.constant 48 : index
    %get3A_841 = tpu.vector_load %arg12[%get3A_839, %get3A_840] {strides = array<i32>} : memref<64x64xf32, #tpu.memory_space<vmem>>, vector<16xf32>,
    %get3A_842 = arith.constant 12 : i32
    %get3A_843 = arith.index_cast %get3A_842 : i32 to index
    %get3A_844 = arith.constant 48 : index
    %get3A_845 = tpu.vector_load %arg14[%get3A_843, %get3A_844] {strides = array<i32>} : memref<64x64xf32, #tpu.memory_space<vmem>>, vector<16xf32>,
    %add3A_846 = arith.addf %get3A_841, %get3A_845 : vector<16xf32>
    %max3A_847 = arith.constant 0.000000e+00 : f32
    %max3A_848 = vector.broadcast %max3A_847 : f32 to vector<16xf32>
    %max3A_849 = arith.maximumf %add3A_846, %max3A_848 : vector<16xf32>
    %mul3A_850 = arith.mulf %max3A_849, %get3A_17 : vector<16xf32>
    %add3A_851 = arith.addf %mul3A_811, %mul3A_824 : vector<16xf32>
    %add3A_852 = arith.addf %mul3A_837, %mul3A_850 : vector<16xf32>
    %add3A_853 = arith.addf %add3A_851, %add3A_852 : vector<16xf32>
    %swap3A_854 = arith.constant 12 : i32
    %swap3A_855 = arith.index_cast %swap3A_854 : i32 to index
    %swap3A_856 = arith.constant 0 : index
    %swap3A_857 = tpu.vector_load %arg18[%swap3A_855, %swap3A_856] {strides = array<i32>} : memref<16x17xf32, #tpu.memory_space<vmem>>, vector<16xf32>,
    tpu.vector_store %arg18[%swap3A_855, %swap3A_856], %add3A_853 {strides = array<i32>} : memref<16x17xf32, #tpu.memory_space<vmem>>, vector<16xf32>,
    %get3A_858 = arith.constant 13 : i32
    %get3A_859 = arith.index_cast %get3A_858 : i32 to index
    %get3A_860 = arith.constant 0 : index
    %get3A_861 = tpu.vector_load %arg12[%get3A_859, %get3A_860] {strides = array<i32>} : memref<64x64xf32, #tpu.memory_space<vmem>>, vector<16xf32>,
    %get3A_862 = arith.constant 13 : i32
    %get3A_863 = arith.index_cast %get3A_862 : i32 to index
    %get3A_864 = arith.constant 0 : index
    %get3A_865 = tpu.vector_load %arg14[%get3A_863, %get3A_864] {strides = array<i32>} : memref<64x64xf32, #tpu.memory_space<vmem>>, vector<16xf32>,
    %add3A_866 = arith.addf %get3A_861, %get3A_865 : vector<16xf32>
    %max3A_867 = arith.constant 0.000000e+00 : f32
    %max3A_868 = vector.broadcast %max3A_867 : f32 to vector<16xf32>
    %max3A_869 = arith.maximumf %add3A_866, %max3A_868 : vector<16xf32>
    %mul3A_870 = arith.mulf %max3A_869, %get3A_11 : vector<16xf32>
    %get3A_871 = arith.constant 13 : i32
    %get3A_872 = arith.index_cast %get3A_871 : i32 to index
    %get3A_873 = arith.constant 16 : index
    %get3A_874 = tpu.vector_load %arg12[%get3A_872, %get3A_873] {strides = array<i32>} : memref<64x64xf32, #tpu.memory_space<vmem>>, vector<16xf32>,
    %get3A_875 = arith.constant 13 : i32
    %get3A_876 = arith.index_cast %get3A_875 : i32 to index
    %get3A_877 = arith.constant 16 : index
    %get3A_878 = tpu.vector_load %arg14[%get3A_876, %get3A_877] {strides = array<i32>} : memref<64x64xf32, #tpu.memory_space<vmem>>, vector<16xf32>,
    %add3A_879 = arith.addf %get3A_874, %get3A_878 : vector<16xf32>
    %max3A_880 = arith.constant 0.000000e+00 : f32
    %max3A_881 = vector.broadcast %max3A_880 : f32 to vector<16xf32>
    %max3A_882 = arith.maximumf %add3A_879, %max3A_881 : vector<16xf32>
    %mul3A_883 = arith.mulf %max3A_882, %get3A_13 : vector<16xf32>
    %get3A_884 = arith.constant 13 : i32
    %get3A_885 = arith.index_cast %get3A_884 : i32 to index
    %get3A_886 = arith.constant 32 : index
    %get3A_887 = tpu.vector_load %arg12[%get3A_885, %get3A_886] {strides = array<i32>} : memref<64x64xf32, #tpu.memory_space<vmem>>, vector<16xf32>,
    %get3A_888 = arith.constant 13 : i32
    %get3A_889 = arith.index_cast %get3A_888 : i32 to index
    %get3A_890 = arith.constant 32 : index
    %get3A_891 = tpu.vector_load %arg14[%get3A_889, %get3A_890] {strides = array<i32>} : memref<64x64xf32, #tpu.memory_space<vmem>>, vector<16xf32>,
    %add3A_892 = arith.addf %get3A_887, %get3A_891 : vector<16xf32>
    %max3A_893 = arith.constant 0.000000e+00 : f32
    %max3A_894 = vector.broadcast %max3A_893 : f32 to vector<16xf32>
    %max3A_895 = arith.maximumf %add3A_892, %max3A_894 : vector<16xf32>
    %mul3A_896 = arith.mulf %max3A_895, %get3A_15 : vector<16xf32>
    %get3A_897 = arith.constant 13 : i32
    %get3A_898 = arith.index_cast %get3A_897 : i32 to index
    %get3A_899 = arith.constant 48 : index
    %get3A_900 = tpu.vector_load %arg12[%get3A_898, %get3A_899] {strides = array<i32>} : memref<64x64xf32, #tpu.memory_space<vmem>>, vector<16xf32>,
    %get3A_901 = arith.constant 13 : i32
    %get3A_902 = arith.index_cast %get3A_901 : i32 to index
    %get3A_903 = arith.constant 48 : index
    %get3A_904 = tpu.vector_load %arg14[%get3A_902, %get3A_903] {strides = array<i32>} : memref<64x64xf32, #tpu.memory_space<vmem>>, vector<16xf32>,
    %add3A_905 = arith.addf %get3A_900, %get3A_904 : vector<16xf32>
    %max3A_906 = arith.constant 0.000000e+00 : f32
    %max3A_907 = vector.broadcast %max3A_906 : f32 to vector<16xf32>
    %max3A_908 = arith.maximumf %add3A_905, %max3A_907 : vector<16xf32>
    %mul3A_909 = arith.mulf %max3A_908, %get3A_17 : vector<16xf32>
    %add3A_910 = arith.addf %mul3A_870, %mul3A_883 : vector<16xf32>
    %add3A_911 = arith.addf %mul3A_896, %mul3A_909 : vector<16xf32>
    %add3A_912 = arith.addf %add3A_910, %add3A_911 : vector<16xf32>
    %swap3A_913 = arith.constant 13 : i32
    %swap3A_914 = arith.index_cast %swap3A_913 : i32 to index
    %swap3A_915 = arith.constant 0 : index
    %swap3A_916 = tpu.vector_load %arg18[%swap3A_914, %swap3A_915] {strides = array<i32>} : memref<16x17xf32, #tpu.memory_space<vmem>>, vector<16xf32>,
    tpu.vector_store %arg18[%swap3A_914, %swap3A_915], %add3A_912 {strides = array<i32>} : memref<16x17xf32, #tpu.memory_space<vmem>>, vector<16xf32>,
    %get3A_917 = arith.constant 14 : i32
    %get3A_918 = arith.index_cast %get3A_917 : i32 to index
    %get3A_919 = arith.constant 0 : index
    %get3A_920 = tpu.vector_load %arg12[%get3A_918, %get3A_919] {strides = array<i32>} : memref<64x64xf32, #tpu.memory_space<vmem>>, vector<16xf32>,
    %get3A_921 = arith.constant 14 : i32
    %get3A_922 = arith.index_cast %get3A_921 : i32 to index
    %get3A_923 = arith.constant 0 : index
    %get3A_924 = tpu.vector_load %arg14[%get3A_922, %get3A_923] {strides = array<i32>} : memref<64x64xf32, #tpu.memory_space<vmem>>, vector<16xf32>,
    %add3A_925 = arith.addf %get3A_920, %get3A_924 : vector<16xf32>
    %max3A_926 = arith.constant 0.000000e+00 : f32
    %max3A_927 = vector.broadcast %max3A_926 : f32 to vector<16xf32>
    %max3A_928 = arith.maximumf %add3A_925, %max3A_927 : vector<16xf32>
    %mul3A_929 = arith.mulf %max3A_928, %get3A_11 : vector<16xf32>
    %get3A_930 = arith.constant 14 : i32
    %get3A_931 = arith.index_cast %get3A_930 : i32 to index
    %get3A_932 = arith.constant 16 : index
    %get3A_933 = tpu.vector_load %arg12[%get3A_931, %get3A_932] {strides = array<i32>} : memref<64x64xf32, #tpu.memory_space<vmem>>, vector<16xf32>,
    %get3A_934 = arith.constant 14 : i32
    %get3A_935 = arith.index_cast %get3A_934 : i32 to index
    %get3A_936 = arith.constant 16 : index
    %get3A_937 = tpu.vector_load %arg14[%get3A_935, %get3A_936] {strides = array<i32>} : memref<64x64xf32, #tpu.memory_space<vmem>>, vector<16xf32>,
    %add3A_938 = arith.addf %get3A_933, %get3A_937 : vector<16xf32>
    %max3A_939 = arith.constant 0.000000e+00 : f32
    %max3A_940 = vector.broadcast %max3A_939 : f32 to vector<16xf32>
    %max3A_941 = arith.maximumf %add3A_938, %max3A_940 : vector<16xf32>
    %mul3A_942 = arith.mulf %max3A_941, %get3A_13 : vector<16xf32>
    %get3A_943 = arith.constant 14 : i32
    %get3A_944 = arith.index_cast %get3A_943 : i32 to index
    %get3A_945 = arith.constant 32 : index
    %get3A_946 = tpu.vector_load %arg12[%get3A_944, %get3A_945] {strides = array<i32>} : memref<64x64xf32, #tpu.memory_space<vmem>>, vector<16xf32>,
    %get3A_947 = arith.constant 14 : i32
    %get3A_948 = arith.index_cast %get3A_947 : i32 to index
    %get3A_949 = arith.constant 32 : index
    %get3A_950 = tpu.vector_load %arg14[%get3A_948, %get3A_949] {strides = array<i32>} : memref<64x64xf32, #tpu.memory_space<vmem>>, vector<16xf32>,
    %add3A_951 = arith.addf %get3A_946, %get3A_950 : vector<16xf32>
    %max3A_952 = arith.constant 0.000000e+00 : f32
    %max3A_953 = vector.broadcast %max3A_952 : f32 to vector<16xf32>
    %max3A_954 = arith.maximumf %add3A_951, %max3A_953 : vector<16xf32>
    %mul3A_955 = arith.mulf %max3A_954, %get3A_15 : vector<16xf32>
    %get3A_956 = arith.constant 14 : i32
    %get3A_957 = arith.index_cast %get3A_956 : i32 to index
    %get3A_958 = arith.constant 48 : index
    %get3A_959 = tpu.vector_load %arg12[%get3A_957, %get3A_958] {strides = array<i32>} : memref<64x64xf32, #tpu.memory_space<vmem>>, vector<16xf32>,
    %get3A_960 = arith.constant 14 : i32
    %get3A_961 = arith.index_cast %get3A_960 : i32 to index
    %get3A_962 = arith.constant 48 : index
    %get3A_963 = tpu.vector_load %arg14[%get3A_961, %get3A_962] {strides = array<i32>} : memref<64x64xf32, #tpu.memory_space<vmem>>, vector<16xf32>,
    %add3A_964 = arith.addf %get3A_959, %get3A_963 : vector<16xf32>
    %max3A_965 = arith.constant 0.000000e+00 : f32
    %max3A_966 = vector.broadcast %max3A_965 : f32 to vector<16xf32>
    %max3A_967 = arith.maximumf %add3A_964, %max3A_966 : vector<16xf32>
    %mul3A_968 = arith.mulf %max3A_967, %get3A_17 : vector<16xf32>
    %add3A_969 = arith.addf %mul3A_929, %mul3A_942 : vector<16xf32>
    %add3A_970 = arith.addf %mul3A_955, %mul3A_968 : vector<16xf32>
    %add3A_971 = arith.addf %add3A_969, %add3A_970 : vector<16xf32>
    %swap3A_972 = arith.constant 14 : i32
    %swap3A_973 = arith.index_cast %swap3A_972 : i32 to index
    %swap3A_974 = arith.constant 0 : index
    %swap3A_975 = tpu.vector_load %arg18[%swap3A_973, %swap3A_974] {strides = array<i32>} : memref<16x17xf32, #tpu.memory_space<vmem>>, vector<16xf32>,
    tpu.vector_store %arg18[%swap3A_973, %swap3A_974], %add3A_971 {strides = array<i32>} : memref<16x17xf32, #tpu.memory_space<vmem>>, vector<16xf32>,
    %get3A_976 = arith.constant 15 : i32
    %get3A_977 = arith.index_cast %get3A_976 : i32 to index
    %get3A_978 = arith.constant 0 : index
    %get3A_979 = tpu.vector_load %arg12[%get3A_977, %get3A_978] {strides = array<i32>} : memref<64x64xf32, #tpu.memory_space<vmem>>, vector<16xf32>,
    %get3A_980 = arith.constant 15 : i32
    %get3A_981 = arith.index_cast %get3A_980 : i32 to index
    %get3A_982 = arith.constant 0 : index
    %get3A_983 = tpu.vector_load %arg14[%get3A_981, %get3A_982] {strides = array<i32>} : memref<64x64xf32, #tpu.memory_space<vmem>>, vector<16xf32>,
    %add3A_984 = arith.addf %get3A_979, %get3A_983 : vector<16xf32>
    %max3A_985 = arith.constant 0.000000e+00 : f32
    %max3A_986 = vector.broadcast %max3A_985 : f32 to vector<16xf32>
    %max3A_987 = arith.maximumf %add3A_984, %max3A_986 : vector<16xf32>
    %mul3A_988 = arith.mulf %max3A_987, %get3A_11 : vector<16xf32>
    %get3A_989 = arith.constant 15 : i32
    %get3A_990 = arith.index_cast %get3A_989 : i32 to index
    %get3A_991 = arith.constant 16 : index
    %get3A_992 = tpu.vector_load %arg12[%get3A_990, %get3A_991] {strides = array<i32>} : memref<64x64xf32, #tpu.memory_space<vmem>>, vector<16xf32>,
    %get3A_993 = arith.constant 15 : i32
    %get3A_994 = arith.index_cast %get3A_993 : i32 to index
    %get3A_995 = arith.constant 16 : index
    %get3A_996 = tpu.vector_load %arg14[%get3A_994, %get3A_995] {strides = array<i32>} : memref<64x64xf32, #tpu.memory_space<vmem>>, vector<16xf32>,
    %add3A_997 = arith.addf %get3A_992, %get3A_996 : vector<16xf32>
    %max3A_998 = arith.constant 0.000000e+00 : f32
    %max3A_999 = vector.broadcast %max3A_998 : f32 to vector<16xf32>
    %max3A_1000 = arith.maximumf %add3A_997, %max3A_999 : vector<16xf32>
    %mul3A_1001 = arith.mulf %max3A_1000, %get3A_13 : vector<16xf32>
    %get3A_1002 = arith.constant 15 : i32
    %get3A_1003 = arith.index_cast %get3A_1002 : i32 to index
    %get3A_1004 = arith.constant 32 : index
    %get3A_1005 = tpu.vector_load %arg12[%get3A_1003, %get3A_1004] {strides = array<i32>} : memref<64x64xf32, #tpu.memory_space<vmem>>, vector<16xf32>,
    %get3A_1006 = arith.constant 15 : i32
    %get3A_1007 = arith.index_cast %get3A_1006 : i32 to index
    %get3A_1008 = arith.constant 32 : index
    %get3A_1009 = tpu.vector_load %arg14[%get3A_1007, %get3A_1008] {strides = array<i32>} : memref<64x64xf32, #tpu.memory_space<vmem>>, vector<16xf32>,
    %add3A_1010 = arith.addf %get3A_1005, %get3A_1009 : vector<16xf32>
    %max3A_1011 = arith.constant 0.000000e+00 : f32
    %max3A_1012 = vector.broadcast %max3A_1011 : f32 to vector<16xf32>
    %max3A_1013 = arith.maximumf %add3A_1010, %max3A_1012 : vector<16xf32>
    %mul3A_1014 = arith.mulf %max3A_1013, %get3A_15 : vector<16xf32>
    %get3A_1015 = arith.constant 15 : i32
    %get3A_1016 = arith.index_cast %get3A_1015 : i32 to index
    %get3A_1017 = arith.constant 48 : index
    %get3A_1018 = tpu.vector_load %arg12[%get3A_1016, %get3A_1017] {strides = array<i32>} : memref<64x64xf32, #tpu.memory_space<vmem>>, vector<16xf32>,
    %get3A_1019 = arith.constant 15 : i32
    %get3A_1020 = arith.index_cast %get3A_1019 : i32 to index
    %get3A_1021 = arith.constant 48 : index
    %get3A_1022 = tpu.vector_load %arg14[%get3A_1020, %get3A_1021] {strides = array<i32>} : memref<64x64xf32, #tpu.memory_space<vmem>>, vector<16xf32>,
    %add3A_1023 = arith.addf %get3A_1018, %get3A_1022 : vector<16xf32>
    %max3A_1024 = arith.constant 0.000000e+00 : f32
    %max3A_1025 = vector.broadcast %max3A_1024 : f32 to vector<16xf32>
    %max3A_1026 = arith.maximumf %add3A_1023, %max3A_1025 : vector<16xf32>
    %mul3A_1027 = arith.mulf %max3A_1026, %get3A_17 : vector<16xf32>
    %add3A_1028 = arith.addf %mul3A_988, %mul3A_1001 : vector<16xf32>
    %add3A_1029 = arith.addf %mul3A_1014, %mul3A_1027 : vector<16xf32>
    %add3A_1030 = arith.addf %add3A_1028, %add3A_1029 : vector<16xf32>
    %swap3A_1031 = arith.constant 15 : i32
    %swap3A_1032 = arith.index_cast %swap3A_1031 : i32 to index
    %swap3A_1033 = arith.constant 0 : index
    %swap3A_1034 = tpu.vector_load %arg18[%swap3A_1032, %swap3A_1033] {strides = array<i32>} : memref<16x17xf32, #tpu.memory_space<vmem>>, vector<16xf32>,
    tpu.vector_store %arg18[%swap3A_1032, %swap3A_1033], %add3A_1030 {strides = array<i32>} : memref<16x17xf32, #tpu.memory_space<vmem>>, vector<16xf32>,
    %broadcast_in_dim3A = arith.constant 0 : i32
    %broadcast_in_dim3A_1035 = vector.broadcast %broadcast_in_dim3A : i32 to vector<16xi32>
    %gather3A = tpu.vector_load_idx %arg18[%iota3A, %broadcast_in_dim3A_1035] : memref<16x17xf32, #tpu.memory_space<vmem>>[vector<16xi32>, vector<16xi32>], vector<16xf32>,
    %broadcast_in_dim3A_1036 = arith.constant 1 : i32
    %broadcast_in_dim3A_1037 = vector.broadcast %broadcast_in_dim3A_1036 : i32 to vector<16xi32>
    %gather3A_1038 = tpu.vector_load_idx %arg18[%iota3A, %broadcast_in_dim3A_1037] : memref<16x17xf32, #tpu.memory_space<vmem>>[vector<16xi32>, vector<16xi32>], vector<16xf32>,
    %broadcast_in_dim3A_1039 = arith.constant 2 : i32
    %broadcast_in_dim3A_1040 = vector.broadcast %broadcast_in_dim3A_1039 : i32 to vector<16xi32>
    %gather3A_1041 = tpu.vector_load_idx %arg18[%iota3A, %broadcast_in_dim3A_1040] : memref<16x17xf32, #tpu.memory_space<vmem>>[vector<16xi32>, vector<16xi32>], vector<16xf32>,
    %broadcast_in_dim3A_1042 = arith.constant 3 : i32
    %broadcast_in_dim3A_1043 = vector.broadcast %broadcast_in_dim3A_1042 : i32 to vector<16xi32>
    %gather3A_1044 = tpu.vector_load_idx %arg18[%iota3A, %broadcast_in_dim3A_1043] : memref<16x17xf32, #tpu.memory_space<vmem>>[vector<16xi32>, vector<16xi32>], vector<16xf32>,
    %broadcast_in_dim3A_1045 = arith.constant 4 : i32
    %broadcast_in_dim3A_1046 = vector.broadcast %broadcast_in_dim3A_1045 : i32 to vector<16xi32>
    %gather3A_1047 = tpu.vector_load_idx %arg18[%iota3A, %broadcast_in_dim3A_1046] : memref<16x17xf32, #tpu.memory_space<vmem>>[vector<16xi32>, vector<16xi32>], vector<16xf32>,
    %broadcast_in_dim3A_1048 = arith.constant 5 : i32
    %broadcast_in_dim3A_1049 = vector.broadcast %broadcast_in_dim3A_1048 : i32 to vector<16xi32>
    %gather3A_1050 = tpu.vector_load_idx %arg18[%iota3A, %broadcast_in_dim3A_1049] : memref<16x17xf32, #tpu.memory_space<vmem>>[vector<16xi32>, vector<16xi32>], vector<16xf32>,
    %broadcast_in_dim3A_1051 = arith.constant 6 : i32
    %broadcast_in_dim3A_1052 = vector.broadcast %broadcast_in_dim3A_1051 : i32 to vector<16xi32>
    %gather3A_1053 = tpu.vector_load_idx %arg18[%iota3A, %broadcast_in_dim3A_1052] : memref<16x17xf32, #tpu.memory_space<vmem>>[vector<16xi32>, vector<16xi32>], vector<16xf32>,
    %broadcast_in_dim3A_1054 = arith.constant 7 : i32
    %broadcast_in_dim3A_1055 = vector.broadcast %broadcast_in_dim3A_1054 : i32 to vector<16xi32>
    %gather3A_1056 = tpu.vector_load_idx %arg18[%iota3A, %broadcast_in_dim3A_1055] : memref<16x17xf32, #tpu.memory_space<vmem>>[vector<16xi32>, vector<16xi32>], vector<16xf32>,
    %broadcast_in_dim3A_1057 = arith.constant 8 : i32
    %broadcast_in_dim3A_1058 = vector.broadcast %broadcast_in_dim3A_1057 : i32 to vector<16xi32>
    %gather3A_1059 = tpu.vector_load_idx %arg18[%iota3A, %broadcast_in_dim3A_1058] : memref<16x17xf32, #tpu.memory_space<vmem>>[vector<16xi32>, vector<16xi32>], vector<16xf32>,
    %broadcast_in_dim3A_1060 = arith.constant 9 : i32
    %broadcast_in_dim3A_1061 = vector.broadcast %broadcast_in_dim3A_1060 : i32 to vector<16xi32>
    %gather3A_1062 = tpu.vector_load_idx %arg18[%iota3A, %broadcast_in_dim3A_1061] : memref<16x17xf32, #tpu.memory_space<vmem>>[vector<16xi32>, vector<16xi32>], vector<16xf32>,
    %broadcast_in_dim3A_1063 = arith.constant 10 : i32
    %broadcast_in_dim3A_1064 = vector.broadcast %broadcast_in_dim3A_1063 : i32 to vector<16xi32>
    %gather3A_1065 = tpu.vector_load_idx %arg18[%iota3A, %broadcast_in_dim3A_1064] : memref<16x17xf32, #tpu.memory_space<vmem>>[vector<16xi32>, vector<16xi32>], vector<16xf32>,
    %broadcast_in_dim3A_1066 = arith.constant 11 : i32
    %broadcast_in_dim3A_1067 = vector.broadcast %broadcast_in_dim3A_1066 : i32 to vector<16xi32>
    %gather3A_1068 = tpu.vector_load_idx %arg18[%iota3A, %broadcast_in_dim3A_1067] : memref<16x17xf32, #tpu.memory_space<vmem>>[vector<16xi32>, vector<16xi32>], vector<16xf32>,
    %broadcast_in_dim3A_1069 = arith.constant 12 : i32
    %broadcast_in_dim3A_1070 = vector.broadcast %broadcast_in_dim3A_1069 : i32 to vector<16xi32>
    %gather3A_1071 = tpu.vector_load_idx %arg18[%iota3A, %broadcast_in_dim3A_1070] : memref<16x17xf32, #tpu.memory_space<vmem>>[vector<16xi32>, vector<16xi32>], vector<16xf32>,
    %broadcast_in_dim3A_1072 = arith.constant 13 : i32
    %broadcast_in_dim3A_1073 = vector.broadcast %broadcast_in_dim3A_1072 : i32 to vector<16xi32>
    %gather3A_1074 = tpu.vector_load_idx %arg18[%iota3A, %broadcast_in_dim3A_1073] : memref<16x17xf32, #tpu.memory_space<vmem>>[vector<16xi32>, vector<16xi32>], vector<16xf32>,
    %broadcast_in_dim3A_1075 = arith.constant 14 : i32
    %broadcast_in_dim3A_1076 = vector.broadcast %broadcast_in_dim3A_1075 : i32 to vector<16xi32>
    %gather3A_1077 = tpu.vector_load_idx %arg18[%iota3A, %broadcast_in_dim3A_1076] : memref<16x17xf32, #tpu.memory_space<vmem>>[vector<16xi32>, vector<16xi32>], vector<16xf32>,
    %broadcast_in_dim3A_1078 = arith.constant 15 : i32
    %broadcast_in_dim3A_1079 = vector.broadcast %broadcast_in_dim3A_1078 : i32 to vector<16xi32>
    %gather3A_1080 = tpu.vector_load_idx %arg18[%iota3A, %broadcast_in_dim3A_1079] : memref<16x17xf32, #tpu.memory_space<vmem>>[vector<16xi32>, vector<16xi32>], vector<16xf32>,
    %get3A_1081 = arith.constant 0 : index
    %get3A_1082 = tpu.vector_load %arg16[%get3A_1081] {strides = array<i32>} : memref<64xf32, #tpu.memory_space<vmem>>, vector<16xf32>,
    %add3A_1083 = arith.addf %gather3A, %gather3A_1038 : vector<16xf32>
    %add3A_1084 = arith.addf %gather3A_1041, %gather3A_1044 : vector<16xf32>
    %add3A_1085 = arith.addf %gather3A_1047, %gather3A_1050 : vector<16xf32>
    %add3A_1086 = arith.addf %gather3A_1053, %gather3A_1056 : vector<16xf32>
    %add3A_1087 = arith.addf %gather3A_1059, %gather3A_1062 : vector<16xf32>
    %add3A_1088 = arith.addf %gather3A_1065, %gather3A_1068 : vector<16xf32>
    %add3A_1089 = arith.addf %gather3A_1071, %gather3A_1074 : vector<16xf32>
    %add3A_1090 = arith.addf %gather3A_1077, %gather3A_1080 : vector<16xf32>
    %add3A_1091 = arith.addf %add3A_1083, %add3A_1084 : vector<16xf32>
    %add3A_1092 = arith.addf %add3A_1085, %add3A_1086 : vector<16xf32>
    %add3A_1093 = arith.addf %add3A_1087, %add3A_1088 : vector<16xf32>
    %add3A_1094 = arith.addf %add3A_1089, %add3A_1090 : vector<16xf32>
    %add3A_1095 = arith.addf %add3A_1091, %add3A_1092 : vector<16xf32>
    %add3A_1096 = arith.addf %add3A_1093, %add3A_1094 : vector<16xf32>
    %add3A_1097 = arith.addf %add3A_1095, %add3A_1096 : vector<16xf32>
    %add3A_1098 = arith.addf %get3A_1082, %add3A_1097 : vector<16xf32>
    %swap3A_1099 = arith.constant 9984 : index
    %swap3A_1100 = tpu.vector_load %arg11[%swap3A_1099] {strides = array<i32>} : memref<10000xf32, #tpu.memory_space<vmem>>, vector<16xf32>,
    tpu.vector_store %arg11[%swap3A_1099], %add3A_1098 {strides = array<i32>} : memref<10000xf32, #tpu.memory_space<vmem>>, vector<16xf32>,
    "tpu.region"() ({
      %run_scoped3A = tpu.sem_alloc : memref<!tpu.dma_semaphore, #tpu.memory_space<semaphore_mem>>
      %dma_start3A_1101 = tpu.memref_slice %arg8[%mul3A_2] : memref<320000xf32, #tpu.memory_space<hbm>> -> memref<10000xf32, #tpu.memory_space<hbm>>
      %dma_start3A_1102 = tpu.memref_slice %arg8[%mul3A_2] : memref<320000xf32, #tpu.memory_space<hbm>> -> memref<10000xf32, #tpu.memory_space<hbm>>
      tpu.enqueue_dma source(%arg11 : memref<10000xf32, #tpu.memory_space<vmem>>) target(%dma_start3A_1102 : memref<10000xf32, #tpu.memory_space<hbm>>) target_semaphore(%run_scoped3A : memref<!tpu.dma_semaphore, #tpu.memory_space<semaphore_mem>>)
      %dma_wait3A_1103 = tpu.memref_slice %arg8[%mul3A_2] : memref<320000xf32, #tpu.memory_space<hbm>> -> memref<10000xf32, #tpu.memory_space<hbm>>
      %dma_wait3A_1104 = tpu.memref_slice %arg8[%mul3A_2] : memref<320000xf32, #tpu.memory_space<hbm>> -> memref<10000xf32, #tpu.memory_space<hbm>>
      tpu.wait_dma2 semaphore(%run_scoped3A : memref<!tpu.dma_semaphore, #tpu.memory_space<semaphore_mem>>) src(%arg11 : memref<10000xf32, #tpu.memory_space<vmem>>) dst(%dma_wait3A_1104 : memref<10000xf32, #tpu.memory_space<hbm>>)
      tpu.yield
    }) : () -> ()
    return
  }
}

module attributes {stable_mosaic.version = 14 : i64} {
  func.func @_tc_body(%arg0: i32, %arg1: memref<1000x128xf32, #tpu.memory_space<vmem>>, %arg2: memref<128x64xf32, #tpu.memory_space<vmem>>, %arg3: memref<128x64xf32, #tpu.memory_space<vmem>>, %arg4: memref<128x64xf32, #tpu.memory_space<vmem>>, %arg5: memref<1x128xf32, #tpu.memory_space<vmem>>, %arg6: memref<1x64xf32, #tpu.memory_space<vmem>>, %arg7: memref<2500x128xf32, #tpu.memory_space<vmem>>, %arg8: memref<1x1xf32, #tpu.memory_space<vmem>>, %arg9: memref<1000x64xf32, #tpu.memory_space<vmem>>, %arg10: memref<1000x64xf32, #tpu.memory_space<vmem>>, %arg11: memref<2500x128xf32, #tpu.memory_space<vmem>>) attributes {dimension_semantics = [#tpu.dimension_semantics<arbitrary>], iteration_bounds = array<i64: 10>, scalar_prefetch = 0 : i64, scratch_operands = 0 : i64, tpu.core_type = #tpu.core_type<tc>, window_params = [{transform_indices = @transform_0, window_bounds = array<i64: 1000, 128>}, {pipeline_mode = #tpu.pipeline_mode<synchronous>, transform_indices = @transform_1, window_bounds = array<i64: 128, 64>}, {pipeline_mode = #tpu.pipeline_mode<synchronous>, transform_indices = @transform_2, window_bounds = array<i64: 128, 64>}, {pipeline_mode = #tpu.pipeline_mode<synchronous>, transform_indices = @transform_3, window_bounds = array<i64: 128, 64>}, {pipeline_mode = #tpu.pipeline_mode<synchronous>, transform_indices = @transform_4, window_bounds = array<i64: 1, 128>}, {pipeline_mode = #tpu.pipeline_mode<synchronous>, transform_indices = @transform_5, window_bounds = array<i64: 1, 64>}, {pipeline_mode = #tpu.pipeline_mode<synchronous>, transform_indices = @transform_6, window_bounds = array<i64: 2500, 128>}, {pipeline_mode = #tpu.pipeline_mode<synchronous>, transform_indices = @transform_7, window_bounds = array<i64: 1, 1>}, {transform_indices = @transform_8, window_bounds = array<i64: 1000, 64>}, {transform_indices = @transform_9, window_bounds = array<i64: 1000, 64>}, {pipeline_mode = #tpu.pipeline_mode<synchronous>, transform_indices = @transform_10, window_bounds = array<i64: 2500, 128>}]} {
    %get3A = arith.constant 0 : index
    %get3A_0 = arith.constant 0 : index
    %get3A_1 = vector.load %arg5[%get3A, %get3A_0] : memref<1x128xf32, #tpu.memory_space<vmem>>, vector<1x128xf32>
    %get3A_2 = arith.constant 0 : index
    %get3A_3 = arith.constant 0 : index
    %get3A_4 = vector.load %arg4[%get3A_2, %get3A_3] : memref<128x64xf32, #tpu.memory_space<vmem>>, vector<128x64xf32>
    %dot_general3A = arith.constant dense<0.000000e+00> : vector<1x64xf32>
    %dot_general3A_5 = tpu.matmul %get3A_1, %get3A_4, %dot_general3A {dimension_numbers = #tpu.dot_dimension_numbers<[1], [0], [0], [1], [0, 0, 1, 1], [], []>, transpose_lhs_hint = false} : vector<1x128xf32>, vector<128x64xf32>, vector<1x64xf32> -> vector<1x64xf32>
    %get3A_6 = arith.constant 0 : index
    %get3A_7 = arith.constant 0 : index
    %get3A_8 = vector.load %arg6[%get3A_6, %get3A_7] : memref<1x64xf32, #tpu.memory_space<vmem>>, vector<1x64xf32>
    %add3A = arith.addf %dot_general3A_5, %get3A_8 : vector<1x64xf32>
    %get3A_9 = arith.constant 0 : index
    %get3A_10 = arith.constant 0 : index
    %get3A_11 = vector.load %arg1[%get3A_9, %get3A_10] : memref<1000x128xf32, #tpu.memory_space<vmem>>, vector<1000x128xf32>
    %get3A_12 = arith.constant 0 : index
    %get3A_13 = arith.constant 0 : index
    %get3A_14 = vector.load %arg2[%get3A_12, %get3A_13] : memref<128x64xf32, #tpu.memory_space<vmem>>, vector<128x64xf32>
    %dot_general3A_15 = arith.constant dense<0.000000e+00> : vector<1000x64xf32>
    %dot_general3A_16 = tpu.matmul %get3A_11, %get3A_14, %dot_general3A_15 {dimension_numbers = #tpu.dot_dimension_numbers<[1], [0], [0], [1], [0, 0, 1, 1], [], []>, transpose_lhs_hint = false} : vector<1000x128xf32>, vector<128x64xf32>, vector<1000x64xf32> -> vector<1000x64xf32>
    %add3A_17 = vector.broadcast %add3A : vector<1x64xf32> to vector<1000x64xf32>
    %add3A_18 = arith.addf %dot_general3A_16, %add3A_17 : vector<1000x64xf32>
    %swap3A = arith.constant 0 : index
    %swap3A_19 = arith.constant 0 : index
    %swap3A_20 = vector.load %arg9[%swap3A, %swap3A_19] : memref<1000x64xf32, #tpu.memory_space<vmem>>, vector<1000x64xf32>
    tpu.vector_store %arg9[%swap3A, %swap3A_19], %add3A_18 {strides = array<i32>} : memref<1000x64xf32, #tpu.memory_space<vmem>>, vector<1000x64xf32>,
    %get3A_21 = arith.constant 0 : index
    %get3A_22 = arith.constant 0 : index
    %get3A_23 = vector.load %arg3[%get3A_21, %get3A_22] : memref<128x64xf32, #tpu.memory_space<vmem>>, vector<128x64xf32>
    %dot_general3A_24 = arith.constant dense<0.000000e+00> : vector<1000x64xf32>
    %dot_general3A_25 = tpu.matmul %get3A_11, %get3A_23, %dot_general3A_24 {dimension_numbers = #tpu.dot_dimension_numbers<[1], [0], [0], [1], [0, 0, 1, 1], [], []>, transpose_lhs_hint = false} : vector<1000x128xf32>, vector<128x64xf32>, vector<1000x64xf32> -> vector<1000x64xf32>
    %swap3A_26 = arith.constant 0 : index
    %swap3A_27 = arith.constant 0 : index
    %swap3A_28 = vector.load %arg10[%swap3A_26, %swap3A_27] : memref<1000x64xf32, #tpu.memory_space<vmem>>, vector<1000x64xf32>
    tpu.vector_store %arg10[%swap3A_26, %swap3A_27], %dot_general3A_25 {strides = array<i32>} : memref<1000x64xf32, #tpu.memory_space<vmem>>, vector<1000x64xf32>,
    %eq3A = arith.constant 0 : i32
    %eq3A_29 = arith.cmpi eq, %arg0, %eq3A : i32
    %convert_element_type3A = arith.extui %eq3A_29 : i1 to i32
    %cond3A = arith.constant 0 : i32
    %cond3A_30 = arith.cmpi ne, %convert_element_type3A, %cond3A : i32
    scf.if %cond3A_30 {
      %get3A_31 = arith.constant 0 : index
      %get3A_32 = arith.constant 0 : index
      %get3A_33 = vector.load %arg7[%get3A_31, %get3A_32] : memref<2500x128xf32, #tpu.memory_space<vmem>>, vector<2500x128xf32>
      %mul3A = arith.constant -9.998000e-01 : f32
      %mul3A_34 = vector.broadcast %mul3A : f32 to vector<2500x128xf32>
      %mul3A_35 = arith.mulf %get3A_33, %mul3A_34 : vector<2500x128xf32>
      %add3A_36 = arith.constant 0.999899983 : f32
      %add3A_37 = vector.broadcast %add3A_36 : f32 to vector<2500x128xf32>
      %add3A_38 = arith.addf %mul3A_35, %add3A_37 : vector<2500x128xf32>
      %log3A = math.log %add3A_38 : vector<2500x128xf32>
      %neg3A = arith.constant 0.000000e+00 : f32
      %neg3A_39 = vector.broadcast %neg3A : f32 to vector<2500x128xf32>
      %neg3A_40 = arith.subf %neg3A_39, %add3A_38 : vector<2500x128xf32>
      %log1p3A = math.log1p %neg3A_40 : vector<2500x128xf32>
      %sub3A = arith.subf %log3A, %log1p3A : vector<2500x128xf32>
      %get3A_41 = arith.constant 0 : index
      %get3A_42 = arith.constant 0 : index
      %get3A_43 = vector.load %arg8[%get3A_41, %get3A_42] : memref<1x1xf32, #tpu.memory_space<vmem>>, vector<1x1xf32>
      %get3A_44 = vector.extract %get3A_43[0, 0] : f32 from vector<1x1xf32>
      %add3A_45 = vector.broadcast %get3A_44 : f32 to vector<2500x128xf32>
      %add3A_46 = arith.addf %sub3A, %add3A_45 : vector<2500x128xf32>
      %mul3A_47 = arith.constant 2.000000e-01 : f32
      %mul3A_48 = vector.broadcast %mul3A_47 : f32 to vector<2500x128xf32>
      %mul3A_49 = arith.mulf %add3A_46, %mul3A_48 : vector<2500x128xf32>
      %swap3A_50 = arith.constant 0 : index
      %swap3A_51 = arith.constant 0 : index
      %swap3A_52 = vector.load %arg11[%swap3A_50, %swap3A_51] : memref<2500x128xf32, #tpu.memory_space<vmem>>, vector<2500x128xf32>
      tpu.vector_store %arg11[%swap3A_50, %swap3A_51], %mul3A_49 {strides = array<i32>} : memref<2500x128xf32, #tpu.memory_space<vmem>>, vector<2500x128xf32>,
    } else {
    }
    return
  }
  func.func @transform_0(%arg0: i32) -> (i32, i32) {
    %c0_i32 = arith.constant 0 : i32
    %c0_i32_0 = arith.constant 0 : i32
    return %arg0, %c0_i32 : i32, i32
  }
  func.func @transform_1(%arg0: i32) -> (i32, i32) {
    %c0_i32 = arith.constant 0 : i32
    %c0_i32_0 = arith.constant 0 : i32
    %c0_i32_1 = arith.constant 0 : i32
    return %c0_i32, %c0_i32_0 : i32, i32
  }
  func.func @transform_2(%arg0: i32) -> (i32, i32) {
    %c0_i32 = arith.constant 0 : i32
    %c0_i32_0 = arith.constant 0 : i32
    %c0_i32_1 = arith.constant 0 : i32
    return %c0_i32, %c0_i32_0 : i32, i32
  }
  func.func @transform_3(%arg0: i32) -> (i32, i32) {
    %c0_i32 = arith.constant 0 : i32
    %c0_i32_0 = arith.constant 0 : i32
    %c0_i32_1 = arith.constant 0 : i32
    return %c0_i32, %c0_i32_0 : i32, i32
  }
  func.func @transform_4(%arg0: i32) -> (i32, i32) {
    %c0_i32 = arith.constant 0 : i32
    %c0_i32_0 = arith.constant 0 : i32
    %c0_i32_1 = arith.constant 0 : i32
    return %c0_i32, %c0_i32_0 : i32, i32
  }
  func.func @transform_5(%arg0: i32) -> (i32, i32) {
    %c0_i32 = arith.constant 0 : i32
    %c0_i32_0 = arith.constant 0 : i32
    %c0_i32_1 = arith.constant 0 : i32
    return %c0_i32, %c0_i32_0 : i32, i32
  }
  func.func @transform_6(%arg0: i32) -> (i32, i32) {
    %c0_i32 = arith.constant 0 : i32
    %c0_i32_0 = arith.constant 0 : i32
    %c0_i32_1 = arith.constant 0 : i32
    return %c0_i32, %c0_i32_0 : i32, i32
  }
  func.func @transform_7(%arg0: i32) -> (i32, i32) {
    %c0_i32 = arith.constant 0 : i32
    %c0_i32_0 = arith.constant 0 : i32
    %c0_i32_1 = arith.constant 0 : i32
    return %c0_i32, %c0_i32_0 : i32, i32
  }
  func.func @transform_8(%arg0: i32) -> (i32, i32) {
    %c0_i32 = arith.constant 0 : i32
    %c0_i32_0 = arith.constant 0 : i32
    return %arg0, %c0_i32 : i32, i32
  }
  func.func @transform_9(%arg0: i32) -> (i32, i32) {
    %c0_i32 = arith.constant 0 : i32
    %c0_i32_0 = arith.constant 0 : i32
    return %arg0, %c0_i32 : i32, i32
  }
  func.func @transform_10(%arg0: i32) -> (i32, i32) {
    %c0_i32 = arith.constant 0 : i32
    %c0_i32_0 = arith.constant 0 : i32
    %c0_i32_1 = arith.constant 0 : i32
    return %c0_i32, %c0_i32_0 : i32, i32
  }
}

</mosaic_0001>

<sc_bundles>
// kernel: kernel.4.cloned.1.call-start
scs
__scs_entry_jumppad:
0x0: {  	(pc) =	sbr.rel $0x88, $3  }
0x1: {  	(tag) =	ssettag $0x0;
	lr =	simm.s32 $0x1  }
0x2: {  	[smem:$0x3F99] =	sst lr;
	_ =	strace $0xD0000000  }
0x3: {  	_ = 	snop  }
0x4: {  	_ = 	snop  }
0x5: {  	_ = 	snop  }
0x6: {  	_ = 	snop  }
0x7: {  	_ = 	snop  }
__scs_overlays_trampoline_lowered:
0x8: {  	[smem:$0x3FA8] =	sst s0  }
0x9: {  	[smem:$0x3FA9] =	sst s1  }
0xa: {  	[smem:$0x3FAA] =	sst s2  }
0xb: {  	[smem:$0x3FAB] =	sst s3  }
0xc: {  	[smem:$0x3FAC] =	sst s4  }
0xd: {  	[smem:$0x3FAD] =	sst s5  }
0xe: {  	[smem:$0x3FAE] =	sst s6  }
0xf: {  	[smem:$0x3FAF] =	sst s7  }
0x10: {  	[smem:$0x3FB0] =	sst s8  }
0x11: {  	[smem:$0x3FB1] =	sst s9;
	s0 =	simm.s32 @!p0 $0x0  }
0x12: {  	s1 =	sld [smem:$0x3F97];
	s0 =	simm.s32 @p0 $0x1  }
0x13: {  	[smem:$0x3FB2] =	sst s0;
	s0 =	simm.s32 @!p1 $0x0  }
0x14: {  	s2 =	sld [smem:$0x3F96];
	s0 =	simm.s32 @p1 $0x1  }
0x15: {  	[smem:$0x3FB3] =	sst s0;
	s0 =	simm.s32 @!p2 $0x0  }
0x16: {  	s3 =	sld [smem:$0x3FDB];
	s0 =	simm.s32 @p2 $0x1  }
0x17: {  	s4 =	simm.s32 $0x1BF5;
	[smem:$0x3FB5] =	sst s0  }
0x18: {  	s0 =	sld [smem:$0x3F98];
	_ =	swait.ge [sflag:s4], $0x0  }
0x19: {  	s7 =	sld [smem:$0x3F99]  }
0x1a: {  	s8 =	sadd.s32 $0xFFFFE003, lr  }
0x1b: {  	s9 =	sadd.s32 $0xFFFFFEF7, lr;
	s5 =	simm.s32 $0xFFFFFFFF;
	p2 =	slt.u32 s8, $0xFFFFF086  }
0x1c: {  	p1 =	slt.u32 s9, $0xF7A;
	s5 =	simm.s32 @!p2 $0x0  }
0x1d: {  	s5 =	simm.s32 @p1 $0x1;
	p0 =	seq.s32 s7, s2  }
0x1e: {  	s7 =	smul.u32 @!p0 $0xF7A, s2;
	p2 =	seq.s32 @!p0 s5, $0x0  }
0x1f: {  	s9 =	smul.u32 $0xF7A, s1;
	s8 =	simm.s32 @!p0 $0x1BF5;
	p2 =	por !p2, p0  }
0x20: {  	[sflag:s8] =	ssyncset.s32 @!p0 $0xFFFFF086;
	s6 =	sadd.s32 @!p0 s3, s7;
	s7 =	simm.s32 @!p0 $0x108  }
0x21: {  	s3 =	sadd.s32 s3, s9;
	s6 =	sadd.s32 @!p0 $0x88, s6;
	s7 =	simm.s32 @p2 $0x1082  }
0x22: {  	[simem:s7], [sflag:s8] =	dma.local @!p0 [hbm:s6], $0xF7A  }
0x23: {  	s9 =	sor.u32 $0xD0000000, s2;
	s6 =	simm.s32 $0x108;
	_ =	swait.ge @!p0 [sflag:s8], $0x0  }
0x24: {  	s3 =	sadd.s32 $0x88, s3;
	s6 =	simm.s32 @!p1 $0x1082;
	[sflag:s4] =	ssyncset.s32 $0xFFFFF086  }
0x25: {  	[simem:s6], [sflag:s4] =	dma.local [hbm:s3], $0xF7A  }
0x26: {  	[smem:$0x3F99] =	sst s1;
	(tag) =	ssettag s2;
	_ =	strace s9  }
0x27: {  	s1 =	sld [smem:$0x3FA9]  }
0x28: {  	s2 =	sld [smem:$0x3FAA]  }
0x29: {  	s4 =	sld [smem:$0x3FAC]  }
0x2a: {  	p0 =	seq.s32 s5, $0x0;
	s5 =	sld [smem:$0x3FAD]  }
0x2b: {  	s6 =	sld [smem:$0x3FAE]  }
0x2c: {  	s7 =	sld [smem:$0x3FAF]  }
0x2d: {  	s3 =	simm.s32 $0x108;
	s8 =	sld [smem:$0x3FB0]  }
0x2e: {  	s3 =	simm.s32 @!p0 $0x1082;
	s9 =	sld [smem:$0x3FB1]  }
0x2f: {  	lr =	sadd.s32 s0, s3;
	s0 =	sld [smem:$0x3FA8]  }
0x30: {  	s3 =	sld [smem:$0x3FAB]  }
0x31: {  	[smem:$0x3FB4] =	sst s10  }
0x32: {  	s10 =	sld [smem:$0x3FB2];
	_ =	sdelay $0x3  }
0x33: {  	p0 =	seq.s32 s10, $0x1;
	s10 =	sld [smem:$0x3FB4];
	_ =	sdelay $0x3  }
0x34: {  	[smem:$0x3FB4] =	sst s10  }
0x35: {  	s10 =	sld [smem:$0x3FB3];
	_ =	sdelay $0x3  }
0x36: {  	p1 =	seq.s32 s10, $0x1;
	s10 =	sld [smem:$0x3FB4];
	_ =	sdelay $0x3  }
0x37: {  	[smem:$0x3FB4] =	sst s10  }
0x38: {  	s10 =	sld [smem:$0x3FB5]  }
0x39: {  	_ = 	snop;
	(pc) =	sbr.ind lr, $3  }
0x3a: {  	_ = 	snop  }
0x3b: {  	_ = 	snop  }
0x3c: {  	p2 =	seq.s32 s10, $0x1;
	s10 =	sld [smem:$0x3FB4]  }
0x3d: {  	_ =	shalt  }
0x3e: {  	_ =	shalt  }
0x3f: {  	_ =	shalt  }
0x40: {  	_ =	shalt  }
0x41: {  	_ =	shalt  }
0x42: {  	_ =	shalt  }
0x43: {  	_ =	shalt  }
0x44: {  	_ =	shalt  }
0x45: {  	_ =	shalt  }
0x46: {  	_ =	shalt  }
0x47: {  	_ =	shalt  }
0x48: {  	_ =	shalt  }
0x49: {  	_ =	shalt  }
0x4a: {  	_ =	shalt  }
0x4b: {  	_ =	shalt  }
0x4c: {  	_ =	shalt  }
0x4d: {  	_ =	shalt  }
0x4e: {  	_ =	shalt  }
0x4f: {  	_ =	shalt  }
0x50: {  	_ =	shalt  }
0x51: {  	_ =	shalt  }
0x52: {  	_ =	shalt  }
0x53: {  	_ =	shalt  }
0x54: {  	_ =	shalt  }
0x55: {  	_ =	shalt  }
0x56: {  	_ =	shalt  }
0x57: {  	_ =	shalt  }
0x58: {  	_ =	shalt  }
0x59: {  	_ =	shalt  }
0x5a: {  	_ =	shalt  }
0x5b: {  	_ =	shalt  }
0x5c: {  	_ =	shalt  }
0x5d: {  	_ =	shalt  }
0x5e: {  	_ =	shalt  }
0x5f: {  	_ =	shalt  }
0x60: {  	_ =	shalt  }
0x61: {  	_ =	shalt  }
0x62: {  	_ =	shalt  }
0x63: {  	_ =	shalt  }
0x64: {  	_ =	shalt  }
0x65: {  	_ =	shalt  }
0x66: {  	_ =	shalt  }
0x67: {  	_ =	shalt  }
0x68: {  	_ =	shalt  }
0x69: {  	_ =	shalt  }
0x6a: {  	_ =	shalt  }
0x6b: {  	_ =	shalt  }
0x6c: {  	_ =	shalt  }
0x6d: {  	_ =	shalt  }
0x6e: {  	_ =	shalt  }
0x6f: {  	_ =	shalt  }
0x70: {  	_ =	shalt  }
0x71: {  	_ =	shalt  }
0x72: {  	_ =	shalt  }
0x73: {  	_ =	shalt  }
0x74: {  	_ =	shalt  }
0x75: {  	_ =	shalt  }
0x76: {  	_ =	shalt  }
0x77: {  	_ =	shalt  }
0x78: {  	_ =	shalt  }
0x79: {  	_ =	shalt  }
0x7a: {  	_ =	shalt  }
0x7b: {  	_ =	shalt  }
0x7c: {  	_ =	shalt  }
0x7d: {  	_ =	shalt  }
0x7e: {  	_ =	shalt  }
0x7f: {  	_ =	shalt  }
0x80: {  	_ =	shalt  }
0x81: {  	_ =	shalt  }
0x82: {  	_ =	shalt  }
0x83: {  	_ =	shalt  }
0x84: {  	_ =	shalt  }
0x85: {  	_ =	shalt  }
0x86: {  	_ =	shalt  }
0x87: {  	_ =	shalt  }
.Lfunc_end0:
.L_simem_size_0:
called_computation_lowered:
.L_overlay_start_0:
0x88: {  	s2 =	sld [smem:$0x3FD9]  }
0x89: {  	s3 =	sld [smem:$0x3FFE];
	_ =	sdelay $0x1  }
0x8a: {  	s1 =	srdreg.scid  }
0x8b: {  	s0 =	sand.u32 $0x1, s1  }
0x8c: {  	s17 =	sshll.u32 s0, $0xA;
	s2 =	sadd.s32 s3, s2  }
0x8d: {  	s2 =	sadd.s32 s2, s17  }
0x8e: {  	[smem:$0x3FC0] =	sst s2  }
0x8f: {  	_ = 	snop  }
0x90: {  	s2 =	sld [smem:$0x3FD0];
	(tm) =	ssettm $0x1  }
0x91: {  	s18 =	sld [smem:$0x3FFB];
	_ =	sdelay $0x3  }
0x92: {  	_ =	strace s18  }
0x93: {  	s3 =	sld [smem:$0x3FFC];
	_ =	sdelay $0x3  }
0x94: {  	_ =	strace s3  }
0x95: {  	s3 =	sld [smem:$0x3FFD];
	_ =	sdelay $0x3  }
0x96: {  	_ =	strace s3  }
0x97: {  	_ =	strace $0x8FFFFFFF  }
0x98: {  	s19 =	sld [smem:$0x3FDB];
	_ =	sdelay $0x1  }
0x99: {  	s4 =	simm.s32 $_scs_section_size  }
0x9a: {  	s5 =	simm.s32 $_size__tile_overlayer_lowered;
	s6 =	simm.s32 $_tile_overlayer_lowered  }
0x9b: {  	s22 =	simm.s32 $0x1BFF;
	s21 =	sshll.u32 s6, $0x1;
	s3 =	sadd.s32 s4, s19  }
0x9c: {  	s7 =	simm.s32 $0x0;
	s20 =	sshll.u32 s5, $0x1;
	s5 =	sadd.s32 s21, s3  }
0x9d: {  	[timem:s7], [sflag:s22] =	dma.local [hbm:s5], s20  }
0x9e: {  	_ =	swait.ge [sflag:s22], s20  }
0x9f: {  	s4 =	ssub.s32 $0x0, s20;
	[sflag:s22] =	ssyncset.done $0x0  }
0xa0: {  	[sflag:s22] =	ssyncadd.s32 s4;
	_ =	sdelay $0x1  }
0xa1: {  	s23 =	simm.s32 $0x1B8B  }
0xa2: {  	_ =	swait.ge [sflag:s23], $0x1  }
0xa3: {  	[sflag:s23] =	ssyncset.done $0x0  }
0xa4: {  	s25 =	simm.s32 $0x1B8E;
	s24 =	sld [smem:$0x3FFE];
	[sflag:s23] =	ssyncadd.s32 $0xFFFFFFFF  }
0xa5: {  	s26 =	simm.s32 $execute0_lowered;
	[smem:$0x3FD2] =	sst s25  }
0xa6: {  	s5 =	sshll.u32 s26, $0x1;
	_ =	strace $0x80000046;
	[dreg:$0x1] =	wrdreg $0xFFFFFFFF  }
0xa7: {  	s28 =	simm.s32 $_size_execute0_lowered;
	s3 =	sadd.s32 s3, s5;
	[dreg:$0x0] =	wrdreg $0x0  }
0xa8: {  	s5 =	sshll.u32 s28, $0x1;
	[dreg:$0x2] =	wrdreg s3  }
0xa9: {  	[dreg:$0x3] =	wrdreg s5  }
0xaa: {  	[dreg:$0x4] =	wrdreg $0xC0  }
0xab: {  	_ =	task [dreg:s7], $0x5FFFF  }
0xac: {  	[dreg:$0x1] =	wrdreg $0xFFFFFFFF  }
0xad: {  	[dreg:$0x0] =	wrdreg $0x60  }
0xae: {  	[dreg:$0x2] =	wrdreg s24  }
0xaf: {  	[dreg:$0x3] =	wrdreg s2  }
0xb0: {  	[dreg:$0x4] =	wrdreg $0xB7700  }
0xb1: {  	[dreg:$0x5] =	wrdreg $0x153B00  }
0xb2: {  	[dreg:$0x6] =	wrdreg $0x9  }
0xb3: {  	_ =	task.clear_ibuf [dreg:s7], $0x7FFFF;
	_ =	strace $0x90000046  }
0xb4: {  	s29 =	simm.s32 $0x9;
	_ =	strace $0x80000048  }
0xb5: {  	_ =	swait.ge [sflag:s29], $0x1  }
0xb6: {  	[sflag:s29] =	ssyncadd.s32 $0xFFFFFFFF  }
0xb7: {  	_ =	strace $0x90000048  }
0xb8: {  	_ =	sfence  }
0xb9: {  	s30 =	sld [smem:$0x0];
	_ =	sdelay $0x2  }
0xba: {  	s31 =	sshll.u32 s1, $0xD;
	s1 =	sshrl.u32 s1, $0x2  }
0xbb: {  	s3 =	sand.u32 $0x4000, s31;
	s1 =	sadd.s32 s1, s30  }
0xbc: {  	s0 =	sor.u32 s3, s0;
	s1 =	sshll.u32 s1, $0x11  }
0xbd: {  	s0 =	sor.u32 s1, s0  }
0xbe: {  	s0 =	sadd.s32 $0x8F2B, s0  }
0xbf: {  	[sflag:s0] =	ssyncadd.remote.s32 $0x1  }
0xc0: {  	_ =	sfence.sel $0xFFFF  }
0xc1: {  	[dreg:$0x0] =	wrdreg $0xFFFFFFFF;
	(pc) =	sbr.abs _section_cstart, $3  }
0xc2: {  	[dreg:$0x1] =	wrdreg $0xFFFFFFFF  }
0xc3: {  	_ =	task.clear_ibuf [dreg:s7], $0x2FFFF;
	_ =	strace $0x9FFFFFFF  }
0xc4: {  	(tm) =	ssettm $0x7FFFFFFF  }
0xc5: {  	_ =	shalt  }
tec
execute0_lowered:
.L_overlay_start_1:
0x0: {  	(tag) =	ssettag $0x1  }
0x1: {  	s0 =	rddreg [dreg:$0x0]  }
0x2: {  	s1 =	rddreg [dreg:$0x1]  }
0x3: {  	s2 =	rddreg [dreg:$0x2]  }
0x4: {  	s3 =	rddreg [dreg:$0x3]  }
0x5: {  	s13 =	stileid.u32;
	s4 =	srdreg.scid;
	s18 =	simm.s32 $0x7  }
0x6: {  	s14 =	simm.s32 $0x9530;
	s15 =	simm.s32 $0xB530;
	s28 =	simm.s32 $0xA530  }
0x7: {  	s29 =	simm.s32 $0xB570;
	s30 =	simm.s32 $0x1;
	s31 =	simm.s32 $0x3  }
0x8: {  	s6 =	sand.u32 $0x1, s4;
	s5 =	sshll.u32 s13, $0x1;
	s4 =	simm.s32 $0x0  }
0x9: {  	s7 =	smul.u32 $0x9C40, s13;
	s23 =	sshll.u32 s13, $0x6;
	s5 =	sor.u32 s6, s5  }
0xa: {  	[smem:$0x7FF] =	sst s4;
	s9 =	ssub.s32 $0x2, s6;
	s6 =	sadd.s32 $0x400, s0  }
0xb: {  	s5 =	smul.u32 $0x2710, s5;
	_ =	strace $0x80000047;
	s8 =	sshrl.u32 s7, $0x3  }
0xc: {  	s12 =	sshrl.u32 s9, $0x1;
	s21 =	sadd.s32 s7, s2;
	s7 =	sadd.s32 s7, s3  }
0xd: {  	s8 =	sadd.s32 s8, s0;
	s20 =	ssub.s32 s9, s12;
	s9 =	sor.u32 $0x1C07, s23  }
0xe: {  	s17 =	sshrl.u32 s21, $0x3;
	s19 =	sshrl.u32 s7, $0x3;
	s12 =	simm.s32 $0x7530  }
0xf: {  	s21 =	simm.s32 $0x2;
	s23 =	simm.s32 $0x6;
	s7 =	simm.s32 $0x10  }
0x10: {  	v0 =	vlaneseq.u32;
	s10 =	sshrl.u32 s5, $0x3;
	s22 =	sadd.s32 $0x1DC00, s8;
	s8 =	sadd.s32 $0xA200, s8  }
0x11: {  	v0 =	vmul.u32 $0x18, v0;
	s16 =	smax.u32 s20, $0x1;
	s20 =	simm.s32 $0x4;
	[dreg:$0x6] =	wrdreg s22  }
0x12: {  	s11 =	sadd.s32 s10, s0;
	s0 =	sadd.s32 $0x45200, s0;
	[dreg:$0x7] =	wrdreg s8  }
0x13: {  	v1 =	vor.u32 $0x1, v0;
	v2 =	vor.u32 $0x2, v0;
	v3 =	vor.u32 $0x3, v0;
	s13 =	sadd.s32 s6, s10;
	s1 =	sadd.s32 s1, s10;
	[dreg:$0x5] =	wrdreg s0  }
0x14: {  	v4 =	vor.u32 $0x4, v0;
	v5 =	vor.u32 $0x5, v0;
	v6 =	vor.u32 $0x6, v0;
	s22 =	simm.s32 $0x40;
	s24 =	sadd.s32 $0x3B400, s11;
	[dreg:$0xb] =	wrdreg s1  }
0x15: {  	v7 =	vor.u32 $0x7, v0;
	v8 =	vadd.s32 $0x8, v0;
	v9 =	vadd.s32 $0x9, v0;
	s25 =	sadd.s32 $0x31600, s11;
	s26 =	sadd.s32 $0x4E0, s13;
	[dreg:$0x8] =	wrdreg s24  }
0x16: {  	v10 =	vadd.s32 $0xA, v0;
	v11 =	vadd.s32 $0xB, v0;
	v12 =	vadd.s32 $0xC, v0;
	s0 =	simm.s32 $0x5;
	s1 =	simm.s32 $0xB5B0;
	[dreg:$0x9] =	wrdreg s25  }
0x17: {  	v13 =	vadd.s32 $0xD, v0;
	v14 =	vadd.s32 $0xE, v0;
	v15 =	vadd.s32 $0xF, v0;
	[dreg:$0xa] =	wrdreg s26;
	s26 =	simm.s32 $0x8530;
	s24 =	simm.s32 $0x0  }
.LBB2_1:
0x18: {  	s8 =	rddreg [dreg:$0x6]  }
0x19: {  	[spmem:s17], [sflag:s9] =	dma.local [hbm:s8], $0x1388  }
0x1a: {  	_ =	swait.ge [sflag:s18], $0x1388  }
0x1b: {  	[sflag:s18] =	ssyncset.done $0x0  }
0x1c: {  	s25 =	rddreg [dreg:$0x7];
	[sflag:s18] =	ssyncadd.s32 $0xFFFFEC78  }
0x1d: {  	[spmem:s19], [sflag:s9] =	dma.local [hbm:s25], $0x1388  }
0x1e: {  	_ =	swait.ge [sflag:s18], $0x1388  }
0x1f: {  	[sflag:s18] =	ssyncset.done $0x0  }
0x20: {  	s10 =	rddreg [dreg:$0x8];
	[sflag:s18] =	ssyncadd.s32 $0xFFFFEC78  }
0x21: {  	[tilespmem:s4], [sflag:$0x7] =	stream.linear.gather [hbm4b:s10+s4], $0x2710, $0x38;
	[tilespmem:$0x1EFF0] =	vst v63  }
0x22: {  	_ =	swait.ge [sflag:s18], $0x2710  }
0x23: {  	[sflag:s18] =	ssyncset.done $0x0  }
0x24: {  	s10 =	simm.s32 $0x2710;
	s11 =	rddreg [dreg:$0x9];
	[sflag:s18] =	ssyncadd.s32 $0xFFFFD8F0  }
0x25: {  	[tilespmem:s10], [sflag:$0x7] =	stream.linear.gather [hbm4b:s11+s4], $0x2710, $0x38;
	[tilespmem:$0x1EFF0] =	vst v63  }
0x26: {  	_ =	swait.ge [sflag:s18], $0x2710  }
0x27: {  	[sflag:s18] =	ssyncset.done $0x0  }
0x28: {  	s11 =	simm.s32 $0xB730;
	s25 =	rddreg [dreg:$0x5];
	[sflag:s18] =	ssyncadd.s32 $0xFFFFD8F0  }
0x29: {  	[tilespmem:s11], [sflag:$0x7] =	stream.linear.gather [hbm4b:s25+s4], $0x40, $0x38;
	[tilespmem:$0x1EFF0] =	vst v63  }
0x2a: {  	_ =	swait.ge [sflag:s18], $0x40  }
0x2b: {  	[sflag:s18] =	ssyncset.done $0x0  }
0x2c: {  	[sflag:s18] =	ssyncadd.s32 $0xFFFFFFC0  }
0x2d: {  	v19 =	vld [tilespmem:$0xB730]  }
0x2e: {  	v18 =	vld [tilespmem:$0xB740]  }
0x2f: {  	v16 =	vld [tilespmem:$0xB750]  }
0x30: {  	v17 =	vld [tilespmem:$0xB760];
	[bflag:$0x0] =	sbarrier.arrive $0xFFFF  }
0x31: {  	[tilespmem:s12], [sflag:$0x1] =	stream.indirect.gather [spmem:s2], $0x40, s4, s22, $0xb8;
	[tilespmem:$0x1EFF0] =	vst v63  }
0x32: {  	_ = 	snop  }
0x33: {  	[tilespmem:s14], [sflag:$0x3] =	stream.indirect.gather [spmem:s3], $0x40, s10, s22, $0xb8;
	[tilespmem:$0x1EFF0] =	vst v63  }
0x34: {  	s8 =	simm.s32 $0x4E20;
	s25 =	simm.s32 $0x4E60;
	s10 =	simm.s32 $0x0  }
0x35: {  	[tilespmem:s15], [sflag:$0x5] =	stream.linear.gather [hbm4b:s13+s4], $0x40, $0x38;
	[tilespmem:$0x1EFF0] =	vst v63  }
.LBB2_2:
0x36: {  	s11 =	sshll.u32 s10, $0x7  }
0x37: {  	s12 =	sor.u32 $0x40, s11  }
0x38: {  	[tilespmem:s26], [sflag:$0x2] =	stream.indirect.gather [spmem:s2], $0x40, s12, s22, $0xb8;
	[tilespmem:$0x1EFF0] =	vst v63  }
0x39: {  	s11 =	sadd.s32 $0x2750, s11;
	s14 =	sadd.s32 s5, s12  }
0x3a: {  	[tilespmem:s28], [sflag:$0x4] =	stream.indirect.gather [spmem:s3], $0x40, s11, s22, $0xb8;
	[tilespmem:$0x1EFF0] =	vst v63  }
0x3b: {  	s11 =	sshrl.u32 s14, $0x3  }
0x3c: {  	s15 =	sadd.s32 s6, s11;
	s11 =	simm.s32 $0x0  }
0x3d: {  	[tilespmem:s29], [sflag:$0x6] =	stream.linear.gather [hbm4b:s15+s11], $0x40, $0x38;
	[tilespmem:$0x1EFF0] =	vst v63  }
0x3e: {  	_ =	swait.ge [sflag:s30], $0x1000  }
0x3f: {  	[sflag:s30] =	ssyncset.done $0x0  }
0x40: {  	[sflag:s30] =	ssyncadd.s32 $0xFFFFF000  }
0x41: {  	_ =	swait.ge [sflag:s31], $0x1000  }
0x42: {  	[sflag:s31] =	ssyncset.done $0x0  }
0x43: {  	[sflag:s31] =	ssyncadd.s32 $0xFFFFF000  }
0x44: {  	_ =	swait.ge [sflag:s0], $0x40  }
0x45: {  	[sflag:s0] =	ssyncset.done $0x0  }
0x46: {  	v20 =	vmov s8;
	s12 =	simm.s32 $0x7730;
	s14 =	simm.s32 $0x9730;
	[sflag:s0] =	ssyncadd.s32 $0xFFFFFFC0  }
.LBB2_3:
0x47: {  	v21 =	vld [tilespmem:s12+$0xFFFFFE00]  }
0x48: {  	v22 =	vld [tilespmem:s14+$0xFFFFFE00]  }
0x49: {  	v23 =	vld [tilespmem:s12+$0xFFFFFE10]  }
0x4a: {  	v24 =	vld [tilespmem:s14+$0xFFFFFE10]  }
0x4b: {  	v25 =	vld [tilespmem:s12+$0xFFFFFE20]  }
0x4c: {  	v26 =	vld [tilespmem:s14+$0xFFFFFE20]  }
0x4d: {  	v27 =	vld [tilespmem:s12+$0xFFFFFE30]  }
0x4e: {  	v28 =	vld [tilespmem:s14+$0xFFFFFE30];
	_ =	sdelay $0x2  }
0x4f: {  	v21 =	vadd.f32 v22, v21  }
0x50: {  	v22 =	vadd.f32 v24, v23;
	v23 =	vadd.f32 v26, v25  }
0x51: {  	v58 =	vadd.f32 v28, v27  }
0x52: {  	v21 =	vmax.f32 v21, $0.0e+00;
	v22 =	vmax.f32 v22, $0.0e+00;
	v23 =	vmax.f32 v23, $0.0e+00  }
0x53: {  	v24 =	vmax.f32 v58, $0.0e+00;
	v21 =	vmul.f32 v21, v19;
	v22 =	vmul.f32 v22, v18  }
0x54: {  	v23 =	vmul.f32 v23, v16;
	v24 =	vmul.f32 v24, v17;
	_ =	sdelay $0x1  }
0x55: {  	v21 =	vadd.f32 v22, v21;
	v22 =	vadd.f32 v24, v23;
	_ =	sdelay $0x1  }
0x56: {  	v21 =	vadd.f32 v22, v21;
	_ =	sdelay $0x1  }
0x57: {  	[tilespmem:$0xB5B0] =	vst v21  }
0x58: {  	v21 =	vld [tilespmem:s12+$0xFFFFFE40]  }
0x59: {  	v22 =	vld [tilespmem:s14+$0xFFFFFE40]  }
0x5a: {  	v23 =	vld [tilespmem:s12+$0xFFFFFE50]  }
0x5b: {  	v59 =	vld [tilespmem:s14+$0xFFFFFE50]  }
0x5c: {  	v60 =	vld [tilespmem:s12+$0xFFFFFE60]  }
0x5d: {  	v61 =	vld [tilespmem:s14+$0xFFFFFE60]  }
0x5e: {  	v62 =	vld [tilespmem:s12+$0xFFFFFE70]  }
0x5f: {  	v63 =	vld [tilespmem:s14+$0xFFFFFE70];
	_ =	sdelay $0x2  }
0x60: {  	v21 =	vadd.f32 v22, v21  }
0x61: {  	v22 =	vadd.f32 v59, v23;
	v23 =	vadd.f32 v61, v60  }
0x62: {  	v31 =	vadd.f32 v63, v62  }
0x63: {  	v21 =	vmax.f32 v21, $0.0e+00;
	v22 =	vmax.f32 v22, $0.0e+00;
	v23 =	vmax.f32 v23, $0.0e+00  }
0x64: {  	v24 =	vmax.f32 v31, $0.0e+00;
	v21 =	vmul.f32 v21, v19;
	v22 =	vmul.f32 v22, v18  }
0x65: {  	v23 =	vmul.f32 v23, v16;
	v24 =	vmul.f32 v24, v17;
	_ =	sdelay $0x1  }
0x66: {  	v21 =	vadd.f32 v22, v21;
	v22 =	vadd.f32 v24, v23;
	_ =	sdelay $0x1  }
0x67: {  	v21 =	vadd.f32 v22, v21;
	_ =	sdelay $0x1  }
0x68: {  	[tilespmem:$0xB5C8] =	vst v21  }
0x69: {  	v21 =	vld [tilespmem:s12+$0xFFFFFE80]  }
0x6a: {  	v22 =	vld [tilespmem:s14+$0xFFFFFE80]  }
0x6b: {  	v23 =	vld [tilespmem:s12+$0xFFFFFE90]  }
0x6c: {  	v32 =	vld [tilespmem:s14+$0xFFFFFE90]  }
0x6d: {  	v33 =	vld [tilespmem:s12+$0xFFFFFEA0]  }
0x6e: {  	v34 =	vld [tilespmem:s14+$0xFFFFFEA0]  }
0x6f: {  	v35 =	vld [tilespmem:s12+$0xFFFFFEB0]  }
0x70: {  	v36 =	vld [tilespmem:s14+$0xFFFFFEB0];
	_ =	sdelay $0x2  }
0x71: {  	v21 =	vadd.f32 v22, v21  }
0x72: {  	v22 =	vadd.f32 v32, v23;
	v23 =	vadd.f32 v34, v33  }
0x73: {  	v37 =	vadd.f32 v36, v35  }
0x74: {  	v21 =	vmax.f32 v21, $0.0e+00;
	v22 =	vmax.f32 v22, $0.0e+00;
	v23 =	vmax.f32 v23, $0.0e+00  }
0x75: {  	v24 =	vmax.f32 v37, $0.0e+00;
	v21 =	vmul.f32 v21, v19;
	v22 =	vmul.f32 v22, v18  }
0x76: {  	v23 =	vmul.f32 v23, v16;
	v24 =	vmul.f32 v24, v17;
	_ =	sdelay $0x1  }
0x77: {  	v21 =	vadd.f32 v22, v21;
	v22 =	vadd.f32 v24, v23;
	_ =	sdelay $0x1  }
0x78: {  	v21 =	vadd.f32 v22, v21;
	_ =	sdelay $0x1  }
0x79: {  	[tilespmem:$0xB5E0] =	vst v21  }
0x7a: {  	v21 =	vld [tilespmem:s12+$0xFFFFFEC0]  }
0x7b: {  	v22 =	vld [tilespmem:s14+$0xFFFFFEC0]  }
0x7c: {  	v23 =	vld [tilespmem:s12+$0xFFFFFED0]  }
0x7d: {  	v38 =	vld [tilespmem:s14+$0xFFFFFED0]  }
0x7e: {  	v39 =	vld [tilespmem:s12+$0xFFFFFEE0]  }
0x7f: {  	v40 =	vld [tilespmem:s14+$0xFFFFFEE0]  }
0x80: {  	v41 =	vld [tilespmem:s12+$0xFFFFFEF0]  }
0x81: {  	v42 =	vld [tilespmem:s14+$0xFFFFFEF0];
	_ =	sdelay $0x2  }
0x82: {  	v21 =	vadd.f32 v22, v21  }
0x83: {  	v22 =	vadd.f32 v38, v23;
	v23 =	vadd.f32 v40, v39  }
0x84: {  	v43 =	vadd.f32 v42, v41  }
0x85: {  	v21 =	vmax.f32 v21, $0.0e+00;
	v22 =	vmax.f32 v22, $0.0e+00;
	v23 =	vmax.f32 v23, $0.0e+00  }
0x86: {  	v24 =	vmax.f32 v43, $0.0e+00;
	v21 =	vmul.f32 v21, v19;
	v22 =	vmul.f32 v22, v18  }
0x87: {  	v23 =	vmul.f32 v23, v16;
	v24 =	vmul.f32 v24, v17;
	_ =	sdelay $0x1  }
0x88: {  	v21 =	vadd.f32 v22, v21;
	v22 =	vadd.f32 v24, v23;
	_ =	sdelay $0x1  }
0x89: {  	v21 =	vadd.f32 v22, v21;
	_ =	sdelay $0x1  }
0x8a: {  	[tilespmem:$0xB5F8] =	vst v21  }
0x8b: {  	v21 =	vld [tilespmem:s12+$0xFFFFFF00]  }
0x8c: {  	v22 =	vld [tilespmem:s14+$0xFFFFFF00]  }
0x8d: {  	v23 =	vld [tilespmem:s12+$0xFFFFFF10]  }
0x8e: {  	v44 =	vld [tilespmem:s14+$0xFFFFFF10]  }
0x8f: {  	v45 =	vld [tilespmem:s12+$0xFFFFFF20]  }
0x90: {  	v46 =	vld [tilespmem:s14+$0xFFFFFF20]  }
0x91: {  	v47 =	vld [tilespmem:s12+$0xFFFFFF30]  }
0x92: {  	v48 =	vld [tilespmem:s14+$0xFFFFFF30];
	_ =	sdelay $0x2  }
0x93: {  	v21 =	vadd.f32 v22, v21  }
0x94: {  	v22 =	vadd.f32 v44, v23;
	v23 =	vadd.f32 v46, v45  }
0x95: {  	v49 =	vadd.f32 v48, v47  }
0x96: {  	v21 =	vmax.f32 v21, $0.0e+00;
	v22 =	vmax.f32 v22, $0.0e+00;
	v23 =	vmax.f32 v23, $0.0e+00  }
0x97: {  	v24 =	vmax.f32 v49, $0.0e+00;
	v21 =	vmul.f32 v21, v19;
	v22 =	vmul.f32 v22, v18  }
0x98: {  	v23 =	vmul.f32 v23, v16;
	v24 =	vmul.f32 v24, v17;
	_ =	sdelay $0x1  }
0x99: {  	v21 =	vadd.f32 v22, v21;
	v22 =	vadd.f32 v24, v23;
	_ =	sdelay $0x1  }
0x9a: {  	v21 =	vadd.f32 v22, v21;
	_ =	sdelay $0x1  }
0x9b: {  	[tilespmem:$0xB610] =	vst v21  }
0x9c: {  	v21 =	vld [tilespmem:s12+$0xFFFFFF40]  }
0x9d: {  	v22 =	vld [tilespmem:s14+$0xFFFFFF40]  }
0x9e: {  	v23 =	vld [tilespmem:s12+$0xFFFFFF50]  }
0x9f: {  	v50 =	vld [tilespmem:s14+$0xFFFFFF50]  }
0xa0: {  	v51 =	vld [tilespmem:s12+$0xFFFFFF60]  }
0xa1: {  	v52 =	vld [tilespmem:s14+$0xFFFFFF60]  }
0xa2: {  	v53 =	vld [tilespmem:s12+$0xFFFFFF70]  }
0xa3: {  	v54 =	vld [tilespmem:s14+$0xFFFFFF70];
	_ =	sdelay $0x2  }
0xa4: {  	v21 =	vadd.f32 v22, v21  }
0xa5: {  	v22 =	vadd.f32 v50, v23;
	v23 =	vadd.f32 v52, v51  }
0xa6: {  	v55 =	vadd.f32 v54, v53  }
0xa7: {  	v21 =	vmax.f32 v21, $0.0e+00;
	v22 =	vmax.f32 v22, $0.0e+00;
	v23 =	vmax.f32 v23, $0.0e+00  }
0xa8: {  	v24 =	vmax.f32 v55, $0.0e+00;
	v21 =	vmul.f32 v21, v19;
	v22 =	vmul.f32 v22, v18  }
0xa9: {  	v23 =	vmul.f32 v23, v16;
	v24 =	vmul.f32 v24, v17;
	_ =	sdelay $0x1  }
0xaa: {  	v21 =	vadd.f32 v22, v21;
	v22 =	vadd.f32 v24, v23;
	_ =	sdelay $0x1  }
0xab: {  	v21 =	vadd.f32 v22, v21;
	_ =	sdelay $0x1  }
0xac: {  	[tilespmem:$0xB628] =	vst v21  }
0xad: {  	v21 =	vld [tilespmem:s12+$0xFFFFFF80]  }
0xae: {  	v22 =	vld [tilespmem:s14+$0xFFFFFF80]  }
0xaf: {  	v23 =	vld [tilespmem:s12+$0xFFFFFF90]  }
0xb0: {  	v56 =	vld [tilespmem:s14+$0xFFFFFF90]  }
0xb1: {  	v57 =	vld [tilespmem:s12+$0xFFFFFFA0]  }
0xb2: {  	v58 =	vld [tilespmem:s14+$0xFFFFFFA0]  }
0xb3: {  	v59 =	vld [tilespmem:s12+$0xFFFFFFB0]  }
0xb4: {  	v60 =	vld [tilespmem:s14+$0xFFFFFFB0];
	_ =	sdelay $0x2  }
0xb5: {  	v21 =	vadd.f32 v22, v21  }
0xb6: {  	v22 =	vadd.f32 v56, v23;
	v23 =	vadd.f32 v58, v57  }
0xb7: {  	v61 =	vadd.f32 v60, v59  }
0xb8: {  	v21 =	vmax.f32 v21, $0.0e+00;
	v22 =	vmax.f32 v22, $0.0e+00;
	v23 =	vmax.f32 v23, $0.0e+00  }
0xb9: {  	v24 =	vmax.f32 v61, $0.0e+00;
	v21 =	vmul.f32 v21, v19;
	v22 =	vmul.f32 v22, v18  }
0xba: {  	v23 =	vmul.f32 v23, v16;
	v24 =	vmul.f32 v24, v17;
	_ =	sdelay $0x1  }
0xbb: {  	v21 =	vadd.f32 v22, v21;
	v22 =	vadd.f32 v24, v23;
	_ =	sdelay $0x1  }
0xbc: {  	v21 =	vadd.f32 v22, v21;
	_ =	sdelay $0x1  }
0xbd: {  	[tilespmem:$0xB640] =	vst v21  }
0xbe: {  	v21 =	vld [tilespmem:s12+$0xFFFFFFC0]  }
0xbf: {  	v22 =	vld [tilespmem:s14+$0xFFFFFFC0]  }
0xc0: {  	v23 =	vld [tilespmem:s12+$0xFFFFFFD0]  }
0xc1: {  	v62 =	vld [tilespmem:s14+$0xFFFFFFD0]  }
0xc2: {  	v63 =	vld [tilespmem:s12+$0xFFFFFFE0]  }
0xc3: {  	v32 =	vld [tilespmem:s14+$0xFFFFFFE0]  }
0xc4: {  	v33 =	vld [tilespmem:s12+$0xFFFFFFF0]  }
0xc5: {  	v34 =	vld [tilespmem:s14+$0xFFFFFFF0];
	_ =	sdelay $0x2  }
0xc6: {  	v21 =	vadd.f32 v22, v21  }
0xc7: {  	v22 =	vadd.f32 v62, v23;
	v23 =	vadd.f32 v32, v63  }
0xc8: {  	v35 =	vadd.f32 v34, v33  }
0xc9: {  	v21 =	vmax.f32 v21, $0.0e+00;
	v22 =	vmax.f32 v22, $0.0e+00;
	v23 =	vmax.f32 v23, $0.0e+00  }
0xca: {  	v24 =	vmax.f32 v35, $0.0e+00;
	v21 =	vmul.f32 v21, v19;
	v22 =	vmul.f32 v22, v18  }
0xcb: {  	v23 =	vmul.f32 v23, v16;
	v24 =	vmul.f32 v24, v17;
	_ =	sdelay $0x1  }
0xcc: {  	v21 =	vadd.f32 v22, v21;
	v22 =	vadd.f32 v24, v23;
	_ =	sdelay $0x1  }
0xcd: {  	v21 =	vadd.f32 v22, v21;
	_ =	sdelay $0x1  }
0xce: {  	[tilespmem:$0xB658] =	vst v21  }
0xcf: {  	v21 =	vld [tilespmem:s12+$0x0]  }
0xd0: {  	v22 =	vld [tilespmem:s14+$0x0]  }
0xd1: {  	v23 =	vld [tilespmem:s12+$0x10]  }
0xd2: {  	v36 =	vld [tilespmem:s14+$0x10]  }
0xd3: {  	v37 =	vld [tilespmem:s12+$0x20]  }
0xd4: {  	v38 =	vld [tilespmem:s14+$0x20]  }
0xd5: {  	v39 =	vld [tilespmem:s12+$0x30]  }
0xd6: {  	v40 =	vld [tilespmem:s14+$0x30];
	_ =	sdelay $0x2  }
0xd7: {  	v21 =	vadd.f32 v22, v21  }
0xd8: {  	v22 =	vadd.f32 v36, v23;
	v23 =	vadd.f32 v38, v37  }
0xd9: {  	v41 =	vadd.f32 v40, v39  }
0xda: {  	v21 =	vmax.f32 v21, $0.0e+00;
	v22 =	vmax.f32 v22, $0.0e+00;
	v23 =	vmax.f32 v23, $0.0e+00  }
0xdb: {  	v24 =	vmax.f32 v41, $0.0e+00;
	v21 =	vmul.f32 v21, v19;
	v22 =	vmul.f32 v22, v18  }
0xdc: {  	v23 =	vmul.f32 v23, v16;
	v24 =	vmul.f32 v24, v17;
	_ =	sdelay $0x1  }
0xdd: {  	v21 =	vadd.f32 v22, v21;
	v22 =	vadd.f32 v24, v23;
	_ =	sdelay $0x1  }
0xde: {  	v21 =	vadd.f32 v22, v21;
	_ =	sdelay $0x1  }
0xdf: {  	[tilespmem:$0xB670] =	vst v21  }
0xe0: {  	v21 =	vld [tilespmem:s12+$0x40]  }
0xe1: {  	v22 =	vld [tilespmem:s14+$0x40]  }
0xe2: {  	v23 =	vld [tilespmem:s12+$0x50]  }
0xe3: {  	v42 =	vld [tilespmem:s14+$0x50]  }
0xe4: {  	v43 =	vld [tilespmem:s12+$0x60]  }
0xe5: {  	v44 =	vld [tilespmem:s14+$0x60]  }
0xe6: {  	v45 =	vld [tilespmem:s12+$0x70]  }
0xe7: {  	v46 =	vld [tilespmem:s14+$0x70];
	_ =	sdelay $0x2  }
0xe8: {  	v21 =	vadd.f32 v22, v21  }
0xe9: {  	v22 =	vadd.f32 v42, v23;
	v23 =	vadd.f32 v44, v43  }
0xea: {  	v47 =	vadd.f32 v46, v45  }
0xeb: {  	v21 =	vmax.f32 v21, $0.0e+00;
	v22 =	vmax.f32 v22, $0.0e+00;
	v23 =	vmax.f32 v23, $0.0e+00  }
0xec: {  	v24 =	vmax.f32 v47, $0.0e+00;
	v21 =	vmul.f32 v21, v19;
	v22 =	vmul.f32 v22, v18  }
0xed: {  	v23 =	vmul.f32 v23, v16;
	v24 =	vmul.f32 v24, v17;
	_ =	sdelay $0x1  }
0xee: {  	v21 =	vadd.f32 v22, v21;
	v22 =	vadd.f32 v24, v23;
	_ =	sdelay $0x1  }
0xef: {  	v21 =	vadd.f32 v22, v21;
	_ =	sdelay $0x1  }
0xf0: {  	[tilespmem:$0xB688] =	vst v21  }
0xf1: {  	v21 =	vld [tilespmem:s12+$0x80]  }
0xf2: {  	v22 =	vld [tilespmem:s14+$0x80]  }
0xf3: {  	v23 =	vld [tilespmem:s12+$0x90]  }
0xf4: {  	v48 =	vld [tilespmem:s14+$0x90]  }
0xf5: {  	v49 =	vld [tilespmem:s12+$0xA0]  }
0xf6: {  	v50 =	vld [tilespmem:s14+$0xA0]  }
0xf7: {  	v51 =	vld [tilespmem:s12+$0xB0]  }
0xf8: {  	v52 =	vld [tilespmem:s14+$0xB0];
	_ =	sdelay $0x2  }
0xf9: {  	v21 =	vadd.f32 v22, v21  }
0xfa: {  	v22 =	vadd.f32 v48, v23;
	v23 =	vadd.f32 v50, v49  }
0xfb: {  	v53 =	vadd.f32 v52, v51  }
0xfc: {  	v21 =	vmax.f32 v21, $0.0e+00;
	v22 =	vmax.f32 v22, $0.0e+00;
	v23 =	vmax.f32 v23, $0.0e+00  }
0xfd: {  	v24 =	vmax.f32 v53, $0.0e+00;
	v21 =	vmul.f32 v21, v19;
	v22 =	vmul.f32 v22, v18  }
0xfe: {  	v23 =	vmul.f32 v23, v16;
	v24 =	vmul.f32 v24, v17;
	_ =	sdelay $0x1  }
0xff: {  	v21 =	vadd.f32 v22, v21;
	v22 =	vadd.f32 v24, v23;
	_ =	sdelay $0x1  }
0x100: {  	v21 =	vadd.f32 v22, v21;
	_ =	sdelay $0x1  }
0x101: {  	[tilespmem:$0xB6A0] =	vst v21  }
0x102: {  	v21 =	vld [tilespmem:s12+$0xC0]  }
0x103: {  	v22 =	vld [tilespmem:s14+$0xC0]  }
0x104: {  	v23 =	vld [tilespmem:s12+$0xD0]  }
0x105: {  	v54 =	vld [tilespmem:s14+$0xD0]  }
0x106: {  	v55 =	vld [tilespmem:s12+$0xE0]  }
0x107: {  	v56 =	vld [tilespmem:s14+$0xE0]  }
0x108: {  	v57 =	vld [tilespmem:s12+$0xF0]  }
0x109: {  	v58 =	vld [tilespmem:s14+$0xF0];
	_ =	sdelay $0x2  }
0x10a: {  	v21 =	vadd.f32 v22, v21  }
0x10b: {  	v22 =	vadd.f32 v54, v23;
	v23 =	vadd.f32 v56, v55  }
0x10c: {  	v59 =	vadd.f32 v58, v57  }
0x10d: {  	v21 =	vmax.f32 v21, $0.0e+00;
	v22 =	vmax.f32 v22, $0.0e+00;
	v23 =	vmax.f32 v23, $0.0e+00  }
0x10e: {  	v24 =	vmax.f32 v59, $0.0e+00;
	v21 =	vmul.f32 v21, v19;
	v22 =	vmul.f32 v22, v18  }
0x10f: {  	v23 =	vmul.f32 v23, v16;
	v24 =	vmul.f32 v24, v17;
	_ =	sdelay $0x1  }
0x110: {  	v21 =	vadd.f32 v22, v21;
	v22 =	vadd.f32 v24, v23;
	_ =	sdelay $0x1  }
0x111: {  	v21 =	vadd.f32 v22, v21;
	_ =	sdelay $0x1  }
0x112: {  	[tilespmem:$0xB6B8] =	vst v21  }
0x113: {  	v21 =	vld [tilespmem:s12+$0x100]  }
0x114: {  	v22 =	vld [tilespmem:s14+$0x100]  }
0x115: {  	v23 =	vld [tilespmem:s12+$0x110]  }
0x116: {  	v60 =	vld [tilespmem:s14+$0x110]  }
0x117: {  	v61 =	vld [tilespmem:s12+$0x120]  }
0x118: {  	v62 =	vld [tilespmem:s14+$0x120]  }
0x119: {  	v63 =	vld [tilespmem:s12+$0x130]  }
0x11a: {  	v32 =	vld [tilespmem:s14+$0x130];
	_ =	sdelay $0x2  }
0x11b: {  	v21 =	vadd.f32 v22, v21  }
0x11c: {  	v22 =	vadd.f32 v60, v23;
	v23 =	vadd.f32 v62, v61  }
0x11d: {  	v33 =	vadd.f32 v32, v63  }
0x11e: {  	v21 =	vmax.f32 v21, $0.0e+00;
	v22 =	vmax.f32 v22, $0.0e+00;
	v23 =	vmax.f32 v23, $0.0e+00  }
0x11f: {  	v24 =	vmax.f32 v33, $0.0e+00;
	v21 =	vmul.f32 v21, v19;
	v22 =	vmul.f32 v22, v18  }
0x120: {  	v23 =	vmul.f32 v23, v16;
	v24 =	vmul.f32 v24, v17;
	_ =	sdelay $0x1  }
0x121: {  	v21 =	vadd.f32 v22, v21;
	v22 =	vadd.f32 v24, v23;
	_ =	sdelay $0x1  }
0x122: {  	v21 =	vadd.f32 v22, v21;
	_ =	sdelay $0x1  }
0x123: {  	[tilespmem:$0xB6D0] =	vst v21  }
0x124: {  	v21 =	vld [tilespmem:s12+$0x140]  }
0x125: {  	v22 =	vld [tilespmem:s14+$0x140]  }
0x126: {  	v23 =	vld [tilespmem:s12+$0x150]  }
0x127: {  	v34 =	vld [tilespmem:s14+$0x150]  }
0x128: {  	v35 =	vld [tilespmem:s12+$0x160]  }
0x129: {  	v36 =	vld [tilespmem:s14+$0x160]  }
0x12a: {  	v37 =	vld [tilespmem:s12+$0x170]  }
0x12b: {  	v38 =	vld [tilespmem:s14+$0x170];
	_ =	sdelay $0x2  }
0x12c: {  	v21 =	vadd.f32 v22, v21  }
0x12d: {  	v22 =	vadd.f32 v34, v23;
	v23 =	vadd.f32 v36, v35  }
0x12e: {  	v39 =	vadd.f32 v38, v37  }
0x12f: {  	v21 =	vmax.f32 v21, $0.0e+00;
	v22 =	vmax.f32 v22, $0.0e+00;
	v23 =	vmax.f32 v23, $0.0e+00  }
0x130: {  	v24 =	vmax.f32 v39, $0.0e+00;
	v21 =	vmul.f32 v21, v19;
	v22 =	vmul.f32 v22, v18  }
0x131: {  	v23 =	vmul.f32 v23, v16;
	v24 =	vmul.f32 v24, v17;
	_ =	sdelay $0x1  }
0x132: {  	v21 =	vadd.f32 v22, v21;
	v22 =	vadd.f32 v24, v23;
	_ =	sdelay $0x1  }
0x133: {  	v21 =	vadd.f32 v22, v21;
	_ =	sdelay $0x1  }
0x134: {  	[tilespmem:$0xB6E8] =	vst v21  }
0x135: {  	v21 =	vld [tilespmem:s12+$0x180]  }
0x136: {  	v22 =	vld [tilespmem:s14+$0x180]  }
0x137: {  	v23 =	vld [tilespmem:s12+$0x190]  }
0x138: {  	v40 =	vld [tilespmem:s14+$0x190]  }
0x139: {  	v41 =	vld [tilespmem:s12+$0x1A0]  }
0x13a: {  	v42 =	vld [tilespmem:s14+$0x1A0]  }
0x13b: {  	v43 =	vld [tilespmem:s12+$0x1B0]  }
0x13c: {  	v44 =	vld [tilespmem:s14+$0x1B0];
	_ =	sdelay $0x2  }
0x13d: {  	v21 =	vadd.f32 v22, v21  }
0x13e: {  	v22 =	vadd.f32 v40, v23;
	v23 =	vadd.f32 v42, v41  }
0x13f: {  	v45 =	vadd.f32 v44, v43  }
0x140: {  	v21 =	vmax.f32 v21, $0.0e+00;
	v22 =	vmax.f32 v22, $0.0e+00;
	v23 =	vmax.f32 v23, $0.0e+00  }
0x141: {  	v24 =	vmax.f32 v45, $0.0e+00;
	v21 =	vmul.f32 v21, v19;
	v22 =	vmul.f32 v22, v18  }
0x142: {  	v23 =	vmul.f32 v23, v16;
	v24 =	vmul.f32 v24, v17;
	_ =	sdelay $0x1  }
0x143: {  	v21 =	vadd.f32 v22, v21;
	v22 =	vadd.f32 v24, v23;
	_ =	sdelay $0x1  }
0x144: {  	v21 =	vadd.f32 v22, v21;
	_ =	sdelay $0x1  }
0x145: {  	[tilespmem:$0xB700] =	vst v21  }
0x146: {  	v21 =	vld [tilespmem:s12+$0x1C0]  }
0x147: {  	v22 =	vld [tilespmem:s14+$0x1C0]  }
0x148: {  	v23 =	vld [tilespmem:s12+$0x1D0]  }
0x149: {  	v46 =	vld [tilespmem:s14+$0x1D0]  }
0x14a: {  	v47 =	vld [tilespmem:s12+$0x1E0]  }
0x14b: {  	v48 =	vld [tilespmem:s14+$0x1E0]  }
0x14c: {  	v49 =	vld [tilespmem:s12+$0x1F0]  }
0x14d: {  	v50 =	vld [tilespmem:s14+$0x1F0];
	_ =	sdelay $0x2  }
0x14e: {  	v21 =	vadd.f32 v22, v21  }
0x14f: {  	v22 =	vadd.f32 v46, v23;
	v23 =	vadd.f32 v48, v47  }
0x150: {  	v51 =	vadd.f32 v50, v49  }
0x151: {  	v21 =	vmax.f32 v21, $0.0e+00;
	v22 =	vmax.f32 v22, $0.0e+00;
	v23 =	vmax.f32 v23, $0.0e+00  }
0x152: {  	v24 =	vmax.f32 v51, $0.0e+00;
	v21 =	vmul.f32 v21, v19;
	v22 =	vmul.f32 v22, v18  }
0x153: {  	v23 =	vmul.f32 v23, v16;
	v24 =	vmul.f32 v24, v17;
	_ =	sdelay $0x1  }
0x154: {  	v21 =	vadd.f32 v22, v21;
	v22 =	vadd.f32 v24, v23;
	_ =	sdelay $0x1  }
0x155: {  	v21 =	vadd.f32 v22, v21;
	_ =	sdelay $0x1  }
0x156: {  	[tilespmem:$0xB718] =	vst v21  }
0x157: {  	v21 =	vld.idx.msk [tilespmem:v0+s1+$0x0], $0xffff  }
0x158: {  	v22 =	vld.idx.msk [tilespmem:v1+s1+$0x0], $0xffff  }
0x159: {  	v23 =	vld.idx.msk [tilespmem:v2+s1+$0x0], $0xffff  }
0x15a: {  	v52 =	vld.idx.msk [tilespmem:v3+s1+$0x0], $0xffff  }
0x15b: {  	v53 =	vld.idx.msk [tilespmem:v4+s1+$0x0], $0xffff  }
0x15c: {  	v54 =	vld.idx.msk [tilespmem:v5+s1+$0x0], $0xffff  }
0x15d: {  	v55 =	vld.idx.msk [tilespmem:v6+s1+$0x0], $0xffff  }
0x15e: {  	v56 =	vld.idx.msk [tilespmem:v7+s1+$0x0], $0xffff  }
0x15f: {  	v29 =	vld.idx.msk [tilespmem:v8+s1+$0x0], $0xffff  }
0x160: {  	v30 =	vld.idx.msk [tilespmem:v9+s1+$0x0], $0xffff  }
0x161: {  	v31 =	vld.idx.msk [tilespmem:v10+s1+$0x0], $0xffff  }
0x162: {  	v32 =	vld.idx.msk [tilespmem:v11+s1+$0x0], $0xffff  }
0x163: {  	v33 =	vld.idx.msk [tilespmem:v12+s1+$0x0], $0xffff  }
0x164: {  	v34 =	vld.idx.msk [tilespmem:v13+s1+$0x0], $0xffff  }
0x165: {  	v35 =	vld.idx.msk [tilespmem:v14+s1+$0x0], $0xffff  }
0x166: {  	v36 =	vld.idx.msk [tilespmem:v15+s1+$0x0], $0xffff;
	_ =	sdelay $0x1  }
0x167: {  	v21 =	vadd.f32 v22, v21;
	v22 =	vadd.f32 v52, v23  }
0x168: {  	v23 =	vadd.f32 v54, v53;
	v57 =	vadd.f32 v56, v55  }
0x169: {  	v58 =	vadd.f32 v30, v29;
	v59 =	vadd.f32 v32, v31  }
0x16a: {  	v60 =	vadd.f32 v34, v33;
	v61 =	vadd.f32 v36, v35  }
0x16b: {  	v21 =	vadd.f32 v22, v21;
	v22 =	vadd.f32 v57, v23  }
0x16c: {  	s15 =	sshra.s32 s11, $0x2;
	v23 =	vadd.f32 v59, v58;
	v62 =	vadd.f32 v61, v60  }
0x16d: {  	v63 =	vld [tilespmem:s15+$0xB530]  }
0x16e: {  	v21 =	vadd.f32 v22, v21;
	v22 =	vadd.f32 v62, v23  }
0x16f: {  	p0 =	sne.s32 s11, $0xC0  }
.Ltmp0:
0x170: {  	v21 =	vadd.f32 v22, v21;
	(pc) =	sbr.rel @p0 .LBB2_3-.Ltmp0, $3  }
0x171: {  	_ = 	snop  }
0x172: {  	v21 =	vadd.f32 v21, v63;
	_ =	sdelay $0x1  }
0x173: {  	s11 =	sadd.s32 $0x40, s11;
	s12 =	sadd.s32 $0x400, s12;
	s14 =	sadd.s32 $0x400, s14;
	[tilespmem:v20+s15+$0x0 ss:$0x1] =	vst.idx.msk $0xffff, v21  }
0x174: {  	p0 =	seq.s32 s10, $0x4D  }
0x175: {  	s11 =	sshll.u32 @!p0 s10, $0x7  }
0x176: {  	s14 =	simm.s32 @!p0 $0x40;
	s15 =	simm.s32 @!p0 $0x7530;
	s12 =	sadd.s32 @!p0 $0x80, s11  }
0x177: {  	[tilespmem:s15], [sflag:$0x1] =	stream.indirect.gather @!p0 [spmem:s2], $0x40, s12, s14, $0xb8;
	[tilespmem:$0x1EFF0] =	vst v63  }
0x178: {  	s11 =	sadd.s32 @!p0 $0x2790, s11;
	s15 =	simm.s32 @!p0 $0x9530  }
0x179: {  	[tilespmem:s15], [sflag:$0x3] =	stream.indirect.gather @!p0 [spmem:s3], $0x40, s11, s14, $0xb8;
	[tilespmem:$0x1EFF0] =	vst v63  }
0x17a: {  	s11 =	sadd.s32 @!p0 s5, s12  }
0x17b: {  	s11 =	sshrl.u32 @!p0 s11, $0x3  }
0x17c: {  	s12 =	simm.s32 @!p0 $0x0;
	s14 =	simm.s32 @!p0 $0xB530;
	s11 =	sadd.s32 @!p0 s6, s11  }
0x17d: {  	[tilespmem:s14], [sflag:$0x5] =	stream.linear.gather @!p0 [hbm4b:s11+s12], $0x40, $0x38;
	[tilespmem:$0x1EFF0] =	vst v63  }
0x17e: {  	_ =	swait.ge [sflag:s21], $0x1000  }
0x17f: {  	[sflag:s21] =	ssyncset.done $0x0  }
0x180: {  	[sflag:s21] =	ssyncadd.s32 $0xFFFFF000  }
0x181: {  	_ =	swait.ge [sflag:s20], $0x1000  }
0x182: {  	[sflag:s20] =	ssyncset.done $0x0  }
0x183: {  	[sflag:s20] =	ssyncadd.s32 $0xFFFFF000  }
0x184: {  	_ =	swait.ge [sflag:s23], $0x40  }
0x185: {  	s11 =	simm.s32 $0x0;
	[sflag:s23] =	ssyncset.done $0x0  }
0x186: {  	v20 =	vmov s25;
	s12 =	simm.s32 $0x8730;
	s14 =	simm.s32 $0xA730;
	[sflag:s23] =	ssyncadd.s32 $0xFFFFFFC0  }
.LBB2_5:
0x187: {  	v21 =	vld [tilespmem:s12+$0xFFFFFE00]  }
0x188: {  	v22 =	vld [tilespmem:s14+$0xFFFFFE00]  }
0x189: {  	v23 =	vld [tilespmem:s12+$0xFFFFFE10]  }
0x18a: {  	v24 =	vld [tilespmem:s14+$0xFFFFFE10]  }
0x18b: {  	v25 =	vld [tilespmem:s12+$0xFFFFFE20]  }
0x18c: {  	v26 =	vld [tilespmem:s14+$0xFFFFFE20]  }
0x18d: {  	v27 =	vld [tilespmem:s12+$0xFFFFFE30]  }
0x18e: {  	v28 =	vld [tilespmem:s14+$0xFFFFFE30];
	_ =	sdelay $0x2  }
0x18f: {  	v21 =	vadd.f32 v22, v21  }
0x190: {  	v22 =	vadd.f32 v24, v23;
	v23 =	vadd.f32 v26, v25  }
0x191: {  	v58 =	vadd.f32 v28, v27  }
0x192: {  	v21 =	vmax.f32 v21, $0.0e+00;
	v22 =	vmax.f32 v22, $0.0e+00;
	v23 =	vmax.f32 v23, $0.0e+00  }
0x193: {  	v24 =	vmax.f32 v58, $0.0e+00;
	v21 =	vmul.f32 v21, v19;
	v22 =	vmul.f32 v22, v18  }
0x194: {  	v23 =	vmul.f32 v23, v16;
	v24 =	vmul.f32 v24, v17;
	_ =	sdelay $0x1  }
0x195: {  	v21 =	vadd.f32 v22, v21;
	v22 =	vadd.f32 v24, v23;
	_ =	sdelay $0x1  }
0x196: {  	v21 =	vadd.f32 v22, v21;
	_ =	sdelay $0x1  }
0x197: {  	[tilespmem:$0xB5B0] =	vst v21  }
0x198: {  	v21 =	vld [tilespmem:s12+$0xFFFFFE40]  }
0x199: {  	v22 =	vld [tilespmem:s14+$0xFFFFFE40]  }
0x19a: {  	v23 =	vld [tilespmem:s12+$0xFFFFFE50]  }
0x19b: {  	v59 =	vld [tilespmem:s14+$0xFFFFFE50]  }
0x19c: {  	v60 =	vld [tilespmem:s12+$0xFFFFFE60]  }
0x19d: {  	v61 =	vld [tilespmem:s14+$0xFFFFFE60]  }
0x19e: {  	v62 =	vld [tilespmem:s12+$0xFFFFFE70]  }
0x19f: {  	v63 =	vld [tilespmem:s14+$0xFFFFFE70];
	_ =	sdelay $0x2  }
0x1a0: {  	v21 =	vadd.f32 v22, v21  }
0x1a1: {  	v22 =	vadd.f32 v59, v23;
	v23 =	vadd.f32 v61, v60  }
0x1a2: {  	v31 =	vadd.f32 v63, v62  }
0x1a3: {  	v21 =	vmax.f32 v21, $0.0e+00;
	v22 =	vmax.f32 v22, $0.0e+00;
	v23 =	vmax.f32 v23, $0.0e+00  }
0x1a4: {  	v24 =	vmax.f32 v31, $0.0e+00;
	v21 =	vmul.f32 v21, v19;
	v22 =	vmul.f32 v22, v18  }
0x1a5: {  	v23 =	vmul.f32 v23, v16;
	v24 =	vmul.f32 v24, v17;
	_ =	sdelay $0x1  }
0x1a6: {  	v21 =	vadd.f32 v22, v21;
	v22 =	vadd.f32 v24, v23;
	_ =	sdelay $0x1  }
0x1a7: {  	v21 =	vadd.f32 v22, v21;
	_ =	sdelay $0x1  }
0x1a8: {  	[tilespmem:$0xB5C8] =	vst v21  }
0x1a9: {  	v21 =	vld [tilespmem:s12+$0xFFFFFE80]  }
0x1aa: {  	v22 =	vld [tilespmem:s14+$0xFFFFFE80]  }
0x1ab: {  	v23 =	vld [tilespmem:s12+$0xFFFFFE90]  }
0x1ac: {  	v32 =	vld [tilespmem:s14+$0xFFFFFE90]  }
0x1ad: {  	v33 =	vld [tilespmem:s12+$0xFFFFFEA0]  }
0x1ae: {  	v34 =	vld [tilespmem:s14+$0xFFFFFEA0]  }
0x1af: {  	v35 =	vld [tilespmem:s12+$0xFFFFFEB0]  }
0x1b0: {  	v36 =	vld [tilespmem:s14+$0xFFFFFEB0];
	_ =	sdelay $0x2  }
0x1b1: {  	v21 =	vadd.f32 v22, v21  }
0x1b2: {  	v22 =	vadd.f32 v32, v23;
	v23 =	vadd.f32 v34, v33  }
0x1b3: {  	v37 =	vadd.f32 v36, v35  }
0x1b4: {  	v21 =	vmax.f32 v21, $0.0e+00;
	v22 =	vmax.f32 v22, $0.0e+00;
	v23 =	vmax.f32 v23, $0.0e+00  }
0x1b5: {  	v24 =	vmax.f32 v37, $0.0e+00;
	v21 =	vmul.f32 v21, v19;
	v22 =	vmul.f32 v22, v18  }
0x1b6: {  	v23 =	vmul.f32 v23, v16;
	v24 =	vmul.f32 v24, v17;
	_ =	sdelay $0x1  }
0x1b7: {  	v21 =	vadd.f32 v22, v21;
	v22 =	vadd.f32 v24, v23;
	_ =	sdelay $0x1  }
0x1b8: {  	v21 =	vadd.f32 v22, v21;
	_ =	sdelay $0x1  }
0x1b9: {  	[tilespmem:$0xB5E0] =	vst v21  }
0x1ba: {  	v21 =	vld [tilespmem:s12+$0xFFFFFEC0]  }
0x1bb: {  	v22 =	vld [tilespmem:s14+$0xFFFFFEC0]  }
0x1bc: {  	v23 =	vld [tilespmem:s12+$0xFFFFFED0]  }
0x1bd: {  	v38 =	vld [tilespmem:s14+$0xFFFFFED0]  }
0x1be: {  	v39 =	vld [tilespmem:s12+$0xFFFFFEE0]  }
0x1bf: {  	v40 =	vld [tilespmem:s14+$0xFFFFFEE0]  }
0x1c0: {  	v41 =	vld [tilespmem:s12+$0xFFFFFEF0]  }
0x1c1: {  	v42 =	vld [tilespmem:s14+$0xFFFFFEF0];
	_ =	sdelay $0x2  }
0x1c2: {  	v21 =	vadd.f32 v22, v21  }
0x1c3: {  	v22 =	vadd.f32 v38, v23;
	v23 =	vadd.f32 v40, v39  }
0x1c4: {  	v43 =	vadd.f32 v42, v41  }
0x1c5: {  	v21 =	vmax.f32 v21, $0.0e+00;
	v22 =	vmax.f32 v22, $0.0e+00;
	v23 =	vmax.f32 v23, $0.0e+00  }
0x1c6: {  	v24 =	vmax.f32 v43, $0.0e+00;
	v21 =	vmul.f32 v21, v19;
	v22 =	vmul.f32 v22, v18  }
0x1c7: {  	v23 =	vmul.f32 v23, v16;
	v24 =	vmul.f32 v24, v17;
	_ =	sdelay $0x1  }
0x1c8: {  	v21 =	vadd.f32 v22, v21;
	v22 =	vadd.f32 v24, v23;
	_ =	sdelay $0x1  }
0x1c9: {  	v21 =	vadd.f32 v22, v21;
	_ =	sdelay $0x1  }
0x1ca: {  	[tilespmem:$0xB5F8] =	vst v21  }
0x1cb: {  	v21 =	vld [tilespmem:s12+$0xFFFFFF00]  }
0x1cc: {  	v22 =	vld [tilespmem:s14+$0xFFFFFF00]  }
0x1cd: {  	v23 =	vld [tilespmem:s12+$0xFFFFFF10]  }
0x1ce: {  	v44 =	vld [tilespmem:s14+$0xFFFFFF10]  }
0x1cf: {  	v45 =	vld [tilespmem:s12+$0xFFFFFF20]  }
0x1d0: {  	v46 =	vld [tilespmem:s14+$0xFFFFFF20]  }
0x1d1: {  	v47 =	vld [tilespmem:s12+$0xFFFFFF30]  }
0x1d2: {  	v48 =	vld [tilespmem:s14+$0xFFFFFF30];
	_ =	sdelay $0x2  }
0x1d3: {  	v21 =	vadd.f32 v22, v21  }
0x1d4: {  	v22 =	vadd.f32 v44, v23;
	v23 =	vadd.f32 v46, v45  }
0x1d5: {  	v49 =	vadd.f32 v48, v47  }
0x1d6: {  	v21 =	vmax.f32 v21, $0.0e+00;
	v22 =	vmax.f32 v22, $0.0e+00;
	v23 =	vmax.f32 v23, $0.0e+00  }
0x1d7: {  	v24 =	vmax.f32 v49, $0.0e+00;
	v21 =	vmul.f32 v21, v19;
	v22 =	vmul.f32 v22, v18  }
0x1d8: {  	v23 =	vmul.f32 v23, v16;
	v24 =	vmul.f32 v24, v17;
	_ =	sdelay $0x1  }
0x1d9: {  	v21 =	vadd.f32 v22, v21;
	v22 =	vadd.f32 v24, v23;
	_ =	sdelay $0x1  }
0x1da: {  	v21 =	vadd.f32 v22, v21;
	_ =	sdelay $0x1  }
0x1db: {  	[tilespmem:$0xB610] =	vst v21  }
0x1dc: {  	v21 =	vld [tilespmem:s12+$0xFFFFFF40]  }
0x1dd: {  	v22 =	vld [tilespmem:s14+$0xFFFFFF40]  }
0x1de: {  	v23 =	vld [tilespmem:s12+$0xFFFFFF50]  }
0x1df: {  	v50 =	vld [tilespmem:s14+$0xFFFFFF50]  }
0x1e0: {  	v51 =	vld [tilespmem:s12+$0xFFFFFF60]  }
0x1e1: {  	v52 =	vld [tilespmem:s14+$0xFFFFFF60]  }
0x1e2: {  	v53 =	vld [tilespmem:s12+$0xFFFFFF70]  }
0x1e3: {  	v54 =	vld [tilespmem:s14+$0xFFFFFF70];
	_ =	sdelay $0x2  }
0x1e4: {  	v21 =	vadd.f32 v22, v21  }
0x1e5: {  	v22 =	vadd.f32 v50, v23;
	v23 =	vadd.f32 v52, v51  }
0x1e6: {  	v55 =	vadd.f32 v54, v53  }
0x1e7: {  	v21 =	vmax.f32 v21, $0.0e+00;
	v22 =	vmax.f32 v22, $0.0e+00;
	v23 =	vmax.f32 v23, $0.0e+00  }
0x1e8: {  	v24 =	vmax.f32 v55, $0.0e+00;
	v21 =	vmul.f32 v21, v19;
	v22 =	vmul.f32 v22, v18  }
0x1e9: {  	v23 =	vmul.f32 v23, v16;
	v24 =	vmul.f32 v24, v17;
	_ =	sdelay $0x1  }
0x1ea: {  	v21 =	vadd.f32 v22, v21;
	v22 =	vadd.f32 v24, v23;
	_ =	sdelay $0x1  }
0x1eb: {  	v21 =	vadd.f32 v22, v21;
	_ =	sdelay $0x1  }
0x1ec: {  	[tilespmem:$0xB628] =	vst v21  }
0x1ed: {  	v21 =	vld [tilespmem:s12+$0xFFFFFF80]  }
0x1ee: {  	v22 =	vld [tilespmem:s14+$0xFFFFFF80]  }
0x1ef: {  	v23 =	vld [tilespmem:s12+$0xFFFFFF90]  }
0x1f0: {  	v56 =	vld [tilespmem:s14+$0xFFFFFF90]  }
0x1f1: {  	v57 =	vld [tilespmem:s12+$0xFFFFFFA0]  }
0x1f2: {  	v58 =	vld [tilespmem:s14+$0xFFFFFFA0]  }
0x1f3: {  	v59 =	vld [tilespmem:s12+$0xFFFFFFB0]  }
0x1f4: {  	v60 =	vld [tilespmem:s14+$0xFFFFFFB0];
	_ =	sdelay $0x2  }
0x1f5: {  	v21 =	vadd.f32 v22, v21  }
0x1f6: {  	v22 =	vadd.f32 v56, v23;
	v23 =	vadd.f32 v58, v57  }
0x1f7: {  	v61 =	vadd.f32 v60, v59  }
0x1f8: {  	v21 =	vmax.f32 v21, $0.0e+00;
	v22 =	vmax.f32 v22, $0.0e+00;
	v23 =	vmax.f32 v23, $0.0e+00  }
0x1f9: {  	v24 =	vmax.f32 v61, $0.0e+00;
	v21 =	vmul.f32 v21, v19;
	v22 =	vmul.f32 v22, v18  }
0x1fa: {  	v23 =	vmul.f32 v23, v16;
	v24 =	vmul.f32 v24, v17;
	_ =	sdelay $0x1  }
0x1fb: {  	v21 =	vadd.f32 v22, v21;
	v22 =	vadd.f32 v24, v23;
	_ =	sdelay $0x1  }
0x1fc: {  	v21 =	vadd.f32 v22, v21;
	_ =	sdelay $0x1  }
0x1fd: {  	[tilespmem:$0xB640] =	vst v21  }
0x1fe: {  	v21 =	vld [tilespmem:s12+$0xFFFFFFC0]  }
0x1ff: {  	v22 =	vld [tilespmem:s14+$0xFFFFFFC0]  }
0x200: {  	v23 =	vld [tilespmem:s12+$0xFFFFFFD0]  }
0x201: {  	v62 =	vld [tilespmem:s14+$0xFFFFFFD0]  }
0x202: {  	v63 =	vld [tilespmem:s12+$0xFFFFFFE0]  }
0x203: {  	v32 =	vld [tilespmem:s14+$0xFFFFFFE0]  }
0x204: {  	v33 =	vld [tilespmem:s12+$0xFFFFFFF0]  }
0x205: {  	v34 =	vld [tilespmem:s14+$0xFFFFFFF0];
	_ =	sdelay $0x2  }
0x206: {  	v21 =	vadd.f32 v22, v21  }
0x207: {  	v22 =	vadd.f32 v62, v23;
	v23 =	vadd.f32 v32, v63  }
0x208: {  	v35 =	vadd.f32 v34, v33  }
0x209: {  	v21 =	vmax.f32 v21, $0.0e+00;
	v22 =	vmax.f32 v22, $0.0e+00;
	v23 =	vmax.f32 v23, $0.0e+00  }
0x20a: {  	v24 =	vmax.f32 v35, $0.0e+00;
	v21 =	vmul.f32 v21, v19;
	v22 =	vmul.f32 v22, v18  }
0x20b: {  	v23 =	vmul.f32 v23, v16;
	v24 =	vmul.f32 v24, v17;
	_ =	sdelay $0x1  }
0x20c: {  	v21 =	vadd.f32 v22, v21;
	v22 =	vadd.f32 v24, v23;
	_ =	sdelay $0x1  }
0x20d: {  	v21 =	vadd.f32 v22, v21;
	_ =	sdelay $0x1  }
0x20e: {  	[tilespmem:$0xB658] =	vst v21  }
0x20f: {  	v21 =	vld [tilespmem:s12+$0x0]  }
0x210: {  	v22 =	vld [tilespmem:s14+$0x0]  }
0x211: {  	v23 =	vld [tilespmem:s12+$0x10]  }
0x212: {  	v36 =	vld [tilespmem:s14+$0x10]  }
0x213: {  	v37 =	vld [tilespmem:s12+$0x20]  }
0x214: {  	v38 =	vld [tilespmem:s14+$0x20]  }
0x215: {  	v39 =	vld [tilespmem:s12+$0x30]  }
0x216: {  	v40 =	vld [tilespmem:s14+$0x30];
	_ =	sdelay $0x2  }
0x217: {  	v21 =	vadd.f32 v22, v21  }
0x218: {  	v22 =	vadd.f32 v36, v23;
	v23 =	vadd.f32 v38, v37  }
0x219: {  	v41 =	vadd.f32 v40, v39  }
0x21a: {  	v21 =	vmax.f32 v21, $0.0e+00;
	v22 =	vmax.f32 v22, $0.0e+00;
	v23 =	vmax.f32 v23, $0.0e+00  }
0x21b: {  	v24 =	vmax.f32 v41, $0.0e+00;
	v21 =	vmul.f32 v21, v19;
	v22 =	vmul.f32 v22, v18  }
0x21c: {  	v23 =	vmul.f32 v23, v16;
	v24 =	vmul.f32 v24, v17;
	_ =	sdelay $0x1  }
0x21d: {  	v21 =	vadd.f32 v22, v21;
	v22 =	vadd.f32 v24, v23;
	_ =	sdelay $0x1  }
0x21e: {  	v21 =	vadd.f32 v22, v21;
	_ =	sdelay $0x1  }
0x21f: {  	[tilespmem:$0xB670] =	vst v21  }
0x220: {  	v21 =	vld [tilespmem:s12+$0x40]  }
0x221: {  	v22 =	vld [tilespmem:s14+$0x40]  }
0x222: {  	v23 =	vld [tilespmem:s12+$0x50]  }
0x223: {  	v42 =	vld [tilespmem:s14+$0x50]  }
0x224: {  	v43 =	vld [tilespmem:s12+$0x60]  }
0x225: {  	v44 =	vld [tilespmem:s14+$0x60]  }
0x226: {  	v45 =	vld [tilespmem:s12+$0x70]  }
0x227: {  	v46 =	vld [tilespmem:s14+$0x70];
	_ =	sdelay $0x2  }
0x228: {  	v21 =	vadd.f32 v22, v21  }
0x229: {  	v22 =	vadd.f32 v42, v23;
	v23 =	vadd.f32 v44, v43  }
0x22a: {  	v47 =	vadd.f32 v46, v45  }
0x22b: {  	v21 =	vmax.f32 v21, $0.0e+00;
	v22 =	vmax.f32 v22, $0.0e+00;
	v23 =	vmax.f32 v23, $0.0e+00  }
0x22c: {  	v24 =	vmax.f32 v47, $0.0e+00;
	v21 =	vmul.f32 v21, v19;
	v22 =	vmul.f32 v22, v18  }
0x22d: {  	v23 =	vmul.f32 v23, v16;
	v24 =	vmul.f32 v24, v17;
	_ =	sdelay $0x1  }
0x22e: {  	v21 =	vadd.f32 v22, v21;
	v22 =	vadd.f32 v24, v23;
	_ =	sdelay $0x1  }
0x22f: {  	v21 =	vadd.f32 v22, v21;
	_ =	sdelay $0x1  }
0x230: {  	[tilespmem:$0xB688] =	vst v21  }
0x231: {  	v21 =	vld [tilespmem:s12+$0x80]  }
0x232: {  	v22 =	vld [tilespmem:s14+$0x80]  }
0x233: {  	v23 =	vld [tilespmem:s12+$0x90]  }
0x234: {  	v48 =	vld [tilespmem:s14+$0x90]  }
0x235: {  	v49 =	vld [tilespmem:s12+$0xA0]  }
0x236: {  	v50 =	vld [tilespmem:s14+$0xA0]  }
0x237: {  	v51 =	vld [tilespmem:s12+$0xB0]  }
0x238: {  	v52 =	vld [tilespmem:s14+$0xB0];
	_ =	sdelay $0x2  }
0x239: {  	v21 =	vadd.f32 v22, v21  }
0x23a: {  	v22 =	vadd.f32 v48, v23;
	v23 =	vadd.f32 v50, v49  }
0x23b: {  	v53 =	vadd.f32 v52, v51  }
0x23c: {  	v21 =	vmax.f32 v21, $0.0e+00;
	v22 =	vmax.f32 v22, $0.0e+00;
	v23 =	vmax.f32 v23, $0.0e+00  }
0x23d: {  	v24 =	vmax.f32 v53, $0.0e+00;
	v21 =	vmul.f32 v21, v19;
	v22 =	vmul.f32 v22, v18  }
0x23e: {  	v23 =	vmul.f32 v23, v16;
	v24 =	vmul.f32 v24, v17;
	_ =	sdelay $0x1  }
0x23f: {  	v21 =	vadd.f32 v22, v21;
	v22 =	vadd.f32 v24, v23;
	_ =	sdelay $0x1  }
0x240: {  	v21 =	vadd.f32 v22, v21;
	_ =	sdelay $0x1  }
0x241: {  	[tilespmem:$0xB6A0] =	vst v21  }
0x242: {  	v21 =	vld [tilespmem:s12+$0xC0]  }
0x243: {  	v22 =	vld [tilespmem:s14+$0xC0]  }
0x244: {  	v23 =	vld [tilespmem:s12+$0xD0]  }
0x245: {  	v54 =	vld [tilespmem:s14+$0xD0]  }
0x246: {  	v55 =	vld [tilespmem:s12+$0xE0]  }
0x247: {  	v56 =	vld [tilespmem:s14+$0xE0]  }
0x248: {  	v57 =	vld [tilespmem:s12+$0xF0]  }
0x249: {  	v58 =	vld [tilespmem:s14+$0xF0];
	_ =	sdelay $0x2  }
0x24a: {  	v21 =	vadd.f32 v22, v21  }
0x24b: {  	v22 =	vadd.f32 v54, v23;
	v23 =	vadd.f32 v56, v55  }
0x24c: {  	v59 =	vadd.f32 v58, v57  }
0x24d: {  	v21 =	vmax.f32 v21, $0.0e+00;
	v22 =	vmax.f32 v22, $0.0e+00;
	v23 =	vmax.f32 v23, $0.0e+00  }
0x24e: {  	v24 =	vmax.f32 v59, $0.0e+00;
	v21 =	vmul.f32 v21, v19;
	v22 =	vmul.f32 v22, v18  }
0x24f: {  	v23 =	vmul.f32 v23, v16;
	v24 =	vmul.f32 v24, v17;
	_ =	sdelay $0x1  }
0x250: {  	v21 =	vadd.f32 v22, v21;
	v22 =	vadd.f32 v24, v23;
	_ =	sdelay $0x1  }
0x251: {  	v21 =	vadd.f32 v22, v21;
	_ =	sdelay $0x1  }
0x252: {  	[tilespmem:$0xB6B8] =	vst v21  }
0x253: {  	v21 =	vld [tilespmem:s12+$0x100]  }
0x254: {  	v22 =	vld [tilespmem:s14+$0x100]  }
0x255: {  	v23 =	vld [tilespmem:s12+$0x110]  }
0x256: {  	v60 =	vld [tilespmem:s14+$0x110]  }
0x257: {  	v61 =	vld [tilespmem:s12+$0x120]  }
0x258: {  	v62 =	vld [tilespmem:s14+$0x120]  }
0x259: {  	v63 =	vld [tilespmem:s12+$0x130]  }
0x25a: {  	v32 =	vld [tilespmem:s14+$0x130];
	_ =	sdelay $0x2  }
0x25b: {  	v21 =	vadd.f32 v22, v21  }
0x25c: {  	v22 =	vadd.f32 v60, v23;
	v23 =	vadd.f32 v62, v61  }
0x25d: {  	v33 =	vadd.f32 v32, v63  }
0x25e: {  	v21 =	vmax.f32 v21, $0.0e+00;
	v22 =	vmax.f32 v22, $0.0e+00;
	v23 =	vmax.f32 v23, $0.0e+00  }
0x25f: {  	v24 =	vmax.f32 v33, $0.0e+00;
	v21 =	vmul.f32 v21, v19;
	v22 =	vmul.f32 v22, v18  }
0x260: {  	v23 =	vmul.f32 v23, v16;
	v24 =	vmul.f32 v24, v17;
	_ =	sdelay $0x1  }
0x261: {  	v21 =	vadd.f32 v22, v21;
	v22 =	vadd.f32 v24, v23;
	_ =	sdelay $0x1  }
0x262: {  	v21 =	vadd.f32 v22, v21;
	_ =	sdelay $0x1  }
0x263: {  	[tilespmem:$0xB6D0] =	vst v21  }
0x264: {  	v21 =	vld [tilespmem:s12+$0x140]  }
0x265: {  	v22 =	vld [tilespmem:s14+$0x140]  }
0x266: {  	v23 =	vld [tilespmem:s12+$0x150]  }
0x267: {  	v34 =	vld [tilespmem:s14+$0x150]  }
0x268: {  	v35 =	vld [tilespmem:s12+$0x160]  }
0x269: {  	v36 =	vld [tilespmem:s14+$0x160]  }
0x26a: {  	v37 =	vld [tilespmem:s12+$0x170]  }
0x26b: {  	v38 =	vld [tilespmem:s14+$0x170];
	_ =	sdelay $0x2  }
0x26c: {  	v21 =	vadd.f32 v22, v21  }
0x26d: {  	v22 =	vadd.f32 v34, v23;
	v23 =	vadd.f32 v36, v35  }
0x26e: {  	v39 =	vadd.f32 v38, v37  }
0x26f: {  	v21 =	vmax.f32 v21, $0.0e+00;
	v22 =	vmax.f32 v22, $0.0e+00;
	v23 =	vmax.f32 v23, $0.0e+00  }
0x270: {  	v24 =	vmax.f32 v39, $0.0e+00;
	v21 =	vmul.f32 v21, v19;
	v22 =	vmul.f32 v22, v18  }
0x271: {  	v23 =	vmul.f32 v23, v16;
	v24 =	vmul.f32 v24, v17;
	_ =	sdelay $0x1  }
0x272: {  	v21 =	vadd.f32 v22, v21;
	v22 =	vadd.f32 v24, v23;
	_ =	sdelay $0x1  }
0x273: {  	v21 =	vadd.f32 v22, v21;
	_ =	sdelay $0x1  }
0x274: {  	[tilespmem:$0xB6E8] =	vst v21  }
0x275: {  	v21 =	vld [tilespmem:s12+$0x180]  }
0x276: {  	v22 =	vld [tilespmem:s14+$0x180]  }
0x277: {  	v23 =	vld [tilespmem:s12+$0x190]  }
0x278: {  	v40 =	vld [tilespmem:s14+$0x190]  }
0x279: {  	v41 =	vld [tilespmem:s12+$0x1A0]  }
0x27a: {  	v42 =	vld [tilespmem:s14+$0x1A0]  }
0x27b: {  	v43 =	vld [tilespmem:s12+$0x1B0]  }
0x27c: {  	v44 =	vld [tilespmem:s14+$0x1B0];
	_ =	sdelay $0x2  }
0x27d: {  	v21 =	vadd.f32 v22, v21  }
0x27e: {  	v22 =	vadd.f32 v40, v23;
	v23 =	vadd.f32 v42, v41  }
0x27f: {  	v45 =	vadd.f32 v44, v43  }
0x280: {  	v21 =	vmax.f32 v21, $0.0e+00;
	v22 =	vmax.f32 v22, $0.0e+00;
	v23 =	vmax.f32 v23, $0.0e+00  }
0x281: {  	v24 =	vmax.f32 v45, $0.0e+00;
	v21 =	vmul.f32 v21, v19;
	v22 =	vmul.f32 v22, v18  }
0x282: {  	v23 =	vmul.f32 v23, v16;
	v24 =	vmul.f32 v24, v17;
	_ =	sdelay $0x1  }
0x283: {  	v21 =	vadd.f32 v22, v21;
	v22 =	vadd.f32 v24, v23;
	_ =	sdelay $0x1  }
0x284: {  	v21 =	vadd.f32 v22, v21;
	_ =	sdelay $0x1  }
0x285: {  	[tilespmem:$0xB700] =	vst v21  }
0x286: {  	v21 =	vld [tilespmem:s12+$0x1C0]  }
0x287: {  	v22 =	vld [tilespmem:s14+$0x1C0]  }
0x288: {  	v23 =	vld [tilespmem:s12+$0x1D0]  }
0x289: {  	v46 =	vld [tilespmem:s14+$0x1D0]  }
0x28a: {  	v47 =	vld [tilespmem:s12+$0x1E0]  }
0x28b: {  	v48 =	vld [tilespmem:s14+$0x1E0]  }
0x28c: {  	v49 =	vld [tilespmem:s12+$0x1F0]  }
0x28d: {  	v50 =	vld [tilespmem:s14+$0x1F0];
	_ =	sdelay $0x2  }
0x28e: {  	v21 =	vadd.f32 v22, v21  }
0x28f: {  	v22 =	vadd.f32 v46, v23;
	v23 =	vadd.f32 v48, v47  }
0x290: {  	v51 =	vadd.f32 v50, v49  }
0x291: {  	v21 =	vmax.f32 v21, $0.0e+00;
	v22 =	vmax.f32 v22, $0.0e+00;
	v23 =	vmax.f32 v23, $0.0e+00  }
0x292: {  	v24 =	vmax.f32 v51, $0.0e+00;
	v21 =	vmul.f32 v21, v19;
	v22 =	vmul.f32 v22, v18  }
0x293: {  	v23 =	vmul.f32 v23, v16;
	v24 =	vmul.f32 v24, v17;
	_ =	sdelay $0x1  }
0x294: {  	v21 =	vadd.f32 v22, v21;
	v22 =	vadd.f32 v24, v23;
	_ =	sdelay $0x1  }
0x295: {  	v21 =	vadd.f32 v22, v21;
	_ =	sdelay $0x1  }
0x296: {  	[tilespmem:$0xB718] =	vst v21  }
0x297: {  	v21 =	vld.idx.msk [tilespmem:v0+s1+$0x0], $0xffff  }
0x298: {  	v22 =	vld.idx.msk [tilespmem:v1+s1+$0x0], $0xffff  }
0x299: {  	v23 =	vld.idx.msk [tilespmem:v2+s1+$0x0], $0xffff  }
0x29a: {  	v52 =	vld.idx.msk [tilespmem:v3+s1+$0x0], $0xffff  }
0x29b: {  	v53 =	vld.idx.msk [tilespmem:v4+s1+$0x0], $0xffff  }
0x29c: {  	v54 =	vld.idx.msk [tilespmem:v5+s1+$0x0], $0xffff  }
0x29d: {  	v55 =	vld.idx.msk [tilespmem:v6+s1+$0x0], $0xffff  }
0x29e: {  	v56 =	vld.idx.msk [tilespmem:v7+s1+$0x0], $0xffff  }
0x29f: {  	v29 =	vld.idx.msk [tilespmem:v8+s1+$0x0], $0xffff  }
0x2a0: {  	v30 =	vld.idx.msk [tilespmem:v9+s1+$0x0], $0xffff  }
0x2a1: {  	v31 =	vld.idx.msk [tilespmem:v10+s1+$0x0], $0xffff  }
0x2a2: {  	v32 =	vld.idx.msk [tilespmem:v11+s1+$0x0], $0xffff  }
0x2a3: {  	v33 =	vld.idx.msk [tilespmem:v12+s1+$0x0], $0xffff  }
0x2a4: {  	v34 =	vld.idx.msk [tilespmem:v13+s1+$0x0], $0xffff  }
0x2a5: {  	v35 =	vld.idx.msk [tilespmem:v14+s1+$0x0], $0xffff  }
0x2a6: {  	v36 =	vld.idx.msk [tilespmem:v15+s1+$0x0], $0xffff;
	_ =	sdelay $0x1  }
0x2a7: {  	v21 =	vadd.f32 v22, v21;
	v22 =	vadd.f32 v52, v23  }
0x2a8: {  	v23 =	vadd.f32 v54, v53;
	v57 =	vadd.f32 v56, v55  }
0x2a9: {  	v58 =	vadd.f32 v30, v29;
	v59 =	vadd.f32 v32, v31  }
0x2aa: {  	v60 =	vadd.f32 v34, v33;
	v61 =	vadd.f32 v36, v35  }
0x2ab: {  	v21 =	vadd.f32 v22, v21;
	v22 =	vadd.f32 v57, v23  }
0x2ac: {  	s15 =	sshra.s32 s11, $0x2;
	v23 =	vadd.f32 v59, v58;
	v62 =	vadd.f32 v61, v60  }
0x2ad: {  	v63 =	vld [tilespmem:s15+$0xB570]  }
0x2ae: {  	v21 =	vadd.f32 v22, v21;
	v22 =	vadd.f32 v62, v23  }
0x2af: {  	p0 =	sne.s32 s11, $0xC0  }
.Ltmp1:
0x2b0: {  	v21 =	vadd.f32 v22, v21;
	(pc) =	sbr.rel @p0 .LBB2_5-.Ltmp1, $3  }
0x2b1: {  	_ = 	snop  }
0x2b2: {  	v21 =	vadd.f32 v21, v63;
	_ =	sdelay $0x1  }
0x2b3: {  	s11 =	sadd.s32 $0x40, s11;
	s12 =	sadd.s32 $0x400, s12;
	s14 =	sadd.s32 $0x400, s14;
	[tilespmem:v20+s15+$0x0 ss:$0x1] =	vst.idx.msk $0xffff, v21  }
0x2b4: {  	s10 =	sadd.s32 $0x1, s10  }
0x2b5: {  	p0 =	sne.s32 s10, $0x4E  }
.Ltmp2:
0x2b6: {  	_ = 	snop;
	(pc) =	sbr.rel @p0 .LBB2_2-.Ltmp2, $2  }
0x2b7: {  	_ =	sdelay $0x2  }
0x2b8: {  	s8 =	sadd.s32 $0x80, s8;
	s25 =	sadd.s32 $0x80, s25  }
0x2b9: {  	s12 =	simm.s32 $0x7530;
	s8 =	simm.s32 $0x2700  }
0x2ba: {  	[tilespmem:s12], [sflag:$0x1] =	stream.indirect.gather [spmem:s2], $0x40, s8, s7, $0xb8;
	[tilespmem:$0x1EFF0] =	vst v63  }
0x2bb: {  	s14 =	simm.s32 $0x9530;
	s10 =	simm.s32 $0x4E10  }
0x2bc: {  	[tilespmem:s14], [sflag:$0x3] =	stream.indirect.gather [spmem:s3], $0x40, s10, s7, $0xb8;
	[tilespmem:$0x1EFF0] =	vst v63  }
0x2bd: {  	s11 =	rddreg [dreg:$0xa];
	s15 =	simm.s32 $0xB530  }
0x2be: {  	[tilespmem:s15], [sflag:$0x5] =	stream.linear.gather [hbm4b:s11+s4], $0x10, $0x38;
	[tilespmem:$0x1EFF0] =	vst v63  }
0x2bf: {  	_ =	swait.ge [sflag:s30], $0x400  }
0x2c0: {  	[sflag:s30] =	ssyncset.done $0x0  }
0x2c1: {  	[sflag:s30] =	ssyncadd.s32 $0xFFFFFC00  }
0x2c2: {  	_ =	swait.ge [sflag:s31], $0x400  }
0x2c3: {  	[sflag:s31] =	ssyncset.done $0x0  }
0x2c4: {  	[sflag:s31] =	ssyncadd.s32 $0xFFFFFC00  }
0x2c5: {  	_ =	swait.ge [sflag:s0], $0x10  }
0x2c6: {  	[sflag:s0] =	ssyncset.done $0x0  }
0x2c7: {  	[sflag:s0] =	ssyncadd.s32 $0xFFFFFFF0  }
0x2c8: {  	v20 =	vld [tilespmem:$0x7530]  }
0x2c9: {  	v21 =	vld [tilespmem:$0x9530]  }
0x2ca: {  	v22 =	vld [tilespmem:$0x7540]  }
0x2cb: {  	v23 =	vld [tilespmem:$0x9540]  }
0x2cc: {  	v24 =	vld [tilespmem:$0x7550]  }
0x2cd: {  	v25 =	vld [tilespmem:$0x9550]  }
0x2ce: {  	v26 =	vld [tilespmem:$0x7560]  }
0x2cf: {  	v27 =	vld [tilespmem:$0x9560]  }
0x2d0: {  	v28 =	vld [tilespmem:$0x7570]  }
0x2d1: {  	v29 =	vld [tilespmem:$0x9570]  }
0x2d2: {  	v30 =	vld [tilespmem:$0x7580]  }
0x2d3: {  	v31 =	vld [tilespmem:$0x9580]  }
0x2d4: {  	v32 =	vld [tilespmem:$0x7590]  }
0x2d5: {  	v33 =	vld [tilespmem:$0x9590]  }
0x2d6: {  	v34 =	vld [tilespmem:$0x75A0]  }
0x2d7: {  	v35 =	vld [tilespmem:$0x95A0]  }
0x2d8: {  	v36 =	vld [tilespmem:$0x75B0]  }
0x2d9: {  	v37 =	vld [tilespmem:$0x95B0]  }
0x2da: {  	v38 =	vld [tilespmem:$0x75C0]  }
0x2db: {  	v39 =	vld [tilespmem:$0x95C0]  }
0x2dc: {  	v40 =	vld [tilespmem:$0x75D0]  }
0x2dd: {  	v41 =	vld [tilespmem:$0x95D0]  }
0x2de: {  	v42 =	vld [tilespmem:$0x75E0]  }
0x2df: {  	v43 =	vld [tilespmem:$0x95E0]  }
0x2e0: {  	v44 =	vld [tilespmem:$0x75F0]  }
0x2e1: {  	v45 =	vld [tilespmem:$0x95F0]  }
0x2e2: {  	v46 =	vld [tilespmem:$0x7600]  }
0x2e3: {  	v47 =	vld [tilespmem:$0x9600]  }
0x2e4: {  	v48 =	vld [tilespmem:$0x7610]  }
0x2e5: {  	v49 =	vld [tilespmem:$0x9610]  }
0x2e6: {  	v50 =	vld [tilespmem:$0x7620]  }
0x2e7: {  	v51 =	vld [tilespmem:$0x9620]  }
0x2e8: {  	v52 =	vld [tilespmem:$0x7630]  }
0x2e9: {  	v53 =	vld [tilespmem:$0x9630]  }
0x2ea: {  	v54 =	vld [tilespmem:$0x7640]  }
0x2eb: {  	v55 =	vld [tilespmem:$0x9640]  }
0x2ec: {  	v56 =	vld [tilespmem:$0x7650]  }
0x2ed: {  	v57 =	vld [tilespmem:$0x9650]  }
0x2ee: {  	v58 =	vld [tilespmem:$0x7660]  }
0x2ef: {  	v62 =	vld [tilespmem:$0x7680]  }
0x2f0: {  	v59 =	vld [tilespmem:$0x9660]  }
0x2f1: {  	v60 =	vld [tilespmem:$0x7670]  }
0x2f2: {  	v61 =	vld [tilespmem:$0x9670]  }
0x2f3: {  	v63 =	vld [tilespmem:$0x9680]  }
0x2f4: {  	[tilespmem:$0x1FF90] =	vst v62;
	v62 =	vld [tilespmem:$0x7690]  }
0x2f5: {  	v20 =	vadd.f32 v21, v20;
	v21 =	vld [tilespmem:$0x76C0]  }
0x2f6: {  	v22 =	vadd.f32 v23, v22;
	v23 =	vld [tilespmem:$0x96C0]  }
0x2f7: {  	v24 =	vadd.f32 v25, v24;
	v25 =	vadd.f32 v27, v26;
	v26 =	vld [tilespmem:$0x76D0]  }
0x2f8: {  	v27 =	vld [tilespmem:$0x96D0]  }
0x2f9: {  	v28 =	vadd.f32 v29, v28;
	v29 =	vld [tilespmem:$0x96E0]  }
0x2fa: {  	v55 =	vadd.f32 v55, v54;
	v58 =	vadd.f32 v59, v58;
	v54 =	vld [tilespmem:$0x7790]  }
0x2fb: {  	v59 =	vld [tilespmem:$0x1FF90];
	v20 =	vmax.f32 v20, $0.0e+00;
	v22 =	vmax.f32 v22, $0.0e+00;
	v24 =	vmax.f32 v24, $0.0e+00  }
0x2fc: {  	v25 =	vmax.f32 v25, $0.0e+00;
	v20 =	vmul.f32 v20, v19;
	v22 =	vmul.f32 v22, v18;
	[tilespmem:$0x1FFA0] =	vst v62;
	v62 =	vld [tilespmem:$0x9690]  }
0x2fd: {  	v24 =	vmul.f32 v24, v16;
	v25 =	vmul.f32 v25, v17;
	[tilespmem:$0x1FFF0] =	vst v21;
	v21 =	vld [tilespmem:$0x76E0]  }
0x2fe: {  	v20 =	vadd.f32 v22, v20;
	v22 =	vadd.f32 v31, v30;
	v31 =	vld [tilespmem:$0x76F0]  }
0x2ff: {  	v24 =	vadd.f32 v25, v24;
	v25 =	vmax.f32 v28, $0.0e+00;
	v28 =	vadd.f32 v33, v32;
	v32 =	vld [tilespmem:$0x96F0]  }
0x300: {  	v33 =	vld [tilespmem:$0x7700]  }
0x301: {  	v30 =	vadd.f32 v35, v34;
	v34 =	vadd.f32 v37, v36;
	v36 =	vld [tilespmem:$0x9700]  }
0x302: {  	v35 =	vadd.f32 v39, v38;
	v37 =	vld [tilespmem:$0x7710]  }
0x303: {  	v38 =	vld [tilespmem:$0x9710];
	v39 =	vadd.f32 v41, v40;
	v40 =	vadd.f32 v43, v42  }
0x304: {  	v41 =	vld [tilespmem:$0x9720];
	v43 =	vadd.f32 v47, v46;
	v46 =	vadd.f32 v51, v50;
	v25 =	vmul.f32 v25, v19  }
0x305: {  	v42 =	vld [tilespmem:$0x9730];
	v22 =	vmax.f32 v22, $0.0e+00;
	v28 =	vmax.f32 v28, $0.0e+00;
	v30 =	vmax.f32 v30, $0.0e+00  }
0x306: {  	v47 =	vld [tilespmem:$0x9740];
	v46 =	vmax.f32 v46, $0.0e+00;
	v22 =	vmul.f32 v22, v18;
	v28 =	vmul.f32 v28, v16  }
0x307: {  	v30 =	vmul.f32 v30, v17;
	v51 =	vmul.f32 v46, v17;
	v46 =	vld [tilespmem:$0x7760]  }
0x308: {  	v34 =	vmax.f32 v34, $0.0e+00;
	v35 =	vmax.f32 v35, $0.0e+00;
	[tilespmem:$0x1FFB0] =	vst v62;
	v62 =	vld [tilespmem:$0x76A0];
	v22 =	vadd.f32 v22, v25  }
0x309: {  	v25 =	vmul.f32 v34, v19;
	v34 =	vmul.f32 v35, v18;
	v35 =	vld [tilespmem:$0x7720];
	v30 =	vadd.f32 v30, v28  }
0x30a: {  	v28 =	vmax.f32 v39, $0.0e+00;
	v39 =	vmax.f32 v40, $0.0e+00;
	v40 =	vadd.f32 v45, v44;
	v44 =	vld [tilespmem:$0x7740]  }
0x30b: {  	v45 =	vadd.f32 v49, v48;
	v49 =	vmax.f32 v43, $0.0e+00;
	v43 =	vld [tilespmem:$0x7750]  }
0x30c: {  	v21 =	vadd.f32 v29, v21;
	v29 =	vld [tilespmem:$0x97D0]  }
0x30d: {  	v36 =	vadd.f32 v36, v33;
	v33 =	vld [tilespmem:$0x7800]  }
0x30e: {  	v48 =	vmul.f32 v49, v18;
	v49 =	vld [tilespmem:$0x9750]  }
0x30f: {  	v28 =	vmul.f32 v28, v16;
	v25 =	vadd.f32 v34, v25;
	v34 =	vld [tilespmem:$0x7730];
	v45 =	vmax.f32 v45, $0.0e+00  }
0x310: {  	v39 =	vmul.f32 v39, v17;
	v50 =	vmul.f32 v45, v16;
	v45 =	vadd.f32 v53, v52;
	v52 =	vld [tilespmem:$0x9780]  }
0x311: {  	v53 =	vadd.f32 v61, v60;
	v60 =	vld [tilespmem:$0x1FFA0]  }
0x312: {  	v40 =	vmax.f32 v40, $0.0e+00;
	v39 =	vadd.f32 v39, v28;
	v61 =	vld [tilespmem:$0x1FFB0]  }
0x313: {  	v40 =	vmul.f32 v40, v19;
	[tilespmem:$0x1FFC0] =	vst v62;
	v62 =	vld [tilespmem:$0x96A0]  }
0x314: {  	v28 =	vadd.f32 v24, v20;
	v20 =	vadd.f32 v39, v25;
	v39 =	vld [tilespmem:$0x9760]  }
0x315: {  	v22 =	vadd.f32 v30, v22;
	v30 =	vadd.f32 v48, v40;
	v40 =	vld [tilespmem:$0x7770]  }
0x316: {  	v24 =	vadd.f32 v51, v50;
	v50 =	vld [tilespmem:$0x9770]  }
0x317: {  	v51 =	vld [tilespmem:$0x7780]  }
0x318: {  	v48 =	vmax.f32 v58, $0.0e+00;
	v58 =	vld [tilespmem:$0x77A0]  }
0x319: {  	v35 =	vadd.f32 v41, v35;
	v41 =	vld [tilespmem:$0x9840];
	v30 =	vadd.f32 v24, v30  }
0x31a: {  	v24 =	vadd.f32 v57, v56;
	v57 =	vmax.f32 v55, $0.0e+00;
	v55 =	vadd.f32 v63, v59;
	v59 =	vld [tilespmem:$0x1FFC0]  }
0x31b: {  	v34 =	vadd.f32 v42, v34;
	v42 =	vld [tilespmem:$0x9810];
	[tilespmem:$0x1FFD0] =	vst v62  }
0x31c: {  	v56 =	vmax.f32 v45, $0.0e+00;
	v45 =	vmul.f32 v57, v18;
	v57 =	vadd.f32 v61, v60;
	v60 =	vld [tilespmem:$0x1FFD0]  }
0x31d: {  	v25 =	vmul.f32 v56, v19;
	v56 =	vld [tilespmem:$0x9790]  }
0x31e: {  	v53 =	vmax.f32 v53, $0.0e+00;
	v62 =	vld [tilespmem:$0x76B0]  }
0x31f: {  	v47 =	vadd.f32 v47, v44;
	v55 =	vmax.f32 v55, $0.0e+00;
	v44 =	vmax.f32 v34, $0.0e+00;
	v34 =	vld [tilespmem:$0x7830]  }
0x320: {  	v25 =	vadd.f32 v45, v25;
	v45 =	vmul.f32 v53, v19;
	v53 =	vmul.f32 v55, v18;
	v55 =	vld [tilespmem:$0x77B0]  }
0x321: {  	v39 =	vadd.f32 v39, v46;
	v46 =	vld [tilespmem:$0x7850];
	v59 =	vadd.f32 v60, v59  }
0x322: {  	v40 =	vadd.f32 v50, v40;
	v50 =	vld [tilespmem:$0x9850]  }
0x323: {  	[tilespmem:$0x1FFE0] =	vst v62;
	v62 =	vld [tilespmem:$0x96B0];
	v61 =	vmax.f32 v59, $0.0e+00  }
0x324: {  	v63 =	vmax.f32 v57, $0.0e+00;
	v57 =	vmul.f32 v61, v17;
	v61 =	vld [tilespmem:$0x1FFE0]  }
0x325: {  	v24 =	vmax.f32 v24, $0.0e+00;
	v52 =	vadd.f32 v52, v51;
	v51 =	vld [tilespmem:$0x9860]  }
0x326: {  	v48 =	vmul.f32 v48, v17;
	v24 =	vmul.f32 v24, v16;
	v45 =	vadd.f32 v53, v45;
	v53 =	vld [tilespmem:$0x77C0]  }
0x327: {  	v56 =	vadd.f32 v56, v54;
	v54 =	vmax.f32 v52, $0.0e+00;
	v52 =	vld [tilespmem:$0x9870]  }
0x328: {  	v24 =	vadd.f32 v48, v24;
	v48 =	vmul.f32 v63, v16;
	v60 =	vld [tilespmem:$0x97A0]  }
0x329: {  	v61 =	vadd.f32 v62, v61;
	v62 =	vld [tilespmem:$0x1FFF0]  }
0x32a: {  	v59 =	vld [tilespmem:$0x97B0];
	v48 =	vadd.f32 v57, v48  }
0x32b: {  	v26 =	vadd.f32 v27, v26;
	v57 =	vld [tilespmem:$0x77D0]  }
0x32c: {  	v24 =	vadd.f32 v24, v25;
	v25 =	vadd.f32 v48, v45;
	v45 =	vld [tilespmem:$0x97E0];
	v63 =	vmax.f32 v61, $0.0e+00  }
0x32d: {  	v27 =	vmul.f32 v63, v19;
	v63 =	vadd.f32 v38, v37;
	v37 =	vld [tilespmem:$0x7810]  }
0x32e: {  	v26 =	vmax.f32 v26, $0.0e+00;
	v21 =	vmax.f32 v21, $0.0e+00;
	v48 =	vld [tilespmem:$0x77F0];
	v23 =	vadd.f32 v23, v62  }
0x32f: {  	v26 =	vmul.f32 v26, v16;
	v21 =	vmul.f32 v21, v17;
	v61 =	vld [tilespmem:$0x77E0]  }
0x330: {  	v29 =	vadd.f32 v29, v57;
	v57 =	vld [tilespmem:$0x78F0];
	v23 =	vmax.f32 v23, $0.0e+00  }
0x331: {  	v21 =	vadd.f32 v21, v26;
	v35 =	vmax.f32 v35, $0.0e+00;
	v62 =	vld [tilespmem:$0x97C0];
	v23 =	vmul.f32 v23, v18  }
0x332: {  	v38 =	vmax.f32 v63, $0.0e+00;
	v63 =	vmul.f32 v35, v17;
	v35 =	vld [tilespmem:$0x7820];
	v37 =	vadd.f32 v42, v37  }
0x333: {  	v42 =	vld [tilespmem:$0x98C0];
	v23 =	vadd.f32 v23, v27;
	v27 =	vadd.f32 v32, v31  }
0x334: {  	v47 =	vmax.f32 v47, $0.0e+00;
	v32 =	vld [tilespmem:$0x97F0];
	v31 =	vmax.f32 v36, $0.0e+00  }
0x335: {  	v36 =	vld [tilespmem:$0x9800];
	v27 =	vmax.f32 v27, $0.0e+00;
	v26 =	vadd.f32 v21, v23;
	v21 =	vmul.f32 v38, v16  }
0x336: {  	v39 =	vmax.f32 v39, $0.0e+00;
	v31 =	vmul.f32 v31, v18;
	v38 =	vld [tilespmem:$0x9820];
	v27 =	vmul.f32 v27, v19  }
0x337: {  	v40 =	vmax.f32 v40, $0.0e+00;
	v23 =	vmul.f32 v44, v19;
	v44 =	vld [tilespmem:$0x7860];
	v21 =	vadd.f32 v63, v21  }
0x338: {  	v63 =	vmul.f32 v47, v18;
	v47 =	vadd.f32 v49, v43;
	v43 =	vld [tilespmem:$0x9830];
	v27 =	vadd.f32 v31, v27  }
0x339: {  	v39 =	vmul.f32 v39, v17;
	v60 =	vadd.f32 v60, v58;
	v32 =	vadd.f32 v32, v48;
	v48 =	vld [tilespmem:$0x78A0]  }
0x33a: {  	v49 =	vmax.f32 v47, $0.0e+00;
	v27 =	vadd.f32 v21, v27;
	v21 =	vadd.f32 v63, v23;
	v23 =	vld [tilespmem:$0x7840]  }
0x33b: {  	v47 =	vmax.f32 v56, $0.0e+00;
	v63 =	vmul.f32 v40, v19;
	v40 =	vmul.f32 v54, v18;
	v54 =	vld [tilespmem:$0x9880]  }
0x33c: {  	v29 =	vmax.f32 v29, $0.0e+00;
	v45 =	vadd.f32 v45, v61;
	v56 =	vmul.f32 v47, v16;
	v47 =	vld [tilespmem:$0x7890]  }
0x33d: {  	v31 =	vmul.f32 v49, v16;
	v49 =	vmax.f32 v60, $0.0e+00;
	v60 =	vadd.f32 v59, v55;
	v55 =	vld [tilespmem:$0x9890]  }
0x33e: {  	v29 =	vmul.f32 v29, v16;
	v45 =	vmax.f32 v45, $0.0e+00;
	v35 =	vadd.f32 v38, v35;
	v38 =	vld [tilespmem:$0x98B0]  }
0x33f: {  	v33 =	vadd.f32 v36, v33;
	v58 =	vmul.f32 v49, v17;
	v49 =	vld [tilespmem:$0x7870];
	v31 =	vadd.f32 v39, v31  }
0x340: {  	v45 =	vmul.f32 v45, v17;
	v39 =	vadd.f32 v40, v63;
	v63 =	vadd.f32 v62, v53;
	v53 =	vld [tilespmem:$0x7880]  }
0x341: {  	v37 =	vmax.f32 v37, $0.0e+00;
	v32 =	vmax.f32 v32, $0.0e+00;
	v40 =	vmax.f32 v60, $0.0e+00;
	v60 =	vld [tilespmem:$0x98A0]  }
0x342: {  	v33 =	vmax.f32 v33, $0.0e+00;
	v44 =	vadd.f32 v51, v44;
	v34 =	vadd.f32 v43, v34;
	v43 =	vld [tilespmem:$0x78D0]  }
0x343: {  	v32 =	vmul.f32 v32, v19;
	v33 =	vmul.f32 v33, v18;
	v62 =	vadd.f32 v50, v46;
	v46 =	vld [tilespmem:$0x78E0]  }
0x344: {  	v37 =	vmul.f32 v37, v16;
	v29 =	vadd.f32 v45, v29;
	v35 =	vmax.f32 v35, $0.0e+00;
	v50 =	vld [tilespmem:$0x9900]  }
0x345: {  	v44 =	vmax.f32 v44, $0.0e+00;
	v35 =	vmul.f32 v35, v17;
	v32 =	vadd.f32 v33, v32;
	v33 =	vld [tilespmem:$0x98E0]  }
0x346: {  	v21 =	vadd.f32 v31, v21;
	v34 =	vmax.f32 v34, $0.0e+00;
	v23 =	vadd.f32 v41, v23;
	v41 =	vld [tilespmem:$0x78C0]  }
0x347: {  	v31 =	vadd.f32 v58, v56;
	v59 =	vmax.f32 v63, $0.0e+00;
	v61 =	vmul.f32 v34, v19;
	v34 =	vld [tilespmem:$0x98D0]  }
0x348: {  	v58 =	vmul.f32 v40, v19;
	v63 =	vmax.f32 v62, $0.0e+00;
	v40 =	vmul.f32 v59, v18;
	v59 =	vld [tilespmem:$0x98F0]  }
0x349: {  	v35 =	vadd.f32 v35, v37;
	v37 =	vmul.f32 v63, v16;
	v47 =	vadd.f32 v55, v47;
	v63 =	vld [tilespmem:$0x9910]  }
0x34a: {  	v44 =	vmul.f32 v44, v17;
	v55 =	vld [tilespmem:$0x9920];
	v31 =	vadd.f32 v31, v39;
	v56 =	vadd.f32 v52, v49  }
0x34b: {  	v52 =	vld [tilespmem:$0x7910];
	v39 =	vadd.f32 v40, v58;
	v23 =	vmax.f32 v23, $0.0e+00;
	v58 =	vadd.f32 v54, v53  }
0x34c: {  	v40 =	vld [tilespmem:$0x78B0];
	v36 =	vadd.f32 v60, v48;
	v47 =	vmax.f32 v47, $0.0e+00;
	v23 =	vmul.f32 v23, v18  }
0x34d: {  	v48 =	vld [tilespmem:$0x7900];
	v37 =	vadd.f32 v44, v37;
	v32 =	vadd.f32 v35, v32;
	v62 =	vmul.f32 v47, v16  }
0x34e: {  	v53 =	vld [tilespmem:$0x7920];
	v36 =	vmax.f32 v36, $0.0e+00;
	v29 =	vadd.f32 v29, v39;
	v23 =	vadd.f32 v23, v61  }
0x34f: {  	v61 =	vmax.f32 v58, $0.0e+00;
	v57 =	vadd.f32 v59, v57;
	v58 =	vadd.f32 v42, v41  }
0x350: {  	[tilespmem:$0xB5C8] =	vst v22;
	v36 =	vmul.f32 v36, v17;
	v34 =	vadd.f32 v34, v43;
	v59 =	vadd.f32 v33, v46  }
0x351: {  	[tilespmem:$0xB5B0] =	vst v28;
	v45 =	vmax.f32 v56, $0.0e+00;
	v63 =	vadd.f32 v63, v52;
	v23 =	vadd.f32 v37, v23  }
0x352: {  	[tilespmem:$0xB5E0] =	vst v20;
	v60 =	vmul.f32 v45, v19;
	v36 =	vadd.f32 v36, v62;
	v56 =	vadd.f32 v38, v40  }
0x353: {  	[tilespmem:$0xB5F8] =	vst v30;
	v45 =	vmul.f32 v61, v18;
	v62 =	vadd.f32 v50, v48;
	v37 =	vadd.f32 v55, v53  }
0x354: {  	[tilespmem:$0xB610] =	vst v24;
	v20 =	vmax.f32 v58, $0.0e+00;
	v38 =	vmax.f32 v34, $0.0e+00;
	v30 =	vmax.f32 v59, $0.0e+00  }
0x355: {  	[tilespmem:$0xB628] =	vst v25;
	v54 =	vadd.f32 v45, v60;
	v60 =	vmax.f32 v57, $0.0e+00;
	v20 =	vmul.f32 v20, v18  }
0x356: {  	[tilespmem:$0xB640] =	vst v26;
	v26 =	vmul.f32 v38, v16;
	v39 =	vmul.f32 v30, v17;
	v41 =	vmax.f32 v63, $0.0e+00  }
0x357: {  	[tilespmem:$0xB658] =	vst v27;
	v22 =	vmax.f32 v56, $0.0e+00;
	v61 =	vmul.f32 v60, v19;
	v24 =	vmax.f32 v62, $0.0e+00  }
0x358: {  	[tilespmem:$0xB670] =	vst v21;
	v42 =	vmax.f32 v37, $0.0e+00;
	v16 =	vmul.f32 v41, v16;
	v22 =	vmul.f32 v22, v19  }
0x359: {  	[tilespmem:$0xB688] =	vst v31;
	v40 =	vmul.f32 v24, v18;
	v43 =	vadd.f32 v36, v54;
	v17 =	vmul.f32 v42, v17  }
0x35a: {  	[tilespmem:$0xB6B8] =	vst v32;
	v44 =	vadd.f32 v39, v26;
	v20 =	vadd.f32 v20, v22  }
0x35b: {  	[tilespmem:$0xB6A0] =	vst v29;
	v18 =	vadd.f32 v40, v61;
	v16 =	vadd.f32 v17, v16  }
0x35c: {  	[tilespmem:$0xB6D0] =	vst v23;
	v17 =	vadd.f32 v44, v20  }
0x35d: {  	[tilespmem:$0xB6E8] =	vst v43;
	v16 =	vadd.f32 v16, v18  }
0x35e: {  	[tilespmem:$0xB700] =	vst v17  }
0x35f: {  	[tilespmem:$0xB718] =	vst v16  }
0x360: {  	v16 =	vld.idx.msk [tilespmem:v0+s1+$0x0], $0xffff  }
0x361: {  	v17 =	vld.idx.msk [tilespmem:v1+s1+$0x0], $0xffff  }
0x362: {  	v45 =	vld.idx.msk [tilespmem:v2+s1+$0x0], $0xffff  }
0x363: {  	v46 =	vld.idx.msk [tilespmem:v3+s1+$0x0], $0xffff  }
0x364: {  	v47 =	vld.idx.msk [tilespmem:v4+s1+$0x0], $0xffff  }
0x365: {  	v48 =	vld.idx.msk [tilespmem:v5+s1+$0x0], $0xffff  }
0x366: {  	v49 =	vld.idx.msk [tilespmem:v6+s1+$0x0], $0xffff  }
0x367: {  	v23 =	vld.idx.msk [tilespmem:v7+s1+$0x0], $0xffff  }
0x368: {  	v50 =	vld.idx.msk [tilespmem:v8+s1+$0x0], $0xffff  }
0x369: {  	v25 =	vld.idx.msk [tilespmem:v9+s1+$0x0], $0xffff  }
0x36a: {  	v51 =	vld.idx.msk [tilespmem:v10+s1+$0x0], $0xffff  }
0x36b: {  	v52 =	vld.idx.msk [tilespmem:v11+s1+$0x0], $0xffff  }
0x36c: {  	v53 =	vld.idx.msk [tilespmem:v12+s1+$0x0], $0xffff  }
0x36d: {  	v29 =	vld.idx.msk [tilespmem:v13+s1+$0x0], $0xffff  }
0x36e: {  	v54 =	vld.idx.msk [tilespmem:v14+s1+$0x0], $0xffff  }
0x36f: {  	v31 =	vld.idx.msk [tilespmem:v15+s1+$0x0], $0xffff;
	_ =	sdelay $0x1  }
0x370: {  	v16 =	vadd.f32 v17, v16;
	v17 =	vadd.f32 v46, v45  }
0x371: {  	v55 =	vadd.f32 v48, v47;
	v56 =	vadd.f32 v23, v49  }
0x372: {  	v57 =	vadd.f32 v25, v50;
	v58 =	vadd.f32 v52, v51  }
0x373: {  	v59 =	vadd.f32 v29, v53;
	v60 =	vadd.f32 v31, v54  }
0x374: {  	v16 =	vadd.f32 v17, v16;
	v17 =	vadd.f32 v56, v55  }
0x375: {  	v61 =	vadd.f32 v58, v57;
	v62 =	vadd.f32 v60, v59  }
0x376: {  	v63 =	vld [tilespmem:$0xB530]  }
0x377: {  	v16 =	vadd.f32 v17, v16;
	v17 =	vadd.f32 v62, v61;
	_ =	sdelay $0x1  }
0x378: {  	v16 =	vadd.f32 v17, v16;
	_ =	sdelay $0x1  }
0x379: {  	s24 =	sadd.s32 $0x1, s24;
	v16 =	vadd.f32 v16, v63  }
0x37a: {  	p0 =	sne.s32 s24, s16  }
.Ltmp3:
0x37b: {  	s10 =	simm.s32 $0x4E20;
	s25 =	rddreg [dreg:$0xb];
	[tilespmem:$0x7520] =	vst v16;
	(pc) =	sbr.rel @p0 .LBB2_1-.Ltmp3, $4  }
0x37c: {  	[hbm4b:s25+s4] =	stream.linear.scatter [tilespmem:s10], [sflag:$0x7], $0x2710, $0x38;
	[tilespmem:$0x1EFF0] =	vst v63  }
0x37d: {  	_ =	swait.ge [sflag:s18], $0x2710  }
0x37e: {  	[sflag:s18] =	ssyncset.done $0x0  }
0x37f: {  	[sflag:s18] =	ssyncadd.s32 $0xFFFFD8F0  }
0x380: {  	_ =	sfence.sel $0x180000  }
0x381: {  	[bflag:$0x0] =	sbarrier.arrive $0xFFFF  }
0x382: {  	_ =	strace $0x90000047  }
0x383: {  	s0 =	stileid.u32;
	[bflag:$0x2] =	sbarrier.arrive $0xFFFF  }
0x384: {  	p0 =	sne.s32 s0, $0x0;
	s0 =	rddreg [dreg:$0x4]  }
0x385: {  	s0 =	sadd.s32 @!p0 $0x100000, s0  }
0x386: {  	[sflag:s0] =	ssyncadd.tile.s32 @!p0 $0x1;
	_ =	shalt  }
.Lfunc_end2:
_tile_overlayer_lowered:
.L_overlay_start_2:
0x387: {  	(tag) =	ssettag $0x2  }
0x388: {  	s0 =	rddreg [dreg:$0x0];
	s2 =	stileid.u32  }
0x389: {  	s1 =	rddreg [dreg:$0x1];
	p0 =	sne.s32 s2, $0x0  }
0x38a: {  	s3 =	rddreg [dreg:$0x2];
	[bflag:$0x3] =	sbarrier.arrive $0xFFFF;
	s2 =	simm.s32 @!p0 $0x1C07  }
0x38b: {  	[timem:s3], [sflag:s2] =	dma.local @!p0 [hbm:s0], s1  }
0x38c: {  	s0 =	simm.s32 @!p0 $0x7  }
0x38d: {  	_ =	swait.ge @!p0 [sflag:s0], s1  }
0x38e: {  	s1 =	ssub.s32 @!p0 $0x0, s1;
	[sflag:s0] =	ssyncset.done @!p0 $0x0  }
0x38f: {  	[sflag:s0] =	ssyncadd.s32 @!p0 s1  }
0x390: {  	[bflag:$0x3] =	sbarrier.arrive $0xFFFF  }
0x391: {  	_ =	shalt  }

</sc_bundles>
